<compile_context>
chip_gen: v7x
topology: tpu7x:2x2x1
jax: 0.10.2.dev20260603
libtpu: 0.0.44.dev20260713+nightly
codegen_flags: <defaults>
</compile_context>

<pallas_src>
import functools

import jax
import jax.numpy as jnp
from jax import lax
from jax.experimental import pallas as pl
from jax.experimental.pallas import tpu as pltpu
from jax.experimental.pallas import tpu_sc as plsc

_NTILES = 16
_NCORES = 2
_LANE = 16


def _mesh():
    return plsc.VectorSubcoreMesh(core_axis_name="c", subcore_axis_name="s",
                                  num_cores=_NCORES, num_subcores=_NTILES)


def _fill_f32(buf, n, value):
    v = jnp.full((_LANE,), value, jnp.float32)

    def body(i, carry):
        buf[pl.ds(i * _LANE, _LANE)] = v
        return carry

    lax.fori_loop(0, n // _LANE, body, 0)


def _zero_rows(buf, nrows, width):
    z = jnp.zeros((_LANE,), jnp.float32)

    def body(i, carry):
        for k in range(width // _LANE):
            buf[i, pl.ds(k * _LANE, _LANE)] = z
        return carry

    lax.fori_loop(0, nrows, body, 0)


@functools.lru_cache(maxsize=None)
def _make_deg_hist(n_pad, nchunks, interpret=False):
    stripe = n_pad // _NTILES

    @functools.partial(
        pl.kernel,
        out_type=jax.ShapeDtypeStruct((_NCORES * n_pad,), jnp.float32),
        mesh=_mesh(),
        scratch_types=[
            pltpu.VMEM((nchunks, 128), jnp.int32),
            pltpu.VMEM((128,), jnp.float32),
            pltpu.VMEM((stripe,), jnp.float32),
            pltpu.VMEM_SHARED((n_pad,), jnp.float32),
        ],
        compiler_params=pltpu.CompilerParams(use_tc_tiling_on_sc=False,
                                             needs_layout_passes=False),
        interpret=interpret,
    )
    def deg_hist(dst_hbm, out_hbm, idx_v, ones_v, zb_v, hist_sh):
        c = lax.axis_index("c")
        s = lax.axis_index("s")
        wid = c * _NTILES + s
        _fill_f32(ones_v, 128, 1.0)
        _fill_f32(zb_v, stripe, 0.0)
        pltpu.sync_copy(dst_hbm.at[pl.ds(wid * nchunks, nchunks)], idx_v)
        pltpu.sync_copy(zb_v, hist_sh.at[pl.ds(s * stripe, stripe)])
        plsc.subcore_barrier()

        def body(j, carry):
            pltpu.sync_copy(ones_v, hist_sh.at[idx_v.at[j]], add=True)
            return carry

        lax.fori_loop(0, nchunks, body, 0)
        plsc.subcore_barrier()
        pltpu.sync_copy(hist_sh.at[pl.ds(s * stripe, stripe)],
                        out_hbm.at[pl.ds(c * n_pad + s * stripe, stripe)])

    return deg_hist


@functools.lru_cache(maxsize=None)
def _make_edge_acc(n_pad, width, nchunks, interpret=False):
    stripe = n_pad // _NTILES
    zrows = 400 if stripe % 400 == 0 else stripe
    nz = stripe // zrows

    @functools.partial(
        pl.kernel,
        out_type=[jax.ShapeDtypeStruct((n_pad, width), jnp.float32),
                  jax.ShapeDtypeStruct((n_pad, width), jnp.float32)],
        mesh=_mesh(),
        scratch_types=[
            pltpu.VMEM((nchunks, 128), jnp.int32),
            pltpu.VMEM((nchunks, 128), jnp.int32),
            pltpu.VMEM((128, width), jnp.float32),
            pltpu.VMEM((zrows, width), jnp.float32),
            pltpu.SemaphoreType.DMA,
            pltpu.VMEM_SHARED((n_pad, width), jnp.float32),
        ],
        compiler_params=pltpu.CompilerParams(use_tc_tiling_on_sc=False,
                                             needs_layout_passes=False),
        interpret=interpret,
    )
    def edge_acc(rows_hbm, src_hbm, dst_hbm, out0_hbm, out1_hbm,
                 sidx_v, didx_v, rowbuf, zb_v, sem, acc_sh):
        c = lax.axis_index("c")
        s = lax.axis_index("s")
        wid = c * _NTILES + s
        _zero_rows(zb_v, zrows, width)
        pltpu.sync_copy(src_hbm.at[pl.ds(wid * nchunks, nchunks)], sidx_v)
        pltpu.sync_copy(dst_hbm.at[pl.ds(wid * nchunks, nchunks)], didx_v)

        def zbody(k, carry):
            pltpu.sync_copy(
                zb_v, acc_sh.at[pl.ds(s * stripe + k * zrows, zrows)])
            return carry

        lax.fori_loop(0, nz, zbody, 0)
        plsc.subcore_barrier()

        def body(j, carry):
            pltpu.async_copy(rows_hbm.at[sidx_v.at[j]], rowbuf, sem).wait()
            pltpu.sync_copy(rowbuf, acc_sh.at[didx_v.at[j]], add=True)
            return carry

        lax.fori_loop(0, nchunks, body, 0)
        plsc.subcore_barrier()

        @pl.when(c == 0)
        def _():
            pltpu.sync_copy(acc_sh.at[pl.ds(s * stripe, stripe)],
                            out0_hbm.at[pl.ds(s * stripe, stripe)])

        @pl.when(c == 1)
        def _():
            pltpu.sync_copy(acc_sh.at[pl.ds(s * stripe, stripe)],
                            out1_hbm.at[pl.ds(s * stripe, stripe)])

    return edge_acc


@functools.lru_cache(maxsize=None)
def _make_remap_compact(n_pad, nchunks, cap_chunks, nbins, dummy_id,
                        interpret=False):
    stripe = n_pad // _NTILES
    cap = cap_chunks * 128
    nw = _NCORES * _NTILES

    @functools.partial(
        pl.kernel,
        out_type=[jax.ShapeDtypeStruct((nw * cap,), jnp.int32),
                  jax.ShapeDtypeStruct((nw * cap,), jnp.int32),
                  jax.ShapeDtypeStruct((nw * 16,), jnp.int32),
                  jax.ShapeDtypeStruct((nw * nbins,), jnp.float32)],
        mesh=_mesh(),
        scratch_types=[
            pltpu.VMEM((nchunks, 128), jnp.int32),
            pltpu.VMEM((nchunks, 128), jnp.int32),
            pltpu.VMEM((4, 128), jnp.int32),
            pltpu.VMEM((4, 128), jnp.int32),
            pltpu.VMEM((cap + 128,), jnp.int32),
            pltpu.VMEM((cap + 128,), jnp.int32),
            pltpu.VMEM((nbins,), jnp.float32),
            pltpu.VMEM((16,), jnp.int32),
            pltpu.SemaphoreType.DMA,
            pltpu.VMEM_SHARED((n_pad,), jnp.int32),
        ],
        compiler_params=pltpu.CompilerParams(use_tc_tiling_on_sc=False,
                                             needs_layout_passes=False),
        interpret=interpret,
    )
    def remap_compact(map_hbm, src_hbm, dst_hbm,
                      ns_hbm, nd_hbm, cnt_hbm, hist_hbm,
                      sidx_v, didx_v, ms_v, md_v, nsb_v, ndb_v, hist_v,
                      cnt_v, sem, map_sh):
        c = lax.axis_index("c")
        s = lax.axis_index("s")
        wid = c * _NTILES + s
        dummy = jnp.full((_LANE,), dummy_id, jnp.int32)
        ones = jnp.ones((_LANE,), jnp.float32)
        _fill_f32(hist_v, nbins, 0.0)
        pltpu.sync_copy(src_hbm.at[pl.ds(wid * nchunks, nchunks)], sidx_v)
        pltpu.sync_copy(dst_hbm.at[pl.ds(wid * nchunks, nchunks)], didx_v)
        pltpu.sync_copy(map_hbm.at[pl.ds(s * stripe, stripe)],
                        map_sh.at[pl.ds(s * stripe, stripe)])
        plsc.subcore_barrier()

        def group(g, pos):
            base = g * 4
            cps = [pltpu.async_copy(map_sh.at[sidx_v.at[base + t]],
                                    ms_v.at[t], sem) for t in range(4)]
            cps += [pltpu.async_copy(map_sh.at[didx_v.at[base + t]],
                                     md_v.at[t], sem) for t in range(4)]
            for cp in cps:
                cp.wait()
            for t in range(4):
                for v in range(8):
                    ms = ms_v[t, pl.ds(v * _LANE, _LANE)]
                    md = md_v[t, pl.ds(v * _LANE, _LANE)]
                    m = (ms >= 0) & (md >= 0)
                    mi = m.astype(jnp.int32)
                    slot = pos + plsc.cumsum(mi) - mi
                    plsc.store_scatter(nsb_v, [slot], ms, mask=m)
                    plsc.store_scatter(ndb_v, [slot], md, mask=m)
                    plsc.addupdate_scatter(hist_v, [md], ones, mask=m)
                    pos = pos + jnp.sum(mi)
            return pos

        pos = lax.fori_loop(0, nchunks // 4, group, jnp.int32(0))
        for v in range(8):
            nsb_v[pl.ds(pos + v * _LANE, _LANE)] = dummy
            ndb_v[pl.ds(pos + v * _LANE, _LANE)] = dummy
        cnt_v[...] = jnp.full((_LANE,), (pos + 127) // 128, jnp.int32)
        pltpu.sync_copy(nsb_v.at[pl.ds(0, cap)], ns_hbm.at[pl.ds(wid * cap, cap)])
        pltpu.sync_copy(ndb_v.at[pl.ds(0, cap)], nd_hbm.at[pl.ds(wid * cap, cap)])
        pltpu.sync_copy(cnt_v, cnt_hbm.at[pl.ds(wid * 16, 16)])
        pltpu.sync_copy(hist_v, hist_hbm.at[pl.ds(wid * nbins, nbins)])

    return remap_compact


@functools.lru_cache(maxsize=None)
def _make_edge_acc_dyn(n_pad, width, cap_chunks, interpret=False):
    stripe = n_pad // _NTILES
    nw = _NCORES * _NTILES

    @functools.partial(
        pl.kernel,
        out_type=[jax.ShapeDtypeStruct((n_pad, width), jnp.float32),
                  jax.ShapeDtypeStruct((n_pad, width), jnp.float32)],
        mesh=_mesh(),
        scratch_types=[
            pltpu.VMEM((cap_chunks, 128), jnp.int32),
            pltpu.VMEM((cap_chunks, 128), jnp.int32),
            pltpu.VMEM((128, width), jnp.float32),
            pltpu.VMEM((stripe, width), jnp.float32),
            pltpu.VMEM((16,), jnp.int32),
            pltpu.SemaphoreType.DMA,
            pltpu.VMEM_SHARED((n_pad, width), jnp.float32),
        ],
        compiler_params=pltpu.CompilerParams(use_tc_tiling_on_sc=False,
                                             needs_layout_passes=False),
        interpret=interpret,
    )
    def edge_acc_dyn(rows_hbm, src_hbm, dst_hbm, cnt_hbm, out0_hbm, out1_hbm,
                     sidx_v, didx_v, rowbuf, zb_v, cnt_v, sem, acc_sh):
        c = lax.axis_index("c")
        s = lax.axis_index("s")
        wid = c * _NTILES + s
        _zero_rows(zb_v, stripe, width)
        pltpu.sync_copy(src_hbm.at[pl.ds(wid * cap_chunks, cap_chunks)], sidx_v)
        pltpu.sync_copy(dst_hbm.at[pl.ds(wid * cap_chunks, cap_chunks)], didx_v)
        pltpu.sync_copy(cnt_hbm.at[pl.ds(wid * 16, 16)], cnt_v)
        pltpu.sync_copy(zb_v, acc_sh.at[pl.ds(s * stripe, stripe)])
        plsc.subcore_barrier()
        ncj = jnp.max(cnt_v[...])

        def body(j, carry):
            pltpu.async_copy(rows_hbm.at[sidx_v.at[j]], rowbuf, sem).wait()
            pltpu.sync_copy(rowbuf, acc_sh.at[didx_v.at[j]], add=True)
            return carry

        lax.fori_loop(0, ncj, body, 0)
        plsc.subcore_barrier()

        @pl.when(c == 0)
        def _():
            pltpu.sync_copy(acc_sh.at[pl.ds(s * stripe, stripe)],
                            out0_hbm.at[pl.ds(s * stripe, stripe)])

        @pl.when(c == 1)
        def _():
            pltpu.sync_copy(acc_sh.at[pl.ds(s * stripe, stripe)],
                            out1_hbm.at[pl.ds(s * stripe, stripe)])

    return edge_acc_dyn


def _leaky(x):
    return jnp.where(x >= 0, x, 0.01 * x)


def _fc_body(flat_ref, w_ref, b_ref, o_ref):
    o_ref[...] = jnp.dot(flat_ref[...], w_ref[...],
                         preferred_element_type=jnp.float32) + b_ref[...]


def _fc(flat, Wfc, bfc):
    out = pl.pallas_call(
        _fc_body,
        out_shape=jax.ShapeDtypeStruct((1, 128), jnp.float32),
    )(flat.reshape(1, -1), Wfc, bfc.reshape(1, -1))
    return out.reshape(-1)


def kernel(pos, edge_index, W1, b1, p1, W2, b2, W3, b3, p2, Wfc, bfc):
    src = edge_index[0]
    dst = edge_index[1]
    N = pos.shape[0]
    E = src.shape[0]

    n_pad = 51200
    ept = 25600
    e_pad = 32 * ept
    nchunks = ept // 128
    dummy = jnp.int32(N)

    src_p = jnp.full((e_pad,), dummy, jnp.int32).at[:E].set(src)
    dst_p = jnp.full((e_pad,), dummy, jnp.int32).at[:E].set(dst)
    src2d = src_p.reshape(e_pad // 128, 128)
    dst2d = dst_p.reshape(e_pad // 128, 128)

    lin1 = pos @ W1
    hist = _make_deg_hist(n_pad, nchunks)(dst2d).reshape(2, n_pad)
    deg1 = 1.0 + (hist[0] + hist[1])[:N]
    dinv1 = lax.rsqrt(deg1)
    lins1 = jnp.zeros((n_pad, 16), jnp.float32).at[:N].set(
        lin1 * dinv1[:, None])
    acc_a, acc_b = _make_edge_acc(n_pad, 16, nchunks)(lins1, src2d, dst2d)
    acc1 = (acc_a + acc_b)[:N]
    x1 = _leaky(dinv1[:, None] * acc1 + lin1 * (dinv1 * dinv1)[:, None] + b1)

    score1 = (x1 @ p1) / jnp.linalg.norm(p1)
    _, perm1 = lax.top_k(score1, 4096)
    gate1 = jnp.tanh(score1[perm1])
    xs = x1[perm1] * gate1[:, None]
    mapping = jnp.full((n_pad,), -1, jnp.int32).at[perm1].set(
        jnp.arange(4096, dtype=jnp.int32))

    cap_chunks = nchunks + 2
    nbins = 8192
    n2pad = 4224
    ns_c, nd_c, cnts, histp = _make_remap_compact(
        n_pad, nchunks, cap_chunks, nbins, 4096)(mapping, src2d, dst2d)
    ns2d = ns_c.reshape(-1, 128)
    nd2d = nd_c.reshape(-1, 128)
    deg2 = 1.0 + jnp.sum(histp.reshape(32, nbins), axis=0)[:4096]
    dinv2 = lax.rsqrt(deg2)

    lin2 = xs @ W2
    lins2 = jnp.zeros((n2pad, 32), jnp.float32).at[:4096].set(
        lin2 * dinv2[:, None])
    acc2a, acc2b = _make_edge_acc_dyn(n2pad, 32, cap_chunks)(
        lins2, ns2d, nd2d, cnts)
    acc2 = (acc2a + acc2b)[:4096]
    x2 = _leaky(dinv2[:, None] * acc2 + lin2 * (dinv2 * dinv2)[:, None] + b2)

    lin3 = x2 @ W3
    lins3 = jnp.zeros((n2pad, 32), jnp.float32).at[:4096].set(
        lin3 * dinv2[:, None])
    acc3a, acc3b = _make_edge_acc_dyn(n2pad, 32, cap_chunks)(
        lins3, ns2d, nd2d, cnts)
    acc3 = (acc3a + acc3b)[:4096]
    x3 = _leaky(dinv2[:, None] * acc3 + lin3 * (dinv2 * dinv2)[:, None] + b3)

    score2 = (x3 @ p2) / jnp.linalg.norm(p2)
    _, perm2 = lax.top_k(score2, 128)
    xf = x3[perm2] * jnp.tanh(score2[perm2])[:, None]
    flat = xf.T.reshape(-1)
    return _fc(flat, Wfc, bfc)

# --- scband reference (transcript-rebuilt; emitter-appended) ---
"""Pipeline reference for scband-test-net-try-mode-24257975287985 (READ-ONLY COPY).

The authoritative reference and input builder live on the scoring server;
editing this copy changes nothing except your own understanding.
"""

import jax, jax.numpy as jnp
import numpy as np


def _gcn(x, W, b, src, dst, valid):
    # GCNConv with added self loops: out = D^{-1/2}(A+I)D^{-1/2} X W + b
    N = x.shape[0]
    lin = x @ W
    v = valid.astype(x.dtype)
    deg = 1.0 + jax.ops.segment_sum(v, dst, num_segments=N)
    dinv = jax.lax.rsqrt(deg)
    coef = v * dinv[src] * dinv[dst]
    agg = jax.ops.segment_sum(coef[:, None] * lin[src], dst, num_segments=N)
    return agg + lin / deg[:, None] + b


def _leaky(x):
    return jnp.where(x >= 0, x, 0.01 * x)


def _topk_pool(x, p, src, dst, valid, k):
    # TopKPooling with absolute ratio k; edges kept fixed-size with validity mask
    score = (x @ p) / jnp.linalg.norm(p)
    _, perm = jax.lax.top_k(score, k)
    gate = jnp.tanh(score[perm])
    x_new = x[perm] * gate[:, None]
    mapping = jnp.full((x.shape[0],), -1, dtype=jnp.int32).at[perm].set(jnp.arange(k, dtype=jnp.int32))
    ns = mapping[src]
    nd = mapping[dst]
    valid_new = valid & (ns >= 0) & (nd >= 0)
    ns = jnp.where(valid_new, ns, 0)
    nd = jnp.where(valid_new, nd, 0)
    return x_new, ns, nd, valid_new


def _forward(pos, W1, b1, p1, W2, b2, W3, b3, p2, Wfc, bfc, src, dst):
    valid = jnp.ones(src.shape[0], dtype=bool)
    x = _leaky(_gcn(pos, W1, b1, src, dst, valid))
    x, src, dst, valid = _topk_pool(x, p1, src, dst, valid, 4096)
    x = _leaky(_gcn(x, W2, b2, src, dst, valid))
    x = _leaky(_gcn(x, W3, b3, src, dst, valid))
    x, src, dst, valid = _topk_pool(x, p2, src, dst, valid, 128)
    flat = x.T.reshape(-1)  # transpose(0,1) then Flatten(start_dim=0) -> [32*128]
    return flat @ Wfc + bfc


def setup_inputs(seed: int = 0) -> dict:
    key = jax.random.key(seed)
    ks = jax.random.split(key, 14)
    N, E = 50000, 800000
    inp = {
        "pos": jax.random.normal(ks[0], (N, 3), dtype=jnp.float32),
        "edge_index": jax.random.randint(ks[1], (2, E), 0, N, dtype=jnp.int32),
        "W1": jax.random.normal(ks[2], (3, 16), dtype=jnp.float32) * 0.3,
        "b1": jnp.zeros((16,), dtype=jnp.float32),
        "p1": jax.random.normal(ks[3], (16,), dtype=jnp.float32),
        "W2": jax.random.normal(ks[4], (16, 32), dtype=jnp.float32) * 0.2,
        "b2": jnp.zeros((32,), dtype=jnp.float32),
        "W3": jax.random.normal(ks[5], (32, 32), dtype=jnp.float32) * 0.15,
        "b3": jnp.zeros((32,), dtype=jnp.float32),
        "p2": jax.random.normal(ks[6], (32,), dtype=jnp.float32),
        "Wfc": jax.random.normal(ks[7], (32 * 128, 128), dtype=jnp.float32) * 0.02,
        "bfc": jnp.zeros((128,), dtype=jnp.float32),
    }
    return inp


def reference(pos, edge_index, W1, b1, p1, W2, b2, W3, b3, p2, Wfc, bfc):
    src = edge_index[0]
    dst = edge_index[1]
    return _forward(pos, W1, b1, p1, W2, b2, W3, b3, p2, Wfc, bfc, src, dst)

if __name__ == "__main__":
    import jax
    _d = setup_inputs()
    print(jax.jit(kernel)(*tuple(_d.values())))

</pallas_src>

<mosaic_0001>
#map = affine_map<(d0, d1) -> (0, 0)>
#map1 = affine_map<(d0, d1) -> (0)>
module attributes {stable_mosaic.version = 14 : i64} {
  func.func @deg_hist(%arg0: i32, %arg1: i32, %arg2: memref<6400x128xi32, #tpu.memory_space<hbm>>, %arg3: memref<102400xf32, #tpu.memory_space<hbm>>, %arg4: memref<200x128xi32, #tpu.memory_space<vmem>>, %arg5: memref<128xf32, #tpu.memory_space<vmem>>, %arg6: memref<3200xf32, #tpu.memory_space<vmem>>, %arg7: memref<51200xf32, #tpu.memory_space<vmem_shared>>) attributes {dimension_semantics = [#tpu.dimension_semantics<core_parallel>, #tpu.dimension_semantics<subcore_parallel>], iteration_bounds = array<i64: 2, 16>, scalar_prefetch = 0 : i64, scratch_operands = 4 : i64, tpu.core_type = #tpu.core_type<sc_vector_subcore>, window_params = [{transform_indices = #map}, {transform_indices = #map1}]} {
    %mul3A = arith.constant 16 : i32
    %mul3A_0 = arith.muli %arg0, %mul3A : i32
    %add3A = arith.addi %mul3A_0, %arg1 : i32
    %broadcast_in_dim3A = arith.constant 1.000000e+00 : f32
    %broadcast_in_dim3A_1 = vector.broadcast %broadcast_in_dim3A : f32 to vector<16xf32>
    %scan3A = arith.constant 0 : i32
    %scan3A_2 = arith.constant 0 : i32
    %scan3A_3 = arith.constant 8 : i32
    %scan3A_4 = arith.addi %scan3A_2, %scan3A_3 : i32
    %scan3A_5 = arith.constant 1 : i32
    scf.for %scan3A_33 = %scan3A_2 to %scan3A_4 step %scan3A_5  : i32 {
      %mul3A_34 = arith.constant 16 : i32
      %mul3A_35 = arith.muli %scan3A_33, %mul3A_34 : i32
      %swap3A = arith.index_cast %mul3A_35 : i32 to index
      %swap3A_36 = tpu.vector_load %arg5[%swap3A] {strides = array<i32>} : memref<128xf32, #tpu.memory_space<vmem>>, vector<16xf32>,
      tpu.vector_store %arg5[%swap3A], %broadcast_in_dim3A_1 {strides = array<i32>} : memref<128xf32, #tpu.memory_space<vmem>>, vector<16xf32>,
    }
    %scan3A_6 = arith.constant 8 : i32
    %broadcast_in_dim3A_7 = arith.constant 0.000000e+00 : f32
    %broadcast_in_dim3A_8 = vector.broadcast %broadcast_in_dim3A_7 : f32 to vector<16xf32>
    %scan3A_9 = arith.constant 0 : i32
    %scan3A_10 = arith.constant 0 : i32
    %scan3A_11 = arith.constant 200 : i32
    %scan3A_12 = arith.addi %scan3A_10, %scan3A_11 : i32
    %scan3A_13 = arith.constant 1 : i32
    scf.for %scan3A_33 = %scan3A_10 to %scan3A_12 step %scan3A_13  : i32 {
      %mul3A_34 = arith.constant 16 : i32
      %mul3A_35 = arith.muli %scan3A_33, %mul3A_34 : i32
      %swap3A = arith.index_cast %mul3A_35 : i32 to index
      %swap3A_36 = tpu.vector_load %arg6[%swap3A] {strides = array<i32>} : memref<3200xf32, #tpu.memory_space<vmem>>, vector<16xf32>,
      tpu.vector_store %arg6[%swap3A], %broadcast_in_dim3A_8 {strides = array<i32>} : memref<3200xf32, #tpu.memory_space<vmem>>, vector<16xf32>,
    }
    %scan3A_14 = arith.constant 200 : i32
    %mul3A_15 = arith.constant 200 : i32
    %mul3A_16 = arith.muli %add3A, %mul3A_15 : i32
    "tpu.region"() ({
      %run_scoped3A = tpu.sem_alloc : memref<!tpu.dma_semaphore, #tpu.memory_space<semaphore_mem>>
      %dma_start3A = arith.constant 0 : i32
      %dma_start3A_33 = tpu.memref_slice %arg2[%mul3A_16, %dma_start3A] : memref<6400x128xi32, #tpu.memory_space<hbm>> -> memref<200x128xi32, #tpu.memory_space<hbm>>
      %dma_start3A_34 = arith.constant 0 : i32
      %dma_start3A_35 = tpu.memref_slice %arg2[%mul3A_16, %dma_start3A_34] : memref<6400x128xi32, #tpu.memory_space<hbm>> -> memref<200x128xi32, #tpu.memory_space<hbm>>
      tpu.enqueue_dma source(%dma_start3A_35 : memref<200x128xi32, #tpu.memory_space<hbm>>) target(%arg4 : memref<200x128xi32, #tpu.memory_space<vmem>>) target_semaphore(%run_scoped3A : memref<!tpu.dma_semaphore, #tpu.memory_space<semaphore_mem>>)
      %dma_wait3A = arith.constant 0 : i32
      %dma_wait3A_36 = tpu.memref_slice %arg2[%mul3A_16, %dma_wait3A] : memref<6400x128xi32, #tpu.memory_space<hbm>> -> memref<200x128xi32, #tpu.memory_space<hbm>>
      %dma_wait3A_37 = arith.constant 0 : i32
      %dma_wait3A_38 = tpu.memref_slice %arg2[%mul3A_16, %dma_wait3A_37] : memref<6400x128xi32, #tpu.memory_space<hbm>> -> memref<200x128xi32, #tpu.memory_space<hbm>>
      tpu.wait_dma2 semaphore(%run_scoped3A : memref<!tpu.dma_semaphore, #tpu.memory_space<semaphore_mem>>) src(%dma_wait3A_38 : memref<200x128xi32, #tpu.memory_space<hbm>>) dst(%arg4 : memref<200x128xi32, #tpu.memory_space<vmem>>)
      tpu.yield
    }) : () -> ()
    %mul3A_17 = arith.constant 3200 : i32
    %mul3A_18 = arith.muli %arg1, %mul3A_17 : i32
    "tpu.region"() ({
      %run_scoped3A = tpu.sem_alloc : memref<!tpu.dma_semaphore, #tpu.memory_space<semaphore_mem>>
      %dma_start3A = tpu.memref_slice %arg7[%mul3A_18] : memref<51200xf32, #tpu.memory_space<vmem_shared>> -> memref<3200xf32, #tpu.memory_space<vmem_shared>>
      %dma_start3A_33 = tpu.memref_slice %arg7[%mul3A_18] : memref<51200xf32, #tpu.memory_space<vmem_shared>> -> memref<3200xf32, #tpu.memory_space<vmem_shared>>
      tpu.enqueue_dma source(%arg6 : memref<3200xf32, #tpu.memory_space<vmem>>) target(%dma_start3A_33 : memref<3200xf32, #tpu.memory_space<vmem_shared>>) target_semaphore(%run_scoped3A : memref<!tpu.dma_semaphore, #tpu.memory_space<semaphore_mem>>)
      %dma_wait3A = tpu.memref_slice %arg7[%mul3A_18] : memref<51200xf32, #tpu.memory_space<vmem_shared>> -> memref<3200xf32, #tpu.memory_space<vmem_shared>>
      %dma_wait3A_34 = tpu.memref_slice %arg7[%mul3A_18] : memref<51200xf32, #tpu.memory_space<vmem_shared>> -> memref<3200xf32, #tpu.memory_space<vmem_shared>>
      tpu.wait_dma2 semaphore(%run_scoped3A : memref<!tpu.dma_semaphore, #tpu.memory_space<semaphore_mem>>) src(%arg6 : memref<3200xf32, #tpu.memory_space<vmem>>) dst(%dma_wait3A_34 : memref<3200xf32, #tpu.memory_space<vmem_shared>>)
      tpu.yield
    }) : () -> ()
    %barrier3A = arith.constant 0 : index
    tpu.barrier barrier_id(%barrier3A)
    %scan3A_19 = arith.constant 0 : i32
    %scan3A_20 = arith.constant 0 : i32
    %scan3A_21 = arith.constant 200 : i32
    %scan3A_22 = arith.addi %scan3A_20, %scan3A_21 : i32
    %scan3A_23 = arith.constant 1 : i32
    scf.for %scan3A_33 = %scan3A_20 to %scan3A_22 step %scan3A_23  : i32 {
      "tpu.region"() ({
        %run_scoped3A = tpu.sem_alloc : memref<!tpu.dma_semaphore, #tpu.memory_space<semaphore_mem>>
        %dma_start3A = arith.constant 0 : i32
        %dma_start3A_34 = tpu.memref_slice %arg4[%scan3A_33, %dma_start3A] : memref<200x128xi32, #tpu.memory_space<vmem>> -> memref<1x128xi32, #tpu.memory_space<vmem>>
        %dma_start3A_35 = tpu.memref_squeeze %dma_start3A_34 : memref<1x128xi32, #tpu.memory_space<vmem>> -> memref<128xi32, #tpu.memory_space<vmem>>
        %dma_start3A_36 = arith.constant 0 : i32
        %dma_start3A_37 = tpu.memref_slice %arg7[%dma_start3A_36] : memref<51200xf32, #tpu.memory_space<vmem_shared>> -> memref<51200xf32, #tpu.memory_space<vmem_shared>>
        tpu.enqueue_indirect_dma source(%arg5 : memref<128xf32, #tpu.memory_space<vmem>>) target(%dma_start3A_37 : memref<51200xf32, #tpu.memory_space<vmem_shared>>) offsets(%dma_start3A_35 : memref<128xi32, #tpu.memory_space<vmem>>) semaphore(%run_scoped3A : memref<!tpu.dma_semaphore, #tpu.memory_space<semaphore_mem>>) {add = true}
        %dma_wait3A = arith.constant 0 : i32
        %dma_wait3A_38 = tpu.memref_slice %arg4[%scan3A_33, %dma_wait3A] : memref<200x128xi32, #tpu.memory_space<vmem>> -> memref<1x128xi32, #tpu.memory_space<vmem>>
        %dma_wait3A_39 = tpu.memref_squeeze %dma_wait3A_38 : memref<1x128xi32, #tpu.memory_space<vmem>> -> memref<128xi32, #tpu.memory_space<vmem>>
        %dma_wait3A_40 = arith.constant 0 : i32
        %dma_wait3A_41 = tpu.memref_slice %arg7[%dma_wait3A_40] : memref<51200xf32, #tpu.memory_space<vmem_shared>> -> memref<51200xf32, #tpu.memory_space<vmem_shared>>
        tpu.wait_indirect_dma semaphore(%run_scoped3A : memref<!tpu.dma_semaphore, #tpu.memory_space<semaphore_mem>>) src(%arg5 : memref<128xf32, #tpu.memory_space<vmem>>) dst(%dma_wait3A_41 : memref<51200xf32, #tpu.memory_space<vmem_shared>>)
        tpu.yield
      }) : () -> ()
    }
    %scan3A_24 = arith.constant 200 : i32
    %barrier3A_25 = arith.constant 0 : index
    tpu.barrier barrier_id(%barrier3A_25)
    %mul3A_26 = arith.constant 3200 : i32
    %mul3A_27 = arith.muli %arg1, %mul3A_26 : i32
    %mul3A_28 = arith.constant 51200 : i32
    %mul3A_29 = arith.muli %arg0, %mul3A_28 : i32
    %mul3A_30 = arith.constant 3200 : i32
    %mul3A_31 = arith.muli %arg1, %mul3A_30 : i32
    %add3A_32 = arith.addi %mul3A_29, %mul3A_31 : i32
    "tpu.region"() ({
      %run_scoped3A = tpu.sem_alloc : memref<!tpu.dma_semaphore, #tpu.memory_space<semaphore_mem>>
      %dma_start3A = tpu.memref_slice %arg3[%add3A_32] : memref<102400xf32, #tpu.memory_space<hbm>> -> memref<3200xf32, #tpu.memory_space<hbm>>
      %dma_start3A_33 = tpu.memref_slice %arg7[%mul3A_27] : memref<51200xf32, #tpu.memory_space<vmem_shared>> -> memref<3200xf32, #tpu.memory_space<vmem_shared>>
      tpu.enqueue_dma source(%dma_start3A_33 : memref<3200xf32, #tpu.memory_space<vmem_shared>>) target(%dma_start3A : memref<3200xf32, #tpu.memory_space<hbm>>) target_semaphore(%run_scoped3A : memref<!tpu.dma_semaphore, #tpu.memory_space<semaphore_mem>>)
      %dma_wait3A = tpu.memref_slice %arg3[%add3A_32] : memref<102400xf32, #tpu.memory_space<hbm>> -> memref<3200xf32, #tpu.memory_space<hbm>>
      %dma_wait3A_34 = tpu.memref_slice %arg7[%mul3A_27] : memref<51200xf32, #tpu.memory_space<vmem_shared>> -> memref<3200xf32, #tpu.memory_space<vmem_shared>>
      tpu.wait_dma2 semaphore(%run_scoped3A : memref<!tpu.dma_semaphore, #tpu.memory_space<semaphore_mem>>) src(%dma_wait3A_34 : memref<3200xf32, #tpu.memory_space<vmem_shared>>) dst(%dma_wait3A : memref<3200xf32, #tpu.memory_space<hbm>>)
      tpu.yield
    }) : () -> ()
    return
  }
}

#map = affine_map<(d0, d1) -> (0, 0)>
module attributes {stable_mosaic.version = 14 : i64} {
  func.func @edge_acc(%arg0: i32, %arg1: i32, %arg2: memref<51200x16xf32, #tpu.memory_space<hbm>>, %arg3: memref<6400x128xi32, #tpu.memory_space<hbm>>, %arg4: memref<6400x128xi32, #tpu.memory_space<hbm>>, %arg5: memref<51200x16xf32, #tpu.memory_space<hbm>>, %arg6: memref<51200x16xf32, #tpu.memory_space<hbm>>, %arg7: memref<200x128xi32, #tpu.memory_space<vmem>>, %arg8: memref<200x128xi32, #tpu.memory_space<vmem>>, %arg9: memref<128x16xf32, #tpu.memory_space<vmem>>, %arg10: memref<400x16xf32, #tpu.memory_space<vmem>>, %arg11: memref<!tpu.dma_semaphore, #tpu.memory_space<semaphore_mem>>, %arg12: memref<51200x16xf32, #tpu.memory_space<vmem_shared>>) attributes {dimension_semantics = [#tpu.dimension_semantics<core_parallel>, #tpu.dimension_semantics<subcore_parallel>], iteration_bounds = array<i64: 2, 16>, scalar_prefetch = 0 : i64, scratch_operands = 6 : i64, tpu.core_type = #tpu.core_type<sc_vector_subcore>, window_params = [{transform_indices = #map}, {transform_indices = #map}, {transform_indices = #map}, {transform_indices = #map}, {transform_indices = #map}]} {
    %mul3A = arith.constant 16 : i32
    %mul3A_0 = arith.muli %arg0, %mul3A : i32
    %add3A = arith.addi %mul3A_0, %arg1 : i32
    %broadcast_in_dim3A = arith.constant 0.000000e+00 : f32
    %broadcast_in_dim3A_1 = vector.broadcast %broadcast_in_dim3A : f32 to vector<16xf32>
    %scan3A = arith.constant 0 : i32
    %scan3A_2 = arith.constant 0 : i32
    %scan3A_3 = arith.constant 400 : i32
    %scan3A_4 = arith.addi %scan3A_2, %scan3A_3 : i32
    %scan3A_5 = arith.constant 1 : i32
    scf.for %scan3A_31 = %scan3A_2 to %scan3A_4 step %scan3A_5  : i32 {
      %swap3A = arith.index_cast %scan3A_31 : i32 to index
      %swap3A_32 = arith.constant 0 : index
      %swap3A_33 = tpu.vector_load %arg10[%swap3A, %swap3A_32] {strides = array<i32>} : memref<400x16xf32, #tpu.memory_space<vmem>>, vector<16xf32>,
      tpu.vector_store %arg10[%swap3A, %swap3A_32], %broadcast_in_dim3A_1 {strides = array<i32>} : memref<400x16xf32, #tpu.memory_space<vmem>>, vector<16xf32>,
    }
    %scan3A_6 = arith.constant 400 : i32
    %mul3A_7 = arith.constant 200 : i32
    %mul3A_8 = arith.muli %add3A, %mul3A_7 : i32
    "tpu.region"() ({
      %run_scoped3A = tpu.sem_alloc : memref<!tpu.dma_semaphore, #tpu.memory_space<semaphore_mem>>
      %dma_start3A = arith.constant 0 : i32
      %dma_start3A_31 = tpu.memref_slice %arg3[%mul3A_8, %dma_start3A] : memref<6400x128xi32, #tpu.memory_space<hbm>> -> memref<200x128xi32, #tpu.memory_space<hbm>>
      %dma_start3A_32 = arith.constant 0 : i32
      %dma_start3A_33 = tpu.memref_slice %arg3[%mul3A_8, %dma_start3A_32] : memref<6400x128xi32, #tpu.memory_space<hbm>> -> memref<200x128xi32, #tpu.memory_space<hbm>>
      tpu.enqueue_dma source(%dma_start3A_33 : memref<200x128xi32, #tpu.memory_space<hbm>>) target(%arg7 : memref<200x128xi32, #tpu.memory_space<vmem>>) target_semaphore(%run_scoped3A : memref<!tpu.dma_semaphore, #tpu.memory_space<semaphore_mem>>)
      %dma_wait3A = arith.constant 0 : i32
      %dma_wait3A_34 = tpu.memref_slice %arg3[%mul3A_8, %dma_wait3A] : memref<6400x128xi32, #tpu.memory_space<hbm>> -> memref<200x128xi32, #tpu.memory_space<hbm>>
      %dma_wait3A_35 = arith.constant 0 : i32
      %dma_wait3A_36 = tpu.memref_slice %arg3[%mul3A_8, %dma_wait3A_35] : memref<6400x128xi32, #tpu.memory_space<hbm>> -> memref<200x128xi32, #tpu.memory_space<hbm>>
      tpu.wait_dma2 semaphore(%run_scoped3A : memref<!tpu.dma_semaphore, #tpu.memory_space<semaphore_mem>>) src(%dma_wait3A_36 : memref<200x128xi32, #tpu.memory_space<hbm>>) dst(%arg7 : memref<200x128xi32, #tpu.memory_space<vmem>>)
      tpu.yield
    }) : () -> ()
    %mul3A_9 = arith.constant 200 : i32
    %mul3A_10 = arith.muli %add3A, %mul3A_9 : i32
    "tpu.region"() ({
      %run_scoped3A = tpu.sem_alloc : memref<!tpu.dma_semaphore, #tpu.memory_space<semaphore_mem>>
      %dma_start3A = arith.constant 0 : i32
      %dma_start3A_31 = tpu.memref_slice %arg4[%mul3A_10, %dma_start3A] : memref<6400x128xi32, #tpu.memory_space<hbm>> -> memref<200x128xi32, #tpu.memory_space<hbm>>
      %dma_start3A_32 = arith.constant 0 : i32
      %dma_start3A_33 = tpu.memref_slice %arg4[%mul3A_10, %dma_start3A_32] : memref<6400x128xi32, #tpu.memory_space<hbm>> -> memref<200x128xi32, #tpu.memory_space<hbm>>
      tpu.enqueue_dma source(%dma_start3A_33 : memref<200x128xi32, #tpu.memory_space<hbm>>) target(%arg8 : memref<200x128xi32, #tpu.memory_space<vmem>>) target_semaphore(%run_scoped3A : memref<!tpu.dma_semaphore, #tpu.memory_space<semaphore_mem>>)
      %dma_wait3A = arith.constant 0 : i32
      %dma_wait3A_34 = tpu.memref_slice %arg4[%mul3A_10, %dma_wait3A] : memref<6400x128xi32, #tpu.memory_space<hbm>> -> memref<200x128xi32, #tpu.memory_space<hbm>>
      %dma_wait3A_35 = arith.constant 0 : i32
      %dma_wait3A_36 = tpu.memref_slice %arg4[%mul3A_10, %dma_wait3A_35] : memref<6400x128xi32, #tpu.memory_space<hbm>> -> memref<200x128xi32, #tpu.memory_space<hbm>>
      tpu.wait_dma2 semaphore(%run_scoped3A : memref<!tpu.dma_semaphore, #tpu.memory_space<semaphore_mem>>) src(%dma_wait3A_36 : memref<200x128xi32, #tpu.memory_space<hbm>>) dst(%arg8 : memref<200x128xi32, #tpu.memory_space<vmem>>)
      tpu.yield
    }) : () -> ()
    %scan3A_11 = arith.constant 0 : i32
    %scan3A_12 = arith.constant 0 : i32
    %scan3A_13 = arith.constant 8 : i32
    %scan3A_14 = arith.addi %scan3A_12, %scan3A_13 : i32
    %scan3A_15 = arith.constant 1 : i32
    scf.for %scan3A_31 = %scan3A_12 to %scan3A_14 step %scan3A_15  : i32 {
      %mul3A_32 = arith.constant 3200 : i32
      %mul3A_33 = arith.muli %arg1, %mul3A_32 : i32
      %mul3A_34 = arith.constant 400 : i32
      %mul3A_35 = arith.muli %scan3A_31, %mul3A_34 : i32
      %add3A_36 = arith.addi %mul3A_33, %mul3A_35 : i32
      "tpu.region"() ({
        %run_scoped3A = tpu.sem_alloc : memref<!tpu.dma_semaphore, #tpu.memory_space<semaphore_mem>>
        %dma_start3A = arith.constant 0 : i32
        %dma_start3A_37 = tpu.memref_slice %arg12[%add3A_36, %dma_start3A] : memref<51200x16xf32, #tpu.memory_space<vmem_shared>> -> memref<400x16xf32, #tpu.memory_space<vmem_shared>>
        %dma_start3A_38 = arith.constant 0 : i32
        %dma_start3A_39 = tpu.memref_slice %arg12[%add3A_36, %dma_start3A_38] : memref<51200x16xf32, #tpu.memory_space<vmem_shared>> -> memref<400x16xf32, #tpu.memory_space<vmem_shared>>
        tpu.enqueue_dma source(%arg10 : memref<400x16xf32, #tpu.memory_space<vmem>>) target(%dma_start3A_39 : memref<400x16xf32, #tpu.memory_space<vmem_shared>>) target_semaphore(%run_scoped3A : memref<!tpu.dma_semaphore, #tpu.memory_space<semaphore_mem>>)
        %dma_wait3A = arith.constant 0 : i32
        %dma_wait3A_40 = tpu.memref_slice %arg12[%add3A_36, %dma_wait3A] : memref<51200x16xf32, #tpu.memory_space<vmem_shared>> -> memref<400x16xf32, #tpu.memory_space<vmem_shared>>
        %dma_wait3A_41 = arith.constant 0 : i32
        %dma_wait3A_42 = tpu.memref_slice %arg12[%add3A_36, %dma_wait3A_41] : memref<51200x16xf32, #tpu.memory_space<vmem_shared>> -> memref<400x16xf32, #tpu.memory_space<vmem_shared>>
        tpu.wait_dma2 semaphore(%run_scoped3A : memref<!tpu.dma_semaphore, #tpu.memory_space<semaphore_mem>>) src(%arg10 : memref<400x16xf32, #tpu.memory_space<vmem>>) dst(%dma_wait3A_42 : memref<400x16xf32, #tpu.memory_space<vmem_shared>>)
        tpu.yield
      }) : () -> ()
    }
    %scan3A_16 = arith.constant 8 : i32
    %barrier3A = arith.constant 0 : index
    tpu.barrier barrier_id(%barrier3A)
    %scan3A_17 = arith.constant 0 : i32
    %scan3A_18 = arith.constant 0 : i32
    %scan3A_19 = arith.constant 200 : i32
    %scan3A_20 = arith.addi %scan3A_18, %scan3A_19 : i32
    %scan3A_21 = arith.constant 1 : i32
    scf.for %scan3A_31 = %scan3A_18 to %scan3A_20 step %scan3A_21  : i32 {
      %dma_start3A = arith.constant 0 : i32
      %dma_start3A_32 = tpu.memref_slice %arg7[%scan3A_31, %dma_start3A] : memref<200x128xi32, #tpu.memory_space<vmem>> -> memref<1x128xi32, #tpu.memory_space<vmem>>
      %dma_start3A_33 = tpu.memref_squeeze %dma_start3A_32 : memref<1x128xi32, #tpu.memory_space<vmem>> -> memref<128xi32, #tpu.memory_space<vmem>>
      %dma_start3A_34 = arith.constant 0 : i32
      %dma_start3A_35 = arith.constant 0 : i32
      %dma_start3A_36 = tpu.memref_slice %arg2[%dma_start3A_34, %dma_start3A_35] : memref<51200x16xf32, #tpu.memory_space<hbm>> -> memref<51200x16xf32, #tpu.memory_space<hbm>>
      tpu.enqueue_indirect_dma source(%dma_start3A_36 : memref<51200x16xf32, #tpu.memory_space<hbm>>) target(%arg9 : memref<128x16xf32, #tpu.memory_space<vmem>>) offsets(%dma_start3A_33 : memref<128xi32, #tpu.memory_space<vmem>>) semaphore(%arg11 : memref<!tpu.dma_semaphore, #tpu.memory_space<semaphore_mem>>)
      %dma_wait3A = arith.constant 0 : i32
      %dma_wait3A_37 = tpu.memref_slice %arg7[%scan3A_31, %dma_wait3A] : memref<200x128xi32, #tpu.memory_space<vmem>> -> memref<1x128xi32, #tpu.memory_space<vmem>>
      %dma_wait3A_38 = tpu.memref_squeeze %dma_wait3A_37 : memref<1x128xi32, #tpu.memory_space<vmem>> -> memref<128xi32, #tpu.memory_space<vmem>>
      %dma_wait3A_39 = arith.constant 0 : i32
      %dma_wait3A_40 = arith.constant 0 : i32
      %dma_wait3A_41 = tpu.memref_slice %arg2[%dma_wait3A_39, %dma_wait3A_40] : memref<51200x16xf32, #tpu.memory_space<hbm>> -> memref<51200x16xf32, #tpu.memory_space<hbm>>
      tpu.wait_indirect_dma semaphore(%arg11 : memref<!tpu.dma_semaphore, #tpu.memory_space<semaphore_mem>>) src(%dma_wait3A_41 : memref<51200x16xf32, #tpu.memory_space<hbm>>) dst(%arg9 : memref<128x16xf32, #tpu.memory_space<vmem>>)
      "tpu.region"() ({
        %run_scoped3A = tpu.sem_alloc : memref<!tpu.dma_semaphore, #tpu.memory_space<semaphore_mem>>
        %dma_start3A_42 = arith.constant 0 : i32
        %dma_start3A_43 = tpu.memref_slice %arg8[%scan3A_31, %dma_start3A_42] : memref<200x128xi32, #tpu.memory_space<vmem>> -> memref<1x128xi32, #tpu.memory_space<vmem>>
        %dma_start3A_44 = tpu.memref_squeeze %dma_start3A_43 : memref<1x128xi32, #tpu.memory_space<vmem>> -> memref<128xi32, #tpu.memory_space<vmem>>
        %dma_start3A_45 = arith.constant 0 : i32
        %dma_start3A_46 = arith.constant 0 : i32
        %dma_start3A_47 = tpu.memref_slice %arg12[%dma_start3A_45, %dma_start3A_46] : memref<51200x16xf32, #tpu.memory_space<vmem_shared>> -> memref<51200x16xf32, #tpu.memory_space<vmem_shared>>
        tpu.enqueue_indirect_dma source(%arg9 : memref<128x16xf32, #tpu.memory_space<vmem>>) target(%dma_start3A_47 : memref<51200x16xf32, #tpu.memory_space<vmem_shared>>) offsets(%dma_start3A_44 : memref<128xi32, #tpu.memory_space<vmem>>) semaphore(%run_scoped3A : memref<!tpu.dma_semaphore, #tpu.memory_space<semaphore_mem>>) {add = true}
        %dma_wait3A_48 = arith.constant 0 : i32
        %dma_wait3A_49 = tpu.memref_slice %arg8[%scan3A_31, %dma_wait3A_48] : memref<200x128xi32, #tpu.memory_space<vmem>> -> memref<1x128xi32, #tpu.memory_space<vmem>>
        %dma_wait3A_50 = tpu.memref_squeeze %dma_wait3A_49 : memref<1x128xi32, #tpu.memory_space<vmem>> -> memref<128xi32, #tpu.memory_space<vmem>>
        %dma_wait3A_51 = arith.constant 0 : i32
        %dma_wait3A_52 = arith.constant 0 : i32
        %dma_wait3A_53 = tpu.memref_slice %arg12[%dma_wait3A_51, %dma_wait3A_52] : memref<51200x16xf32, #tpu.memory_space<vmem_shared>> -> memref<51200x16xf32, #tpu.memory_space<vmem_shared>>
        tpu.wait_indirect_dma semaphore(%run_scoped3A : memref<!tpu.dma_semaphore, #tpu.memory_space<semaphore_mem>>) src(%arg9 : memref<128x16xf32, #tpu.memory_space<vmem>>) dst(%dma_wait3A_53 : memref<51200x16xf32, #tpu.memory_space<vmem_shared>>)
        tpu.yield
      }) : () -> ()
    }
    %scan3A_22 = arith.constant 200 : i32
    %barrier3A_23 = arith.constant 0 : index
    tpu.barrier barrier_id(%barrier3A_23)
    %eq3A = arith.constant 0 : i32
    %eq3A_24 = arith.cmpi eq, %arg0, %eq3A : i32
    %convert_element_type3A = arith.extui %eq3A_24 : i1 to i32
    %cond3A = arith.constant 0 : i32
    %cond3A_25 = arith.cmpi ne, %convert_element_type3A, %cond3A : i32
    scf.if %cond3A_25 {
      %mul3A_31 = arith.constant 3200 : i32
      %mul3A_32 = arith.muli %arg1, %mul3A_31 : i32
      %mul3A_33 = arith.constant 3200 : i32
      %mul3A_34 = arith.muli %arg1, %mul3A_33 : i32
      "tpu.region"() ({
        %run_scoped3A = tpu.sem_alloc : memref<!tpu.dma_semaphore, #tpu.memory_space<semaphore_mem>>
        %dma_start3A = arith.constant 0 : i32
        %dma_start3A_35 = tpu.memref_slice %arg5[%mul3A_34, %dma_start3A] : memref<51200x16xf32, #tpu.memory_space<hbm>> -> memref<3200x16xf32, #tpu.memory_space<hbm>>
        %dma_start3A_36 = arith.constant 0 : i32
        %dma_start3A_37 = tpu.memref_slice %arg12[%mul3A_32, %dma_start3A_36] : memref<51200x16xf32, #tpu.memory_space<vmem_shared>> -> memref<3200x16xf32, #tpu.memory_space<vmem_shared>>
        tpu.enqueue_dma source(%dma_start3A_37 : memref<3200x16xf32, #tpu.memory_space<vmem_shared>>) target(%dma_start3A_35 : memref<3200x16xf32, #tpu.memory_space<hbm>>) target_semaphore(%run_scoped3A : memref<!tpu.dma_semaphore, #tpu.memory_space<semaphore_mem>>)
        %dma_wait3A = arith.constant 0 : i32
        %dma_wait3A_38 = tpu.memref_slice %arg5[%mul3A_34, %dma_wait3A] : memref<51200x16xf32, #tpu.memory_space<hbm>> -> memref<3200x16xf32, #tpu.memory_space<hbm>>
        %dma_wait3A_39 = arith.constant 0 : i32
        %dma_wait3A_40 = tpu.memref_slice %arg12[%mul3A_32, %dma_wait3A_39] : memref<51200x16xf32, #tpu.memory_space<vmem_shared>> -> memref<3200x16xf32, #tpu.memory_space<vmem_shared>>
        tpu.wait_dma2 semaphore(%run_scoped3A : memref<!tpu.dma_semaphore, #tpu.memory_space<semaphore_mem>>) src(%dma_wait3A_40 : memref<3200x16xf32, #tpu.memory_space<vmem_shared>>) dst(%dma_wait3A_38 : memref<3200x16xf32, #tpu.memory_space<hbm>>)
        tpu.yield
      }) : () -> ()
    } else {
    }
    %eq3A_26 = arith.constant 1 : i32
    %eq3A_27 = arith.cmpi eq, %arg0, %eq3A_26 : i32
    %convert_element_type3A_28 = arith.extui %eq3A_27 : i1 to i32
    %cond3A_29 = arith.constant 0 : i32
    %cond3A_30 = arith.cmpi ne, %convert_element_type3A_28, %cond3A_29 : i32
    scf.if %cond3A_30 {
      %mul3A_31 = arith.constant 3200 : i32
      %mul3A_32 = arith.muli %arg1, %mul3A_31 : i32
      %mul3A_33 = arith.constant 3200 : i32
      %mul3A_34 = arith.muli %arg1, %mul3A_33 : i32
      "tpu.region"() ({
        %run_scoped3A = tpu.sem_alloc : memref<!tpu.dma_semaphore, #tpu.memory_space<semaphore_mem>>
        %dma_start3A = arith.constant 0 : i32
        %dma_start3A_35 = tpu.memref_slice %arg6[%mul3A_34, %dma_start3A] : memref<51200x16xf32, #tpu.memory_space<hbm>> -> memref<3200x16xf32, #tpu.memory_space<hbm>>
        %dma_start3A_36 = arith.constant 0 : i32
        %dma_start3A_37 = tpu.memref_slice %arg12[%mul3A_32, %dma_start3A_36] : memref<51200x16xf32, #tpu.memory_space<vmem_shared>> -> memref<3200x16xf32, #tpu.memory_space<vmem_shared>>
        tpu.enqueue_dma source(%dma_start3A_37 : memref<3200x16xf32, #tpu.memory_space<vmem_shared>>) target(%dma_start3A_35 : memref<3200x16xf32, #tpu.memory_space<hbm>>) target_semaphore(%run_scoped3A : memref<!tpu.dma_semaphore, #tpu.memory_space<semaphore_mem>>)
        %dma_wait3A = arith.constant 0 : i32
        %dma_wait3A_38 = tpu.memref_slice %arg6[%mul3A_34, %dma_wait3A] : memref<51200x16xf32, #tpu.memory_space<hbm>> -> memref<3200x16xf32, #tpu.memory_space<hbm>>
        %dma_wait3A_39 = arith.constant 0 : i32
        %dma_wait3A_40 = tpu.memref_slice %arg12[%mul3A_32, %dma_wait3A_39] : memref<51200x16xf32, #tpu.memory_space<vmem_shared>> -> memref<3200x16xf32, #tpu.memory_space<vmem_shared>>
        tpu.wait_dma2 semaphore(%run_scoped3A : memref<!tpu.dma_semaphore, #tpu.memory_space<semaphore_mem>>) src(%dma_wait3A_40 : memref<3200x16xf32, #tpu.memory_space<vmem_shared>>) dst(%dma_wait3A_38 : memref<3200x16xf32, #tpu.memory_space<hbm>>)
        tpu.yield
      }) : () -> ()
    } else {
    }
    return
  }
}

#map = affine_map<(d0, d1) -> (0)>
#map1 = affine_map<(d0, d1) -> (0, 0)>
module attributes {stable_mosaic.version = 14 : i64} {
  func.func @remap_compact(%arg0: i32, %arg1: i32, %arg2: memref<51200xi32, #tpu.memory_space<hbm>>, %arg3: memref<6400x128xi32, #tpu.memory_space<hbm>>, %arg4: memref<6400x128xi32, #tpu.memory_space<hbm>>, %arg5: memref<827392xi32, #tpu.memory_space<hbm>>, %arg6: memref<827392xi32, #tpu.memory_space<hbm>>, %arg7: memref<512xi32, #tpu.memory_space<hbm>>, %arg8: memref<262144xf32, #tpu.memory_space<hbm>>, %arg9: memref<200x128xi32, #tpu.memory_space<vmem>>, %arg10: memref<200x128xi32, #tpu.memory_space<vmem>>, %arg11: memref<4x128xi32, #tpu.memory_space<vmem>>, %arg12: memref<4x128xi32, #tpu.memory_space<vmem>>, %arg13: memref<25984xi32, #tpu.memory_space<vmem>>, %arg14: memref<25984xi32, #tpu.memory_space<vmem>>, %arg15: memref<8192xf32, #tpu.memory_space<vmem>>, %arg16: memref<16xi32, #tpu.memory_space<vmem>>, %arg17: memref<!tpu.dma_semaphore, #tpu.memory_space<semaphore_mem>>, %arg18: memref<51200xi32, #tpu.memory_space<vmem_shared>>) attributes {dimension_semantics = [#tpu.dimension_semantics<core_parallel>, #tpu.dimension_semantics<subcore_parallel>], iteration_bounds = array<i64: 2, 16>, scalar_prefetch = 0 : i64, scratch_operands = 10 : i64, tpu.core_type = #tpu.core_type<sc_vector_subcore>, window_params = [{transform_indices = #map}, {transform_indices = #map1}, {transform_indices = #map1}, {transform_indices = #map}, {transform_indices = #map}, {transform_indices = #map}, {transform_indices = #map}]} {
    %mul3A = arith.constant 16 : i32
    %mul3A_0 = arith.muli %arg0, %mul3A : i32
    %add3A = arith.addi %mul3A_0, %arg1 : i32
    %broadcast_in_dim3A = arith.constant 4096 : i32
    %broadcast_in_dim3A_1 = vector.broadcast %broadcast_in_dim3A : i32 to vector<16xi32>
    %broadcast_in_dim3A_2 = arith.constant 1.000000e+00 : f32
    %broadcast_in_dim3A_3 = vector.broadcast %broadcast_in_dim3A_2 : f32 to vector<16xf32>
    %broadcast_in_dim3A_4 = arith.constant 0.000000e+00 : f32
    %broadcast_in_dim3A_5 = vector.broadcast %broadcast_in_dim3A_4 : f32 to vector<16xf32>
    %scan3A = arith.constant 0 : i32
    %scan3A_6 = arith.constant 0 : i32
    %scan3A_7 = arith.constant 512 : i32
    %scan3A_8 = arith.addi %scan3A_6, %scan3A_7 : i32
    %scan3A_9 = arith.constant 1 : i32
    scf.for %scan3A_118 = %scan3A_6 to %scan3A_8 step %scan3A_9  : i32 {
      %mul3A_119 = arith.constant 16 : i32
      %mul3A_120 = arith.muli %scan3A_118, %mul3A_119 : i32
      %swap3A_121 = arith.index_cast %mul3A_120 : i32 to index
      %swap3A_122 = tpu.vector_load %arg15[%swap3A_121] {strides = array<i32>} : memref<8192xf32, #tpu.memory_space<vmem>>, vector<16xf32>,
      tpu.vector_store %arg15[%swap3A_121], %broadcast_in_dim3A_5 {strides = array<i32>} : memref<8192xf32, #tpu.memory_space<vmem>>, vector<16xf32>,
    }
    %scan3A_10 = arith.constant 512 : i32
    %mul3A_11 = arith.constant 200 : i32
    %mul3A_12 = arith.muli %add3A, %mul3A_11 : i32
    "tpu.region"() ({
      %run_scoped3A = tpu.sem_alloc : memref<!tpu.dma_semaphore, #tpu.memory_space<semaphore_mem>>
      %dma_start3A = arith.constant 0 : i32
      %dma_start3A_118 = tpu.memref_slice %arg3[%mul3A_12, %dma_start3A] : memref<6400x128xi32, #tpu.memory_space<hbm>> -> memref<200x128xi32, #tpu.memory_space<hbm>>
      %dma_start3A_119 = arith.constant 0 : i32
      %dma_start3A_120 = tpu.memref_slice %arg3[%mul3A_12, %dma_start3A_119] : memref<6400x128xi32, #tpu.memory_space<hbm>> -> memref<200x128xi32, #tpu.memory_space<hbm>>
      tpu.enqueue_dma source(%dma_start3A_120 : memref<200x128xi32, #tpu.memory_space<hbm>>) target(%arg9 : memref<200x128xi32, #tpu.memory_space<vmem>>) target_semaphore(%run_scoped3A : memref<!tpu.dma_semaphore, #tpu.memory_space<semaphore_mem>>)
      %dma_wait3A = arith.constant 0 : i32
      %dma_wait3A_121 = tpu.memref_slice %arg3[%mul3A_12, %dma_wait3A] : memref<6400x128xi32, #tpu.memory_space<hbm>> -> memref<200x128xi32, #tpu.memory_space<hbm>>
      %dma_wait3A_122 = arith.constant 0 : i32
      %dma_wait3A_123 = tpu.memref_slice %arg3[%mul3A_12, %dma_wait3A_122] : memref<6400x128xi32, #tpu.memory_space<hbm>> -> memref<200x128xi32, #tpu.memory_space<hbm>>
      tpu.wait_dma2 semaphore(%run_scoped3A : memref<!tpu.dma_semaphore, #tpu.memory_space<semaphore_mem>>) src(%dma_wait3A_123 : memref<200x128xi32, #tpu.memory_space<hbm>>) dst(%arg9 : memref<200x128xi32, #tpu.memory_space<vmem>>)
      tpu.yield
    }) : () -> ()
    %mul3A_13 = arith.constant 200 : i32
    %mul3A_14 = arith.muli %add3A, %mul3A_13 : i32
    "tpu.region"() ({
      %run_scoped3A = tpu.sem_alloc : memref<!tpu.dma_semaphore, #tpu.memory_space<semaphore_mem>>
      %dma_start3A = arith.constant 0 : i32
      %dma_start3A_118 = tpu.memref_slice %arg4[%mul3A_14, %dma_start3A] : memref<6400x128xi32, #tpu.memory_space<hbm>> -> memref<200x128xi32, #tpu.memory_space<hbm>>
      %dma_start3A_119 = arith.constant 0 : i32
      %dma_start3A_120 = tpu.memref_slice %arg4[%mul3A_14, %dma_start3A_119] : memref<6400x128xi32, #tpu.memory_space<hbm>> -> memref<200x128xi32, #tpu.memory_space<hbm>>
      tpu.enqueue_dma source(%dma_start3A_120 : memref<200x128xi32, #tpu.memory_space<hbm>>) target(%arg10 : memref<200x128xi32, #tpu.memory_space<vmem>>) target_semaphore(%run_scoped3A : memref<!tpu.dma_semaphore, #tpu.memory_space<semaphore_mem>>)
      %dma_wait3A = arith.constant 0 : i32
      %dma_wait3A_121 = tpu.memref_slice %arg4[%mul3A_14, %dma_wait3A] : memref<6400x128xi32, #tpu.memory_space<hbm>> -> memref<200x128xi32, #tpu.memory_space<hbm>>
      %dma_wait3A_122 = arith.constant 0 : i32
      %dma_wait3A_123 = tpu.memref_slice %arg4[%mul3A_14, %dma_wait3A_122] : memref<6400x128xi32, #tpu.memory_space<hbm>> -> memref<200x128xi32, #tpu.memory_space<hbm>>
      tpu.wait_dma2 semaphore(%run_scoped3A : memref<!tpu.dma_semaphore, #tpu.memory_space<semaphore_mem>>) src(%dma_wait3A_123 : memref<200x128xi32, #tpu.memory_space<hbm>>) dst(%arg10 : memref<200x128xi32, #tpu.memory_space<vmem>>)
      tpu.yield
    }) : () -> ()
    %mul3A_15 = arith.constant 3200 : i32
    %mul3A_16 = arith.muli %arg1, %mul3A_15 : i32
    %mul3A_17 = arith.constant 3200 : i32
    %mul3A_18 = arith.muli %arg1, %mul3A_17 : i32
    "tpu.region"() ({
      %run_scoped3A = tpu.sem_alloc : memref<!tpu.dma_semaphore, #tpu.memory_space<semaphore_mem>>
      %dma_start3A = tpu.memref_slice %arg18[%mul3A_18] : memref<51200xi32, #tpu.memory_space<vmem_shared>> -> memref<3200xi32, #tpu.memory_space<vmem_shared>>
      %dma_start3A_118 = tpu.memref_slice %arg2[%mul3A_16] : memref<51200xi32, #tpu.memory_space<hbm>> -> memref<3200xi32, #tpu.memory_space<hbm>>
      tpu.enqueue_dma source(%dma_start3A_118 : memref<3200xi32, #tpu.memory_space<hbm>>) target(%dma_start3A : memref<3200xi32, #tpu.memory_space<vmem_shared>>) target_semaphore(%run_scoped3A : memref<!tpu.dma_semaphore, #tpu.memory_space<semaphore_mem>>)
      %dma_wait3A = tpu.memref_slice %arg18[%mul3A_18] : memref<51200xi32, #tpu.memory_space<vmem_shared>> -> memref<3200xi32, #tpu.memory_space<vmem_shared>>
      %dma_wait3A_119 = tpu.memref_slice %arg2[%mul3A_16] : memref<51200xi32, #tpu.memory_space<hbm>> -> memref<3200xi32, #tpu.memory_space<hbm>>
      tpu.wait_dma2 semaphore(%run_scoped3A : memref<!tpu.dma_semaphore, #tpu.memory_space<semaphore_mem>>) src(%dma_wait3A_119 : memref<3200xi32, #tpu.memory_space<hbm>>) dst(%dma_wait3A : memref<3200xi32, #tpu.memory_space<vmem_shared>>)
      tpu.yield
    }) : () -> ()
    %barrier3A = arith.constant 0 : index
    tpu.barrier barrier_id(%barrier3A)
    %scan3A_19 = arith.constant 0 : i32
    %scan3A_20 = arith.constant 0 : i32
    %scan3A_21 = arith.constant 50 : i32
    %scan3A_22 = arith.addi %scan3A_20, %scan3A_21 : i32
    %scan3A_23 = arith.constant 1 : i32
    %scan3A_24 = scf.for %scan3A_118 = %scan3A_20 to %scan3A_22 step %scan3A_23 iter_args(%scan3A_119 = %scan3A_19) -> (i32)  : i32 {
      %mul3A_120 = arith.constant 4 : i32
      %mul3A_121 = arith.muli %scan3A_118, %mul3A_120 : i32
      %add3A_122 = arith.constant 0 : i32
      %add3A_123 = arith.addi %mul3A_121, %add3A_122 : i32
      %dma_start3A = arith.constant 0 : i32
      %dma_start3A_124 = arith.constant 0 : i32
      %dma_start3A_125 = tpu.memref_slice %arg11[%dma_start3A, %dma_start3A_124] : memref<4x128xi32, #tpu.memory_space<vmem>> -> memref<1x128xi32, #tpu.memory_space<vmem>>
      %dma_start3A_126 = tpu.memref_squeeze %dma_start3A_125 : memref<1x128xi32, #tpu.memory_space<vmem>> -> memref<128xi32, #tpu.memory_space<vmem>>
      %dma_start3A_127 = arith.constant 0 : i32
      %dma_start3A_128 = tpu.memref_slice %arg9[%add3A_123, %dma_start3A_127] : memref<200x128xi32, #tpu.memory_space<vmem>> -> memref<1x128xi32, #tpu.memory_space<vmem>>
      %dma_start3A_129 = tpu.memref_squeeze %dma_start3A_128 : memref<1x128xi32, #tpu.memory_space<vmem>> -> memref<128xi32, #tpu.memory_space<vmem>>
      %dma_start3A_130 = arith.constant 0 : i32
      %dma_start3A_131 = tpu.memref_slice %arg18[%dma_start3A_130] : memref<51200xi32, #tpu.memory_space<vmem_shared>> -> memref<51200xi32, #tpu.memory_space<vmem_shared>>
      tpu.enqueue_indirect_dma source(%dma_start3A_131 : memref<51200xi32, #tpu.memory_space<vmem_shared>>) target(%dma_start3A_126 : memref<128xi32, #tpu.memory_space<vmem>>) offsets(%dma_start3A_129 : memref<128xi32, #tpu.memory_space<vmem>>) semaphore(%arg17 : memref<!tpu.dma_semaphore, #tpu.memory_space<semaphore_mem>>)
      %add3A_132 = arith.constant 1 : i32
      %add3A_133 = arith.addi %mul3A_121, %add3A_132 : i32
      %dma_start3A_134 = arith.constant 1 : i32
      %dma_start3A_135 = arith.constant 0 : i32
      %dma_start3A_136 = tpu.memref_slice %arg11[%dma_start3A_134, %dma_start3A_135] : memref<4x128xi32, #tpu.memory_space<vmem>> -> memref<1x128xi32, #tpu.memory_space<vmem>>
      %dma_start3A_137 = tpu.memref_squeeze %dma_start3A_136 : memref<1x128xi32, #tpu.memory_space<vmem>> -> memref<128xi32, #tpu.memory_space<vmem>>
      %dma_start3A_138 = arith.constant 0 : i32
      %dma_start3A_139 = tpu.memref_slice %arg9[%add3A_133, %dma_start3A_138] : memref<200x128xi32, #tpu.memory_space<vmem>> -> memref<1x128xi32, #tpu.memory_space<vmem>>
      %dma_start3A_140 = tpu.memref_squeeze %dma_start3A_139 : memref<1x128xi32, #tpu.memory_space<vmem>> -> memref<128xi32, #tpu.memory_space<vmem>>
      %dma_start3A_141 = arith.constant 0 : i32
      %dma_start3A_142 = tpu.memref_slice %arg18[%dma_start3A_141] : memref<51200xi32, #tpu.memory_space<vmem_shared>> -> memref<51200xi32, #tpu.memory_space<vmem_shared>>
      tpu.enqueue_indirect_dma source(%dma_start3A_142 : memref<51200xi32, #tpu.memory_space<vmem_shared>>) target(%dma_start3A_137 : memref<128xi32, #tpu.memory_space<vmem>>) offsets(%dma_start3A_140 : memref<128xi32, #tpu.memory_space<vmem>>) semaphore(%arg17 : memref<!tpu.dma_semaphore, #tpu.memory_space<semaphore_mem>>)
      %add3A_143 = arith.constant 2 : i32
      %add3A_144 = arith.addi %mul3A_121, %add3A_143 : i32
      %dma_start3A_145 = arith.constant 2 : i32
      %dma_start3A_146 = arith.constant 0 : i32
      %dma_start3A_147 = tpu.memref_slice %arg11[%dma_start3A_145, %dma_start3A_146] : memref<4x128xi32, #tpu.memory_space<vmem>> -> memref<1x128xi32, #tpu.memory_space<vmem>>
      %dma_start3A_148 = tpu.memref_squeeze %dma_start3A_147 : memref<1x128xi32, #tpu.memory_space<vmem>> -> memref<128xi32, #tpu.memory_space<vmem>>
      %dma_start3A_149 = arith.constant 0 : i32
      %dma_start3A_150 = tpu.memref_slice %arg9[%add3A_144, %dma_start3A_149] : memref<200x128xi32, #tpu.memory_space<vmem>> -> memref<1x128xi32, #tpu.memory_space<vmem>>
      %dma_start3A_151 = tpu.memref_squeeze %dma_start3A_150 : memref<1x128xi32, #tpu.memory_space<vmem>> -> memref<128xi32, #tpu.memory_space<vmem>>
      %dma_start3A_152 = arith.constant 0 : i32
      %dma_start3A_153 = tpu.memref_slice %arg18[%dma_start3A_152] : memref<51200xi32, #tpu.memory_space<vmem_shared>> -> memref<51200xi32, #tpu.memory_space<vmem_shared>>
      tpu.enqueue_indirect_dma source(%dma_start3A_153 : memref<51200xi32, #tpu.memory_space<vmem_shared>>) target(%dma_start3A_148 : memref<128xi32, #tpu.memory_space<vmem>>) offsets(%dma_start3A_151 : memref<128xi32, #tpu.memory_space<vmem>>) semaphore(%arg17 : memref<!tpu.dma_semaphore, #tpu.memory_space<semaphore_mem>>)
      %add3A_154 = arith.constant 3 : i32
      %add3A_155 = arith.addi %mul3A_121, %add3A_154 : i32
      %dma_start3A_156 = arith.constant 3 : i32
      %dma_start3A_157 = arith.constant 0 : i32
      %dma_start3A_158 = tpu.memref_slice %arg11[%dma_start3A_156, %dma_start3A_157] : memref<4x128xi32, #tpu.memory_space<vmem>> -> memref<1x128xi32, #tpu.memory_space<vmem>>
      %dma_start3A_159 = tpu.memref_squeeze %dma_start3A_158 : memref<1x128xi32, #tpu.memory_space<vmem>> -> memref<128xi32, #tpu.memory_space<vmem>>
      %dma_start3A_160 = arith.constant 0 : i32
      %dma_start3A_161 = tpu.memref_slice %arg9[%add3A_155, %dma_start3A_160] : memref<200x128xi32, #tpu.memory_space<vmem>> -> memref<1x128xi32, #tpu.memory_space<vmem>>
      %dma_start3A_162 = tpu.memref_squeeze %dma_start3A_161 : memref<1x128xi32, #tpu.memory_space<vmem>> -> memref<128xi32, #tpu.memory_space<vmem>>
      %dma_start3A_163 = arith.constant 0 : i32
      %dma_start3A_164 = tpu.memref_slice %arg18[%dma_start3A_163] : memref<51200xi32, #tpu.memory_space<vmem_shared>> -> memref<51200xi32, #tpu.memory_space<vmem_shared>>
      tpu.enqueue_indirect_dma source(%dma_start3A_164 : memref<51200xi32, #tpu.memory_space<vmem_shared>>) target(%dma_start3A_159 : memref<128xi32, #tpu.memory_space<vmem>>) offsets(%dma_start3A_162 : memref<128xi32, #tpu.memory_space<vmem>>) semaphore(%arg17 : memref<!tpu.dma_semaphore, #tpu.memory_space<semaphore_mem>>)
      %add3A_165 = arith.constant 0 : i32
      %add3A_166 = arith.addi %mul3A_121, %add3A_165 : i32
      %dma_start3A_167 = arith.constant 0 : i32
      %dma_start3A_168 = arith.constant 0 : i32
      %dma_start3A_169 = tpu.memref_slice %arg12[%dma_start3A_167, %dma_start3A_168] : memref<4x128xi32, #tpu.memory_space<vmem>> -> memref<1x128xi32, #tpu.memory_space<vmem>>
      %dma_start3A_170 = tpu.memref_squeeze %dma_start3A_169 : memref<1x128xi32, #tpu.memory_space<vmem>> -> memref<128xi32, #tpu.memory_space<vmem>>
      %dma_start3A_171 = arith.constant 0 : i32
      %dma_start3A_172 = tpu.memref_slice %arg10[%add3A_166, %dma_start3A_171] : memref<200x128xi32, #tpu.memory_space<vmem>> -> memref<1x128xi32, #tpu.memory_space<vmem>>
      %dma_start3A_173 = tpu.memref_squeeze %dma_start3A_172 : memref<1x128xi32, #tpu.memory_space<vmem>> -> memref<128xi32, #tpu.memory_space<vmem>>
      %dma_start3A_174 = arith.constant 0 : i32
      %dma_start3A_175 = tpu.memref_slice %arg18[%dma_start3A_174] : memref<51200xi32, #tpu.memory_space<vmem_shared>> -> memref<51200xi32, #tpu.memory_space<vmem_shared>>
      tpu.enqueue_indirect_dma source(%dma_start3A_175 : memref<51200xi32, #tpu.memory_space<vmem_shared>>) target(%dma_start3A_170 : memref<128xi32, #tpu.memory_space<vmem>>) offsets(%dma_start3A_173 : memref<128xi32, #tpu.memory_space<vmem>>) semaphore(%arg17 : memref<!tpu.dma_semaphore, #tpu.memory_space<semaphore_mem>>)
      %add3A_176 = arith.constant 1 : i32
      %add3A_177 = arith.addi %mul3A_121, %add3A_176 : i32
      %dma_start3A_178 = arith.constant 1 : i32
      %dma_start3A_179 = arith.constant 0 : i32
      %dma_start3A_180 = tpu.memref_slice %arg12[%dma_start3A_178, %dma_start3A_179] : memref<4x128xi32, #tpu.memory_space<vmem>> -> memref<1x128xi32, #tpu.memory_space<vmem>>
      %dma_start3A_181 = tpu.memref_squeeze %dma_start3A_180 : memref<1x128xi32, #tpu.memory_space<vmem>> -> memref<128xi32, #tpu.memory_space<vmem>>
      %dma_start3A_182 = arith.constant 0 : i32
      %dma_start3A_183 = tpu.memref_slice %arg10[%add3A_177, %dma_start3A_182] : memref<200x128xi32, #tpu.memory_space<vmem>> -> memref<1x128xi32, #tpu.memory_space<vmem>>
      %dma_start3A_184 = tpu.memref_squeeze %dma_start3A_183 : memref<1x128xi32, #tpu.memory_space<vmem>> -> memref<128xi32, #tpu.memory_space<vmem>>
      %dma_start3A_185 = arith.constant 0 : i32
      %dma_start3A_186 = tpu.memref_slice %arg18[%dma_start3A_185] : memref<51200xi32, #tpu.memory_space<vmem_shared>> -> memref<51200xi32, #tpu.memory_space<vmem_shared>>
      tpu.enqueue_indirect_dma source(%dma_start3A_186 : memref<51200xi32, #tpu.memory_space<vmem_shared>>) target(%dma_start3A_181 : memref<128xi32, #tpu.memory_space<vmem>>) offsets(%dma_start3A_184 : memref<128xi32, #tpu.memory_space<vmem>>) semaphore(%arg17 : memref<!tpu.dma_semaphore, #tpu.memory_space<semaphore_mem>>)
      %add3A_187 = arith.constant 2 : i32
      %add3A_188 = arith.addi %mul3A_121, %add3A_187 : i32
      %dma_start3A_189 = arith.constant 2 : i32
      %dma_start3A_190 = arith.constant 0 : i32
      %dma_start3A_191 = tpu.memref_slice %arg12[%dma_start3A_189, %dma_start3A_190] : memref<4x128xi32, #tpu.memory_space<vmem>> -> memref<1x128xi32, #tpu.memory_space<vmem>>
      %dma_start3A_192 = tpu.memref_squeeze %dma_start3A_191 : memref<1x128xi32, #tpu.memory_space<vmem>> -> memref<128xi32, #tpu.memory_space<vmem>>
      %dma_start3A_193 = arith.constant 0 : i32
      %dma_start3A_194 = tpu.memref_slice %arg10[%add3A_188, %dma_start3A_193] : memref<200x128xi32, #tpu.memory_space<vmem>> -> memref<1x128xi32, #tpu.memory_space<vmem>>
      %dma_start3A_195 = tpu.memref_squeeze %dma_start3A_194 : memref<1x128xi32, #tpu.memory_space<vmem>> -> memref<128xi32, #tpu.memory_space<vmem>>
      %dma_start3A_196 = arith.constant 0 : i32
      %dma_start3A_197 = tpu.memref_slice %arg18[%dma_start3A_196] : memref<51200xi32, #tpu.memory_space<vmem_shared>> -> memref<51200xi32, #tpu.memory_space<vmem_shared>>
      tpu.enqueue_indirect_dma source(%dma_start3A_197 : memref<51200xi32, #tpu.memory_space<vmem_shared>>) target(%dma_start3A_192 : memref<128xi32, #tpu.memory_space<vmem>>) offsets(%dma_start3A_195 : memref<128xi32, #tpu.memory_space<vmem>>) semaphore(%arg17 : memref<!tpu.dma_semaphore, #tpu.memory_space<semaphore_mem>>)
      %add3A_198 = arith.constant 3 : i32
      %add3A_199 = arith.addi %mul3A_121, %add3A_198 : i32
      %dma_start3A_200 = arith.constant 3 : i32
      %dma_start3A_201 = arith.constant 0 : i32
      %dma_start3A_202 = tpu.memref_slice %arg12[%dma_start3A_200, %dma_start3A_201] : memref<4x128xi32, #tpu.memory_space<vmem>> -> memref<1x128xi32, #tpu.memory_space<vmem>>
      %dma_start3A_203 = tpu.memref_squeeze %dma_start3A_202 : memref<1x128xi32, #tpu.memory_space<vmem>> -> memref<128xi32, #tpu.memory_space<vmem>>
      %dma_start3A_204 = arith.constant 0 : i32
      %dma_start3A_205 = tpu.memref_slice %arg10[%add3A_199, %dma_start3A_204] : memref<200x128xi32, #tpu.memory_space<vmem>> -> memref<1x128xi32, #tpu.memory_space<vmem>>
      %dma_start3A_206 = tpu.memref_squeeze %dma_start3A_205 : memref<1x128xi32, #tpu.memory_space<vmem>> -> memref<128xi32, #tpu.memory_space<vmem>>
      %dma_start3A_207 = arith.constant 0 : i32
      %dma_start3A_208 = tpu.memref_slice %arg18[%dma_start3A_207] : memref<51200xi32, #tpu.memory_space<vmem_shared>> -> memref<51200xi32, #tpu.memory_space<vmem_shared>>
      tpu.enqueue_indirect_dma source(%dma_start3A_208 : memref<51200xi32, #tpu.memory_space<vmem_shared>>) target(%dma_start3A_203 : memref<128xi32, #tpu.memory_space<vmem>>) offsets(%dma_start3A_206 : memref<128xi32, #tpu.memory_space<vmem>>) semaphore(%arg17 : memref<!tpu.dma_semaphore, #tpu.memory_space<semaphore_mem>>)
      %dma_wait3A = arith.constant 0 : i32
      %dma_wait3A_209 = arith.constant 0 : i32
      %dma_wait3A_210 = tpu.memref_slice %arg11[%dma_wait3A, %dma_wait3A_209] : memref<4x128xi32, #tpu.memory_space<vmem>> -> memref<1x128xi32, #tpu.memory_space<vmem>>
      %dma_wait3A_211 = tpu.memref_squeeze %dma_wait3A_210 : memref<1x128xi32, #tpu.memory_space<vmem>> -> memref<128xi32, #tpu.memory_space<vmem>>
      %dma_wait3A_212 = arith.constant 0 : i32
      %dma_wait3A_213 = tpu.memref_slice %arg9[%add3A_123, %dma_wait3A_212] : memref<200x128xi32, #tpu.memory_space<vmem>> -> memref<1x128xi32, #tpu.memory_space<vmem>>
      %dma_wait3A_214 = tpu.memref_squeeze %dma_wait3A_213 : memref<1x128xi32, #tpu.memory_space<vmem>> -> memref<128xi32, #tpu.memory_space<vmem>>
      %dma_wait3A_215 = arith.constant 0 : i32
      %dma_wait3A_216 = tpu.memref_slice %arg18[%dma_wait3A_215] : memref<51200xi32, #tpu.memory_space<vmem_shared>> -> memref<51200xi32, #tpu.memory_space<vmem_shared>>
      tpu.wait_indirect_dma semaphore(%arg17 : memref<!tpu.dma_semaphore, #tpu.memory_space<semaphore_mem>>) src(%dma_wait3A_216 : memref<51200xi32, #tpu.memory_space<vmem_shared>>) dst(%dma_wait3A_211 : memref<128xi32, #tpu.memory_space<vmem>>)
      %dma_wait3A_217 = arith.constant 1 : i32
      %dma_wait3A_218 = arith.constant 0 : i32
      %dma_wait3A_219 = tpu.memref_slice %arg11[%dma_wait3A_217, %dma_wait3A_218] : memref<4x128xi32, #tpu.memory_space<vmem>> -> memref<1x128xi32, #tpu.memory_space<vmem>>
      %dma_wait3A_220 = tpu.memref_squeeze %dma_wait3A_219 : memref<1x128xi32, #tpu.memory_space<vmem>> -> memref<128xi32, #tpu.memory_space<vmem>>
      %dma_wait3A_221 = arith.constant 0 : i32
      %dma_wait3A_222 = tpu.memref_slice %arg9[%add3A_133, %dma_wait3A_221] : memref<200x128xi32, #tpu.memory_space<vmem>> -> memref<1x128xi32, #tpu.memory_space<vmem>>
      %dma_wait3A_223 = tpu.memref_squeeze %dma_wait3A_222 : memref<1x128xi32, #tpu.memory_space<vmem>> -> memref<128xi32, #tpu.memory_space<vmem>>
      %dma_wait3A_224 = arith.constant 0 : i32
      %dma_wait3A_225 = tpu.memref_slice %arg18[%dma_wait3A_224] : memref<51200xi32, #tpu.memory_space<vmem_shared>> -> memref<51200xi32, #tpu.memory_space<vmem_shared>>
      tpu.wait_indirect_dma semaphore(%arg17 : memref<!tpu.dma_semaphore, #tpu.memory_space<semaphore_mem>>) src(%dma_wait3A_225 : memref<51200xi32, #tpu.memory_space<vmem_shared>>) dst(%dma_wait3A_220 : memref<128xi32, #tpu.memory_space<vmem>>)
      %dma_wait3A_226 = arith.constant 2 : i32
      %dma_wait3A_227 = arith.constant 0 : i32
      %dma_wait3A_228 = tpu.memref_slice %arg11[%dma_wait3A_226, %dma_wait3A_227] : memref<4x128xi32, #tpu.memory_space<vmem>> -> memref<1x128xi32, #tpu.memory_space<vmem>>
      %dma_wait3A_229 = tpu.memref_squeeze %dma_wait3A_228 : memref<1x128xi32, #tpu.memory_space<vmem>> -> memref<128xi32, #tpu.memory_space<vmem>>
      %dma_wait3A_230 = arith.constant 0 : i32
      %dma_wait3A_231 = tpu.memref_slice %arg9[%add3A_144, %dma_wait3A_230] : memref<200x128xi32, #tpu.memory_space<vmem>> -> memref<1x128xi32, #tpu.memory_space<vmem>>
      %dma_wait3A_232 = tpu.memref_squeeze %dma_wait3A_231 : memref<1x128xi32, #tpu.memory_space<vmem>> -> memref<128xi32, #tpu.memory_space<vmem>>
      %dma_wait3A_233 = arith.constant 0 : i32
      %dma_wait3A_234 = tpu.memref_slice %arg18[%dma_wait3A_233] : memref<51200xi32, #tpu.memory_space<vmem_shared>> -> memref<51200xi32, #tpu.memory_space<vmem_shared>>
      tpu.wait_indirect_dma semaphore(%arg17 : memref<!tpu.dma_semaphore, #tpu.memory_space<semaphore_mem>>) src(%dma_wait3A_234 : memref<51200xi32, #tpu.memory_space<vmem_shared>>) dst(%dma_wait3A_229 : memref<128xi32, #tpu.memory_space<vmem>>)
      %dma_wait3A_235 = arith.constant 3 : i32
      %dma_wait3A_236 = arith.constant 0 : i32
      %dma_wait3A_237 = tpu.memref_slice %arg11[%dma_wait3A_235, %dma_wait3A_236] : memref<4x128xi32, #tpu.memory_space<vmem>> -> memref<1x128xi32, #tpu.memory_space<vmem>>
      %dma_wait3A_238 = tpu.memref_squeeze %dma_wait3A_237 : memref<1x128xi32, #tpu.memory_space<vmem>> -> memref<128xi32, #tpu.memory_space<vmem>>
      %dma_wait3A_239 = arith.constant 0 : i32
      %dma_wait3A_240 = tpu.memref_slice %arg9[%add3A_155, %dma_wait3A_239] : memref<200x128xi32, #tpu.memory_space<vmem>> -> memref<1x128xi32, #tpu.memory_space<vmem>>
      %dma_wait3A_241 = tpu.memref_squeeze %dma_wait3A_240 : memref<1x128xi32, #tpu.memory_space<vmem>> -> memref<128xi32, #tpu.memory_space<vmem>>
      %dma_wait3A_242 = arith.constant 0 : i32
      %dma_wait3A_243 = tpu.memref_slice %arg18[%dma_wait3A_242] : memref<51200xi32, #tpu.memory_space<vmem_shared>> -> memref<51200xi32, #tpu.memory_space<vmem_shared>>
      tpu.wait_indirect_dma semaphore(%arg17 : memref<!tpu.dma_semaphore, #tpu.memory_space<semaphore_mem>>) src(%dma_wait3A_243 : memref<51200xi32, #tpu.memory_space<vmem_shared>>) dst(%dma_wait3A_238 : memref<128xi32, #tpu.memory_space<vmem>>)
      %dma_wait3A_244 = arith.constant 0 : i32
      %dma_wait3A_245 = arith.constant 0 : i32
      %dma_wait3A_246 = tpu.memref_slice %arg12[%dma_wait3A_244, %dma_wait3A_245] : memref<4x128xi32, #tpu.memory_space<vmem>> -> memref<1x128xi32, #tpu.memory_space<vmem>>
      %dma_wait3A_247 = tpu.memref_squeeze %dma_wait3A_246 : memref<1x128xi32, #tpu.memory_space<vmem>> -> memref<128xi32, #tpu.memory_space<vmem>>
      %dma_wait3A_248 = arith.constant 0 : i32
      %dma_wait3A_249 = tpu.memref_slice %arg10[%add3A_166, %dma_wait3A_248] : memref<200x128xi32, #tpu.memory_space<vmem>> -> memref<1x128xi32, #tpu.memory_space<vmem>>
      %dma_wait3A_250 = tpu.memref_squeeze %dma_wait3A_249 : memref<1x128xi32, #tpu.memory_space<vmem>> -> memref<128xi32, #tpu.memory_space<vmem>>
      %dma_wait3A_251 = arith.constant 0 : i32
      %dma_wait3A_252 = tpu.memref_slice %arg18[%dma_wait3A_251] : memref<51200xi32, #tpu.memory_space<vmem_shared>> -> memref<51200xi32, #tpu.memory_space<vmem_shared>>
      tpu.wait_indirect_dma semaphore(%arg17 : memref<!tpu.dma_semaphore, #tpu.memory_space<semaphore_mem>>) src(%dma_wait3A_252 : memref<51200xi32, #tpu.memory_space<vmem_shared>>) dst(%dma_wait3A_247 : memref<128xi32, #tpu.memory_space<vmem>>)
      %dma_wait3A_253 = arith.constant 1 : i32
      %dma_wait3A_254 = arith.constant 0 : i32
      %dma_wait3A_255 = tpu.memref_slice %arg12[%dma_wait3A_253, %dma_wait3A_254] : memref<4x128xi32, #tpu.memory_space<vmem>> -> memref<1x128xi32, #tpu.memory_space<vmem>>
      %dma_wait3A_256 = tpu.memref_squeeze %dma_wait3A_255 : memref<1x128xi32, #tpu.memory_space<vmem>> -> memref<128xi32, #tpu.memory_space<vmem>>
      %dma_wait3A_257 = arith.constant 0 : i32
      %dma_wait3A_258 = tpu.memref_slice %arg10[%add3A_177, %dma_wait3A_257] : memref<200x128xi32, #tpu.memory_space<vmem>> -> memref<1x128xi32, #tpu.memory_space<vmem>>
      %dma_wait3A_259 = tpu.memref_squeeze %dma_wait3A_258 : memref<1x128xi32, #tpu.memory_space<vmem>> -> memref<128xi32, #tpu.memory_space<vmem>>
      %dma_wait3A_260 = arith.constant 0 : i32
      %dma_wait3A_261 = tpu.memref_slice %arg18[%dma_wait3A_260] : memref<51200xi32, #tpu.memory_space<vmem_shared>> -> memref<51200xi32, #tpu.memory_space<vmem_shared>>
      tpu.wait_indirect_dma semaphore(%arg17 : memref<!tpu.dma_semaphore, #tpu.memory_space<semaphore_mem>>) src(%dma_wait3A_261 : memref<51200xi32, #tpu.memory_space<vmem_shared>>) dst(%dma_wait3A_256 : memref<128xi32, #tpu.memory_space<vmem>>)
      %dma_wait3A_262 = arith.constant 2 : i32
      %dma_wait3A_263 = arith.constant 0 : i32
      %dma_wait3A_264 = tpu.memref_slice %arg12[%dma_wait3A_262, %dma_wait3A_263] : memref<4x128xi32, #tpu.memory_space<vmem>> -> memref<1x128xi32, #tpu.memory_space<vmem>>
      %dma_wait3A_265 = tpu.memref_squeeze %dma_wait3A_264 : memref<1x128xi32, #tpu.memory_space<vmem>> -> memref<128xi32, #tpu.memory_space<vmem>>
      %dma_wait3A_266 = arith.constant 0 : i32
      %dma_wait3A_267 = tpu.memref_slice %arg10[%add3A_188, %dma_wait3A_266] : memref<200x128xi32, #tpu.memory_space<vmem>> -> memref<1x128xi32, #tpu.memory_space<vmem>>
      %dma_wait3A_268 = tpu.memref_squeeze %dma_wait3A_267 : memref<1x128xi32, #tpu.memory_space<vmem>> -> memref<128xi32, #tpu.memory_space<vmem>>
      %dma_wait3A_269 = arith.constant 0 : i32
      %dma_wait3A_270 = tpu.memref_slice %arg18[%dma_wait3A_269] : memref<51200xi32, #tpu.memory_space<vmem_shared>> -> memref<51200xi32, #tpu.memory_space<vmem_shared>>
      tpu.wait_indirect_dma semaphore(%arg17 : memref<!tpu.dma_semaphore, #tpu.memory_space<semaphore_mem>>) src(%dma_wait3A_270 : memref<51200xi32, #tpu.memory_space<vmem_shared>>) dst(%dma_wait3A_265 : memref<128xi32, #tpu.memory_space<vmem>>)
      %dma_wait3A_271 = arith.constant 3 : i32
      %dma_wait3A_272 = arith.constant 0 : i32
      %dma_wait3A_273 = tpu.memref_slice %arg12[%dma_wait3A_271, %dma_wait3A_272] : memref<4x128xi32, #tpu.memory_space<vmem>> -> memref<1x128xi32, #tpu.memory_space<vmem>>
      %dma_wait3A_274 = tpu.memref_squeeze %dma_wait3A_273 : memref<1x128xi32, #tpu.memory_space<vmem>> -> memref<128xi32, #tpu.memory_space<vmem>>
      %dma_wait3A_275 = arith.constant 0 : i32
      %dma_wait3A_276 = tpu.memref_slice %arg10[%add3A_199, %dma_wait3A_275] : memref<200x128xi32, #tpu.memory_space<vmem>> -> memref<1x128xi32, #tpu.memory_space<vmem>>
      %dma_wait3A_277 = tpu.memref_squeeze %dma_wait3A_276 : memref<1x128xi32, #tpu.memory_space<vmem>> -> memref<128xi32, #tpu.memory_space<vmem>>
      %dma_wait3A_278 = arith.constant 0 : i32
      %dma_wait3A_279 = tpu.memref_slice %arg18[%dma_wait3A_278] : memref<51200xi32, #tpu.memory_space<vmem_shared>> -> memref<51200xi32, #tpu.memory_space<vmem_shared>>
      tpu.wait_indirect_dma semaphore(%arg17 : memref<!tpu.dma_semaphore, #tpu.memory_space<semaphore_mem>>) src(%dma_wait3A_279 : memref<51200xi32, #tpu.memory_space<vmem_shared>>) dst(%dma_wait3A_274 : memref<128xi32, #tpu.memory_space<vmem>>)
      %get3A = arith.constant 0 : i32
      %get3A_280 = arith.index_cast %get3A : i32 to index
      %get3A_281 = arith.constant 0 : index
      %get3A_282 = tpu.vector_load %arg11[%get3A_280, %get3A_281] {strides = array<i32>} : memref<4x128xi32, #tpu.memory_space<vmem>>, vector<16xi32>,
      %get3A_283 = arith.constant 0 : i32
      %get3A_284 = arith.index_cast %get3A_283 : i32 to index
      %get3A_285 = arith.constant 0 : index
      %get3A_286 = tpu.vector_load %arg12[%get3A_284, %get3A_285] {strides = array<i32>} : memref<4x128xi32, #tpu.memory_space<vmem>>, vector<16xi32>,
      %ge3A = arith.constant 0 : i32
      %ge3A_287 = vector.broadcast %ge3A : i32 to vector<16xi32>
      %ge3A_288 = arith.cmpi sge, %get3A_282, %ge3A_287 : vector<16xi32>
      %ge3A_289 = arith.constant 0 : i32
      %ge3A_290 = vector.broadcast %ge3A_289 : i32 to vector<16xi32>
      %ge3A_291 = arith.cmpi sge, %get3A_286, %ge3A_290 : vector<16xi32>
      %and3A_292 = arith.andi %ge3A_288, %ge3A_291 : vector<16xi1>
      %convert_element_type3A = arith.extui %and3A_292 : vector<16xi1> to vector<16xi32>
      %broadcast_in_dim3A_293 = arith.constant true
      %broadcast_in_dim3A_294 = vector.broadcast %broadcast_in_dim3A_293 : i1 to vector<16xi1>
      %masked_cumsum3A = tpu.scan <sum>, %convert_element_type3A masked %broadcast_in_dim3A_294 : vector<16xi32>, vector<16xi1> -> vector<16xi32>
      %add3A_295 = vector.broadcast %scan3A_119 : i32 to vector<16xi32>
      %add3A_296 = arith.addi %add3A_295, %masked_cumsum3A : vector<16xi32>
      %sub3A_297 = arith.subi %add3A_296, %convert_element_type3A : vector<16xi32>
      tpu.vector_store_idx %arg13[%sub3A_297], %get3A_282 masked %and3A_292 : memref<25984xi32, #tpu.memory_space<vmem>>[vector<16xi32>], vector<16xi32>, vector<16xi1>
      tpu.vector_store_idx %arg14[%sub3A_297], %get3A_286 masked %and3A_292 : memref<25984xi32, #tpu.memory_space<vmem>>[vector<16xi32>], vector<16xi32>, vector<16xi1>
      tpu.vector_store_idx %arg15[%get3A_286], %broadcast_in_dim3A_3 masked %and3A_292 {add = true} : memref<8192xf32, #tpu.memory_space<vmem>>[vector<16xi32>], vector<16xf32>, vector<16xi1>
      %reduce_sum3A = arith.constant true
      %reduce_sum3A_298 = vector.broadcast %reduce_sum3A : i1 to vector<16xi1>
      %reduce_sum3A_299 = tpu.scan <sum>, %convert_element_type3A masked %reduce_sum3A_298 : vector<16xi32>, vector<16xi1> -> vector<16xi32>
      %reduce_sum3A_300 = vector.extract %reduce_sum3A_299[15] : i32 from vector<16xi32>
      %add3A_301 = arith.addi %scan3A_119, %reduce_sum3A_300 : i32
      %get3A_302 = arith.constant 0 : i32
      %get3A_303 = arith.index_cast %get3A_302 : i32 to index
      %get3A_304 = arith.constant 16 : index
      %get3A_305 = tpu.vector_load %arg11[%get3A_303, %get3A_304] {strides = array<i32>} : memref<4x128xi32, #tpu.memory_space<vmem>>, vector<16xi32>,
      %get3A_306 = arith.constant 0 : i32
      %get3A_307 = arith.index_cast %get3A_306 : i32 to index
      %get3A_308 = arith.constant 16 : index
      %get3A_309 = tpu.vector_load %arg12[%get3A_307, %get3A_308] {strides = array<i32>} : memref<4x128xi32, #tpu.memory_space<vmem>>, vector<16xi32>,
      %ge3A_310 = arith.constant 0 : i32
      %ge3A_311 = vector.broadcast %ge3A_310 : i32 to vector<16xi32>
      %ge3A_312 = arith.cmpi sge, %get3A_305, %ge3A_311 : vector<16xi32>
      %ge3A_313 = arith.constant 0 : i32
      %ge3A_314 = vector.broadcast %ge3A_313 : i32 to vector<16xi32>
      %ge3A_315 = arith.cmpi sge, %get3A_309, %ge3A_314 : vector<16xi32>
      %and3A_316 = arith.andi %ge3A_312, %ge3A_315 : vector<16xi1>
      %convert_element_type3A_317 = arith.extui %and3A_316 : vector<16xi1> to vector<16xi32>
      %broadcast_in_dim3A_318 = arith.constant true
      %broadcast_in_dim3A_319 = vector.broadcast %broadcast_in_dim3A_318 : i1 to vector<16xi1>
      %masked_cumsum3A_320 = tpu.scan <sum>, %convert_element_type3A_317 masked %broadcast_in_dim3A_319 : vector<16xi32>, vector<16xi1> -> vector<16xi32>
      %add3A_321 = vector.broadcast %add3A_301 : i32 to vector<16xi32>
      %add3A_322 = arith.addi %add3A_321, %masked_cumsum3A_320 : vector<16xi32>
      %sub3A_323 = arith.subi %add3A_322, %convert_element_type3A_317 : vector<16xi32>
      tpu.vector_store_idx %arg13[%sub3A_323], %get3A_305 masked %and3A_316 : memref<25984xi32, #tpu.memory_space<vmem>>[vector<16xi32>], vector<16xi32>, vector<16xi1>
      tpu.vector_store_idx %arg14[%sub3A_323], %get3A_309 masked %and3A_316 : memref<25984xi32, #tpu.memory_space<vmem>>[vector<16xi32>], vector<16xi32>, vector<16xi1>
      tpu.vector_store_idx %arg15[%get3A_309], %broadcast_in_dim3A_3 masked %and3A_316 {add = true} : memref<8192xf32, #tpu.memory_space<vmem>>[vector<16xi32>], vector<16xf32>, vector<16xi1>
      %reduce_sum3A_324 = arith.constant true
      %reduce_sum3A_325 = vector.broadcast %reduce_sum3A_324 : i1 to vector<16xi1>
      %reduce_sum3A_326 = tpu.scan <sum>, %convert_element_type3A_317 masked %reduce_sum3A_325 : vector<16xi32>, vector<16xi1> -> vector<16xi32>
      %reduce_sum3A_327 = vector.extract %reduce_sum3A_326[15] : i32 from vector<16xi32>
      %add3A_328 = arith.addi %add3A_301, %reduce_sum3A_327 : i32
      %get3A_329 = arith.constant 0 : i32
      %get3A_330 = arith.index_cast %get3A_329 : i32 to index
      %get3A_331 = arith.constant 32 : index
      %get3A_332 = tpu.vector_load %arg11[%get3A_330, %get3A_331] {strides = array<i32>} : memref<4x128xi32, #tpu.memory_space<vmem>>, vector<16xi32>,
      %get3A_333 = arith.constant 0 : i32
      %get3A_334 = arith.index_cast %get3A_333 : i32 to index
      %get3A_335 = arith.constant 32 : index
      %get3A_336 = tpu.vector_load %arg12[%get3A_334, %get3A_335] {strides = array<i32>} : memref<4x128xi32, #tpu.memory_space<vmem>>, vector<16xi32>,
      %ge3A_337 = arith.constant 0 : i32
      %ge3A_338 = vector.broadcast %ge3A_337 : i32 to vector<16xi32>
      %ge3A_339 = arith.cmpi sge, %get3A_332, %ge3A_338 : vector<16xi32>
      %ge3A_340 = arith.constant 0 : i32
      %ge3A_341 = vector.broadcast %ge3A_340 : i32 to vector<16xi32>
      %ge3A_342 = arith.cmpi sge, %get3A_336, %ge3A_341 : vector<16xi32>
      %and3A_343 = arith.andi %ge3A_339, %ge3A_342 : vector<16xi1>
      %convert_element_type3A_344 = arith.extui %and3A_343 : vector<16xi1> to vector<16xi32>
      %broadcast_in_dim3A_345 = arith.constant true
      %broadcast_in_dim3A_346 = vector.broadcast %broadcast_in_dim3A_345 : i1 to vector<16xi1>
      %masked_cumsum3A_347 = tpu.scan <sum>, %convert_element_type3A_344 masked %broadcast_in_dim3A_346 : vector<16xi32>, vector<16xi1> -> vector<16xi32>
      %add3A_348 = vector.broadcast %add3A_328 : i32 to vector<16xi32>
      %add3A_349 = arith.addi %add3A_348, %masked_cumsum3A_347 : vector<16xi32>
      %sub3A_350 = arith.subi %add3A_349, %convert_element_type3A_344 : vector<16xi32>
      tpu.vector_store_idx %arg13[%sub3A_350], %get3A_332 masked %and3A_343 : memref<25984xi32, #tpu.memory_space<vmem>>[vector<16xi32>], vector<16xi32>, vector<16xi1>
      tpu.vector_store_idx %arg14[%sub3A_350], %get3A_336 masked %and3A_343 : memref<25984xi32, #tpu.memory_space<vmem>>[vector<16xi32>], vector<16xi32>, vector<16xi1>
      tpu.vector_store_idx %arg15[%get3A_336], %broadcast_in_dim3A_3 masked %and3A_343 {add = true} : memref<8192xf32, #tpu.memory_space<vmem>>[vector<16xi32>], vector<16xf32>, vector<16xi1>
      %reduce_sum3A_351 = arith.constant true
      %reduce_sum3A_352 = vector.broadcast %reduce_sum3A_351 : i1 to vector<16xi1>
      %reduce_sum3A_353 = tpu.scan <sum>, %convert_element_type3A_344 masked %reduce_sum3A_352 : vector<16xi32>, vector<16xi1> -> vector<16xi32>
      %reduce_sum3A_354 = vector.extract %reduce_sum3A_353[15] : i32 from vector<16xi32>
      %add3A_355 = arith.addi %add3A_328, %reduce_sum3A_354 : i32
      %get3A_356 = arith.constant 0 : i32
      %get3A_357 = arith.index_cast %get3A_356 : i32 to index
      %get3A_358 = arith.constant 48 : index
      %get3A_359 = tpu.vector_load %arg11[%get3A_357, %get3A_358] {strides = array<i32>} : memref<4x128xi32, #tpu.memory_space<vmem>>, vector<16xi32>,
      %get3A_360 = arith.constant 0 : i32
      %get3A_361 = arith.index_cast %get3A_360 : i32 to index
      %get3A_362 = arith.constant 48 : index
      %get3A_363 = tpu.vector_load %arg12[%get3A_361, %get3A_362] {strides = array<i32>} : memref<4x128xi32, #tpu.memory_space<vmem>>, vector<16xi32>,
      %ge3A_364 = arith.constant 0 : i32
      %ge3A_365 = vector.broadcast %ge3A_364 : i32 to vector<16xi32>
      %ge3A_366 = arith.cmpi sge, %get3A_359, %ge3A_365 : vector<16xi32>
      %ge3A_367 = arith.constant 0 : i32
      %ge3A_368 = vector.broadcast %ge3A_367 : i32 to vector<16xi32>
      %ge3A_369 = arith.cmpi sge, %get3A_363, %ge3A_368 : vector<16xi32>
      %and3A_370 = arith.andi %ge3A_366, %ge3A_369 : vector<16xi1>
      %convert_element_type3A_371 = arith.extui %and3A_370 : vector<16xi1> to vector<16xi32>
      %broadcast_in_dim3A_372 = arith.constant true
      %broadcast_in_dim3A_373 = vector.broadcast %broadcast_in_dim3A_372 : i1 to vector<16xi1>
      %masked_cumsum3A_374 = tpu.scan <sum>, %convert_element_type3A_371 masked %broadcast_in_dim3A_373 : vector<16xi32>, vector<16xi1> -> vector<16xi32>
      %add3A_375 = vector.broadcast %add3A_355 : i32 to vector<16xi32>
      %add3A_376 = arith.addi %add3A_375, %masked_cumsum3A_374 : vector<16xi32>
      %sub3A_377 = arith.subi %add3A_376, %convert_element_type3A_371 : vector<16xi32>
      tpu.vector_store_idx %arg13[%sub3A_377], %get3A_359 masked %and3A_370 : memref<25984xi32, #tpu.memory_space<vmem>>[vector<16xi32>], vector<16xi32>, vector<16xi1>
      tpu.vector_store_idx %arg14[%sub3A_377], %get3A_363 masked %and3A_370 : memref<25984xi32, #tpu.memory_space<vmem>>[vector<16xi32>], vector<16xi32>, vector<16xi1>
      tpu.vector_store_idx %arg15[%get3A_363], %broadcast_in_dim3A_3 masked %and3A_370 {add = true} : memref<8192xf32, #tpu.memory_space<vmem>>[vector<16xi32>], vector<16xf32>, vector<16xi1>
      %reduce_sum3A_378 = arith.constant true
      %reduce_sum3A_379 = vector.broadcast %reduce_sum3A_378 : i1 to vector<16xi1>
      %reduce_sum3A_380 = tpu.scan <sum>, %convert_element_type3A_371 masked %reduce_sum3A_379 : vector<16xi32>, vector<16xi1> -> vector<16xi32>
      %reduce_sum3A_381 = vector.extract %reduce_sum3A_380[15] : i32 from vector<16xi32>
      %add3A_382 = arith.addi %add3A_355, %reduce_sum3A_381 : i32
      %get3A_383 = arith.constant 0 : i32
      %get3A_384 = arith.index_cast %get3A_383 : i32 to index
      %get3A_385 = arith.constant 64 : index
      %get3A_386 = tpu.vector_load %arg11[%get3A_384, %get3A_385] {strides = array<i32>} : memref<4x128xi32, #tpu.memory_space<vmem>>, vector<16xi32>,
      %get3A_387 = arith.constant 0 : i32
      %get3A_388 = arith.index_cast %get3A_387 : i32 to index
      %get3A_389 = arith.constant 64 : index
      %get3A_390 = tpu.vector_load %arg12[%get3A_388, %get3A_389] {strides = array<i32>} : memref<4x128xi32, #tpu.memory_space<vmem>>, vector<16xi32>,
      %ge3A_391 = arith.constant 0 : i32
      %ge3A_392 = vector.broadcast %ge3A_391 : i32 to vector<16xi32>
      %ge3A_393 = arith.cmpi sge, %get3A_386, %ge3A_392 : vector<16xi32>
      %ge3A_394 = arith.constant 0 : i32
      %ge3A_395 = vector.broadcast %ge3A_394 : i32 to vector<16xi32>
      %ge3A_396 = arith.cmpi sge, %get3A_390, %ge3A_395 : vector<16xi32>
      %and3A_397 = arith.andi %ge3A_393, %ge3A_396 : vector<16xi1>
      %convert_element_type3A_398 = arith.extui %and3A_397 : vector<16xi1> to vector<16xi32>
      %broadcast_in_dim3A_399 = arith.constant true
      %broadcast_in_dim3A_400 = vector.broadcast %broadcast_in_dim3A_399 : i1 to vector<16xi1>
      %masked_cumsum3A_401 = tpu.scan <sum>, %convert_element_type3A_398 masked %broadcast_in_dim3A_400 : vector<16xi32>, vector<16xi1> -> vector<16xi32>
      %add3A_402 = vector.broadcast %add3A_382 : i32 to vector<16xi32>
      %add3A_403 = arith.addi %add3A_402, %masked_cumsum3A_401 : vector<16xi32>
      %sub3A_404 = arith.subi %add3A_403, %convert_element_type3A_398 : vector<16xi32>
      tpu.vector_store_idx %arg13[%sub3A_404], %get3A_386 masked %and3A_397 : memref<25984xi32, #tpu.memory_space<vmem>>[vector<16xi32>], vector<16xi32>, vector<16xi1>
      tpu.vector_store_idx %arg14[%sub3A_404], %get3A_390 masked %and3A_397 : memref<25984xi32, #tpu.memory_space<vmem>>[vector<16xi32>], vector<16xi32>, vector<16xi1>
      tpu.vector_store_idx %arg15[%get3A_390], %broadcast_in_dim3A_3 masked %and3A_397 {add = true} : memref<8192xf32, #tpu.memory_space<vmem>>[vector<16xi32>], vector<16xf32>, vector<16xi1>
      %reduce_sum3A_405 = arith.constant true
      %reduce_sum3A_406 = vector.broadcast %reduce_sum3A_405 : i1 to vector<16xi1>
      %reduce_sum3A_407 = tpu.scan <sum>, %convert_element_type3A_398 masked %reduce_sum3A_406 : vector<16xi32>, vector<16xi1> -> vector<16xi32>
      %reduce_sum3A_408 = vector.extract %reduce_sum3A_407[15] : i32 from vector<16xi32>
      %add3A_409 = arith.addi %add3A_382, %reduce_sum3A_408 : i32
      %get3A_410 = arith.constant 0 : i32
      %get3A_411 = arith.index_cast %get3A_410 : i32 to index
      %get3A_412 = arith.constant 80 : index
      %get3A_413 = tpu.vector_load %arg11[%get3A_411, %get3A_412] {strides = array<i32>} : memref<4x128xi32, #tpu.memory_space<vmem>>, vector<16xi32>,
      %get3A_414 = arith.constant 0 : i32
      %get3A_415 = arith.index_cast %get3A_414 : i32 to index
      %get3A_416 = arith.constant 80 : index
      %get3A_417 = tpu.vector_load %arg12[%get3A_415, %get3A_416] {strides = array<i32>} : memref<4x128xi32, #tpu.memory_space<vmem>>, vector<16xi32>,
      %ge3A_418 = arith.constant 0 : i32
      %ge3A_419 = vector.broadcast %ge3A_418 : i32 to vector<16xi32>
      %ge3A_420 = arith.cmpi sge, %get3A_413, %ge3A_419 : vector<16xi32>
      %ge3A_421 = arith.constant 0 : i32
      %ge3A_422 = vector.broadcast %ge3A_421 : i32 to vector<16xi32>
      %ge3A_423 = arith.cmpi sge, %get3A_417, %ge3A_422 : vector<16xi32>
      %and3A_424 = arith.andi %ge3A_420, %ge3A_423 : vector<16xi1>
      %convert_element_type3A_425 = arith.extui %and3A_424 : vector<16xi1> to vector<16xi32>
      %broadcast_in_dim3A_426 = arith.constant true
      %broadcast_in_dim3A_427 = vector.broadcast %broadcast_in_dim3A_426 : i1 to vector<16xi1>
      %masked_cumsum3A_428 = tpu.scan <sum>, %convert_element_type3A_425 masked %broadcast_in_dim3A_427 : vector<16xi32>, vector<16xi1> -> vector<16xi32>
      %add3A_429 = vector.broadcast %add3A_409 : i32 to vector<16xi32>
      %add3A_430 = arith.addi %add3A_429, %masked_cumsum3A_428 : vector<16xi32>
      %sub3A_431 = arith.subi %add3A_430, %convert_element_type3A_425 : vector<16xi32>
      tpu.vector_store_idx %arg13[%sub3A_431], %get3A_413 masked %and3A_424 : memref<25984xi32, #tpu.memory_space<vmem>>[vector<16xi32>], vector<16xi32>, vector<16xi1>
      tpu.vector_store_idx %arg14[%sub3A_431], %get3A_417 masked %and3A_424 : memref<25984xi32, #tpu.memory_space<vmem>>[vector<16xi32>], vector<16xi32>, vector<16xi1>
      tpu.vector_store_idx %arg15[%get3A_417], %broadcast_in_dim3A_3 masked %and3A_424 {add = true} : memref<8192xf32, #tpu.memory_space<vmem>>[vector<16xi32>], vector<16xf32>, vector<16xi1>
      %reduce_sum3A_432 = arith.constant true
      %reduce_sum3A_433 = vector.broadcast %reduce_sum3A_432 : i1 to vector<16xi1>
      %reduce_sum3A_434 = tpu.scan <sum>, %convert_element_type3A_425 masked %reduce_sum3A_433 : vector<16xi32>, vector<16xi1> -> vector<16xi32>
      %reduce_sum3A_435 = vector.extract %reduce_sum3A_434[15] : i32 from vector<16xi32>
      %add3A_436 = arith.addi %add3A_409, %reduce_sum3A_435 : i32
      %get3A_437 = arith.constant 0 : i32
      %get3A_438 = arith.index_cast %get3A_437 : i32 to index
      %get3A_439 = arith.constant 96 : index
      %get3A_440 = tpu.vector_load %arg11[%get3A_438, %get3A_439] {strides = array<i32>} : memref<4x128xi32, #tpu.memory_space<vmem>>, vector<16xi32>,
      %get3A_441 = arith.constant 0 : i32
      %get3A_442 = arith.index_cast %get3A_441 : i32 to index
      %get3A_443 = arith.constant 96 : index
      %get3A_444 = tpu.vector_load %arg12[%get3A_442, %get3A_443] {strides = array<i32>} : memref<4x128xi32, #tpu.memory_space<vmem>>, vector<16xi32>,
      %ge3A_445 = arith.constant 0 : i32
      %ge3A_446 = vector.broadcast %ge3A_445 : i32 to vector<16xi32>
      %ge3A_447 = arith.cmpi sge, %get3A_440, %ge3A_446 : vector<16xi32>
      %ge3A_448 = arith.constant 0 : i32
      %ge3A_449 = vector.broadcast %ge3A_448 : i32 to vector<16xi32>
      %ge3A_450 = arith.cmpi sge, %get3A_444, %ge3A_449 : vector<16xi32>
      %and3A_451 = arith.andi %ge3A_447, %ge3A_450 : vector<16xi1>
      %convert_element_type3A_452 = arith.extui %and3A_451 : vector<16xi1> to vector<16xi32>
      %broadcast_in_dim3A_453 = arith.constant true
      %broadcast_in_dim3A_454 = vector.broadcast %broadcast_in_dim3A_453 : i1 to vector<16xi1>
      %masked_cumsum3A_455 = tpu.scan <sum>, %convert_element_type3A_452 masked %broadcast_in_dim3A_454 : vector<16xi32>, vector<16xi1> -> vector<16xi32>
      %add3A_456 = vector.broadcast %add3A_436 : i32 to vector<16xi32>
      %add3A_457 = arith.addi %add3A_456, %masked_cumsum3A_455 : vector<16xi32>
      %sub3A_458 = arith.subi %add3A_457, %convert_element_type3A_452 : vector<16xi32>
      tpu.vector_store_idx %arg13[%sub3A_458], %get3A_440 masked %and3A_451 : memref<25984xi32, #tpu.memory_space<vmem>>[vector<16xi32>], vector<16xi32>, vector<16xi1>
      tpu.vector_store_idx %arg14[%sub3A_458], %get3A_444 masked %and3A_451 : memref<25984xi32, #tpu.memory_space<vmem>>[vector<16xi32>], vector<16xi32>, vector<16xi1>
      tpu.vector_store_idx %arg15[%get3A_444], %broadcast_in_dim3A_3 masked %and3A_451 {add = true} : memref<8192xf32, #tpu.memory_space<vmem>>[vector<16xi32>], vector<16xf32>, vector<16xi1>
      %reduce_sum3A_459 = arith.constant true
      %reduce_sum3A_460 = vector.broadcast %reduce_sum3A_459 : i1 to vector<16xi1>
      %reduce_sum3A_461 = tpu.scan <sum>, %convert_element_type3A_452 masked %reduce_sum3A_460 : vector<16xi32>, vector<16xi1> -> vector<16xi32>
      %reduce_sum3A_462 = vector.extract %reduce_sum3A_461[15] : i32 from vector<16xi32>
      %add3A_463 = arith.addi %add3A_436, %reduce_sum3A_462 : i32
      %get3A_464 = arith.constant 0 : i32
      %get3A_465 = arith.index_cast %get3A_464 : i32 to index
      %get3A_466 = arith.constant 112 : index
      %get3A_467 = tpu.vector_load %arg11[%get3A_465, %get3A_466] {strides = array<i32>} : memref<4x128xi32, #tpu.memory_space<vmem>>, vector<16xi32>,
      %get3A_468 = arith.constant 0 : i32
      %get3A_469 = arith.index_cast %get3A_468 : i32 to index
      %get3A_470 = arith.constant 112 : index
      %get3A_471 = tpu.vector_load %arg12[%get3A_469, %get3A_470] {strides = array<i32>} : memref<4x128xi32, #tpu.memory_space<vmem>>, vector<16xi32>,
      %ge3A_472 = arith.constant 0 : i32
      %ge3A_473 = vector.broadcast %ge3A_472 : i32 to vector<16xi32>
      %ge3A_474 = arith.cmpi sge, %get3A_467, %ge3A_473 : vector<16xi32>
      %ge3A_475 = arith.constant 0 : i32
      %ge3A_476 = vector.broadcast %ge3A_475 : i32 to vector<16xi32>
      %ge3A_477 = arith.cmpi sge, %get3A_471, %ge3A_476 : vector<16xi32>
      %and3A_478 = arith.andi %ge3A_474, %ge3A_477 : vector<16xi1>
      %convert_element_type3A_479 = arith.extui %and3A_478 : vector<16xi1> to vector<16xi32>
      %broadcast_in_dim3A_480 = arith.constant true
      %broadcast_in_dim3A_481 = vector.broadcast %broadcast_in_dim3A_480 : i1 to vector<16xi1>
      %masked_cumsum3A_482 = tpu.scan <sum>, %convert_element_type3A_479 masked %broadcast_in_dim3A_481 : vector<16xi32>, vector<16xi1> -> vector<16xi32>
      %add3A_483 = vector.broadcast %add3A_463 : i32 to vector<16xi32>
      %add3A_484 = arith.addi %add3A_483, %masked_cumsum3A_482 : vector<16xi32>
      %sub3A_485 = arith.subi %add3A_484, %convert_element_type3A_479 : vector<16xi32>
      tpu.vector_store_idx %arg13[%sub3A_485], %get3A_467 masked %and3A_478 : memref<25984xi32, #tpu.memory_space<vmem>>[vector<16xi32>], vector<16xi32>, vector<16xi1>
      tpu.vector_store_idx %arg14[%sub3A_485], %get3A_471 masked %and3A_478 : memref<25984xi32, #tpu.memory_space<vmem>>[vector<16xi32>], vector<16xi32>, vector<16xi1>
      tpu.vector_store_idx %arg15[%get3A_471], %broadcast_in_dim3A_3 masked %and3A_478 {add = true} : memref<8192xf32, #tpu.memory_space<vmem>>[vector<16xi32>], vector<16xf32>, vector<16xi1>
      %reduce_sum3A_486 = arith.constant true
      %reduce_sum3A_487 = vector.broadcast %reduce_sum3A_486 : i1 to vector<16xi1>
      %reduce_sum3A_488 = tpu.scan <sum>, %convert_element_type3A_479 masked %reduce_sum3A_487 : vector<16xi32>, vector<16xi1> -> vector<16xi32>
      %reduce_sum3A_489 = vector.extract %reduce_sum3A_488[15] : i32 from vector<16xi32>
      %add3A_490 = arith.addi %add3A_463, %reduce_sum3A_489 : i32
      %get3A_491 = arith.constant 1 : i32
      %get3A_492 = arith.index_cast %get3A_491 : i32 to index
      %get3A_493 = arith.constant 0 : index
      %get3A_494 = tpu.vector_load %arg11[%get3A_492, %get3A_493] {strides = array<i32>} : memref<4x128xi32, #tpu.memory_space<vmem>>, vector<16xi32>,
      %get3A_495 = arith.constant 1 : i32
      %get3A_496 = arith.index_cast %get3A_495 : i32 to index
      %get3A_497 = arith.constant 0 : index
      %get3A_498 = tpu.vector_load %arg12[%get3A_496, %get3A_497] {strides = array<i32>} : memref<4x128xi32, #tpu.memory_space<vmem>>, vector<16xi32>,
      %ge3A_499 = arith.constant 0 : i32
      %ge3A_500 = vector.broadcast %ge3A_499 : i32 to vector<16xi32>
      %ge3A_501 = arith.cmpi sge, %get3A_494, %ge3A_500 : vector<16xi32>
      %ge3A_502 = arith.constant 0 : i32
      %ge3A_503 = vector.broadcast %ge3A_502 : i32 to vector<16xi32>
      %ge3A_504 = arith.cmpi sge, %get3A_498, %ge3A_503 : vector<16xi32>
      %and3A_505 = arith.andi %ge3A_501, %ge3A_504 : vector<16xi1>
      %convert_element_type3A_506 = arith.extui %and3A_505 : vector<16xi1> to vector<16xi32>
      %broadcast_in_dim3A_507 = arith.constant true
      %broadcast_in_dim3A_508 = vector.broadcast %broadcast_in_dim3A_507 : i1 to vector<16xi1>
      %masked_cumsum3A_509 = tpu.scan <sum>, %convert_element_type3A_506 masked %broadcast_in_dim3A_508 : vector<16xi32>, vector<16xi1> -> vector<16xi32>
      %add3A_510 = vector.broadcast %add3A_490 : i32 to vector<16xi32>
      %add3A_511 = arith.addi %add3A_510, %masked_cumsum3A_509 : vector<16xi32>
      %sub3A_512 = arith.subi %add3A_511, %convert_element_type3A_506 : vector<16xi32>
      tpu.vector_store_idx %arg13[%sub3A_512], %get3A_494 masked %and3A_505 : memref<25984xi32, #tpu.memory_space<vmem>>[vector<16xi32>], vector<16xi32>, vector<16xi1>
      tpu.vector_store_idx %arg14[%sub3A_512], %get3A_498 masked %and3A_505 : memref<25984xi32, #tpu.memory_space<vmem>>[vector<16xi32>], vector<16xi32>, vector<16xi1>
      tpu.vector_store_idx %arg15[%get3A_498], %broadcast_in_dim3A_3 masked %and3A_505 {add = true} : memref<8192xf32, #tpu.memory_space<vmem>>[vector<16xi32>], vector<16xf32>, vector<16xi1>
      %reduce_sum3A_513 = arith.constant true
      %reduce_sum3A_514 = vector.broadcast %reduce_sum3A_513 : i1 to vector<16xi1>
      %reduce_sum3A_515 = tpu.scan <sum>, %convert_element_type3A_506 masked %reduce_sum3A_514 : vector<16xi32>, vector<16xi1> -> vector<16xi32>
      %reduce_sum3A_516 = vector.extract %reduce_sum3A_515[15] : i32 from vector<16xi32>
      %add3A_517 = arith.addi %add3A_490, %reduce_sum3A_516 : i32
      %get3A_518 = arith.constant 1 : i32
      %get3A_519 = arith.index_cast %get3A_518 : i32 to index
      %get3A_520 = arith.constant 16 : index
      %get3A_521 = tpu.vector_load %arg11[%get3A_519, %get3A_520] {strides = array<i32>} : memref<4x128xi32, #tpu.memory_space<vmem>>, vector<16xi32>,
      %get3A_522 = arith.constant 1 : i32
      %get3A_523 = arith.index_cast %get3A_522 : i32 to index
      %get3A_524 = arith.constant 16 : index
      %get3A_525 = tpu.vector_load %arg12[%get3A_523, %get3A_524] {strides = array<i32>} : memref<4x128xi32, #tpu.memory_space<vmem>>, vector<16xi32>,
      %ge3A_526 = arith.constant 0 : i32
      %ge3A_527 = vector.broadcast %ge3A_526 : i32 to vector<16xi32>
      %ge3A_528 = arith.cmpi sge, %get3A_521, %ge3A_527 : vector<16xi32>
      %ge3A_529 = arith.constant 0 : i32
      %ge3A_530 = vector.broadcast %ge3A_529 : i32 to vector<16xi32>
      %ge3A_531 = arith.cmpi sge, %get3A_525, %ge3A_530 : vector<16xi32>
      %and3A_532 = arith.andi %ge3A_528, %ge3A_531 : vector<16xi1>
      %convert_element_type3A_533 = arith.extui %and3A_532 : vector<16xi1> to vector<16xi32>
      %broadcast_in_dim3A_534 = arith.constant true
      %broadcast_in_dim3A_535 = vector.broadcast %broadcast_in_dim3A_534 : i1 to vector<16xi1>
      %masked_cumsum3A_536 = tpu.scan <sum>, %convert_element_type3A_533 masked %broadcast_in_dim3A_535 : vector<16xi32>, vector<16xi1> -> vector<16xi32>
      %add3A_537 = vector.broadcast %add3A_517 : i32 to vector<16xi32>
      %add3A_538 = arith.addi %add3A_537, %masked_cumsum3A_536 : vector<16xi32>
      %sub3A_539 = arith.subi %add3A_538, %convert_element_type3A_533 : vector<16xi32>
      tpu.vector_store_idx %arg13[%sub3A_539], %get3A_521 masked %and3A_532 : memref<25984xi32, #tpu.memory_space<vmem>>[vector<16xi32>], vector<16xi32>, vector<16xi1>
      tpu.vector_store_idx %arg14[%sub3A_539], %get3A_525 masked %and3A_532 : memref<25984xi32, #tpu.memory_space<vmem>>[vector<16xi32>], vector<16xi32>, vector<16xi1>
      tpu.vector_store_idx %arg15[%get3A_525], %broadcast_in_dim3A_3 masked %and3A_532 {add = true} : memref<8192xf32, #tpu.memory_space<vmem>>[vector<16xi32>], vector<16xf32>, vector<16xi1>
      %reduce_sum3A_540 = arith.constant true
      %reduce_sum3A_541 = vector.broadcast %reduce_sum3A_540 : i1 to vector<16xi1>
      %reduce_sum3A_542 = tpu.scan <sum>, %convert_element_type3A_533 masked %reduce_sum3A_541 : vector<16xi32>, vector<16xi1> -> vector<16xi32>
      %reduce_sum3A_543 = vector.extract %reduce_sum3A_542[15] : i32 from vector<16xi32>
      %add3A_544 = arith.addi %add3A_517, %reduce_sum3A_543 : i32
      %get3A_545 = arith.constant 1 : i32
      %get3A_546 = arith.index_cast %get3A_545 : i32 to index
      %get3A_547 = arith.constant 32 : index
      %get3A_548 = tpu.vector_load %arg11[%get3A_546, %get3A_547] {strides = array<i32>} : memref<4x128xi32, #tpu.memory_space<vmem>>, vector<16xi32>,
      %get3A_549 = arith.constant 1 : i32
      %get3A_550 = arith.index_cast %get3A_549 : i32 to index
      %get3A_551 = arith.constant 32 : index
      %get3A_552 = tpu.vector_load %arg12[%get3A_550, %get3A_551] {strides = array<i32>} : memref<4x128xi32, #tpu.memory_space<vmem>>, vector<16xi32>,
      %ge3A_553 = arith.constant 0 : i32
      %ge3A_554 = vector.broadcast %ge3A_553 : i32 to vector<16xi32>
      %ge3A_555 = arith.cmpi sge, %get3A_548, %ge3A_554 : vector<16xi32>
      %ge3A_556 = arith.constant 0 : i32
      %ge3A_557 = vector.broadcast %ge3A_556 : i32 to vector<16xi32>
      %ge3A_558 = arith.cmpi sge, %get3A_552, %ge3A_557 : vector<16xi32>
      %and3A_559 = arith.andi %ge3A_555, %ge3A_558 : vector<16xi1>
      %convert_element_type3A_560 = arith.extui %and3A_559 : vector<16xi1> to vector<16xi32>
      %broadcast_in_dim3A_561 = arith.constant true
      %broadcast_in_dim3A_562 = vector.broadcast %broadcast_in_dim3A_561 : i1 to vector<16xi1>
      %masked_cumsum3A_563 = tpu.scan <sum>, %convert_element_type3A_560 masked %broadcast_in_dim3A_562 : vector<16xi32>, vector<16xi1> -> vector<16xi32>
      %add3A_564 = vector.broadcast %add3A_544 : i32 to vector<16xi32>
      %add3A_565 = arith.addi %add3A_564, %masked_cumsum3A_563 : vector<16xi32>
      %sub3A_566 = arith.subi %add3A_565, %convert_element_type3A_560 : vector<16xi32>
      tpu.vector_store_idx %arg13[%sub3A_566], %get3A_548 masked %and3A_559 : memref<25984xi32, #tpu.memory_space<vmem>>[vector<16xi32>], vector<16xi32>, vector<16xi1>
      tpu.vector_store_idx %arg14[%sub3A_566], %get3A_552 masked %and3A_559 : memref<25984xi32, #tpu.memory_space<vmem>>[vector<16xi32>], vector<16xi32>, vector<16xi1>
      tpu.vector_store_idx %arg15[%get3A_552], %broadcast_in_dim3A_3 masked %and3A_559 {add = true} : memref<8192xf32, #tpu.memory_space<vmem>>[vector<16xi32>], vector<16xf32>, vector<16xi1>
      %reduce_sum3A_567 = arith.constant true
      %reduce_sum3A_568 = vector.broadcast %reduce_sum3A_567 : i1 to vector<16xi1>
      %reduce_sum3A_569 = tpu.scan <sum>, %convert_element_type3A_560 masked %reduce_sum3A_568 : vector<16xi32>, vector<16xi1> -> vector<16xi32>
      %reduce_sum3A_570 = vector.extract %reduce_sum3A_569[15] : i32 from vector<16xi32>
      %add3A_571 = arith.addi %add3A_544, %reduce_sum3A_570 : i32
      %get3A_572 = arith.constant 1 : i32
      %get3A_573 = arith.index_cast %get3A_572 : i32 to index
      %get3A_574 = arith.constant 48 : index
      %get3A_575 = tpu.vector_load %arg11[%get3A_573, %get3A_574] {strides = array<i32>} : memref<4x128xi32, #tpu.memory_space<vmem>>, vector<16xi32>,
      %get3A_576 = arith.constant 1 : i32
      %get3A_577 = arith.index_cast %get3A_576 : i32 to index
      %get3A_578 = arith.constant 48 : index
      %get3A_579 = tpu.vector_load %arg12[%get3A_577, %get3A_578] {strides = array<i32>} : memref<4x128xi32, #tpu.memory_space<vmem>>, vector<16xi32>,
      %ge3A_580 = arith.constant 0 : i32
      %ge3A_581 = vector.broadcast %ge3A_580 : i32 to vector<16xi32>
      %ge3A_582 = arith.cmpi sge, %get3A_575, %ge3A_581 : vector<16xi32>
      %ge3A_583 = arith.constant 0 : i32
      %ge3A_584 = vector.broadcast %ge3A_583 : i32 to vector<16xi32>
      %ge3A_585 = arith.cmpi sge, %get3A_579, %ge3A_584 : vector<16xi32>
      %and3A_586 = arith.andi %ge3A_582, %ge3A_585 : vector<16xi1>
      %convert_element_type3A_587 = arith.extui %and3A_586 : vector<16xi1> to vector<16xi32>
      %broadcast_in_dim3A_588 = arith.constant true
      %broadcast_in_dim3A_589 = vector.broadcast %broadcast_in_dim3A_588 : i1 to vector<16xi1>
      %masked_cumsum3A_590 = tpu.scan <sum>, %convert_element_type3A_587 masked %broadcast_in_dim3A_589 : vector<16xi32>, vector<16xi1> -> vector<16xi32>
      %add3A_591 = vector.broadcast %add3A_571 : i32 to vector<16xi32>
      %add3A_592 = arith.addi %add3A_591, %masked_cumsum3A_590 : vector<16xi32>
      %sub3A_593 = arith.subi %add3A_592, %convert_element_type3A_587 : vector<16xi32>
      tpu.vector_store_idx %arg13[%sub3A_593], %get3A_575 masked %and3A_586 : memref<25984xi32, #tpu.memory_space<vmem>>[vector<16xi32>], vector<16xi32>, vector<16xi1>
      tpu.vector_store_idx %arg14[%sub3A_593], %get3A_579 masked %and3A_586 : memref<25984xi32, #tpu.memory_space<vmem>>[vector<16xi32>], vector<16xi32>, vector<16xi1>
      tpu.vector_store_idx %arg15[%get3A_579], %broadcast_in_dim3A_3 masked %and3A_586 {add = true} : memref<8192xf32, #tpu.memory_space<vmem>>[vector<16xi32>], vector<16xf32>, vector<16xi1>
      %reduce_sum3A_594 = arith.constant true
      %reduce_sum3A_595 = vector.broadcast %reduce_sum3A_594 : i1 to vector<16xi1>
      %reduce_sum3A_596 = tpu.scan <sum>, %convert_element_type3A_587 masked %reduce_sum3A_595 : vector<16xi32>, vector<16xi1> -> vector<16xi32>
      %reduce_sum3A_597 = vector.extract %reduce_sum3A_596[15] : i32 from vector<16xi32>
      %add3A_598 = arith.addi %add3A_571, %reduce_sum3A_597 : i32
      %get3A_599 = arith.constant 1 : i32
      %get3A_600 = arith.index_cast %get3A_599 : i32 to index
      %get3A_601 = arith.constant 64 : index
      %get3A_602 = tpu.vector_load %arg11[%get3A_600, %get3A_601] {strides = array<i32>} : memref<4x128xi32, #tpu.memory_space<vmem>>, vector<16xi32>,
      %get3A_603 = arith.constant 1 : i32
      %get3A_604 = arith.index_cast %get3A_603 : i32 to index
      %get3A_605 = arith.constant 64 : index
      %get3A_606 = tpu.vector_load %arg12[%get3A_604, %get3A_605] {strides = array<i32>} : memref<4x128xi32, #tpu.memory_space<vmem>>, vector<16xi32>,
      %ge3A_607 = arith.constant 0 : i32
      %ge3A_608 = vector.broadcast %ge3A_607 : i32 to vector<16xi32>
      %ge3A_609 = arith.cmpi sge, %get3A_602, %ge3A_608 : vector<16xi32>
      %ge3A_610 = arith.constant 0 : i32
      %ge3A_611 = vector.broadcast %ge3A_610 : i32 to vector<16xi32>
      %ge3A_612 = arith.cmpi sge, %get3A_606, %ge3A_611 : vector<16xi32>
      %and3A_613 = arith.andi %ge3A_609, %ge3A_612 : vector<16xi1>
      %convert_element_type3A_614 = arith.extui %and3A_613 : vector<16xi1> to vector<16xi32>
      %broadcast_in_dim3A_615 = arith.constant true
      %broadcast_in_dim3A_616 = vector.broadcast %broadcast_in_dim3A_615 : i1 to vector<16xi1>
      %masked_cumsum3A_617 = tpu.scan <sum>, %convert_element_type3A_614 masked %broadcast_in_dim3A_616 : vector<16xi32>, vector<16xi1> -> vector<16xi32>
      %add3A_618 = vector.broadcast %add3A_598 : i32 to vector<16xi32>
      %add3A_619 = arith.addi %add3A_618, %masked_cumsum3A_617 : vector<16xi32>
      %sub3A_620 = arith.subi %add3A_619, %convert_element_type3A_614 : vector<16xi32>
      tpu.vector_store_idx %arg13[%sub3A_620], %get3A_602 masked %and3A_613 : memref<25984xi32, #tpu.memory_space<vmem>>[vector<16xi32>], vector<16xi32>, vector<16xi1>
      tpu.vector_store_idx %arg14[%sub3A_620], %get3A_606 masked %and3A_613 : memref<25984xi32, #tpu.memory_space<vmem>>[vector<16xi32>], vector<16xi32>, vector<16xi1>
      tpu.vector_store_idx %arg15[%get3A_606], %broadcast_in_dim3A_3 masked %and3A_613 {add = true} : memref<8192xf32, #tpu.memory_space<vmem>>[vector<16xi32>], vector<16xf32>, vector<16xi1>
      %reduce_sum3A_621 = arith.constant true
      %reduce_sum3A_622 = vector.broadcast %reduce_sum3A_621 : i1 to vector<16xi1>
      %reduce_sum3A_623 = tpu.scan <sum>, %convert_element_type3A_614 masked %reduce_sum3A_622 : vector<16xi32>, vector<16xi1> -> vector<16xi32>
      %reduce_sum3A_624 = vector.extract %reduce_sum3A_623[15] : i32 from vector<16xi32>
      %add3A_625 = arith.addi %add3A_598, %reduce_sum3A_624 : i32
      %get3A_626 = arith.constant 1 : i32
      %get3A_627 = arith.index_cast %get3A_626 : i32 to index
      %get3A_628 = arith.constant 80 : index
      %get3A_629 = tpu.vector_load %arg11[%get3A_627, %get3A_628] {strides = array<i32>} : memref<4x128xi32, #tpu.memory_space<vmem>>, vector<16xi32>,
      %get3A_630 = arith.constant 1 : i32
      %get3A_631 = arith.index_cast %get3A_630 : i32 to index
      %get3A_632 = arith.constant 80 : index
      %get3A_633 = tpu.vector_load %arg12[%get3A_631, %get3A_632] {strides = array<i32>} : memref<4x128xi32, #tpu.memory_space<vmem>>, vector<16xi32>,
      %ge3A_634 = arith.constant 0 : i32
      %ge3A_635 = vector.broadcast %ge3A_634 : i32 to vector<16xi32>
      %ge3A_636 = arith.cmpi sge, %get3A_629, %ge3A_635 : vector<16xi32>
      %ge3A_637 = arith.constant 0 : i32
      %ge3A_638 = vector.broadcast %ge3A_637 : i32 to vector<16xi32>
      %ge3A_639 = arith.cmpi sge, %get3A_633, %ge3A_638 : vector<16xi32>
      %and3A_640 = arith.andi %ge3A_636, %ge3A_639 : vector<16xi1>
      %convert_element_type3A_641 = arith.extui %and3A_640 : vector<16xi1> to vector<16xi32>
      %broadcast_in_dim3A_642 = arith.constant true
      %broadcast_in_dim3A_643 = vector.broadcast %broadcast_in_dim3A_642 : i1 to vector<16xi1>
      %masked_cumsum3A_644 = tpu.scan <sum>, %convert_element_type3A_641 masked %broadcast_in_dim3A_643 : vector<16xi32>, vector<16xi1> -> vector<16xi32>
      %add3A_645 = vector.broadcast %add3A_625 : i32 to vector<16xi32>
      %add3A_646 = arith.addi %add3A_645, %masked_cumsum3A_644 : vector<16xi32>
      %sub3A_647 = arith.subi %add3A_646, %convert_element_type3A_641 : vector<16xi32>
      tpu.vector_store_idx %arg13[%sub3A_647], %get3A_629 masked %and3A_640 : memref<25984xi32, #tpu.memory_space<vmem>>[vector<16xi32>], vector<16xi32>, vector<16xi1>
      tpu.vector_store_idx %arg14[%sub3A_647], %get3A_633 masked %and3A_640 : memref<25984xi32, #tpu.memory_space<vmem>>[vector<16xi32>], vector<16xi32>, vector<16xi1>
      tpu.vector_store_idx %arg15[%get3A_633], %broadcast_in_dim3A_3 masked %and3A_640 {add = true} : memref<8192xf32, #tpu.memory_space<vmem>>[vector<16xi32>], vector<16xf32>, vector<16xi1>
      %reduce_sum3A_648 = arith.constant true
      %reduce_sum3A_649 = vector.broadcast %reduce_sum3A_648 : i1 to vector<16xi1>
      %reduce_sum3A_650 = tpu.scan <sum>, %convert_element_type3A_641 masked %reduce_sum3A_649 : vector<16xi32>, vector<16xi1> -> vector<16xi32>
      %reduce_sum3A_651 = vector.extract %reduce_sum3A_650[15] : i32 from vector<16xi32>
      %add3A_652 = arith.addi %add3A_625, %reduce_sum3A_651 : i32
      %get3A_653 = arith.constant 1 : i32
      %get3A_654 = arith.index_cast %get3A_653 : i32 to index
      %get3A_655 = arith.constant 96 : index
      %get3A_656 = tpu.vector_load %arg11[%get3A_654, %get3A_655] {strides = array<i32>} : memref<4x128xi32, #tpu.memory_space<vmem>>, vector<16xi32>,
      %get3A_657 = arith.constant 1 : i32
      %get3A_658 = arith.index_cast %get3A_657 : i32 to index
      %get3A_659 = arith.constant 96 : index
      %get3A_660 = tpu.vector_load %arg12[%get3A_658, %get3A_659] {strides = array<i32>} : memref<4x128xi32, #tpu.memory_space<vmem>>, vector<16xi32>,
      %ge3A_661 = arith.constant 0 : i32
      %ge3A_662 = vector.broadcast %ge3A_661 : i32 to vector<16xi32>
      %ge3A_663 = arith.cmpi sge, %get3A_656, %ge3A_662 : vector<16xi32>
      %ge3A_664 = arith.constant 0 : i32
      %ge3A_665 = vector.broadcast %ge3A_664 : i32 to vector<16xi32>
      %ge3A_666 = arith.cmpi sge, %get3A_660, %ge3A_665 : vector<16xi32>
      %and3A_667 = arith.andi %ge3A_663, %ge3A_666 : vector<16xi1>
      %convert_element_type3A_668 = arith.extui %and3A_667 : vector<16xi1> to vector<16xi32>
      %broadcast_in_dim3A_669 = arith.constant true
      %broadcast_in_dim3A_670 = vector.broadcast %broadcast_in_dim3A_669 : i1 to vector<16xi1>
      %masked_cumsum3A_671 = tpu.scan <sum>, %convert_element_type3A_668 masked %broadcast_in_dim3A_670 : vector<16xi32>, vector<16xi1> -> vector<16xi32>
      %add3A_672 = vector.broadcast %add3A_652 : i32 to vector<16xi32>
      %add3A_673 = arith.addi %add3A_672, %masked_cumsum3A_671 : vector<16xi32>
      %sub3A_674 = arith.subi %add3A_673, %convert_element_type3A_668 : vector<16xi32>
      tpu.vector_store_idx %arg13[%sub3A_674], %get3A_656 masked %and3A_667 : memref<25984xi32, #tpu.memory_space<vmem>>[vector<16xi32>], vector<16xi32>, vector<16xi1>
      tpu.vector_store_idx %arg14[%sub3A_674], %get3A_660 masked %and3A_667 : memref<25984xi32, #tpu.memory_space<vmem>>[vector<16xi32>], vector<16xi32>, vector<16xi1>
      tpu.vector_store_idx %arg15[%get3A_660], %broadcast_in_dim3A_3 masked %and3A_667 {add = true} : memref<8192xf32, #tpu.memory_space<vmem>>[vector<16xi32>], vector<16xf32>, vector<16xi1>
      %reduce_sum3A_675 = arith.constant true
      %reduce_sum3A_676 = vector.broadcast %reduce_sum3A_675 : i1 to vector<16xi1>
      %reduce_sum3A_677 = tpu.scan <sum>, %convert_element_type3A_668 masked %reduce_sum3A_676 : vector<16xi32>, vector<16xi1> -> vector<16xi32>
      %reduce_sum3A_678 = vector.extract %reduce_sum3A_677[15] : i32 from vector<16xi32>
      %add3A_679 = arith.addi %add3A_652, %reduce_sum3A_678 : i32
      %get3A_680 = arith.constant 1 : i32
      %get3A_681 = arith.index_cast %get3A_680 : i32 to index
      %get3A_682 = arith.constant 112 : index
      %get3A_683 = tpu.vector_load %arg11[%get3A_681, %get3A_682] {strides = array<i32>} : memref<4x128xi32, #tpu.memory_space<vmem>>, vector<16xi32>,
      %get3A_684 = arith.constant 1 : i32
      %get3A_685 = arith.index_cast %get3A_684 : i32 to index
      %get3A_686 = arith.constant 112 : index
      %get3A_687 = tpu.vector_load %arg12[%get3A_685, %get3A_686] {strides = array<i32>} : memref<4x128xi32, #tpu.memory_space<vmem>>, vector<16xi32>,
      %ge3A_688 = arith.constant 0 : i32
      %ge3A_689 = vector.broadcast %ge3A_688 : i32 to vector<16xi32>
      %ge3A_690 = arith.cmpi sge, %get3A_683, %ge3A_689 : vector<16xi32>
      %ge3A_691 = arith.constant 0 : i32
      %ge3A_692 = vector.broadcast %ge3A_691 : i32 to vector<16xi32>
      %ge3A_693 = arith.cmpi sge, %get3A_687, %ge3A_692 : vector<16xi32>
      %and3A_694 = arith.andi %ge3A_690, %ge3A_693 : vector<16xi1>
      %convert_element_type3A_695 = arith.extui %and3A_694 : vector<16xi1> to vector<16xi32>
      %broadcast_in_dim3A_696 = arith.constant true
      %broadcast_in_dim3A_697 = vector.broadcast %broadcast_in_dim3A_696 : i1 to vector<16xi1>
      %masked_cumsum3A_698 = tpu.scan <sum>, %convert_element_type3A_695 masked %broadcast_in_dim3A_697 : vector<16xi32>, vector<16xi1> -> vector<16xi32>
      %add3A_699 = vector.broadcast %add3A_679 : i32 to vector<16xi32>
      %add3A_700 = arith.addi %add3A_699, %masked_cumsum3A_698 : vector<16xi32>
      %sub3A_701 = arith.subi %add3A_700, %convert_element_type3A_695 : vector<16xi32>
      tpu.vector_store_idx %arg13[%sub3A_701], %get3A_683 masked %and3A_694 : memref<25984xi32, #tpu.memory_space<vmem>>[vector<16xi32>], vector<16xi32>, vector<16xi1>
      tpu.vector_store_idx %arg14[%sub3A_701], %get3A_687 masked %and3A_694 : memref<25984xi32, #tpu.memory_space<vmem>>[vector<16xi32>], vector<16xi32>, vector<16xi1>
      tpu.vector_store_idx %arg15[%get3A_687], %broadcast_in_dim3A_3 masked %and3A_694 {add = true} : memref<8192xf32, #tpu.memory_space<vmem>>[vector<16xi32>], vector<16xf32>, vector<16xi1>
      %reduce_sum3A_702 = arith.constant true
      %reduce_sum3A_703 = vector.broadcast %reduce_sum3A_702 : i1 to vector<16xi1>
      %reduce_sum3A_704 = tpu.scan <sum>, %convert_element_type3A_695 masked %reduce_sum3A_703 : vector<16xi32>, vector<16xi1> -> vector<16xi32>
      %reduce_sum3A_705 = vector.extract %reduce_sum3A_704[15] : i32 from vector<16xi32>
      %add3A_706 = arith.addi %add3A_679, %reduce_sum3A_705 : i32
      %get3A_707 = arith.constant 2 : i32
      %get3A_708 = arith.index_cast %get3A_707 : i32 to index
      %get3A_709 = arith.constant 0 : index
      %get3A_710 = tpu.vector_load %arg11[%get3A_708, %get3A_709] {strides = array<i32>} : memref<4x128xi32, #tpu.memory_space<vmem>>, vector<16xi32>,
      %get3A_711 = arith.constant 2 : i32
      %get3A_712 = arith.index_cast %get3A_711 : i32 to index
      %get3A_713 = arith.constant 0 : index
      %get3A_714 = tpu.vector_load %arg12[%get3A_712, %get3A_713] {strides = array<i32>} : memref<4x128xi32, #tpu.memory_space<vmem>>, vector<16xi32>,
      %ge3A_715 = arith.constant 0 : i32
      %ge3A_716 = vector.broadcast %ge3A_715 : i32 to vector<16xi32>
      %ge3A_717 = arith.cmpi sge, %get3A_710, %ge3A_716 : vector<16xi32>
      %ge3A_718 = arith.constant 0 : i32
      %ge3A_719 = vector.broadcast %ge3A_718 : i32 to vector<16xi32>
      %ge3A_720 = arith.cmpi sge, %get3A_714, %ge3A_719 : vector<16xi32>
      %and3A_721 = arith.andi %ge3A_717, %ge3A_720 : vector<16xi1>
      %convert_element_type3A_722 = arith.extui %and3A_721 : vector<16xi1> to vector<16xi32>
      %broadcast_in_dim3A_723 = arith.constant true
      %broadcast_in_dim3A_724 = vector.broadcast %broadcast_in_dim3A_723 : i1 to vector<16xi1>
      %masked_cumsum3A_725 = tpu.scan <sum>, %convert_element_type3A_722 masked %broadcast_in_dim3A_724 : vector<16xi32>, vector<16xi1> -> vector<16xi32>
      %add3A_726 = vector.broadcast %add3A_706 : i32 to vector<16xi32>
      %add3A_727 = arith.addi %add3A_726, %masked_cumsum3A_725 : vector<16xi32>
      %sub3A_728 = arith.subi %add3A_727, %convert_element_type3A_722 : vector<16xi32>
      tpu.vector_store_idx %arg13[%sub3A_728], %get3A_710 masked %and3A_721 : memref<25984xi32, #tpu.memory_space<vmem>>[vector<16xi32>], vector<16xi32>, vector<16xi1>
      tpu.vector_store_idx %arg14[%sub3A_728], %get3A_714 masked %and3A_721 : memref<25984xi32, #tpu.memory_space<vmem>>[vector<16xi32>], vector<16xi32>, vector<16xi1>
      tpu.vector_store_idx %arg15[%get3A_714], %broadcast_in_dim3A_3 masked %and3A_721 {add = true} : memref<8192xf32, #tpu.memory_space<vmem>>[vector<16xi32>], vector<16xf32>, vector<16xi1>
      %reduce_sum3A_729 = arith.constant true
      %reduce_sum3A_730 = vector.broadcast %reduce_sum3A_729 : i1 to vector<16xi1>
      %reduce_sum3A_731 = tpu.scan <sum>, %convert_element_type3A_722 masked %reduce_sum3A_730 : vector<16xi32>, vector<16xi1> -> vector<16xi32>
      %reduce_sum3A_732 = vector.extract %reduce_sum3A_731[15] : i32 from vector<16xi32>
      %add3A_733 = arith.addi %add3A_706, %reduce_sum3A_732 : i32
      %get3A_734 = arith.constant 2 : i32
      %get3A_735 = arith.index_cast %get3A_734 : i32 to index
      %get3A_736 = arith.constant 16 : index
      %get3A_737 = tpu.vector_load %arg11[%get3A_735, %get3A_736] {strides = array<i32>} : memref<4x128xi32, #tpu.memory_space<vmem>>, vector<16xi32>,
      %get3A_738 = arith.constant 2 : i32
      %get3A_739 = arith.index_cast %get3A_738 : i32 to index
      %get3A_740 = arith.constant 16 : index
      %get3A_741 = tpu.vector_load %arg12[%get3A_739, %get3A_740] {strides = array<i32>} : memref<4x128xi32, #tpu.memory_space<vmem>>, vector<16xi32>,
      %ge3A_742 = arith.constant 0 : i32
      %ge3A_743 = vector.broadcast %ge3A_742 : i32 to vector<16xi32>
      %ge3A_744 = arith.cmpi sge, %get3A_737, %ge3A_743 : vector<16xi32>
      %ge3A_745 = arith.constant 0 : i32
      %ge3A_746 = vector.broadcast %ge3A_745 : i32 to vector<16xi32>
      %ge3A_747 = arith.cmpi sge, %get3A_741, %ge3A_746 : vector<16xi32>
      %and3A_748 = arith.andi %ge3A_744, %ge3A_747 : vector<16xi1>
      %convert_element_type3A_749 = arith.extui %and3A_748 : vector<16xi1> to vector<16xi32>
      %broadcast_in_dim3A_750 = arith.constant true
      %broadcast_in_dim3A_751 = vector.broadcast %broadcast_in_dim3A_750 : i1 to vector<16xi1>
      %masked_cumsum3A_752 = tpu.scan <sum>, %convert_element_type3A_749 masked %broadcast_in_dim3A_751 : vector<16xi32>, vector<16xi1> -> vector<16xi32>
      %add3A_753 = vector.broadcast %add3A_733 : i32 to vector<16xi32>
      %add3A_754 = arith.addi %add3A_753, %masked_cumsum3A_752 : vector<16xi32>
      %sub3A_755 = arith.subi %add3A_754, %convert_element_type3A_749 : vector<16xi32>
      tpu.vector_store_idx %arg13[%sub3A_755], %get3A_737 masked %and3A_748 : memref<25984xi32, #tpu.memory_space<vmem>>[vector<16xi32>], vector<16xi32>, vector<16xi1>
      tpu.vector_store_idx %arg14[%sub3A_755], %get3A_741 masked %and3A_748 : memref<25984xi32, #tpu.memory_space<vmem>>[vector<16xi32>], vector<16xi32>, vector<16xi1>
      tpu.vector_store_idx %arg15[%get3A_741], %broadcast_in_dim3A_3 masked %and3A_748 {add = true} : memref<8192xf32, #tpu.memory_space<vmem>>[vector<16xi32>], vector<16xf32>, vector<16xi1>
      %reduce_sum3A_756 = arith.constant true
      %reduce_sum3A_757 = vector.broadcast %reduce_sum3A_756 : i1 to vector<16xi1>
      %reduce_sum3A_758 = tpu.scan <sum>, %convert_element_type3A_749 masked %reduce_sum3A_757 : vector<16xi32>, vector<16xi1> -> vector<16xi32>
      %reduce_sum3A_759 = vector.extract %reduce_sum3A_758[15] : i32 from vector<16xi32>
      %add3A_760 = arith.addi %add3A_733, %reduce_sum3A_759 : i32
      %get3A_761 = arith.constant 2 : i32
      %get3A_762 = arith.index_cast %get3A_761 : i32 to index
      %get3A_763 = arith.constant 32 : index
      %get3A_764 = tpu.vector_load %arg11[%get3A_762, %get3A_763] {strides = array<i32>} : memref<4x128xi32, #tpu.memory_space<vmem>>, vector<16xi32>,
      %get3A_765 = arith.constant 2 : i32
      %get3A_766 = arith.index_cast %get3A_765 : i32 to index
      %get3A_767 = arith.constant 32 : index
      %get3A_768 = tpu.vector_load %arg12[%get3A_766, %get3A_767] {strides = array<i32>} : memref<4x128xi32, #tpu.memory_space<vmem>>, vector<16xi32>,
      %ge3A_769 = arith.constant 0 : i32
      %ge3A_770 = vector.broadcast %ge3A_769 : i32 to vector<16xi32>
      %ge3A_771 = arith.cmpi sge, %get3A_764, %ge3A_770 : vector<16xi32>
      %ge3A_772 = arith.constant 0 : i32
      %ge3A_773 = vector.broadcast %ge3A_772 : i32 to vector<16xi32>
      %ge3A_774 = arith.cmpi sge, %get3A_768, %ge3A_773 : vector<16xi32>
      %and3A_775 = arith.andi %ge3A_771, %ge3A_774 : vector<16xi1>
      %convert_element_type3A_776 = arith.extui %and3A_775 : vector<16xi1> to vector<16xi32>
      %broadcast_in_dim3A_777 = arith.constant true
      %broadcast_in_dim3A_778 = vector.broadcast %broadcast_in_dim3A_777 : i1 to vector<16xi1>
      %masked_cumsum3A_779 = tpu.scan <sum>, %convert_element_type3A_776 masked %broadcast_in_dim3A_778 : vector<16xi32>, vector<16xi1> -> vector<16xi32>
      %add3A_780 = vector.broadcast %add3A_760 : i32 to vector<16xi32>
      %add3A_781 = arith.addi %add3A_780, %masked_cumsum3A_779 : vector<16xi32>
      %sub3A_782 = arith.subi %add3A_781, %convert_element_type3A_776 : vector<16xi32>
      tpu.vector_store_idx %arg13[%sub3A_782], %get3A_764 masked %and3A_775 : memref<25984xi32, #tpu.memory_space<vmem>>[vector<16xi32>], vector<16xi32>, vector<16xi1>
      tpu.vector_store_idx %arg14[%sub3A_782], %get3A_768 masked %and3A_775 : memref<25984xi32, #tpu.memory_space<vmem>>[vector<16xi32>], vector<16xi32>, vector<16xi1>
      tpu.vector_store_idx %arg15[%get3A_768], %broadcast_in_dim3A_3 masked %and3A_775 {add = true} : memref<8192xf32, #tpu.memory_space<vmem>>[vector<16xi32>], vector<16xf32>, vector<16xi1>
      %reduce_sum3A_783 = arith.constant true
      %reduce_sum3A_784 = vector.broadcast %reduce_sum3A_783 : i1 to vector<16xi1>
      %reduce_sum3A_785 = tpu.scan <sum>, %convert_element_type3A_776 masked %reduce_sum3A_784 : vector<16xi32>, vector<16xi1> -> vector<16xi32>
      %reduce_sum3A_786 = vector.extract %reduce_sum3A_785[15] : i32 from vector<16xi32>
      %add3A_787 = arith.addi %add3A_760, %reduce_sum3A_786 : i32
      %get3A_788 = arith.constant 2 : i32
      %get3A_789 = arith.index_cast %get3A_788 : i32 to index
      %get3A_790 = arith.constant 48 : index
      %get3A_791 = tpu.vector_load %arg11[%get3A_789, %get3A_790] {strides = array<i32>} : memref<4x128xi32, #tpu.memory_space<vmem>>, vector<16xi32>,
      %get3A_792 = arith.constant 2 : i32
      %get3A_793 = arith.index_cast %get3A_792 : i32 to index
      %get3A_794 = arith.constant 48 : index
      %get3A_795 = tpu.vector_load %arg12[%get3A_793, %get3A_794] {strides = array<i32>} : memref<4x128xi32, #tpu.memory_space<vmem>>, vector<16xi32>,
      %ge3A_796 = arith.constant 0 : i32
      %ge3A_797 = vector.broadcast %ge3A_796 : i32 to vector<16xi32>
      %ge3A_798 = arith.cmpi sge, %get3A_791, %ge3A_797 : vector<16xi32>
      %ge3A_799 = arith.constant 0 : i32
      %ge3A_800 = vector.broadcast %ge3A_799 : i32 to vector<16xi32>
      %ge3A_801 = arith.cmpi sge, %get3A_795, %ge3A_800 : vector<16xi32>
      %and3A_802 = arith.andi %ge3A_798, %ge3A_801 : vector<16xi1>
      %convert_element_type3A_803 = arith.extui %and3A_802 : vector<16xi1> to vector<16xi32>
      %broadcast_in_dim3A_804 = arith.constant true
      %broadcast_in_dim3A_805 = vector.broadcast %broadcast_in_dim3A_804 : i1 to vector<16xi1>
      %masked_cumsum3A_806 = tpu.scan <sum>, %convert_element_type3A_803 masked %broadcast_in_dim3A_805 : vector<16xi32>, vector<16xi1> -> vector<16xi32>
      %add3A_807 = vector.broadcast %add3A_787 : i32 to vector<16xi32>
      %add3A_808 = arith.addi %add3A_807, %masked_cumsum3A_806 : vector<16xi32>
      %sub3A_809 = arith.subi %add3A_808, %convert_element_type3A_803 : vector<16xi32>
      tpu.vector_store_idx %arg13[%sub3A_809], %get3A_791 masked %and3A_802 : memref<25984xi32, #tpu.memory_space<vmem>>[vector<16xi32>], vector<16xi32>, vector<16xi1>
      tpu.vector_store_idx %arg14[%sub3A_809], %get3A_795 masked %and3A_802 : memref<25984xi32, #tpu.memory_space<vmem>>[vector<16xi32>], vector<16xi32>, vector<16xi1>
      tpu.vector_store_idx %arg15[%get3A_795], %broadcast_in_dim3A_3 masked %and3A_802 {add = true} : memref<8192xf32, #tpu.memory_space<vmem>>[vector<16xi32>], vector<16xf32>, vector<16xi1>
      %reduce_sum3A_810 = arith.constant true
      %reduce_sum3A_811 = vector.broadcast %reduce_sum3A_810 : i1 to vector<16xi1>
      %reduce_sum3A_812 = tpu.scan <sum>, %convert_element_type3A_803 masked %reduce_sum3A_811 : vector<16xi32>, vector<16xi1> -> vector<16xi32>
      %reduce_sum3A_813 = vector.extract %reduce_sum3A_812[15] : i32 from vector<16xi32>
      %add3A_814 = arith.addi %add3A_787, %reduce_sum3A_813 : i32
      %get3A_815 = arith.constant 2 : i32
      %get3A_816 = arith.index_cast %get3A_815 : i32 to index
      %get3A_817 = arith.constant 64 : index
      %get3A_818 = tpu.vector_load %arg11[%get3A_816, %get3A_817] {strides = array<i32>} : memref<4x128xi32, #tpu.memory_space<vmem>>, vector<16xi32>,
      %get3A_819 = arith.constant 2 : i32
      %get3A_820 = arith.index_cast %get3A_819 : i32 to index
      %get3A_821 = arith.constant 64 : index
      %get3A_822 = tpu.vector_load %arg12[%get3A_820, %get3A_821] {strides = array<i32>} : memref<4x128xi32, #tpu.memory_space<vmem>>, vector<16xi32>,
      %ge3A_823 = arith.constant 0 : i32
      %ge3A_824 = vector.broadcast %ge3A_823 : i32 to vector<16xi32>
      %ge3A_825 = arith.cmpi sge, %get3A_818, %ge3A_824 : vector<16xi32>
      %ge3A_826 = arith.constant 0 : i32
      %ge3A_827 = vector.broadcast %ge3A_826 : i32 to vector<16xi32>
      %ge3A_828 = arith.cmpi sge, %get3A_822, %ge3A_827 : vector<16xi32>
      %and3A_829 = arith.andi %ge3A_825, %ge3A_828 : vector<16xi1>
      %convert_element_type3A_830 = arith.extui %and3A_829 : vector<16xi1> to vector<16xi32>
      %broadcast_in_dim3A_831 = arith.constant true
      %broadcast_in_dim3A_832 = vector.broadcast %broadcast_in_dim3A_831 : i1 to vector<16xi1>
      %masked_cumsum3A_833 = tpu.scan <sum>, %convert_element_type3A_830 masked %broadcast_in_dim3A_832 : vector<16xi32>, vector<16xi1> -> vector<16xi32>
      %add3A_834 = vector.broadcast %add3A_814 : i32 to vector<16xi32>
      %add3A_835 = arith.addi %add3A_834, %masked_cumsum3A_833 : vector<16xi32>
      %sub3A_836 = arith.subi %add3A_835, %convert_element_type3A_830 : vector<16xi32>
      tpu.vector_store_idx %arg13[%sub3A_836], %get3A_818 masked %and3A_829 : memref<25984xi32, #tpu.memory_space<vmem>>[vector<16xi32>], vector<16xi32>, vector<16xi1>
      tpu.vector_store_idx %arg14[%sub3A_836], %get3A_822 masked %and3A_829 : memref<25984xi32, #tpu.memory_space<vmem>>[vector<16xi32>], vector<16xi32>, vector<16xi1>
      tpu.vector_store_idx %arg15[%get3A_822], %broadcast_in_dim3A_3 masked %and3A_829 {add = true} : memref<8192xf32, #tpu.memory_space<vmem>>[vector<16xi32>], vector<16xf32>, vector<16xi1>
      %reduce_sum3A_837 = arith.constant true
      %reduce_sum3A_838 = vector.broadcast %reduce_sum3A_837 : i1 to vector<16xi1>
      %reduce_sum3A_839 = tpu.scan <sum>, %convert_element_type3A_830 masked %reduce_sum3A_838 : vector<16xi32>, vector<16xi1> -> vector<16xi32>
      %reduce_sum3A_840 = vector.extract %reduce_sum3A_839[15] : i32 from vector<16xi32>
      %add3A_841 = arith.addi %add3A_814, %reduce_sum3A_840 : i32
      %get3A_842 = arith.constant 2 : i32
      %get3A_843 = arith.index_cast %get3A_842 : i32 to index
      %get3A_844 = arith.constant 80 : index
      %get3A_845 = tpu.vector_load %arg11[%get3A_843, %get3A_844] {strides = array<i32>} : memref<4x128xi32, #tpu.memory_space<vmem>>, vector<16xi32>,
      %get3A_846 = arith.constant 2 : i32
      %get3A_847 = arith.index_cast %get3A_846 : i32 to index
      %get3A_848 = arith.constant 80 : index
      %get3A_849 = tpu.vector_load %arg12[%get3A_847, %get3A_848] {strides = array<i32>} : memref<4x128xi32, #tpu.memory_space<vmem>>, vector<16xi32>,
      %ge3A_850 = arith.constant 0 : i32
      %ge3A_851 = vector.broadcast %ge3A_850 : i32 to vector<16xi32>
      %ge3A_852 = arith.cmpi sge, %get3A_845, %ge3A_851 : vector<16xi32>
      %ge3A_853 = arith.constant 0 : i32
      %ge3A_854 = vector.broadcast %ge3A_853 : i32 to vector<16xi32>
      %ge3A_855 = arith.cmpi sge, %get3A_849, %ge3A_854 : vector<16xi32>
      %and3A_856 = arith.andi %ge3A_852, %ge3A_855 : vector<16xi1>
      %convert_element_type3A_857 = arith.extui %and3A_856 : vector<16xi1> to vector<16xi32>
      %broadcast_in_dim3A_858 = arith.constant true
      %broadcast_in_dim3A_859 = vector.broadcast %broadcast_in_dim3A_858 : i1 to vector<16xi1>
      %masked_cumsum3A_860 = tpu.scan <sum>, %convert_element_type3A_857 masked %broadcast_in_dim3A_859 : vector<16xi32>, vector<16xi1> -> vector<16xi32>
      %add3A_861 = vector.broadcast %add3A_841 : i32 to vector<16xi32>
      %add3A_862 = arith.addi %add3A_861, %masked_cumsum3A_860 : vector<16xi32>
      %sub3A_863 = arith.subi %add3A_862, %convert_element_type3A_857 : vector<16xi32>
      tpu.vector_store_idx %arg13[%sub3A_863], %get3A_845 masked %and3A_856 : memref<25984xi32, #tpu.memory_space<vmem>>[vector<16xi32>], vector<16xi32>, vector<16xi1>
      tpu.vector_store_idx %arg14[%sub3A_863], %get3A_849 masked %and3A_856 : memref<25984xi32, #tpu.memory_space<vmem>>[vector<16xi32>], vector<16xi32>, vector<16xi1>
      tpu.vector_store_idx %arg15[%get3A_849], %broadcast_in_dim3A_3 masked %and3A_856 {add = true} : memref<8192xf32, #tpu.memory_space<vmem>>[vector<16xi32>], vector<16xf32>, vector<16xi1>
      %reduce_sum3A_864 = arith.constant true
      %reduce_sum3A_865 = vector.broadcast %reduce_sum3A_864 : i1 to vector<16xi1>
      %reduce_sum3A_866 = tpu.scan <sum>, %convert_element_type3A_857 masked %reduce_sum3A_865 : vector<16xi32>, vector<16xi1> -> vector<16xi32>
      %reduce_sum3A_867 = vector.extract %reduce_sum3A_866[15] : i32 from vector<16xi32>
      %add3A_868 = arith.addi %add3A_841, %reduce_sum3A_867 : i32
      %get3A_869 = arith.constant 2 : i32
      %get3A_870 = arith.index_cast %get3A_869 : i32 to index
      %get3A_871 = arith.constant 96 : index
      %get3A_872 = tpu.vector_load %arg11[%get3A_870, %get3A_871] {strides = array<i32>} : memref<4x128xi32, #tpu.memory_space<vmem>>, vector<16xi32>,
      %get3A_873 = arith.constant 2 : i32
      %get3A_874 = arith.index_cast %get3A_873 : i32 to index
      %get3A_875 = arith.constant 96 : index
      %get3A_876 = tpu.vector_load %arg12[%get3A_874, %get3A_875] {strides = array<i32>} : memref<4x128xi32, #tpu.memory_space<vmem>>, vector<16xi32>,
      %ge3A_877 = arith.constant 0 : i32
      %ge3A_878 = vector.broadcast %ge3A_877 : i32 to vector<16xi32>
      %ge3A_879 = arith.cmpi sge, %get3A_872, %ge3A_878 : vector<16xi32>
      %ge3A_880 = arith.constant 0 : i32
      %ge3A_881 = vector.broadcast %ge3A_880 : i32 to vector<16xi32>
      %ge3A_882 = arith.cmpi sge, %get3A_876, %ge3A_881 : vector<16xi32>
      %and3A_883 = arith.andi %ge3A_879, %ge3A_882 : vector<16xi1>
      %convert_element_type3A_884 = arith.extui %and3A_883 : vector<16xi1> to vector<16xi32>
      %broadcast_in_dim3A_885 = arith.constant true
      %broadcast_in_dim3A_886 = vector.broadcast %broadcast_in_dim3A_885 : i1 to vector<16xi1>
      %masked_cumsum3A_887 = tpu.scan <sum>, %convert_element_type3A_884 masked %broadcast_in_dim3A_886 : vector<16xi32>, vector<16xi1> -> vector<16xi32>
      %add3A_888 = vector.broadcast %add3A_868 : i32 to vector<16xi32>
      %add3A_889 = arith.addi %add3A_888, %masked_cumsum3A_887 : vector<16xi32>
      %sub3A_890 = arith.subi %add3A_889, %convert_element_type3A_884 : vector<16xi32>
      tpu.vector_store_idx %arg13[%sub3A_890], %get3A_872 masked %and3A_883 : memref<25984xi32, #tpu.memory_space<vmem>>[vector<16xi32>], vector<16xi32>, vector<16xi1>
      tpu.vector_store_idx %arg14[%sub3A_890], %get3A_876 masked %and3A_883 : memref<25984xi32, #tpu.memory_space<vmem>>[vector<16xi32>], vector<16xi32>, vector<16xi1>
      tpu.vector_store_idx %arg15[%get3A_876], %broadcast_in_dim3A_3 masked %and3A_883 {add = true} : memref<8192xf32, #tpu.memory_space<vmem>>[vector<16xi32>], vector<16xf32>, vector<16xi1>
      %reduce_sum3A_891 = arith.constant true
      %reduce_sum3A_892 = vector.broadcast %reduce_sum3A_891 : i1 to vector<16xi1>
      %reduce_sum3A_893 = tpu.scan <sum>, %convert_element_type3A_884 masked %reduce_sum3A_892 : vector<16xi32>, vector<16xi1> -> vector<16xi32>
      %reduce_sum3A_894 = vector.extract %reduce_sum3A_893[15] : i32 from vector<16xi32>
      %add3A_895 = arith.addi %add3A_868, %reduce_sum3A_894 : i32
      %get3A_896 = arith.constant 2 : i32
      %get3A_897 = arith.index_cast %get3A_896 : i32 to index
      %get3A_898 = arith.constant 112 : index
      %get3A_899 = tpu.vector_load %arg11[%get3A_897, %get3A_898] {strides = array<i32>} : memref<4x128xi32, #tpu.memory_space<vmem>>, vector<16xi32>,
      %get3A_900 = arith.constant 2 : i32
      %get3A_901 = arith.index_cast %get3A_900 : i32 to index
      %get3A_902 = arith.constant 112 : index
      %get3A_903 = tpu.vector_load %arg12[%get3A_901, %get3A_902] {strides = array<i32>} : memref<4x128xi32, #tpu.memory_space<vmem>>, vector<16xi32>,
      %ge3A_904 = arith.constant 0 : i32
      %ge3A_905 = vector.broadcast %ge3A_904 : i32 to vector<16xi32>
      %ge3A_906 = arith.cmpi sge, %get3A_899, %ge3A_905 : vector<16xi32>
      %ge3A_907 = arith.constant 0 : i32
      %ge3A_908 = vector.broadcast %ge3A_907 : i32 to vector<16xi32>
      %ge3A_909 = arith.cmpi sge, %get3A_903, %ge3A_908 : vector<16xi32>
      %and3A_910 = arith.andi %ge3A_906, %ge3A_909 : vector<16xi1>
      %convert_element_type3A_911 = arith.extui %and3A_910 : vector<16xi1> to vector<16xi32>
      %broadcast_in_dim3A_912 = arith.constant true
      %broadcast_in_dim3A_913 = vector.broadcast %broadcast_in_dim3A_912 : i1 to vector<16xi1>
      %masked_cumsum3A_914 = tpu.scan <sum>, %convert_element_type3A_911 masked %broadcast_in_dim3A_913 : vector<16xi32>, vector<16xi1> -> vector<16xi32>
      %add3A_915 = vector.broadcast %add3A_895 : i32 to vector<16xi32>
      %add3A_916 = arith.addi %add3A_915, %masked_cumsum3A_914 : vector<16xi32>
      %sub3A_917 = arith.subi %add3A_916, %convert_element_type3A_911 : vector<16xi32>
      tpu.vector_store_idx %arg13[%sub3A_917], %get3A_899 masked %and3A_910 : memref<25984xi32, #tpu.memory_space<vmem>>[vector<16xi32>], vector<16xi32>, vector<16xi1>
      tpu.vector_store_idx %arg14[%sub3A_917], %get3A_903 masked %and3A_910 : memref<25984xi32, #tpu.memory_space<vmem>>[vector<16xi32>], vector<16xi32>, vector<16xi1>
      tpu.vector_store_idx %arg15[%get3A_903], %broadcast_in_dim3A_3 masked %and3A_910 {add = true} : memref<8192xf32, #tpu.memory_space<vmem>>[vector<16xi32>], vector<16xf32>, vector<16xi1>
      %reduce_sum3A_918 = arith.constant true
      %reduce_sum3A_919 = vector.broadcast %reduce_sum3A_918 : i1 to vector<16xi1>
      %reduce_sum3A_920 = tpu.scan <sum>, %convert_element_type3A_911 masked %reduce_sum3A_919 : vector<16xi32>, vector<16xi1> -> vector<16xi32>
      %reduce_sum3A_921 = vector.extract %reduce_sum3A_920[15] : i32 from vector<16xi32>
      %add3A_922 = arith.addi %add3A_895, %reduce_sum3A_921 : i32
      %get3A_923 = arith.constant 3 : i32
      %get3A_924 = arith.index_cast %get3A_923 : i32 to index
      %get3A_925 = arith.constant 0 : index
      %get3A_926 = tpu.vector_load %arg11[%get3A_924, %get3A_925] {strides = array<i32>} : memref<4x128xi32, #tpu.memory_space<vmem>>, vector<16xi32>,
      %get3A_927 = arith.constant 3 : i32
      %get3A_928 = arith.index_cast %get3A_927 : i32 to index
      %get3A_929 = arith.constant 0 : index
      %get3A_930 = tpu.vector_load %arg12[%get3A_928, %get3A_929] {strides = array<i32>} : memref<4x128xi32, #tpu.memory_space<vmem>>, vector<16xi32>,
      %ge3A_931 = arith.constant 0 : i32
      %ge3A_932 = vector.broadcast %ge3A_931 : i32 to vector<16xi32>
      %ge3A_933 = arith.cmpi sge, %get3A_926, %ge3A_932 : vector<16xi32>
      %ge3A_934 = arith.constant 0 : i32
      %ge3A_935 = vector.broadcast %ge3A_934 : i32 to vector<16xi32>
      %ge3A_936 = arith.cmpi sge, %get3A_930, %ge3A_935 : vector<16xi32>
      %and3A_937 = arith.andi %ge3A_933, %ge3A_936 : vector<16xi1>
      %convert_element_type3A_938 = arith.extui %and3A_937 : vector<16xi1> to vector<16xi32>
      %broadcast_in_dim3A_939 = arith.constant true
      %broadcast_in_dim3A_940 = vector.broadcast %broadcast_in_dim3A_939 : i1 to vector<16xi1>
      %masked_cumsum3A_941 = tpu.scan <sum>, %convert_element_type3A_938 masked %broadcast_in_dim3A_940 : vector<16xi32>, vector<16xi1> -> vector<16xi32>
      %add3A_942 = vector.broadcast %add3A_922 : i32 to vector<16xi32>
      %add3A_943 = arith.addi %add3A_942, %masked_cumsum3A_941 : vector<16xi32>
      %sub3A_944 = arith.subi %add3A_943, %convert_element_type3A_938 : vector<16xi32>
      tpu.vector_store_idx %arg13[%sub3A_944], %get3A_926 masked %and3A_937 : memref<25984xi32, #tpu.memory_space<vmem>>[vector<16xi32>], vector<16xi32>, vector<16xi1>
      tpu.vector_store_idx %arg14[%sub3A_944], %get3A_930 masked %and3A_937 : memref<25984xi32, #tpu.memory_space<vmem>>[vector<16xi32>], vector<16xi32>, vector<16xi1>
      tpu.vector_store_idx %arg15[%get3A_930], %broadcast_in_dim3A_3 masked %and3A_937 {add = true} : memref<8192xf32, #tpu.memory_space<vmem>>[vector<16xi32>], vector<16xf32>, vector<16xi1>
      %reduce_sum3A_945 = arith.constant true
      %reduce_sum3A_946 = vector.broadcast %reduce_sum3A_945 : i1 to vector<16xi1>
      %reduce_sum3A_947 = tpu.scan <sum>, %convert_element_type3A_938 masked %reduce_sum3A_946 : vector<16xi32>, vector<16xi1> -> vector<16xi32>
      %reduce_sum3A_948 = vector.extract %reduce_sum3A_947[15] : i32 from vector<16xi32>
      %add3A_949 = arith.addi %add3A_922, %reduce_sum3A_948 : i32
      %get3A_950 = arith.constant 3 : i32
      %get3A_951 = arith.index_cast %get3A_950 : i32 to index
      %get3A_952 = arith.constant 16 : index
      %get3A_953 = tpu.vector_load %arg11[%get3A_951, %get3A_952] {strides = array<i32>} : memref<4x128xi32, #tpu.memory_space<vmem>>, vector<16xi32>,
      %get3A_954 = arith.constant 3 : i32
      %get3A_955 = arith.index_cast %get3A_954 : i32 to index
      %get3A_956 = arith.constant 16 : index
      %get3A_957 = tpu.vector_load %arg12[%get3A_955, %get3A_956] {strides = array<i32>} : memref<4x128xi32, #tpu.memory_space<vmem>>, vector<16xi32>,
      %ge3A_958 = arith.constant 0 : i32
      %ge3A_959 = vector.broadcast %ge3A_958 : i32 to vector<16xi32>
      %ge3A_960 = arith.cmpi sge, %get3A_953, %ge3A_959 : vector<16xi32>
      %ge3A_961 = arith.constant 0 : i32
      %ge3A_962 = vector.broadcast %ge3A_961 : i32 to vector<16xi32>
      %ge3A_963 = arith.cmpi sge, %get3A_957, %ge3A_962 : vector<16xi32>
      %and3A_964 = arith.andi %ge3A_960, %ge3A_963 : vector<16xi1>
      %convert_element_type3A_965 = arith.extui %and3A_964 : vector<16xi1> to vector<16xi32>
      %broadcast_in_dim3A_966 = arith.constant true
      %broadcast_in_dim3A_967 = vector.broadcast %broadcast_in_dim3A_966 : i1 to vector<16xi1>
      %masked_cumsum3A_968 = tpu.scan <sum>, %convert_element_type3A_965 masked %broadcast_in_dim3A_967 : vector<16xi32>, vector<16xi1> -> vector<16xi32>
      %add3A_969 = vector.broadcast %add3A_949 : i32 to vector<16xi32>
      %add3A_970 = arith.addi %add3A_969, %masked_cumsum3A_968 : vector<16xi32>
      %sub3A_971 = arith.subi %add3A_970, %convert_element_type3A_965 : vector<16xi32>
      tpu.vector_store_idx %arg13[%sub3A_971], %get3A_953 masked %and3A_964 : memref<25984xi32, #tpu.memory_space<vmem>>[vector<16xi32>], vector<16xi32>, vector<16xi1>
      tpu.vector_store_idx %arg14[%sub3A_971], %get3A_957 masked %and3A_964 : memref<25984xi32, #tpu.memory_space<vmem>>[vector<16xi32>], vector<16xi32>, vector<16xi1>
      tpu.vector_store_idx %arg15[%get3A_957], %broadcast_in_dim3A_3 masked %and3A_964 {add = true} : memref<8192xf32, #tpu.memory_space<vmem>>[vector<16xi32>], vector<16xf32>, vector<16xi1>
      %reduce_sum3A_972 = arith.constant true
      %reduce_sum3A_973 = vector.broadcast %reduce_sum3A_972 : i1 to vector<16xi1>
      %reduce_sum3A_974 = tpu.scan <sum>, %convert_element_type3A_965 masked %reduce_sum3A_973 : vector<16xi32>, vector<16xi1> -> vector<16xi32>
      %reduce_sum3A_975 = vector.extract %reduce_sum3A_974[15] : i32 from vector<16xi32>
      %add3A_976 = arith.addi %add3A_949, %reduce_sum3A_975 : i32
      %get3A_977 = arith.constant 3 : i32
      %get3A_978 = arith.index_cast %get3A_977 : i32 to index
      %get3A_979 = arith.constant 32 : index
      %get3A_980 = tpu.vector_load %arg11[%get3A_978, %get3A_979] {strides = array<i32>} : memref<4x128xi32, #tpu.memory_space<vmem>>, vector<16xi32>,
      %get3A_981 = arith.constant 3 : i32
      %get3A_982 = arith.index_cast %get3A_981 : i32 to index
      %get3A_983 = arith.constant 32 : index
      %get3A_984 = tpu.vector_load %arg12[%get3A_982, %get3A_983] {strides = array<i32>} : memref<4x128xi32, #tpu.memory_space<vmem>>, vector<16xi32>,
      %ge3A_985 = arith.constant 0 : i32
      %ge3A_986 = vector.broadcast %ge3A_985 : i32 to vector<16xi32>
      %ge3A_987 = arith.cmpi sge, %get3A_980, %ge3A_986 : vector<16xi32>
      %ge3A_988 = arith.constant 0 : i32
      %ge3A_989 = vector.broadcast %ge3A_988 : i32 to vector<16xi32>
      %ge3A_990 = arith.cmpi sge, %get3A_984, %ge3A_989 : vector<16xi32>
      %and3A_991 = arith.andi %ge3A_987, %ge3A_990 : vector<16xi1>
      %convert_element_type3A_992 = arith.extui %and3A_991 : vector<16xi1> to vector<16xi32>
      %broadcast_in_dim3A_993 = arith.constant true
      %broadcast_in_dim3A_994 = vector.broadcast %broadcast_in_dim3A_993 : i1 to vector<16xi1>
      %masked_cumsum3A_995 = tpu.scan <sum>, %convert_element_type3A_992 masked %broadcast_in_dim3A_994 : vector<16xi32>, vector<16xi1> -> vector<16xi32>
      %add3A_996 = vector.broadcast %add3A_976 : i32 to vector<16xi32>
      %add3A_997 = arith.addi %add3A_996, %masked_cumsum3A_995 : vector<16xi32>
      %sub3A_998 = arith.subi %add3A_997, %convert_element_type3A_992 : vector<16xi32>
      tpu.vector_store_idx %arg13[%sub3A_998], %get3A_980 masked %and3A_991 : memref<25984xi32, #tpu.memory_space<vmem>>[vector<16xi32>], vector<16xi32>, vector<16xi1>
      tpu.vector_store_idx %arg14[%sub3A_998], %get3A_984 masked %and3A_991 : memref<25984xi32, #tpu.memory_space<vmem>>[vector<16xi32>], vector<16xi32>, vector<16xi1>
      tpu.vector_store_idx %arg15[%get3A_984], %broadcast_in_dim3A_3 masked %and3A_991 {add = true} : memref<8192xf32, #tpu.memory_space<vmem>>[vector<16xi32>], vector<16xf32>, vector<16xi1>
      %reduce_sum3A_999 = arith.constant true
      %reduce_sum3A_1000 = vector.broadcast %reduce_sum3A_999 : i1 to vector<16xi1>
      %reduce_sum3A_1001 = tpu.scan <sum>, %convert_element_type3A_992 masked %reduce_sum3A_1000 : vector<16xi32>, vector<16xi1> -> vector<16xi32>
      %reduce_sum3A_1002 = vector.extract %reduce_sum3A_1001[15] : i32 from vector<16xi32>
      %add3A_1003 = arith.addi %add3A_976, %reduce_sum3A_1002 : i32
      %get3A_1004 = arith.constant 3 : i32
      %get3A_1005 = arith.index_cast %get3A_1004 : i32 to index
      %get3A_1006 = arith.constant 48 : index
      %get3A_1007 = tpu.vector_load %arg11[%get3A_1005, %get3A_1006] {strides = array<i32>} : memref<4x128xi32, #tpu.memory_space<vmem>>, vector<16xi32>,
      %get3A_1008 = arith.constant 3 : i32
      %get3A_1009 = arith.index_cast %get3A_1008 : i32 to index
      %get3A_1010 = arith.constant 48 : index
      %get3A_1011 = tpu.vector_load %arg12[%get3A_1009, %get3A_1010] {strides = array<i32>} : memref<4x128xi32, #tpu.memory_space<vmem>>, vector<16xi32>,
      %ge3A_1012 = arith.constant 0 : i32
      %ge3A_1013 = vector.broadcast %ge3A_1012 : i32 to vector<16xi32>
      %ge3A_1014 = arith.cmpi sge, %get3A_1007, %ge3A_1013 : vector<16xi32>
      %ge3A_1015 = arith.constant 0 : i32
      %ge3A_1016 = vector.broadcast %ge3A_1015 : i32 to vector<16xi32>
      %ge3A_1017 = arith.cmpi sge, %get3A_1011, %ge3A_1016 : vector<16xi32>
      %and3A_1018 = arith.andi %ge3A_1014, %ge3A_1017 : vector<16xi1>
      %convert_element_type3A_1019 = arith.extui %and3A_1018 : vector<16xi1> to vector<16xi32>
      %broadcast_in_dim3A_1020 = arith.constant true
      %broadcast_in_dim3A_1021 = vector.broadcast %broadcast_in_dim3A_1020 : i1 to vector<16xi1>
      %masked_cumsum3A_1022 = tpu.scan <sum>, %convert_element_type3A_1019 masked %broadcast_in_dim3A_1021 : vector<16xi32>, vector<16xi1> -> vector<16xi32>
      %add3A_1023 = vector.broadcast %add3A_1003 : i32 to vector<16xi32>
      %add3A_1024 = arith.addi %add3A_1023, %masked_cumsum3A_1022 : vector<16xi32>
      %sub3A_1025 = arith.subi %add3A_1024, %convert_element_type3A_1019 : vector<16xi32>
      tpu.vector_store_idx %arg13[%sub3A_1025], %get3A_1007 masked %and3A_1018 : memref<25984xi32, #tpu.memory_space<vmem>>[vector<16xi32>], vector<16xi32>, vector<16xi1>
      tpu.vector_store_idx %arg14[%sub3A_1025], %get3A_1011 masked %and3A_1018 : memref<25984xi32, #tpu.memory_space<vmem>>[vector<16xi32>], vector<16xi32>, vector<16xi1>
      tpu.vector_store_idx %arg15[%get3A_1011], %broadcast_in_dim3A_3 masked %and3A_1018 {add = true} : memref<8192xf32, #tpu.memory_space<vmem>>[vector<16xi32>], vector<16xf32>, vector<16xi1>
      %reduce_sum3A_1026 = arith.constant true
      %reduce_sum3A_1027 = vector.broadcast %reduce_sum3A_1026 : i1 to vector<16xi1>
      %reduce_sum3A_1028 = tpu.scan <sum>, %convert_element_type3A_1019 masked %reduce_sum3A_1027 : vector<16xi32>, vector<16xi1> -> vector<16xi32>
      %reduce_sum3A_1029 = vector.extract %reduce_sum3A_1028[15] : i32 from vector<16xi32>
      %add3A_1030 = arith.addi %add3A_1003, %reduce_sum3A_1029 : i32
      %get3A_1031 = arith.constant 3 : i32
      %get3A_1032 = arith.index_cast %get3A_1031 : i32 to index
      %get3A_1033 = arith.constant 64 : index
      %get3A_1034 = tpu.vector_load %arg11[%get3A_1032, %get3A_1033] {strides = array<i32>} : memref<4x128xi32, #tpu.memory_space<vmem>>, vector<16xi32>,
      %get3A_1035 = arith.constant 3 : i32
      %get3A_1036 = arith.index_cast %get3A_1035 : i32 to index
      %get3A_1037 = arith.constant 64 : index
      %get3A_1038 = tpu.vector_load %arg12[%get3A_1036, %get3A_1037] {strides = array<i32>} : memref<4x128xi32, #tpu.memory_space<vmem>>, vector<16xi32>,
      %ge3A_1039 = arith.constant 0 : i32
      %ge3A_1040 = vector.broadcast %ge3A_1039 : i32 to vector<16xi32>
      %ge3A_1041 = arith.cmpi sge, %get3A_1034, %ge3A_1040 : vector<16xi32>
      %ge3A_1042 = arith.constant 0 : i32
      %ge3A_1043 = vector.broadcast %ge3A_1042 : i32 to vector<16xi32>
      %ge3A_1044 = arith.cmpi sge, %get3A_1038, %ge3A_1043 : vector<16xi32>
      %and3A_1045 = arith.andi %ge3A_1041, %ge3A_1044 : vector<16xi1>
      %convert_element_type3A_1046 = arith.extui %and3A_1045 : vector<16xi1> to vector<16xi32>
      %broadcast_in_dim3A_1047 = arith.constant true
      %broadcast_in_dim3A_1048 = vector.broadcast %broadcast_in_dim3A_1047 : i1 to vector<16xi1>
      %masked_cumsum3A_1049 = tpu.scan <sum>, %convert_element_type3A_1046 masked %broadcast_in_dim3A_1048 : vector<16xi32>, vector<16xi1> -> vector<16xi32>
      %add3A_1050 = vector.broadcast %add3A_1030 : i32 to vector<16xi32>
      %add3A_1051 = arith.addi %add3A_1050, %masked_cumsum3A_1049 : vector<16xi32>
      %sub3A_1052 = arith.subi %add3A_1051, %convert_element_type3A_1046 : vector<16xi32>
      tpu.vector_store_idx %arg13[%sub3A_1052], %get3A_1034 masked %and3A_1045 : memref<25984xi32, #tpu.memory_space<vmem>>[vector<16xi32>], vector<16xi32>, vector<16xi1>
      tpu.vector_store_idx %arg14[%sub3A_1052], %get3A_1038 masked %and3A_1045 : memref<25984xi32, #tpu.memory_space<vmem>>[vector<16xi32>], vector<16xi32>, vector<16xi1>
      tpu.vector_store_idx %arg15[%get3A_1038], %broadcast_in_dim3A_3 masked %and3A_1045 {add = true} : memref<8192xf32, #tpu.memory_space<vmem>>[vector<16xi32>], vector<16xf32>, vector<16xi1>
      %reduce_sum3A_1053 = arith.constant true
      %reduce_sum3A_1054 = vector.broadcast %reduce_sum3A_1053 : i1 to vector<16xi1>
      %reduce_sum3A_1055 = tpu.scan <sum>, %convert_element_type3A_1046 masked %reduce_sum3A_1054 : vector<16xi32>, vector<16xi1> -> vector<16xi32>
      %reduce_sum3A_1056 = vector.extract %reduce_sum3A_1055[15] : i32 from vector<16xi32>
      %add3A_1057 = arith.addi %add3A_1030, %reduce_sum3A_1056 : i32
      %get3A_1058 = arith.constant 3 : i32
      %get3A_1059 = arith.index_cast %get3A_1058 : i32 to index
      %get3A_1060 = arith.constant 80 : index
      %get3A_1061 = tpu.vector_load %arg11[%get3A_1059, %get3A_1060] {strides = array<i32>} : memref<4x128xi32, #tpu.memory_space<vmem>>, vector<16xi32>,
      %get3A_1062 = arith.constant 3 : i32
      %get3A_1063 = arith.index_cast %get3A_1062 : i32 to index
      %get3A_1064 = arith.constant 80 : index
      %get3A_1065 = tpu.vector_load %arg12[%get3A_1063, %get3A_1064] {strides = array<i32>} : memref<4x128xi32, #tpu.memory_space<vmem>>, vector<16xi32>,
      %ge3A_1066 = arith.constant 0 : i32
      %ge3A_1067 = vector.broadcast %ge3A_1066 : i32 to vector<16xi32>
      %ge3A_1068 = arith.cmpi sge, %get3A_1061, %ge3A_1067 : vector<16xi32>
      %ge3A_1069 = arith.constant 0 : i32
      %ge3A_1070 = vector.broadcast %ge3A_1069 : i32 to vector<16xi32>
      %ge3A_1071 = arith.cmpi sge, %get3A_1065, %ge3A_1070 : vector<16xi32>
      %and3A_1072 = arith.andi %ge3A_1068, %ge3A_1071 : vector<16xi1>
      %convert_element_type3A_1073 = arith.extui %and3A_1072 : vector<16xi1> to vector<16xi32>
      %broadcast_in_dim3A_1074 = arith.constant true
      %broadcast_in_dim3A_1075 = vector.broadcast %broadcast_in_dim3A_1074 : i1 to vector<16xi1>
      %masked_cumsum3A_1076 = tpu.scan <sum>, %convert_element_type3A_1073 masked %broadcast_in_dim3A_1075 : vector<16xi32>, vector<16xi1> -> vector<16xi32>
      %add3A_1077 = vector.broadcast %add3A_1057 : i32 to vector<16xi32>
      %add3A_1078 = arith.addi %add3A_1077, %masked_cumsum3A_1076 : vector<16xi32>
      %sub3A_1079 = arith.subi %add3A_1078, %convert_element_type3A_1073 : vector<16xi32>
      tpu.vector_store_idx %arg13[%sub3A_1079], %get3A_1061 masked %and3A_1072 : memref<25984xi32, #tpu.memory_space<vmem>>[vector<16xi32>], vector<16xi32>, vector<16xi1>
      tpu.vector_store_idx %arg14[%sub3A_1079], %get3A_1065 masked %and3A_1072 : memref<25984xi32, #tpu.memory_space<vmem>>[vector<16xi32>], vector<16xi32>, vector<16xi1>
      tpu.vector_store_idx %arg15[%get3A_1065], %broadcast_in_dim3A_3 masked %and3A_1072 {add = true} : memref<8192xf32, #tpu.memory_space<vmem>>[vector<16xi32>], vector<16xf32>, vector<16xi1>
      %reduce_sum3A_1080 = arith.constant true
      %reduce_sum3A_1081 = vector.broadcast %reduce_sum3A_1080 : i1 to vector<16xi1>
      %reduce_sum3A_1082 = tpu.scan <sum>, %convert_element_type3A_1073 masked %reduce_sum3A_1081 : vector<16xi32>, vector<16xi1> -> vector<16xi32>
      %reduce_sum3A_1083 = vector.extract %reduce_sum3A_1082[15] : i32 from vector<16xi32>
      %add3A_1084 = arith.addi %add3A_1057, %reduce_sum3A_1083 : i32
      %get3A_1085 = arith.constant 3 : i32
      %get3A_1086 = arith.index_cast %get3A_1085 : i32 to index
      %get3A_1087 = arith.constant 96 : index
      %get3A_1088 = tpu.vector_load %arg11[%get3A_1086, %get3A_1087] {strides = array<i32>} : memref<4x128xi32, #tpu.memory_space<vmem>>, vector<16xi32>,
      %get3A_1089 = arith.constant 3 : i32
      %get3A_1090 = arith.index_cast %get3A_1089 : i32 to index
      %get3A_1091 = arith.constant 96 : index
      %get3A_1092 = tpu.vector_load %arg12[%get3A_1090, %get3A_1091] {strides = array<i32>} : memref<4x128xi32, #tpu.memory_space<vmem>>, vector<16xi32>,
      %ge3A_1093 = arith.constant 0 : i32
      %ge3A_1094 = vector.broadcast %ge3A_1093 : i32 to vector<16xi32>
      %ge3A_1095 = arith.cmpi sge, %get3A_1088, %ge3A_1094 : vector<16xi32>
      %ge3A_1096 = arith.constant 0 : i32
      %ge3A_1097 = vector.broadcast %ge3A_1096 : i32 to vector<16xi32>
      %ge3A_1098 = arith.cmpi sge, %get3A_1092, %ge3A_1097 : vector<16xi32>
      %and3A_1099 = arith.andi %ge3A_1095, %ge3A_1098 : vector<16xi1>
      %convert_element_type3A_1100 = arith.extui %and3A_1099 : vector<16xi1> to vector<16xi32>
      %broadcast_in_dim3A_1101 = arith.constant true
      %broadcast_in_dim3A_1102 = vector.broadcast %broadcast_in_dim3A_1101 : i1 to vector<16xi1>
      %masked_cumsum3A_1103 = tpu.scan <sum>, %convert_element_type3A_1100 masked %broadcast_in_dim3A_1102 : vector<16xi32>, vector<16xi1> -> vector<16xi32>
      %add3A_1104 = vector.broadcast %add3A_1084 : i32 to vector<16xi32>
      %add3A_1105 = arith.addi %add3A_1104, %masked_cumsum3A_1103 : vector<16xi32>
      %sub3A_1106 = arith.subi %add3A_1105, %convert_element_type3A_1100 : vector<16xi32>
      tpu.vector_store_idx %arg13[%sub3A_1106], %get3A_1088 masked %and3A_1099 : memref<25984xi32, #tpu.memory_space<vmem>>[vector<16xi32>], vector<16xi32>, vector<16xi1>
      tpu.vector_store_idx %arg14[%sub3A_1106], %get3A_1092 masked %and3A_1099 : memref<25984xi32, #tpu.memory_space<vmem>>[vector<16xi32>], vector<16xi32>, vector<16xi1>
      tpu.vector_store_idx %arg15[%get3A_1092], %broadcast_in_dim3A_3 masked %and3A_1099 {add = true} : memref<8192xf32, #tpu.memory_space<vmem>>[vector<16xi32>], vector<16xf32>, vector<16xi1>
      %reduce_sum3A_1107 = arith.constant true
      %reduce_sum3A_1108 = vector.broadcast %reduce_sum3A_1107 : i1 to vector<16xi1>
      %reduce_sum3A_1109 = tpu.scan <sum>, %convert_element_type3A_1100 masked %reduce_sum3A_1108 : vector<16xi32>, vector<16xi1> -> vector<16xi32>
      %reduce_sum3A_1110 = vector.extract %reduce_sum3A_1109[15] : i32 from vector<16xi32>
      %add3A_1111 = arith.addi %add3A_1084, %reduce_sum3A_1110 : i32
      %get3A_1112 = arith.constant 3 : i32
      %get3A_1113 = arith.index_cast %get3A_1112 : i32 to index
      %get3A_1114 = arith.constant 112 : index
      %get3A_1115 = tpu.vector_load %arg11[%get3A_1113, %get3A_1114] {strides = array<i32>} : memref<4x128xi32, #tpu.memory_space<vmem>>, vector<16xi32>,
      %get3A_1116 = arith.constant 3 : i32
      %get3A_1117 = arith.index_cast %get3A_1116 : i32 to index
      %get3A_1118 = arith.constant 112 : index
      %get3A_1119 = tpu.vector_load %arg12[%get3A_1117, %get3A_1118] {strides = array<i32>} : memref<4x128xi32, #tpu.memory_space<vmem>>, vector<16xi32>,
      %ge3A_1120 = arith.constant 0 : i32
      %ge3A_1121 = vector.broadcast %ge3A_1120 : i32 to vector<16xi32>
      %ge3A_1122 = arith.cmpi sge, %get3A_1115, %ge3A_1121 : vector<16xi32>
      %ge3A_1123 = arith.constant 0 : i32
      %ge3A_1124 = vector.broadcast %ge3A_1123 : i32 to vector<16xi32>
      %ge3A_1125 = arith.cmpi sge, %get3A_1119, %ge3A_1124 : vector<16xi32>
      %and3A_1126 = arith.andi %ge3A_1122, %ge3A_1125 : vector<16xi1>
      %convert_element_type3A_1127 = arith.extui %and3A_1126 : vector<16xi1> to vector<16xi32>
      %broadcast_in_dim3A_1128 = arith.constant true
      %broadcast_in_dim3A_1129 = vector.broadcast %broadcast_in_dim3A_1128 : i1 to vector<16xi1>
      %masked_cumsum3A_1130 = tpu.scan <sum>, %convert_element_type3A_1127 masked %broadcast_in_dim3A_1129 : vector<16xi32>, vector<16xi1> -> vector<16xi32>
      %add3A_1131 = vector.broadcast %add3A_1111 : i32 to vector<16xi32>
      %add3A_1132 = arith.addi %add3A_1131, %masked_cumsum3A_1130 : vector<16xi32>
      %sub3A_1133 = arith.subi %add3A_1132, %convert_element_type3A_1127 : vector<16xi32>
      tpu.vector_store_idx %arg13[%sub3A_1133], %get3A_1115 masked %and3A_1126 : memref<25984xi32, #tpu.memory_space<vmem>>[vector<16xi32>], vector<16xi32>, vector<16xi1>
      tpu.vector_store_idx %arg14[%sub3A_1133], %get3A_1119 masked %and3A_1126 : memref<25984xi32, #tpu.memory_space<vmem>>[vector<16xi32>], vector<16xi32>, vector<16xi1>
      tpu.vector_store_idx %arg15[%get3A_1119], %broadcast_in_dim3A_3 masked %and3A_1126 {add = true} : memref<8192xf32, #tpu.memory_space<vmem>>[vector<16xi32>], vector<16xf32>, vector<16xi1>
      %reduce_sum3A_1134 = arith.constant true
      %reduce_sum3A_1135 = vector.broadcast %reduce_sum3A_1134 : i1 to vector<16xi1>
      %reduce_sum3A_1136 = tpu.scan <sum>, %convert_element_type3A_1127 masked %reduce_sum3A_1135 : vector<16xi32>, vector<16xi1> -> vector<16xi32>
      %reduce_sum3A_1137 = vector.extract %reduce_sum3A_1136[15] : i32 from vector<16xi32>
      %add3A_1138 = arith.addi %add3A_1111, %reduce_sum3A_1137 : i32
      scf.yield %add3A_1138 : i32
    }
    %scan3A_25 = arith.constant 50 : i32
    %add3A_26 = arith.constant 0 : i32
    %add3A_27 = arith.addi %scan3A_24, %add3A_26 : i32
    %swap3A = arith.index_cast %add3A_27 : i32 to index
    %swap3A_28 = tpu.vector_load %arg13[%swap3A] {strides = array<i32>} : memref<25984xi32, #tpu.memory_space<vmem>>, vector<16xi32>,
    tpu.vector_store %arg13[%swap3A], %broadcast_in_dim3A_1 {strides = array<i32>} : memref<25984xi32, #tpu.memory_space<vmem>>, vector<16xi32>,
    %add3A_29 = arith.constant 0 : i32
    %add3A_30 = arith.addi %scan3A_24, %add3A_29 : i32
    %swap3A_31 = arith.index_cast %add3A_30 : i32 to index
    %swap3A_32 = tpu.vector_load %arg14[%swap3A_31] {strides = array<i32>} : memref<25984xi32, #tpu.memory_space<vmem>>, vector<16xi32>,
    tpu.vector_store %arg14[%swap3A_31], %broadcast_in_dim3A_1 {strides = array<i32>} : memref<25984xi32, #tpu.memory_space<vmem>>, vector<16xi32>,
    %add3A_33 = arith.constant 16 : i32
    %add3A_34 = arith.addi %scan3A_24, %add3A_33 : i32
    %swap3A_35 = arith.index_cast %add3A_34 : i32 to index
    %swap3A_36 = tpu.vector_load %arg13[%swap3A_35] {strides = array<i32>} : memref<25984xi32, #tpu.memory_space<vmem>>, vector<16xi32>,
    tpu.vector_store %arg13[%swap3A_35], %broadcast_in_dim3A_1 {strides = array<i32>} : memref<25984xi32, #tpu.memory_space<vmem>>, vector<16xi32>,
    %add3A_37 = arith.constant 16 : i32
    %add3A_38 = arith.addi %scan3A_24, %add3A_37 : i32
    %swap3A_39 = arith.index_cast %add3A_38 : i32 to index
    %swap3A_40 = tpu.vector_load %arg14[%swap3A_39] {strides = array<i32>} : memref<25984xi32, #tpu.memory_space<vmem>>, vector<16xi32>,
    tpu.vector_store %arg14[%swap3A_39], %broadcast_in_dim3A_1 {strides = array<i32>} : memref<25984xi32, #tpu.memory_space<vmem>>, vector<16xi32>,
    %add3A_41 = arith.constant 32 : i32
    %add3A_42 = arith.addi %scan3A_24, %add3A_41 : i32
    %swap3A_43 = arith.index_cast %add3A_42 : i32 to index
    %swap3A_44 = tpu.vector_load %arg13[%swap3A_43] {strides = array<i32>} : memref<25984xi32, #tpu.memory_space<vmem>>, vector<16xi32>,
    tpu.vector_store %arg13[%swap3A_43], %broadcast_in_dim3A_1 {strides = array<i32>} : memref<25984xi32, #tpu.memory_space<vmem>>, vector<16xi32>,
    %add3A_45 = arith.constant 32 : i32
    %add3A_46 = arith.addi %scan3A_24, %add3A_45 : i32
    %swap3A_47 = arith.index_cast %add3A_46 : i32 to index
    %swap3A_48 = tpu.vector_load %arg14[%swap3A_47] {strides = array<i32>} : memref<25984xi32, #tpu.memory_space<vmem>>, vector<16xi32>,
    tpu.vector_store %arg14[%swap3A_47], %broadcast_in_dim3A_1 {strides = array<i32>} : memref<25984xi32, #tpu.memory_space<vmem>>, vector<16xi32>,
    %add3A_49 = arith.constant 48 : i32
    %add3A_50 = arith.addi %scan3A_24, %add3A_49 : i32
    %swap3A_51 = arith.index_cast %add3A_50 : i32 to index
    %swap3A_52 = tpu.vector_load %arg13[%swap3A_51] {strides = array<i32>} : memref<25984xi32, #tpu.memory_space<vmem>>, vector<16xi32>,
    tpu.vector_store %arg13[%swap3A_51], %broadcast_in_dim3A_1 {strides = array<i32>} : memref<25984xi32, #tpu.memory_space<vmem>>, vector<16xi32>,
    %add3A_53 = arith.constant 48 : i32
    %add3A_54 = arith.addi %scan3A_24, %add3A_53 : i32
    %swap3A_55 = arith.index_cast %add3A_54 : i32 to index
    %swap3A_56 = tpu.vector_load %arg14[%swap3A_55] {strides = array<i32>} : memref<25984xi32, #tpu.memory_space<vmem>>, vector<16xi32>,
    tpu.vector_store %arg14[%swap3A_55], %broadcast_in_dim3A_1 {strides = array<i32>} : memref<25984xi32, #tpu.memory_space<vmem>>, vector<16xi32>,
    %add3A_57 = arith.constant 64 : i32
    %add3A_58 = arith.addi %scan3A_24, %add3A_57 : i32
    %swap3A_59 = arith.index_cast %add3A_58 : i32 to index
    %swap3A_60 = tpu.vector_load %arg13[%swap3A_59] {strides = array<i32>} : memref<25984xi32, #tpu.memory_space<vmem>>, vector<16xi32>,
    tpu.vector_store %arg13[%swap3A_59], %broadcast_in_dim3A_1 {strides = array<i32>} : memref<25984xi32, #tpu.memory_space<vmem>>, vector<16xi32>,
    %add3A_61 = arith.constant 64 : i32
    %add3A_62 = arith.addi %scan3A_24, %add3A_61 : i32
    %swap3A_63 = arith.index_cast %add3A_62 : i32 to index
    %swap3A_64 = tpu.vector_load %arg14[%swap3A_63] {strides = array<i32>} : memref<25984xi32, #tpu.memory_space<vmem>>, vector<16xi32>,
    tpu.vector_store %arg14[%swap3A_63], %broadcast_in_dim3A_1 {strides = array<i32>} : memref<25984xi32, #tpu.memory_space<vmem>>, vector<16xi32>,
    %add3A_65 = arith.constant 80 : i32
    %add3A_66 = arith.addi %scan3A_24, %add3A_65 : i32
    %swap3A_67 = arith.index_cast %add3A_66 : i32 to index
    %swap3A_68 = tpu.vector_load %arg13[%swap3A_67] {strides = array<i32>} : memref<25984xi32, #tpu.memory_space<vmem>>, vector<16xi32>,
    tpu.vector_store %arg13[%swap3A_67], %broadcast_in_dim3A_1 {strides = array<i32>} : memref<25984xi32, #tpu.memory_space<vmem>>, vector<16xi32>,
    %add3A_69 = arith.constant 80 : i32
    %add3A_70 = arith.addi %scan3A_24, %add3A_69 : i32
    %swap3A_71 = arith.index_cast %add3A_70 : i32 to index
    %swap3A_72 = tpu.vector_load %arg14[%swap3A_71] {strides = array<i32>} : memref<25984xi32, #tpu.memory_space<vmem>>, vector<16xi32>,
    tpu.vector_store %arg14[%swap3A_71], %broadcast_in_dim3A_1 {strides = array<i32>} : memref<25984xi32, #tpu.memory_space<vmem>>, vector<16xi32>,
    %add3A_73 = arith.constant 96 : i32
    %add3A_74 = arith.addi %scan3A_24, %add3A_73 : i32
    %swap3A_75 = arith.index_cast %add3A_74 : i32 to index
    %swap3A_76 = tpu.vector_load %arg13[%swap3A_75] {strides = array<i32>} : memref<25984xi32, #tpu.memory_space<vmem>>, vector<16xi32>,
    tpu.vector_store %arg13[%swap3A_75], %broadcast_in_dim3A_1 {strides = array<i32>} : memref<25984xi32, #tpu.memory_space<vmem>>, vector<16xi32>,
    %add3A_77 = arith.constant 96 : i32
    %add3A_78 = arith.addi %scan3A_24, %add3A_77 : i32
    %swap3A_79 = arith.index_cast %add3A_78 : i32 to index
    %swap3A_80 = tpu.vector_load %arg14[%swap3A_79] {strides = array<i32>} : memref<25984xi32, #tpu.memory_space<vmem>>, vector<16xi32>,
    tpu.vector_store %arg14[%swap3A_79], %broadcast_in_dim3A_1 {strides = array<i32>} : memref<25984xi32, #tpu.memory_space<vmem>>, vector<16xi32>,
    %add3A_81 = arith.constant 112 : i32
    %add3A_82 = arith.addi %scan3A_24, %add3A_81 : i32
    %swap3A_83 = arith.index_cast %add3A_82 : i32 to index
    %swap3A_84 = tpu.vector_load %arg13[%swap3A_83] {strides = array<i32>} : memref<25984xi32, #tpu.memory_space<vmem>>, vector<16xi32>,
    tpu.vector_store %arg13[%swap3A_83], %broadcast_in_dim3A_1 {strides = array<i32>} : memref<25984xi32, #tpu.memory_space<vmem>>, vector<16xi32>,
    %add3A_85 = arith.constant 112 : i32
    %add3A_86 = arith.addi %scan3A_24, %add3A_85 : i32
    %swap3A_87 = arith.index_cast %add3A_86 : i32 to index
    %swap3A_88 = tpu.vector_load %arg14[%swap3A_87] {strides = array<i32>} : memref<25984xi32, #tpu.memory_space<vmem>>, vector<16xi32>,
    tpu.vector_store %arg14[%swap3A_87], %broadcast_in_dim3A_1 {strides = array<i32>} : memref<25984xi32, #tpu.memory_space<vmem>>, vector<16xi32>,
    %add3A_89 = arith.constant 127 : i32
    %add3A_90 = arith.addi %scan3A_24, %add3A_89 : i32
    %jit3A = arith.constant 128 : i32
    %div3A = arith.divsi %add3A_90, %jit3A : i32
    %sign3A = arith.constant 0 : i32
    %sign3A_91 = arith.cmpi sgt, %add3A_90, %sign3A : i32
    %sign3A_92 = arith.extui %sign3A_91 : i1 to i32
    %sign3A_93 = arith.constant 0 : i32
    %sign3A_94 = arith.cmpi slt, %add3A_90, %sign3A_93 : i32
    %sign3A_95 = arith.extui %sign3A_94 : i1 to i32
    %sign3A_96 = arith.subi %sign3A_92, %sign3A_95 : i32
    %sign3A_97 = arith.constant 0 : i32
    %sign3A_98 = arith.cmpi sgt, %jit3A, %sign3A_97 : i32
    %sign3A_99 = arith.extui %sign3A_98 : i1 to i32
    %sign3A_100 = arith.constant 0 : i32
    %sign3A_101 = arith.cmpi slt, %jit3A, %sign3A_100 : i32
    %sign3A_102 = arith.extui %sign3A_101 : i1 to i32
    %sign3A_103 = arith.subi %sign3A_99, %sign3A_102 : i32
    %ne3A = arith.cmpi ne, %sign3A_96, %sign3A_103 : i32
    %rem3A = arith.remsi %add3A_90, %jit3A : i32
    %ne3A_104 = arith.constant 0 : i32
    %ne3A_105 = arith.cmpi ne, %rem3A, %ne3A_104 : i32
    %and3A = arith.andi %ne3A, %ne3A_105 : i1
    %sub3A = arith.constant 1 : i32
    %sub3A_106 = arith.subi %div3A, %sub3A : i32
    %select_n3A = arith.select %and3A, %sub3A_106, %div3A : i32
    %broadcast_in_dim3A_107 = vector.broadcast %select_n3A : i32 to vector<16xi32>
    %swap3A_108 = arith.constant 0 : index
    %swap3A_109 = tpu.vector_load %arg16[%swap3A_108] {strides = array<i32>} : memref<16xi32, #tpu.memory_space<vmem>>, vector<16xi32>,
    tpu.vector_store %arg16[%swap3A_108], %broadcast_in_dim3A_107 {strides = array<i32>} : memref<16xi32, #tpu.memory_space<vmem>>, vector<16xi32>,
    %mul3A_110 = arith.constant 25856 : i32
    %mul3A_111 = arith.muli %add3A, %mul3A_110 : i32
    "tpu.region"() ({
      %run_scoped3A = tpu.sem_alloc : memref<!tpu.dma_semaphore, #tpu.memory_space<semaphore_mem>>
      %dma_start3A = arith.constant 0 : i32
      %dma_start3A_118 = tpu.memref_slice %arg13[%dma_start3A] : memref<25984xi32, #tpu.memory_space<vmem>> -> memref<25856xi32, #tpu.memory_space<vmem>>
      %dma_start3A_119 = tpu.memref_slice %arg5[%mul3A_111] : memref<827392xi32, #tpu.memory_space<hbm>> -> memref<25856xi32, #tpu.memory_space<hbm>>
      %dma_start3A_120 = tpu.memref_slice %arg5[%mul3A_111] : memref<827392xi32, #tpu.memory_space<hbm>> -> memref<25856xi32, #tpu.memory_space<hbm>>
      %dma_start3A_121 = arith.constant 0 : i32
      %dma_start3A_122 = tpu.memref_slice %arg13[%dma_start3A_121] : memref<25984xi32, #tpu.memory_space<vmem>> -> memref<25856xi32, #tpu.memory_space<vmem>>
      tpu.enqueue_dma source(%dma_start3A_122 : memref<25856xi32, #tpu.memory_space<vmem>>) target(%dma_start3A_120 : memref<25856xi32, #tpu.memory_space<hbm>>) target_semaphore(%run_scoped3A : memref<!tpu.dma_semaphore, #tpu.memory_space<semaphore_mem>>)
      %dma_wait3A = arith.constant 0 : i32
      %dma_wait3A_123 = tpu.memref_slice %arg13[%dma_wait3A] : memref<25984xi32, #tpu.memory_space<vmem>> -> memref<25856xi32, #tpu.memory_space<vmem>>
      %dma_wait3A_124 = tpu.memref_slice %arg5[%mul3A_111] : memref<827392xi32, #tpu.memory_space<hbm>> -> memref<25856xi32, #tpu.memory_space<hbm>>
      %dma_wait3A_125 = tpu.memref_slice %arg5[%mul3A_111] : memref<827392xi32, #tpu.memory_space<hbm>> -> memref<25856xi32, #tpu.memory_space<hbm>>
      %dma_wait3A_126 = arith.constant 0 : i32
      %dma_wait3A_127 = tpu.memref_slice %arg13[%dma_wait3A_126] : memref<25984xi32, #tpu.memory_space<vmem>> -> memref<25856xi32, #tpu.memory_space<vmem>>
      tpu.wait_dma2 semaphore(%run_scoped3A : memref<!tpu.dma_semaphore, #tpu.memory_space<semaphore_mem>>) src(%dma_wait3A_127 : memref<25856xi32, #tpu.memory_space<vmem>>) dst(%dma_wait3A_125 : memref<25856xi32, #tpu.memory_space<hbm>>)
      tpu.yield
    }) : () -> ()
    %mul3A_112 = arith.constant 25856 : i32
    %mul3A_113 = arith.muli %add3A, %mul3A_112 : i32
    "tpu.region"() ({
      %run_scoped3A = tpu.sem_alloc : memref<!tpu.dma_semaphore, #tpu.memory_space<semaphore_mem>>
      %dma_start3A = arith.constant 0 : i32
      %dma_start3A_118 = tpu.memref_slice %arg14[%dma_start3A] : memref<25984xi32, #tpu.memory_space<vmem>> -> memref<25856xi32, #tpu.memory_space<vmem>>
      %dma_start3A_119 = tpu.memref_slice %arg6[%mul3A_113] : memref<827392xi32, #tpu.memory_space<hbm>> -> memref<25856xi32, #tpu.memory_space<hbm>>
      %dma_start3A_120 = tpu.memref_slice %arg6[%mul3A_113] : memref<827392xi32, #tpu.memory_space<hbm>> -> memref<25856xi32, #tpu.memory_space<hbm>>
      %dma_start3A_121 = arith.constant 0 : i32
      %dma_start3A_122 = tpu.memref_slice %arg14[%dma_start3A_121] : memref<25984xi32, #tpu.memory_space<vmem>> -> memref<25856xi32, #tpu.memory_space<vmem>>
      tpu.enqueue_dma source(%dma_start3A_122 : memref<25856xi32, #tpu.memory_space<vmem>>) target(%dma_start3A_120 : memref<25856xi32, #tpu.memory_space<hbm>>) target_semaphore(%run_scoped3A : memref<!tpu.dma_semaphore, #tpu.memory_space<semaphore_mem>>)
      %dma_wait3A = arith.constant 0 : i32
      %dma_wait3A_123 = tpu.memref_slice %arg14[%dma_wait3A] : memref<25984xi32, #tpu.memory_space<vmem>> -> memref<25856xi32, #tpu.memory_space<vmem>>
      %dma_wait3A_124 = tpu.memref_slice %arg6[%mul3A_113] : memref<827392xi32, #tpu.memory_space<hbm>> -> memref<25856xi32, #tpu.memory_space<hbm>>
      %dma_wait3A_125 = tpu.memref_slice %arg6[%mul3A_113] : memref<827392xi32, #tpu.memory_space<hbm>> -> memref<25856xi32, #tpu.memory_space<hbm>>
      %dma_wait3A_126 = arith.constant 0 : i32
      %dma_wait3A_127 = tpu.memref_slice %arg14[%dma_wait3A_126] : memref<25984xi32, #tpu.memory_space<vmem>> -> memref<25856xi32, #tpu.memory_space<vmem>>
      tpu.wait_dma2 semaphore(%run_scoped3A : memref<!tpu.dma_semaphore, #tpu.memory_space<semaphore_mem>>) src(%dma_wait3A_127 : memref<25856xi32, #tpu.memory_space<vmem>>) dst(%dma_wait3A_125 : memref<25856xi32, #tpu.memory_space<hbm>>)
      tpu.yield
    }) : () -> ()
    %mul3A_114 = arith.constant 16 : i32
    %mul3A_115 = arith.muli %add3A, %mul3A_114 : i32
    "tpu.region"() ({
      %run_scoped3A = tpu.sem_alloc : memref<!tpu.dma_semaphore, #tpu.memory_space<semaphore_mem>>
      %dma_start3A = tpu.memref_slice %arg7[%mul3A_115] : memref<512xi32, #tpu.memory_space<hbm>> -> memref<16xi32, #tpu.memory_space<hbm>>
      %dma_start3A_118 = tpu.memref_slice %arg7[%mul3A_115] : memref<512xi32, #tpu.memory_space<hbm>> -> memref<16xi32, #tpu.memory_space<hbm>>
      tpu.enqueue_dma source(%arg16 : memref<16xi32, #tpu.memory_space<vmem>>) target(%dma_start3A_118 : memref<16xi32, #tpu.memory_space<hbm>>) target_semaphore(%run_scoped3A : memref<!tpu.dma_semaphore, #tpu.memory_space<semaphore_mem>>)
      %dma_wait3A = tpu.memref_slice %arg7[%mul3A_115] : memref<512xi32, #tpu.memory_space<hbm>> -> memref<16xi32, #tpu.memory_space<hbm>>
      %dma_wait3A_119 = tpu.memref_slice %arg7[%mul3A_115] : memref<512xi32, #tpu.memory_space<hbm>> -> memref<16xi32, #tpu.memory_space<hbm>>
      tpu.wait_dma2 semaphore(%run_scoped3A : memref<!tpu.dma_semaphore, #tpu.memory_space<semaphore_mem>>) src(%arg16 : memref<16xi32, #tpu.memory_space<vmem>>) dst(%dma_wait3A_119 : memref<16xi32, #tpu.memory_space<hbm>>)
      tpu.yield
    }) : () -> ()
    %mul3A_116 = arith.constant 8192 : i32
    %mul3A_117 = arith.muli %add3A, %mul3A_116 : i32
    "tpu.region"() ({
      %run_scoped3A = tpu.sem_alloc : memref<!tpu.dma_semaphore, #tpu.memory_space<semaphore_mem>>
      %dma_start3A = tpu.memref_slice %arg8[%mul3A_117] : memref<262144xf32, #tpu.memory_space<hbm>> -> memref<8192xf32, #tpu.memory_space<hbm>>
      %dma_start3A_118 = tpu.memref_slice %arg8[%mul3A_117] : memref<262144xf32, #tpu.memory_space<hbm>> -> memref<8192xf32, #tpu.memory_space<hbm>>
      tpu.enqueue_dma source(%arg15 : memref<8192xf32, #tpu.memory_space<vmem>>) target(%dma_start3A_118 : memref<8192xf32, #tpu.memory_space<hbm>>) target_semaphore(%run_scoped3A : memref<!tpu.dma_semaphore, #tpu.memory_space<semaphore_mem>>)
      %dma_wait3A = tpu.memref_slice %arg8[%mul3A_117] : memref<262144xf32, #tpu.memory_space<hbm>> -> memref<8192xf32, #tpu.memory_space<hbm>>
      %dma_wait3A_119 = tpu.memref_slice %arg8[%mul3A_117] : memref<262144xf32, #tpu.memory_space<hbm>> -> memref<8192xf32, #tpu.memory_space<hbm>>
      tpu.wait_dma2 semaphore(%run_scoped3A : memref<!tpu.dma_semaphore, #tpu.memory_space<semaphore_mem>>) src(%arg15 : memref<8192xf32, #tpu.memory_space<vmem>>) dst(%dma_wait3A_119 : memref<8192xf32, #tpu.memory_space<hbm>>)
      tpu.yield
    }) : () -> ()
    return
  }
}

#map = affine_map<(d0, d1) -> (0, 0)>
#map1 = affine_map<(d0, d1) -> (0)>
module attributes {stable_mosaic.version = 14 : i64} {
  func.func @edge_acc_dyn(%arg0: i32, %arg1: i32, %arg2: memref<4224x32xf32, #tpu.memory_space<hbm>>, %arg3: memref<6464x128xi32, #tpu.memory_space<hbm>>, %arg4: memref<6464x128xi32, #tpu.memory_space<hbm>>, %arg5: memref<512xi32, #tpu.memory_space<hbm>>, %arg6: memref<4224x32xf32, #tpu.memory_space<hbm>>, %arg7: memref<4224x32xf32, #tpu.memory_space<hbm>>, %arg8: memref<202x128xi32, #tpu.memory_space<vmem>>, %arg9: memref<202x128xi32, #tpu.memory_space<vmem>>, %arg10: memref<128x32xf32, #tpu.memory_space<vmem>>, %arg11: memref<264x32xf32, #tpu.memory_space<vmem>>, %arg12: memref<16xi32, #tpu.memory_space<vmem>>, %arg13: memref<!tpu.dma_semaphore, #tpu.memory_space<semaphore_mem>>, %arg14: memref<4224x32xf32, #tpu.memory_space<vmem_shared>>) attributes {dimension_semantics = [#tpu.dimension_semantics<core_parallel>, #tpu.dimension_semantics<subcore_parallel>], iteration_bounds = array<i64: 2, 16>, scalar_prefetch = 0 : i64, scratch_operands = 7 : i64, tpu.core_type = #tpu.core_type<sc_vector_subcore>, window_params = [{transform_indices = #map}, {transform_indices = #map}, {transform_indices = #map}, {transform_indices = #map1}, {transform_indices = #map}, {transform_indices = #map}]} {
    %mul3A = arith.constant 16 : i32
    %mul3A_0 = arith.muli %arg0, %mul3A : i32
    %add3A = arith.addi %mul3A_0, %arg1 : i32
    %broadcast_in_dim3A = arith.constant 0.000000e+00 : f32
    %broadcast_in_dim3A_1 = vector.broadcast %broadcast_in_dim3A : f32 to vector<16xf32>
    %scan3A = arith.constant 0 : i32
    %scan3A_2 = arith.constant 0 : i32
    %scan3A_3 = arith.constant 264 : i32
    %scan3A_4 = arith.addi %scan3A_2, %scan3A_3 : i32
    %scan3A_5 = arith.constant 1 : i32
    scf.for %scan3A_40 = %scan3A_2 to %scan3A_4 step %scan3A_5  : i32 {
      %swap3A = arith.index_cast %scan3A_40 : i32 to index
      %swap3A_41 = arith.constant 0 : index
      %swap3A_42 = tpu.vector_load %arg11[%swap3A, %swap3A_41] {strides = array<i32>} : memref<264x32xf32, #tpu.memory_space<vmem>>, vector<16xf32>,
      tpu.vector_store %arg11[%swap3A, %swap3A_41], %broadcast_in_dim3A_1 {strides = array<i32>} : memref<264x32xf32, #tpu.memory_space<vmem>>, vector<16xf32>,
      %swap3A_43 = arith.index_cast %scan3A_40 : i32 to index
      %swap3A_44 = arith.constant 16 : index
      %swap3A_45 = tpu.vector_load %arg11[%swap3A_43, %swap3A_44] {strides = array<i32>} : memref<264x32xf32, #tpu.memory_space<vmem>>, vector<16xf32>,
      tpu.vector_store %arg11[%swap3A_43, %swap3A_44], %broadcast_in_dim3A_1 {strides = array<i32>} : memref<264x32xf32, #tpu.memory_space<vmem>>, vector<16xf32>,
    }
    %scan3A_6 = arith.constant 264 : i32
    %mul3A_7 = arith.constant 202 : i32
    %mul3A_8 = arith.muli %add3A, %mul3A_7 : i32
    "tpu.region"() ({
      %run_scoped3A = tpu.sem_alloc : memref<!tpu.dma_semaphore, #tpu.memory_space<semaphore_mem>>
      %dma_start3A = arith.constant 0 : i32
      %dma_start3A_40 = tpu.memref_slice %arg3[%mul3A_8, %dma_start3A] : memref<6464x128xi32, #tpu.memory_space<hbm>> -> memref<202x128xi32, #tpu.memory_space<hbm>>
      %dma_start3A_41 = arith.constant 0 : i32
      %dma_start3A_42 = tpu.memref_slice %arg3[%mul3A_8, %dma_start3A_41] : memref<6464x128xi32, #tpu.memory_space<hbm>> -> memref<202x128xi32, #tpu.memory_space<hbm>>
      tpu.enqueue_dma source(%dma_start3A_42 : memref<202x128xi32, #tpu.memory_space<hbm>>) target(%arg8 : memref<202x128xi32, #tpu.memory_space<vmem>>) target_semaphore(%run_scoped3A : memref<!tpu.dma_semaphore, #tpu.memory_space<semaphore_mem>>)
      %dma_wait3A = arith.constant 0 : i32
      %dma_wait3A_43 = tpu.memref_slice %arg3[%mul3A_8, %dma_wait3A] : memref<6464x128xi32, #tpu.memory_space<hbm>> -> memref<202x128xi32, #tpu.memory_space<hbm>>
      %dma_wait3A_44 = arith.constant 0 : i32
      %dma_wait3A_45 = tpu.memref_slice %arg3[%mul3A_8, %dma_wait3A_44] : memref<6464x128xi32, #tpu.memory_space<hbm>> -> memref<202x128xi32, #tpu.memory_space<hbm>>
      tpu.wait_dma2 semaphore(%run_scoped3A : memref<!tpu.dma_semaphore, #tpu.memory_space<semaphore_mem>>) src(%dma_wait3A_45 : memref<202x128xi32, #tpu.memory_space<hbm>>) dst(%arg8 : memref<202x128xi32, #tpu.memory_space<vmem>>)
      tpu.yield
    }) : () -> ()
    %mul3A_9 = arith.constant 202 : i32
    %mul3A_10 = arith.muli %add3A, %mul3A_9 : i32
    "tpu.region"() ({
      %run_scoped3A = tpu.sem_alloc : memref<!tpu.dma_semaphore, #tpu.memory_space<semaphore_mem>>
      %dma_start3A = arith.constant 0 : i32
      %dma_start3A_40 = tpu.memref_slice %arg4[%mul3A_10, %dma_start3A] : memref<6464x128xi32, #tpu.memory_space<hbm>> -> memref<202x128xi32, #tpu.memory_space<hbm>>
      %dma_start3A_41 = arith.constant 0 : i32
      %dma_start3A_42 = tpu.memref_slice %arg4[%mul3A_10, %dma_start3A_41] : memref<6464x128xi32, #tpu.memory_space<hbm>> -> memref<202x128xi32, #tpu.memory_space<hbm>>
      tpu.enqueue_dma source(%dma_start3A_42 : memref<202x128xi32, #tpu.memory_space<hbm>>) target(%arg9 : memref<202x128xi32, #tpu.memory_space<vmem>>) target_semaphore(%run_scoped3A : memref<!tpu.dma_semaphore, #tpu.memory_space<semaphore_mem>>)
      %dma_wait3A = arith.constant 0 : i32
      %dma_wait3A_43 = tpu.memref_slice %arg4[%mul3A_10, %dma_wait3A] : memref<6464x128xi32, #tpu.memory_space<hbm>> -> memref<202x128xi32, #tpu.memory_space<hbm>>
      %dma_wait3A_44 = arith.constant 0 : i32
      %dma_wait3A_45 = tpu.memref_slice %arg4[%mul3A_10, %dma_wait3A_44] : memref<6464x128xi32, #tpu.memory_space<hbm>> -> memref<202x128xi32, #tpu.memory_space<hbm>>
      tpu.wait_dma2 semaphore(%run_scoped3A : memref<!tpu.dma_semaphore, #tpu.memory_space<semaphore_mem>>) src(%dma_wait3A_45 : memref<202x128xi32, #tpu.memory_space<hbm>>) dst(%arg9 : memref<202x128xi32, #tpu.memory_space<vmem>>)
      tpu.yield
    }) : () -> ()
    %mul3A_11 = arith.constant 16 : i32
    %mul3A_12 = arith.muli %add3A, %mul3A_11 : i32
    "tpu.region"() ({
      %run_scoped3A = tpu.sem_alloc : memref<!tpu.dma_semaphore, #tpu.memory_space<semaphore_mem>>
      %dma_start3A = tpu.memref_slice %arg5[%mul3A_12] : memref<512xi32, #tpu.memory_space<hbm>> -> memref<16xi32, #tpu.memory_space<hbm>>
      %dma_start3A_40 = tpu.memref_slice %arg5[%mul3A_12] : memref<512xi32, #tpu.memory_space<hbm>> -> memref<16xi32, #tpu.memory_space<hbm>>
      tpu.enqueue_dma source(%dma_start3A_40 : memref<16xi32, #tpu.memory_space<hbm>>) target(%arg12 : memref<16xi32, #tpu.memory_space<vmem>>) target_semaphore(%run_scoped3A : memref<!tpu.dma_semaphore, #tpu.memory_space<semaphore_mem>>)
      %dma_wait3A = tpu.memref_slice %arg5[%mul3A_12] : memref<512xi32, #tpu.memory_space<hbm>> -> memref<16xi32, #tpu.memory_space<hbm>>
      %dma_wait3A_41 = tpu.memref_slice %arg5[%mul3A_12] : memref<512xi32, #tpu.memory_space<hbm>> -> memref<16xi32, #tpu.memory_space<hbm>>
      tpu.wait_dma2 semaphore(%run_scoped3A : memref<!tpu.dma_semaphore, #tpu.memory_space<semaphore_mem>>) src(%dma_wait3A_41 : memref<16xi32, #tpu.memory_space<hbm>>) dst(%arg12 : memref<16xi32, #tpu.memory_space<vmem>>)
      tpu.yield
    }) : () -> ()
    %mul3A_13 = arith.constant 264 : i32
    %mul3A_14 = arith.muli %arg1, %mul3A_13 : i32
    "tpu.region"() ({
      %run_scoped3A = tpu.sem_alloc : memref<!tpu.dma_semaphore, #tpu.memory_space<semaphore_mem>>
      %dma_start3A = arith.constant 0 : i32
      %dma_start3A_40 = tpu.memref_slice %arg14[%mul3A_14, %dma_start3A] : memref<4224x32xf32, #tpu.memory_space<vmem_shared>> -> memref<264x32xf32, #tpu.memory_space<vmem_shared>>
      %dma_start3A_41 = arith.constant 0 : i32
      %dma_start3A_42 = tpu.memref_slice %arg14[%mul3A_14, %dma_start3A_41] : memref<4224x32xf32, #tpu.memory_space<vmem_shared>> -> memref<264x32xf32, #tpu.memory_space<vmem_shared>>
      tpu.enqueue_dma source(%arg11 : memref<264x32xf32, #tpu.memory_space<vmem>>) target(%dma_start3A_42 : memref<264x32xf32, #tpu.memory_space<vmem_shared>>) target_semaphore(%run_scoped3A : memref<!tpu.dma_semaphore, #tpu.memory_space<semaphore_mem>>)
      %dma_wait3A = arith.constant 0 : i32
      %dma_wait3A_43 = tpu.memref_slice %arg14[%mul3A_14, %dma_wait3A] : memref<4224x32xf32, #tpu.memory_space<vmem_shared>> -> memref<264x32xf32, #tpu.memory_space<vmem_shared>>
      %dma_wait3A_44 = arith.constant 0 : i32
      %dma_wait3A_45 = tpu.memref_slice %arg14[%mul3A_14, %dma_wait3A_44] : memref<4224x32xf32, #tpu.memory_space<vmem_shared>> -> memref<264x32xf32, #tpu.memory_space<vmem_shared>>
      tpu.wait_dma2 semaphore(%run_scoped3A : memref<!tpu.dma_semaphore, #tpu.memory_space<semaphore_mem>>) src(%arg11 : memref<264x32xf32, #tpu.memory_space<vmem>>) dst(%dma_wait3A_45 : memref<264x32xf32, #tpu.memory_space<vmem_shared>>)
      tpu.yield
    }) : () -> ()
    %barrier3A = arith.constant 0 : index
    tpu.barrier barrier_id(%barrier3A)
    %get3A = arith.constant 0 : index
    %get3A_15 = tpu.vector_load %arg12[%get3A] {strides = array<i32>} : memref<16xi32, #tpu.memory_space<vmem>>, vector<16xi32>,
    %reduce_max3A = arith.constant true
    %reduce_max3A_16 = vector.broadcast %reduce_max3A : i1 to vector<16xi1>
    %reduce_max3A_17 = arith.constant -2147483648 : i32
    %reduce_max3A_18 = vector.broadcast %reduce_max3A_17 : i32 to vector<16xi32>
    %reduce_max3A_19 = arith.xori %get3A_15, %reduce_max3A_18 : vector<16xi32>
    %reduce_max3A_20 = tpu.scan <max>, %reduce_max3A_19 masked %reduce_max3A_16 : vector<16xi32>, vector<16xi1> -> vector<16xi32>
    %reduce_max3A_21 = arith.xori %reduce_max3A_20, %reduce_max3A_18 : vector<16xi32>
    %reduce_max3A_22 = vector.extract %reduce_max3A_21[15] : i32 from vector<16xi32>
    %while3A = arith.constant 0 : i32
    %while3A_23 = arith.constant 0 : i32
    %while3A_24 = arith.subi %reduce_max3A_22, %while3A_23 : i32
    %while3A_25 = arith.addi %while3A_23, %while3A_24 : i32
    %while3A_26 = arith.constant 1 : i32
    %while3A_27 = arith.divsi %while3A_24, %while3A_26 : i32
    %while3A_28 = arith.muli %while3A_27, %while3A_26 : i32
    %while3A_29 = arith.addi %while3A_23, %while3A_28 : i32
    %while3A_30 = arith.constant 1 : i32
    scf.for %while3A_40 = %while3A_23 to %while3A_29 step %while3A_30  : i32 {
      %dma_start3A = arith.constant 0 : i32
      %dma_start3A_41 = tpu.memref_slice %arg8[%while3A_40, %dma_start3A] : memref<202x128xi32, #tpu.memory_space<vmem>> -> memref<1x128xi32, #tpu.memory_space<vmem>>
      %dma_start3A_42 = tpu.memref_squeeze %dma_start3A_41 : memref<1x128xi32, #tpu.memory_space<vmem>> -> memref<128xi32, #tpu.memory_space<vmem>>
      %dma_start3A_43 = arith.constant 0 : i32
      %dma_start3A_44 = arith.constant 0 : i32
      %dma_start3A_45 = tpu.memref_slice %arg2[%dma_start3A_43, %dma_start3A_44] : memref<4224x32xf32, #tpu.memory_space<hbm>> -> memref<4224x32xf32, #tpu.memory_space<hbm>>
      tpu.enqueue_indirect_dma source(%dma_start3A_45 : memref<4224x32xf32, #tpu.memory_space<hbm>>) target(%arg10 : memref<128x32xf32, #tpu.memory_space<vmem>>) offsets(%dma_start3A_42 : memref<128xi32, #tpu.memory_space<vmem>>) semaphore(%arg13 : memref<!tpu.dma_semaphore, #tpu.memory_space<semaphore_mem>>)
      %dma_wait3A = arith.constant 0 : i32
      %dma_wait3A_46 = tpu.memref_slice %arg8[%while3A_40, %dma_wait3A] : memref<202x128xi32, #tpu.memory_space<vmem>> -> memref<1x128xi32, #tpu.memory_space<vmem>>
      %dma_wait3A_47 = tpu.memref_squeeze %dma_wait3A_46 : memref<1x128xi32, #tpu.memory_space<vmem>> -> memref<128xi32, #tpu.memory_space<vmem>>
      %dma_wait3A_48 = arith.constant 0 : i32
      %dma_wait3A_49 = arith.constant 0 : i32
      %dma_wait3A_50 = tpu.memref_slice %arg2[%dma_wait3A_48, %dma_wait3A_49] : memref<4224x32xf32, #tpu.memory_space<hbm>> -> memref<4224x32xf32, #tpu.memory_space<hbm>>
      tpu.wait_indirect_dma semaphore(%arg13 : memref<!tpu.dma_semaphore, #tpu.memory_space<semaphore_mem>>) src(%dma_wait3A_50 : memref<4224x32xf32, #tpu.memory_space<hbm>>) dst(%arg10 : memref<128x32xf32, #tpu.memory_space<vmem>>)
      "tpu.region"() ({
        %run_scoped3A = tpu.sem_alloc : memref<!tpu.dma_semaphore, #tpu.memory_space<semaphore_mem>>
        %dma_start3A_51 = arith.constant 0 : i32
        %dma_start3A_52 = tpu.memref_slice %arg9[%while3A_40, %dma_start3A_51] : memref<202x128xi32, #tpu.memory_space<vmem>> -> memref<1x128xi32, #tpu.memory_space<vmem>>
        %dma_start3A_53 = tpu.memref_squeeze %dma_start3A_52 : memref<1x128xi32, #tpu.memory_space<vmem>> -> memref<128xi32, #tpu.memory_space<vmem>>
        %dma_start3A_54 = arith.constant 0 : i32
        %dma_start3A_55 = arith.constant 0 : i32
        %dma_start3A_56 = tpu.memref_slice %arg14[%dma_start3A_54, %dma_start3A_55] : memref<4224x32xf32, #tpu.memory_space<vmem_shared>> -> memref<4224x32xf32, #tpu.memory_space<vmem_shared>>
        tpu.enqueue_indirect_dma source(%arg10 : memref<128x32xf32, #tpu.memory_space<vmem>>) target(%dma_start3A_56 : memref<4224x32xf32, #tpu.memory_space<vmem_shared>>) offsets(%dma_start3A_53 : memref<128xi32, #tpu.memory_space<vmem>>) semaphore(%run_scoped3A : memref<!tpu.dma_semaphore, #tpu.memory_space<semaphore_mem>>) {add = true}
        %dma_wait3A_57 = arith.constant 0 : i32
        %dma_wait3A_58 = tpu.memref_slice %arg9[%while3A_40, %dma_wait3A_57] : memref<202x128xi32, #tpu.memory_space<vmem>> -> memref<1x128xi32, #tpu.memory_space<vmem>>
        %dma_wait3A_59 = tpu.memref_squeeze %dma_wait3A_58 : memref<1x128xi32, #tpu.memory_space<vmem>> -> memref<128xi32, #tpu.memory_space<vmem>>
        %dma_wait3A_60 = arith.constant 0 : i32
        %dma_wait3A_61 = arith.constant 0 : i32
        %dma_wait3A_62 = tpu.memref_slice %arg14[%dma_wait3A_60, %dma_wait3A_61] : memref<4224x32xf32, #tpu.memory_space<vmem_shared>> -> memref<4224x32xf32, #tpu.memory_space<vmem_shared>>
        tpu.wait_indirect_dma semaphore(%run_scoped3A : memref<!tpu.dma_semaphore, #tpu.memory_space<semaphore_mem>>) src(%arg10 : memref<128x32xf32, #tpu.memory_space<vmem>>) dst(%dma_wait3A_62 : memref<4224x32xf32, #tpu.memory_space<vmem_shared>>)
        tpu.yield
      }) : () -> ()
    }
    %while3A_31 = arith.constant 1 : i32
    scf.for %while3A_40 = %while3A_29 to %while3A_25 step %while3A_31  : i32 {
      %dma_start3A = arith.constant 0 : i32
      %dma_start3A_41 = tpu.memref_slice %arg8[%while3A_40, %dma_start3A] : memref<202x128xi32, #tpu.memory_space<vmem>> -> memref<1x128xi32, #tpu.memory_space<vmem>>
      %dma_start3A_42 = tpu.memref_squeeze %dma_start3A_41 : memref<1x128xi32, #tpu.memory_space<vmem>> -> memref<128xi32, #tpu.memory_space<vmem>>
      %dma_start3A_43 = arith.constant 0 : i32
      %dma_start3A_44 = arith.constant 0 : i32
      %dma_start3A_45 = tpu.memref_slice %arg2[%dma_start3A_43, %dma_start3A_44] : memref<4224x32xf32, #tpu.memory_space<hbm>> -> memref<4224x32xf32, #tpu.memory_space<hbm>>
      tpu.enqueue_indirect_dma source(%dma_start3A_45 : memref<4224x32xf32, #tpu.memory_space<hbm>>) target(%arg10 : memref<128x32xf32, #tpu.memory_space<vmem>>) offsets(%dma_start3A_42 : memref<128xi32, #tpu.memory_space<vmem>>) semaphore(%arg13 : memref<!tpu.dma_semaphore, #tpu.memory_space<semaphore_mem>>)
      %dma_wait3A = arith.constant 0 : i32
      %dma_wait3A_46 = tpu.memref_slice %arg8[%while3A_40, %dma_wait3A] : memref<202x128xi32, #tpu.memory_space<vmem>> -> memref<1x128xi32, #tpu.memory_space<vmem>>
      %dma_wait3A_47 = tpu.memref_squeeze %dma_wait3A_46 : memref<1x128xi32, #tpu.memory_space<vmem>> -> memref<128xi32, #tpu.memory_space<vmem>>
      %dma_wait3A_48 = arith.constant 0 : i32
      %dma_wait3A_49 = arith.constant 0 : i32
      %dma_wait3A_50 = tpu.memref_slice %arg2[%dma_wait3A_48, %dma_wait3A_49] : memref<4224x32xf32, #tpu.memory_space<hbm>> -> memref<4224x32xf32, #tpu.memory_space<hbm>>
      tpu.wait_indirect_dma semaphore(%arg13 : memref<!tpu.dma_semaphore, #tpu.memory_space<semaphore_mem>>) src(%dma_wait3A_50 : memref<4224x32xf32, #tpu.memory_space<hbm>>) dst(%arg10 : memref<128x32xf32, #tpu.memory_space<vmem>>)
      "tpu.region"() ({
        %run_scoped3A = tpu.sem_alloc : memref<!tpu.dma_semaphore, #tpu.memory_space<semaphore_mem>>
        %dma_start3A_51 = arith.constant 0 : i32
        %dma_start3A_52 = tpu.memref_slice %arg9[%while3A_40, %dma_start3A_51] : memref<202x128xi32, #tpu.memory_space<vmem>> -> memref<1x128xi32, #tpu.memory_space<vmem>>
        %dma_start3A_53 = tpu.memref_squeeze %dma_start3A_52 : memref<1x128xi32, #tpu.memory_space<vmem>> -> memref<128xi32, #tpu.memory_space<vmem>>
        %dma_start3A_54 = arith.constant 0 : i32
        %dma_start3A_55 = arith.constant 0 : i32
        %dma_start3A_56 = tpu.memref_slice %arg14[%dma_start3A_54, %dma_start3A_55] : memref<4224x32xf32, #tpu.memory_space<vmem_shared>> -> memref<4224x32xf32, #tpu.memory_space<vmem_shared>>
        tpu.enqueue_indirect_dma source(%arg10 : memref<128x32xf32, #tpu.memory_space<vmem>>) target(%dma_start3A_56 : memref<4224x32xf32, #tpu.memory_space<vmem_shared>>) offsets(%dma_start3A_53 : memref<128xi32, #tpu.memory_space<vmem>>) semaphore(%run_scoped3A : memref<!tpu.dma_semaphore, #tpu.memory_space<semaphore_mem>>) {add = true}
        %dma_wait3A_57 = arith.constant 0 : i32
        %dma_wait3A_58 = tpu.memref_slice %arg9[%while3A_40, %dma_wait3A_57] : memref<202x128xi32, #tpu.memory_space<vmem>> -> memref<1x128xi32, #tpu.memory_space<vmem>>
        %dma_wait3A_59 = tpu.memref_squeeze %dma_wait3A_58 : memref<1x128xi32, #tpu.memory_space<vmem>> -> memref<128xi32, #tpu.memory_space<vmem>>
        %dma_wait3A_60 = arith.constant 0 : i32
        %dma_wait3A_61 = arith.constant 0 : i32
        %dma_wait3A_62 = tpu.memref_slice %arg14[%dma_wait3A_60, %dma_wait3A_61] : memref<4224x32xf32, #tpu.memory_space<vmem_shared>> -> memref<4224x32xf32, #tpu.memory_space<vmem_shared>>
        tpu.wait_indirect_dma semaphore(%run_scoped3A : memref<!tpu.dma_semaphore, #tpu.memory_space<semaphore_mem>>) src(%arg10 : memref<128x32xf32, #tpu.memory_space<vmem>>) dst(%dma_wait3A_62 : memref<4224x32xf32, #tpu.memory_space<vmem_shared>>)
        tpu.yield
      }) : () -> ()
    }
    %barrier3A_32 = arith.constant 0 : index
    tpu.barrier barrier_id(%barrier3A_32)
    %eq3A = arith.constant 0 : i32
    %eq3A_33 = arith.cmpi eq, %arg0, %eq3A : i32
    %convert_element_type3A = arith.extui %eq3A_33 : i1 to i32
    %cond3A = arith.constant 0 : i32
    %cond3A_34 = arith.cmpi ne, %convert_element_type3A, %cond3A : i32
    scf.if %cond3A_34 {
      %mul3A_40 = arith.constant 264 : i32
      %mul3A_41 = arith.muli %arg1, %mul3A_40 : i32
      %mul3A_42 = arith.constant 264 : i32
      %mul3A_43 = arith.muli %arg1, %mul3A_42 : i32
      "tpu.region"() ({
        %run_scoped3A = tpu.sem_alloc : memref<!tpu.dma_semaphore, #tpu.memory_space<semaphore_mem>>
        %dma_start3A = arith.constant 0 : i32
        %dma_start3A_44 = tpu.memref_slice %arg6[%mul3A_43, %dma_start3A] : memref<4224x32xf32, #tpu.memory_space<hbm>> -> memref<264x32xf32, #tpu.memory_space<hbm>>
        %dma_start3A_45 = arith.constant 0 : i32
        %dma_start3A_46 = tpu.memref_slice %arg14[%mul3A_41, %dma_start3A_45] : memref<4224x32xf32, #tpu.memory_space<vmem_shared>> -> memref<264x32xf32, #tpu.memory_space<vmem_shared>>
        tpu.enqueue_dma source(%dma_start3A_46 : memref<264x32xf32, #tpu.memory_space<vmem_shared>>) target(%dma_start3A_44 : memref<264x32xf32, #tpu.memory_space<hbm>>) target_semaphore(%run_scoped3A : memref<!tpu.dma_semaphore, #tpu.memory_space<semaphore_mem>>)
        %dma_wait3A = arith.constant 0 : i32
        %dma_wait3A_47 = tpu.memref_slice %arg6[%mul3A_43, %dma_wait3A] : memref<4224x32xf32, #tpu.memory_space<hbm>> -> memref<264x32xf32, #tpu.memory_space<hbm>>
        %dma_wait3A_48 = arith.constant 0 : i32
        %dma_wait3A_49 = tpu.memref_slice %arg14[%mul3A_41, %dma_wait3A_48] : memref<4224x32xf32, #tpu.memory_space<vmem_shared>> -> memref<264x32xf32, #tpu.memory_space<vmem_shared>>
        tpu.wait_dma2 semaphore(%run_scoped3A : memref<!tpu.dma_semaphore, #tpu.memory_space<semaphore_mem>>) src(%dma_wait3A_49 : memref<264x32xf32, #tpu.memory_space<vmem_shared>>) dst(%dma_wait3A_47 : memref<264x32xf32, #tpu.memory_space<hbm>>)
        tpu.yield
      }) : () -> ()
    } else {
    }
    %eq3A_35 = arith.constant 1 : i32
    %eq3A_36 = arith.cmpi eq, %arg0, %eq3A_35 : i32
    %convert_element_type3A_37 = arith.extui %eq3A_36 : i1 to i32
    %cond3A_38 = arith.constant 0 : i32
    %cond3A_39 = arith.cmpi ne, %convert_element_type3A_37, %cond3A_38 : i32
    scf.if %cond3A_39 {
      %mul3A_40 = arith.constant 264 : i32
      %mul3A_41 = arith.muli %arg1, %mul3A_40 : i32
      %mul3A_42 = arith.constant 264 : i32
      %mul3A_43 = arith.muli %arg1, %mul3A_42 : i32
      "tpu.region"() ({
        %run_scoped3A = tpu.sem_alloc : memref<!tpu.dma_semaphore, #tpu.memory_space<semaphore_mem>>
        %dma_start3A = arith.constant 0 : i32
        %dma_start3A_44 = tpu.memref_slice %arg7[%mul3A_43, %dma_start3A] : memref<4224x32xf32, #tpu.memory_space<hbm>> -> memref<264x32xf32, #tpu.memory_space<hbm>>
        %dma_start3A_45 = arith.constant 0 : i32
        %dma_start3A_46 = tpu.memref_slice %arg14[%mul3A_41, %dma_start3A_45] : memref<4224x32xf32, #tpu.memory_space<vmem_shared>> -> memref<264x32xf32, #tpu.memory_space<vmem_shared>>
        tpu.enqueue_dma source(%dma_start3A_46 : memref<264x32xf32, #tpu.memory_space<vmem_shared>>) target(%dma_start3A_44 : memref<264x32xf32, #tpu.memory_space<hbm>>) target_semaphore(%run_scoped3A : memref<!tpu.dma_semaphore, #tpu.memory_space<semaphore_mem>>)
        %dma_wait3A = arith.constant 0 : i32
        %dma_wait3A_47 = tpu.memref_slice %arg7[%mul3A_43, %dma_wait3A] : memref<4224x32xf32, #tpu.memory_space<hbm>> -> memref<264x32xf32, #tpu.memory_space<hbm>>
        %dma_wait3A_48 = arith.constant 0 : i32
        %dma_wait3A_49 = tpu.memref_slice %arg14[%mul3A_41, %dma_wait3A_48] : memref<4224x32xf32, #tpu.memory_space<vmem_shared>> -> memref<264x32xf32, #tpu.memory_space<vmem_shared>>
        tpu.wait_dma2 semaphore(%run_scoped3A : memref<!tpu.dma_semaphore, #tpu.memory_space<semaphore_mem>>) src(%dma_wait3A_49 : memref<264x32xf32, #tpu.memory_space<vmem_shared>>) dst(%dma_wait3A_47 : memref<264x32xf32, #tpu.memory_space<hbm>>)
        tpu.yield
      }) : () -> ()
    } else {
    }
    return
  }
}

#map = affine_map<(d0, d1) -> (0, 0)>
#map1 = affine_map<(d0, d1) -> (0)>
module attributes {stable_mosaic.version = 14 : i64} {
  func.func @edge_acc_dyn(%arg0: i32, %arg1: i32, %arg2: memref<4224x32xf32, #tpu.memory_space<hbm>>, %arg3: memref<6464x128xi32, #tpu.memory_space<hbm>>, %arg4: memref<6464x128xi32, #tpu.memory_space<hbm>>, %arg5: memref<512xi32, #tpu.memory_space<hbm>>, %arg6: memref<4224x32xf32, #tpu.memory_space<hbm>>, %arg7: memref<4224x32xf32, #tpu.memory_space<hbm>>, %arg8: memref<202x128xi32, #tpu.memory_space<vmem>>, %arg9: memref<202x128xi32, #tpu.memory_space<vmem>>, %arg10: memref<128x32xf32, #tpu.memory_space<vmem>>, %arg11: memref<264x32xf32, #tpu.memory_space<vmem>>, %arg12: memref<16xi32, #tpu.memory_space<vmem>>, %arg13: memref<!tpu.dma_semaphore, #tpu.memory_space<semaphore_mem>>, %arg14: memref<4224x32xf32, #tpu.memory_space<vmem_shared>>) attributes {dimension_semantics = [#tpu.dimension_semantics<core_parallel>, #tpu.dimension_semantics<subcore_parallel>], iteration_bounds = array<i64: 2, 16>, scalar_prefetch = 0 : i64, scratch_operands = 7 : i64, tpu.core_type = #tpu.core_type<sc_vector_subcore>, window_params = [{transform_indices = #map}, {transform_indices = #map}, {transform_indices = #map}, {transform_indices = #map1}, {transform_indices = #map}, {transform_indices = #map}]} {
    %mul3A = arith.constant 16 : i32
    %mul3A_0 = arith.muli %arg0, %mul3A : i32
    %add3A = arith.addi %mul3A_0, %arg1 : i32
    %broadcast_in_dim3A = arith.constant 0.000000e+00 : f32
    %broadcast_in_dim3A_1 = vector.broadcast %broadcast_in_dim3A : f32 to vector<16xf32>
    %scan3A = arith.constant 0 : i32
    %scan3A_2 = arith.constant 0 : i32
    %scan3A_3 = arith.constant 264 : i32
    %scan3A_4 = arith.addi %scan3A_2, %scan3A_3 : i32
    %scan3A_5 = arith.constant 1 : i32
    scf.for %scan3A_40 = %scan3A_2 to %scan3A_4 step %scan3A_5  : i32 {
      %swap3A = arith.index_cast %scan3A_40 : i32 to index
      %swap3A_41 = arith.constant 0 : index
      %swap3A_42 = tpu.vector_load %arg11[%swap3A, %swap3A_41] {strides = array<i32>} : memref<264x32xf32, #tpu.memory_space<vmem>>, vector<16xf32>,
      tpu.vector_store %arg11[%swap3A, %swap3A_41], %broadcast_in_dim3A_1 {strides = array<i32>} : memref<264x32xf32, #tpu.memory_space<vmem>>, vector<16xf32>,
      %swap3A_43 = arith.index_cast %scan3A_40 : i32 to index
      %swap3A_44 = arith.constant 16 : index
      %swap3A_45 = tpu.vector_load %arg11[%swap3A_43, %swap3A_44] {strides = array<i32>} : memref<264x32xf32, #tpu.memory_space<vmem>>, vector<16xf32>,
      tpu.vector_store %arg11[%swap3A_43, %swap3A_44], %broadcast_in_dim3A_1 {strides = array<i32>} : memref<264x32xf32, #tpu.memory_space<vmem>>, vector<16xf32>,
    }
    %scan3A_6 = arith.constant 264 : i32
    %mul3A_7 = arith.constant 202 : i32
    %mul3A_8 = arith.muli %add3A, %mul3A_7 : i32
    "tpu.region"() ({
      %run_scoped3A = tpu.sem_alloc : memref<!tpu.dma_semaphore, #tpu.memory_space<semaphore_mem>>
      %dma_start3A = arith.constant 0 : i32
      %dma_start3A_40 = tpu.memref_slice %arg3[%mul3A_8, %dma_start3A] : memref<6464x128xi32, #tpu.memory_space<hbm>> -> memref<202x128xi32, #tpu.memory_space<hbm>>
      %dma_start3A_41 = arith.constant 0 : i32
      %dma_start3A_42 = tpu.memref_slice %arg3[%mul3A_8, %dma_start3A_41] : memref<6464x128xi32, #tpu.memory_space<hbm>> -> memref<202x128xi32, #tpu.memory_space<hbm>>
      tpu.enqueue_dma source(%dma_start3A_42 : memref<202x128xi32, #tpu.memory_space<hbm>>) target(%arg8 : memref<202x128xi32, #tpu.memory_space<vmem>>) target_semaphore(%run_scoped3A : memref<!tpu.dma_semaphore, #tpu.memory_space<semaphore_mem>>)
      %dma_wait3A = arith.constant 0 : i32
      %dma_wait3A_43 = tpu.memref_slice %arg3[%mul3A_8, %dma_wait3A] : memref<6464x128xi32, #tpu.memory_space<hbm>> -> memref<202x128xi32, #tpu.memory_space<hbm>>
      %dma_wait3A_44 = arith.constant 0 : i32
      %dma_wait3A_45 = tpu.memref_slice %arg3[%mul3A_8, %dma_wait3A_44] : memref<6464x128xi32, #tpu.memory_space<hbm>> -> memref<202x128xi32, #tpu.memory_space<hbm>>
      tpu.wait_dma2 semaphore(%run_scoped3A : memref<!tpu.dma_semaphore, #tpu.memory_space<semaphore_mem>>) src(%dma_wait3A_45 : memref<202x128xi32, #tpu.memory_space<hbm>>) dst(%arg8 : memref<202x128xi32, #tpu.memory_space<vmem>>)
      tpu.yield
    }) : () -> ()
    %mul3A_9 = arith.constant 202 : i32
    %mul3A_10 = arith.muli %add3A, %mul3A_9 : i32
    "tpu.region"() ({
      %run_scoped3A = tpu.sem_alloc : memref<!tpu.dma_semaphore, #tpu.memory_space<semaphore_mem>>
      %dma_start3A = arith.constant 0 : i32
      %dma_start3A_40 = tpu.memref_slice %arg4[%mul3A_10, %dma_start3A] : memref<6464x128xi32, #tpu.memory_space<hbm>> -> memref<202x128xi32, #tpu.memory_space<hbm>>
      %dma_start3A_41 = arith.constant 0 : i32
      %dma_start3A_42 = tpu.memref_slice %arg4[%mul3A_10, %dma_start3A_41] : memref<6464x128xi32, #tpu.memory_space<hbm>> -> memref<202x128xi32, #tpu.memory_space<hbm>>
      tpu.enqueue_dma source(%dma_start3A_42 : memref<202x128xi32, #tpu.memory_space<hbm>>) target(%arg9 : memref<202x128xi32, #tpu.memory_space<vmem>>) target_semaphore(%run_scoped3A : memref<!tpu.dma_semaphore, #tpu.memory_space<semaphore_mem>>)
      %dma_wait3A = arith.constant 0 : i32
      %dma_wait3A_43 = tpu.memref_slice %arg4[%mul3A_10, %dma_wait3A] : memref<6464x128xi32, #tpu.memory_space<hbm>> -> memref<202x128xi32, #tpu.memory_space<hbm>>
      %dma_wait3A_44 = arith.constant 0 : i32
      %dma_wait3A_45 = tpu.memref_slice %arg4[%mul3A_10, %dma_wait3A_44] : memref<6464x128xi32, #tpu.memory_space<hbm>> -> memref<202x128xi32, #tpu.memory_space<hbm>>
      tpu.wait_dma2 semaphore(%run_scoped3A : memref<!tpu.dma_semaphore, #tpu.memory_space<semaphore_mem>>) src(%dma_wait3A_45 : memref<202x128xi32, #tpu.memory_space<hbm>>) dst(%arg9 : memref<202x128xi32, #tpu.memory_space<vmem>>)
      tpu.yield
    }) : () -> ()
    %mul3A_11 = arith.constant 16 : i32
    %mul3A_12 = arith.muli %add3A, %mul3A_11 : i32
    "tpu.region"() ({
      %run_scoped3A = tpu.sem_alloc : memref<!tpu.dma_semaphore, #tpu.memory_space<semaphore_mem>>
      %dma_start3A = tpu.memref_slice %arg5[%mul3A_12] : memref<512xi32, #tpu.memory_space<hbm>> -> memref<16xi32, #tpu.memory_space<hbm>>
      %dma_start3A_40 = tpu.memref_slice %arg5[%mul3A_12] : memref<512xi32, #tpu.memory_space<hbm>> -> memref<16xi32, #tpu.memory_space<hbm>>
      tpu.enqueue_dma source(%dma_start3A_40 : memref<16xi32, #tpu.memory_space<hbm>>) target(%arg12 : memref<16xi32, #tpu.memory_space<vmem>>) target_semaphore(%run_scoped3A : memref<!tpu.dma_semaphore, #tpu.memory_space<semaphore_mem>>)
      %dma_wait3A = tpu.memref_slice %arg5[%mul3A_12] : memref<512xi32, #tpu.memory_space<hbm>> -> memref<16xi32, #tpu.memory_space<hbm>>
      %dma_wait3A_41 = tpu.memref_slice %arg5[%mul3A_12] : memref<512xi32, #tpu.memory_space<hbm>> -> memref<16xi32, #tpu.memory_space<hbm>>
      tpu.wait_dma2 semaphore(%run_scoped3A : memref<!tpu.dma_semaphore, #tpu.memory_space<semaphore_mem>>) src(%dma_wait3A_41 : memref<16xi32, #tpu.memory_space<hbm>>) dst(%arg12 : memref<16xi32, #tpu.memory_space<vmem>>)
      tpu.yield
    }) : () -> ()
    %mul3A_13 = arith.constant 264 : i32
    %mul3A_14 = arith.muli %arg1, %mul3A_13 : i32
    "tpu.region"() ({
      %run_scoped3A = tpu.sem_alloc : memref<!tpu.dma_semaphore, #tpu.memory_space<semaphore_mem>>
      %dma_start3A = arith.constant 0 : i32
      %dma_start3A_40 = tpu.memref_slice %arg14[%mul3A_14, %dma_start3A] : memref<4224x32xf32, #tpu.memory_space<vmem_shared>> -> memref<264x32xf32, #tpu.memory_space<vmem_shared>>
      %dma_start3A_41 = arith.constant 0 : i32
      %dma_start3A_42 = tpu.memref_slice %arg14[%mul3A_14, %dma_start3A_41] : memref<4224x32xf32, #tpu.memory_space<vmem_shared>> -> memref<264x32xf32, #tpu.memory_space<vmem_shared>>
      tpu.enqueue_dma source(%arg11 : memref<264x32xf32, #tpu.memory_space<vmem>>) target(%dma_start3A_42 : memref<264x32xf32, #tpu.memory_space<vmem_shared>>) target_semaphore(%run_scoped3A : memref<!tpu.dma_semaphore, #tpu.memory_space<semaphore_mem>>)
      %dma_wait3A = arith.constant 0 : i32
      %dma_wait3A_43 = tpu.memref_slice %arg14[%mul3A_14, %dma_wait3A] : memref<4224x32xf32, #tpu.memory_space<vmem_shared>> -> memref<264x32xf32, #tpu.memory_space<vmem_shared>>
      %dma_wait3A_44 = arith.constant 0 : i32
      %dma_wait3A_45 = tpu.memref_slice %arg14[%mul3A_14, %dma_wait3A_44] : memref<4224x32xf32, #tpu.memory_space<vmem_shared>> -> memref<264x32xf32, #tpu.memory_space<vmem_shared>>
      tpu.wait_dma2 semaphore(%run_scoped3A : memref<!tpu.dma_semaphore, #tpu.memory_space<semaphore_mem>>) src(%arg11 : memref<264x32xf32, #tpu.memory_space<vmem>>) dst(%dma_wait3A_45 : memref<264x32xf32, #tpu.memory_space<vmem_shared>>)
      tpu.yield
    }) : () -> ()
    %barrier3A = arith.constant 0 : index
    tpu.barrier barrier_id(%barrier3A)
    %get3A = arith.constant 0 : index
    %get3A_15 = tpu.vector_load %arg12[%get3A] {strides = array<i32>} : memref<16xi32, #tpu.memory_space<vmem>>, vector<16xi32>,
    %reduce_max3A = arith.constant true
    %reduce_max3A_16 = vector.broadcast %reduce_max3A : i1 to vector<16xi1>
    %reduce_max3A_17 = arith.constant -2147483648 : i32
    %reduce_max3A_18 = vector.broadcast %reduce_max3A_17 : i32 to vector<16xi32>
    %reduce_max3A_19 = arith.xori %get3A_15, %reduce_max3A_18 : vector<16xi32>
    %reduce_max3A_20 = tpu.scan <max>, %reduce_max3A_19 masked %reduce_max3A_16 : vector<16xi32>, vector<16xi1> -> vector<16xi32>
    %reduce_max3A_21 = arith.xori %reduce_max3A_20, %reduce_max3A_18 : vector<16xi32>
    %reduce_max3A_22 = vector.extract %reduce_max3A_21[15] : i32 from vector<16xi32>
    %while3A = arith.constant 0 : i32
    %while3A_23 = arith.constant 0 : i32
    %while3A_24 = arith.subi %reduce_max3A_22, %while3A_23 : i32
    %while3A_25 = arith.addi %while3A_23, %while3A_24 : i32
    %while3A_26 = arith.constant 1 : i32
    %while3A_27 = arith.divsi %while3A_24, %while3A_26 : i32
    %while3A_28 = arith.muli %while3A_27, %while3A_26 : i32
    %while3A_29 = arith.addi %while3A_23, %while3A_28 : i32
    %while3A_30 = arith.constant 1 : i32
    scf.for %while3A_40 = %while3A_23 to %while3A_29 step %while3A_30  : i32 {
      %dma_start3A = arith.constant 0 : i32
      %dma_start3A_41 = tpu.memref_slice %arg8[%while3A_40, %dma_start3A] : memref<202x128xi32, #tpu.memory_space<vmem>> -> memref<1x128xi32, #tpu.memory_space<vmem>>
      %dma_start3A_42 = tpu.memref_squeeze %dma_start3A_41 : memref<1x128xi32, #tpu.memory_space<vmem>> -> memref<128xi32, #tpu.memory_space<vmem>>
      %dma_start3A_43 = arith.constant 0 : i32
      %dma_start3A_44 = arith.constant 0 : i32
      %dma_start3A_45 = tpu.memref_slice %arg2[%dma_start3A_43, %dma_start3A_44] : memref<4224x32xf32, #tpu.memory_space<hbm>> -> memref<4224x32xf32, #tpu.memory_space<hbm>>
      tpu.enqueue_indirect_dma source(%dma_start3A_45 : memref<4224x32xf32, #tpu.memory_space<hbm>>) target(%arg10 : memref<128x32xf32, #tpu.memory_space<vmem>>) offsets(%dma_start3A_42 : memref<128xi32, #tpu.memory_space<vmem>>) semaphore(%arg13 : memref<!tpu.dma_semaphore, #tpu.memory_space<semaphore_mem>>)
      %dma_wait3A = arith.constant 0 : i32
      %dma_wait3A_46 = tpu.memref_slice %arg8[%while3A_40, %dma_wait3A] : memref<202x128xi32, #tpu.memory_space<vmem>> -> memref<1x128xi32, #tpu.memory_space<vmem>>
      %dma_wait3A_47 = tpu.memref_squeeze %dma_wait3A_46 : memref<1x128xi32, #tpu.memory_space<vmem>> -> memref<128xi32, #tpu.memory_space<vmem>>
      %dma_wait3A_48 = arith.constant 0 : i32
      %dma_wait3A_49 = arith.constant 0 : i32
      %dma_wait3A_50 = tpu.memref_slice %arg2[%dma_wait3A_48, %dma_wait3A_49] : memref<4224x32xf32, #tpu.memory_space<hbm>> -> memref<4224x32xf32, #tpu.memory_space<hbm>>
      tpu.wait_indirect_dma semaphore(%arg13 : memref<!tpu.dma_semaphore, #tpu.memory_space<semaphore_mem>>) src(%dma_wait3A_50 : memref<4224x32xf32, #tpu.memory_space<hbm>>) dst(%arg10 : memref<128x32xf32, #tpu.memory_space<vmem>>)
      "tpu.region"() ({
        %run_scoped3A = tpu.sem_alloc : memref<!tpu.dma_semaphore, #tpu.memory_space<semaphore_mem>>
        %dma_start3A_51 = arith.constant 0 : i32
        %dma_start3A_52 = tpu.memref_slice %arg9[%while3A_40, %dma_start3A_51] : memref<202x128xi32, #tpu.memory_space<vmem>> -> memref<1x128xi32, #tpu.memory_space<vmem>>
        %dma_start3A_53 = tpu.memref_squeeze %dma_start3A_52 : memref<1x128xi32, #tpu.memory_space<vmem>> -> memref<128xi32, #tpu.memory_space<vmem>>
        %dma_start3A_54 = arith.constant 0 : i32
        %dma_start3A_55 = arith.constant 0 : i32
        %dma_start3A_56 = tpu.memref_slice %arg14[%dma_start3A_54, %dma_start3A_55] : memref<4224x32xf32, #tpu.memory_space<vmem_shared>> -> memref<4224x32xf32, #tpu.memory_space<vmem_shared>>
        tpu.enqueue_indirect_dma source(%arg10 : memref<128x32xf32, #tpu.memory_space<vmem>>) target(%dma_start3A_56 : memref<4224x32xf32, #tpu.memory_space<vmem_shared>>) offsets(%dma_start3A_53 : memref<128xi32, #tpu.memory_space<vmem>>) semaphore(%run_scoped3A : memref<!tpu.dma_semaphore, #tpu.memory_space<semaphore_mem>>) {add = true}
        %dma_wait3A_57 = arith.constant 0 : i32
        %dma_wait3A_58 = tpu.memref_slice %arg9[%while3A_40, %dma_wait3A_57] : memref<202x128xi32, #tpu.memory_space<vmem>> -> memref<1x128xi32, #tpu.memory_space<vmem>>
        %dma_wait3A_59 = tpu.memref_squeeze %dma_wait3A_58 : memref<1x128xi32, #tpu.memory_space<vmem>> -> memref<128xi32, #tpu.memory_space<vmem>>
        %dma_wait3A_60 = arith.constant 0 : i32
        %dma_wait3A_61 = arith.constant 0 : i32
        %dma_wait3A_62 = tpu.memref_slice %arg14[%dma_wait3A_60, %dma_wait3A_61] : memref<4224x32xf32, #tpu.memory_space<vmem_shared>> -> memref<4224x32xf32, #tpu.memory_space<vmem_shared>>
        tpu.wait_indirect_dma semaphore(%run_scoped3A : memref<!tpu.dma_semaphore, #tpu.memory_space<semaphore_mem>>) src(%arg10 : memref<128x32xf32, #tpu.memory_space<vmem>>) dst(%dma_wait3A_62 : memref<4224x32xf32, #tpu.memory_space<vmem_shared>>)
        tpu.yield
      }) : () -> ()
    }
    %while3A_31 = arith.constant 1 : i32
    scf.for %while3A_40 = %while3A_29 to %while3A_25 step %while3A_31  : i32 {
      %dma_start3A = arith.constant 0 : i32
      %dma_start3A_41 = tpu.memref_slice %arg8[%while3A_40, %dma_start3A] : memref<202x128xi32, #tpu.memory_space<vmem>> -> memref<1x128xi32, #tpu.memory_space<vmem>>
      %dma_start3A_42 = tpu.memref_squeeze %dma_start3A_41 : memref<1x128xi32, #tpu.memory_space<vmem>> -> memref<128xi32, #tpu.memory_space<vmem>>
      %dma_start3A_43 = arith.constant 0 : i32
      %dma_start3A_44 = arith.constant 0 : i32
      %dma_start3A_45 = tpu.memref_slice %arg2[%dma_start3A_43, %dma_start3A_44] : memref<4224x32xf32, #tpu.memory_space<hbm>> -> memref<4224x32xf32, #tpu.memory_space<hbm>>
      tpu.enqueue_indirect_dma source(%dma_start3A_45 : memref<4224x32xf32, #tpu.memory_space<hbm>>) target(%arg10 : memref<128x32xf32, #tpu.memory_space<vmem>>) offsets(%dma_start3A_42 : memref<128xi32, #tpu.memory_space<vmem>>) semaphore(%arg13 : memref<!tpu.dma_semaphore, #tpu.memory_space<semaphore_mem>>)
      %dma_wait3A = arith.constant 0 : i32
      %dma_wait3A_46 = tpu.memref_slice %arg8[%while3A_40, %dma_wait3A] : memref<202x128xi32, #tpu.memory_space<vmem>> -> memref<1x128xi32, #tpu.memory_space<vmem>>
      %dma_wait3A_47 = tpu.memref_squeeze %dma_wait3A_46 : memref<1x128xi32, #tpu.memory_space<vmem>> -> memref<128xi32, #tpu.memory_space<vmem>>
      %dma_wait3A_48 = arith.constant 0 : i32
      %dma_wait3A_49 = arith.constant 0 : i32
      %dma_wait3A_50 = tpu.memref_slice %arg2[%dma_wait3A_48, %dma_wait3A_49] : memref<4224x32xf32, #tpu.memory_space<hbm>> -> memref<4224x32xf32, #tpu.memory_space<hbm>>
      tpu.wait_indirect_dma semaphore(%arg13 : memref<!tpu.dma_semaphore, #tpu.memory_space<semaphore_mem>>) src(%dma_wait3A_50 : memref<4224x32xf32, #tpu.memory_space<hbm>>) dst(%arg10 : memref<128x32xf32, #tpu.memory_space<vmem>>)
      "tpu.region"() ({
        %run_scoped3A = tpu.sem_alloc : memref<!tpu.dma_semaphore, #tpu.memory_space<semaphore_mem>>
        %dma_start3A_51 = arith.constant 0 : i32
        %dma_start3A_52 = tpu.memref_slice %arg9[%while3A_40, %dma_start3A_51] : memref<202x128xi32, #tpu.memory_space<vmem>> -> memref<1x128xi32, #tpu.memory_space<vmem>>
        %dma_start3A_53 = tpu.memref_squeeze %dma_start3A_52 : memref<1x128xi32, #tpu.memory_space<vmem>> -> memref<128xi32, #tpu.memory_space<vmem>>
        %dma_start3A_54 = arith.constant 0 : i32
        %dma_start3A_55 = arith.constant 0 : i32
        %dma_start3A_56 = tpu.memref_slice %arg14[%dma_start3A_54, %dma_start3A_55] : memref<4224x32xf32, #tpu.memory_space<vmem_shared>> -> memref<4224x32xf32, #tpu.memory_space<vmem_shared>>
        tpu.enqueue_indirect_dma source(%arg10 : memref<128x32xf32, #tpu.memory_space<vmem>>) target(%dma_start3A_56 : memref<4224x32xf32, #tpu.memory_space<vmem_shared>>) offsets(%dma_start3A_53 : memref<128xi32, #tpu.memory_space<vmem>>) semaphore(%run_scoped3A : memref<!tpu.dma_semaphore, #tpu.memory_space<semaphore_mem>>) {add = true}
        %dma_wait3A_57 = arith.constant 0 : i32
        %dma_wait3A_58 = tpu.memref_slice %arg9[%while3A_40, %dma_wait3A_57] : memref<202x128xi32, #tpu.memory_space<vmem>> -> memref<1x128xi32, #tpu.memory_space<vmem>>
        %dma_wait3A_59 = tpu.memref_squeeze %dma_wait3A_58 : memref<1x128xi32, #tpu.memory_space<vmem>> -> memref<128xi32, #tpu.memory_space<vmem>>
        %dma_wait3A_60 = arith.constant 0 : i32
        %dma_wait3A_61 = arith.constant 0 : i32
        %dma_wait3A_62 = tpu.memref_slice %arg14[%dma_wait3A_60, %dma_wait3A_61] : memref<4224x32xf32, #tpu.memory_space<vmem_shared>> -> memref<4224x32xf32, #tpu.memory_space<vmem_shared>>
        tpu.wait_indirect_dma semaphore(%run_scoped3A : memref<!tpu.dma_semaphore, #tpu.memory_space<semaphore_mem>>) src(%arg10 : memref<128x32xf32, #tpu.memory_space<vmem>>) dst(%dma_wait3A_62 : memref<4224x32xf32, #tpu.memory_space<vmem_shared>>)
        tpu.yield
      }) : () -> ()
    }
    %barrier3A_32 = arith.constant 0 : index
    tpu.barrier barrier_id(%barrier3A_32)
    %eq3A = arith.constant 0 : i32
    %eq3A_33 = arith.cmpi eq, %arg0, %eq3A : i32
    %convert_element_type3A = arith.extui %eq3A_33 : i1 to i32
    %cond3A = arith.constant 0 : i32
    %cond3A_34 = arith.cmpi ne, %convert_element_type3A, %cond3A : i32
    scf.if %cond3A_34 {
      %mul3A_40 = arith.constant 264 : i32
      %mul3A_41 = arith.muli %arg1, %mul3A_40 : i32
      %mul3A_42 = arith.constant 264 : i32
      %mul3A_43 = arith.muli %arg1, %mul3A_42 : i32
      "tpu.region"() ({
        %run_scoped3A = tpu.sem_alloc : memref<!tpu.dma_semaphore, #tpu.memory_space<semaphore_mem>>
        %dma_start3A = arith.constant 0 : i32
        %dma_start3A_44 = tpu.memref_slice %arg6[%mul3A_43, %dma_start3A] : memref<4224x32xf32, #tpu.memory_space<hbm>> -> memref<264x32xf32, #tpu.memory_space<hbm>>
        %dma_start3A_45 = arith.constant 0 : i32
        %dma_start3A_46 = tpu.memref_slice %arg14[%mul3A_41, %dma_start3A_45] : memref<4224x32xf32, #tpu.memory_space<vmem_shared>> -> memref<264x32xf32, #tpu.memory_space<vmem_shared>>
        tpu.enqueue_dma source(%dma_start3A_46 : memref<264x32xf32, #tpu.memory_space<vmem_shared>>) target(%dma_start3A_44 : memref<264x32xf32, #tpu.memory_space<hbm>>) target_semaphore(%run_scoped3A : memref<!tpu.dma_semaphore, #tpu.memory_space<semaphore_mem>>)
        %dma_wait3A = arith.constant 0 : i32
        %dma_wait3A_47 = tpu.memref_slice %arg6[%mul3A_43, %dma_wait3A] : memref<4224x32xf32, #tpu.memory_space<hbm>> -> memref<264x32xf32, #tpu.memory_space<hbm>>
        %dma_wait3A_48 = arith.constant 0 : i32
        %dma_wait3A_49 = tpu.memref_slice %arg14[%mul3A_41, %dma_wait3A_48] : memref<4224x32xf32, #tpu.memory_space<vmem_shared>> -> memref<264x32xf32, #tpu.memory_space<vmem_shared>>
        tpu.wait_dma2 semaphore(%run_scoped3A : memref<!tpu.dma_semaphore, #tpu.memory_space<semaphore_mem>>) src(%dma_wait3A_49 : memref<264x32xf32, #tpu.memory_space<vmem_shared>>) dst(%dma_wait3A_47 : memref<264x32xf32, #tpu.memory_space<hbm>>)
        tpu.yield
      }) : () -> ()
    } else {
    }
    %eq3A_35 = arith.constant 1 : i32
    %eq3A_36 = arith.cmpi eq, %arg0, %eq3A_35 : i32
    %convert_element_type3A_37 = arith.extui %eq3A_36 : i1 to i32
    %cond3A_38 = arith.constant 0 : i32
    %cond3A_39 = arith.cmpi ne, %convert_element_type3A_37, %cond3A_38 : i32
    scf.if %cond3A_39 {
      %mul3A_40 = arith.constant 264 : i32
      %mul3A_41 = arith.muli %arg1, %mul3A_40 : i32
      %mul3A_42 = arith.constant 264 : i32
      %mul3A_43 = arith.muli %arg1, %mul3A_42 : i32
      "tpu.region"() ({
        %run_scoped3A = tpu.sem_alloc : memref<!tpu.dma_semaphore, #tpu.memory_space<semaphore_mem>>
        %dma_start3A = arith.constant 0 : i32
        %dma_start3A_44 = tpu.memref_slice %arg7[%mul3A_43, %dma_start3A] : memref<4224x32xf32, #tpu.memory_space<hbm>> -> memref<264x32xf32, #tpu.memory_space<hbm>>
        %dma_start3A_45 = arith.constant 0 : i32
        %dma_start3A_46 = tpu.memref_slice %arg14[%mul3A_41, %dma_start3A_45] : memref<4224x32xf32, #tpu.memory_space<vmem_shared>> -> memref<264x32xf32, #tpu.memory_space<vmem_shared>>
        tpu.enqueue_dma source(%dma_start3A_46 : memref<264x32xf32, #tpu.memory_space<vmem_shared>>) target(%dma_start3A_44 : memref<264x32xf32, #tpu.memory_space<hbm>>) target_semaphore(%run_scoped3A : memref<!tpu.dma_semaphore, #tpu.memory_space<semaphore_mem>>)
        %dma_wait3A = arith.constant 0 : i32
        %dma_wait3A_47 = tpu.memref_slice %arg7[%mul3A_43, %dma_wait3A] : memref<4224x32xf32, #tpu.memory_space<hbm>> -> memref<264x32xf32, #tpu.memory_space<hbm>>
        %dma_wait3A_48 = arith.constant 0 : i32
        %dma_wait3A_49 = tpu.memref_slice %arg14[%mul3A_41, %dma_wait3A_48] : memref<4224x32xf32, #tpu.memory_space<vmem_shared>> -> memref<264x32xf32, #tpu.memory_space<vmem_shared>>
        tpu.wait_dma2 semaphore(%run_scoped3A : memref<!tpu.dma_semaphore, #tpu.memory_space<semaphore_mem>>) src(%dma_wait3A_49 : memref<264x32xf32, #tpu.memory_space<vmem_shared>>) dst(%dma_wait3A_47 : memref<264x32xf32, #tpu.memory_space<hbm>>)
        tpu.yield
      }) : () -> ()
    } else {
    }
    return
  }
}

module attributes {stable_mosaic.version = 14 : i64} {
  func.func @_fc_body(%arg0: memref<1x4096xf32, #tpu.memory_space<vmem>>, %arg1: memref<4096x128xf32, #tpu.memory_space<vmem>>, %arg2: memref<1x128xf32, #tpu.memory_space<vmem>>, %arg3: memref<1x128xf32, #tpu.memory_space<vmem>>) attributes {dimension_semantics = [], scalar_prefetch = 0 : i64, scratch_operands = 0 : i64, tpu.core_type = #tpu.core_type<tc>} {
    %get3A = arith.constant 0 : index
    %get3A_0 = arith.constant 0 : index
    %get3A_1 = vector.load %arg0[%get3A, %get3A_0] : memref<1x4096xf32, #tpu.memory_space<vmem>>, vector<1x4096xf32>
    %get3A_2 = arith.constant 0 : index
    %get3A_3 = arith.constant 0 : index
    %get3A_4 = vector.load %arg1[%get3A_2, %get3A_3] : memref<4096x128xf32, #tpu.memory_space<vmem>>, vector<4096x128xf32>
    %dot_general3A = arith.constant dense<0.000000e+00> : vector<1x128xf32>
    %dot_general3A_5 = tpu.matmul %get3A_1, %get3A_4, %dot_general3A {dimension_numbers = #tpu.dot_dimension_numbers<[1], [0], [0], [1], [0, 0, 1, 1], [], []>, transpose_lhs_hint = false} : vector<1x4096xf32>, vector<4096x128xf32>, vector<1x128xf32> -> vector<1x128xf32>
    %get3A_6 = arith.constant 0 : index
    %get3A_7 = arith.constant 0 : index
    %get3A_8 = vector.load %arg2[%get3A_6, %get3A_7] : memref<1x128xf32, #tpu.memory_space<vmem>>, vector<1x128xf32>
    %add3A = arith.addf %dot_general3A_5, %get3A_8 : vector<1x128xf32>
    %swap3A = arith.constant 0 : index
    %swap3A_9 = arith.constant 0 : index
    %swap3A_10 = vector.load %arg3[%swap3A, %swap3A_9] : memref<1x128xf32, #tpu.memory_space<vmem>>, vector<1x128xf32>
    tpu.vector_store %arg3[%swap3A, %swap3A_9], %add3A {strides = array<i32>} : memref<1x128xf32, #tpu.memory_space<vmem>>, vector<1x128xf32>,
    return
  }
}

</mosaic_0001>

<sc_bundles>
// kernel: gather_offload_async_start.1
scs
__scs_entry_jumppad:
0x0: {  	(pc) =	sbr.rel $0x88, $3  }
0x1: {  	(tag) =	ssettag $0x0;
	lr =	simm.s32 $0x1  }
0x2: {  	[smem:$0x3F95] =	sst lr;
	_ =	strace $0xD0000000  }
0x3: {  	_ = 	snop  }
0x4: {  	_ = 	snop  }
0x5: {  	_ = 	snop  }
0x6: {  	_ = 	snop  }
0x7: {  	_ = 	snop  }
__scs_overlays_trampoline_lowered:
0x8: {  	[smem:$0x3FA4] =	sst s0  }
0x9: {  	[smem:$0x3FA5] =	sst s1  }
0xa: {  	[smem:$0x3FA6] =	sst s2  }
0xb: {  	[smem:$0x3FA7] =	sst s3  }
0xc: {  	[smem:$0x3FA8] =	sst s4  }
0xd: {  	[smem:$0x3FA9] =	sst s5  }
0xe: {  	[smem:$0x3FAA] =	sst s6  }
0xf: {  	[smem:$0x3FAB] =	sst s7  }
0x10: {  	[smem:$0x3FAC] =	sst s8  }
0x11: {  	[smem:$0x3FAD] =	sst s9;
	s0 =	simm.s32 @!p0 $0x0  }
0x12: {  	s1 =	sld [smem:$0x3F93];
	s0 =	simm.s32 @p0 $0x1  }
0x13: {  	[smem:$0x3FAE] =	sst s0;
	s0 =	simm.s32 @!p1 $0x0  }
0x14: {  	s2 =	sld [smem:$0x3F92];
	s0 =	simm.s32 @p1 $0x1  }
0x15: {  	[smem:$0x3FAF] =	sst s0;
	s0 =	simm.s32 @!p2 $0x0  }
0x16: {  	s3 =	sld [smem:$0x3FDB];
	s0 =	simm.s32 @p2 $0x1  }
0x17: {  	s4 =	simm.s32 $0x1BF5;
	[smem:$0x3FB1] =	sst s0  }
0x18: {  	s0 =	sld [smem:$0x3F94];
	_ =	swait.ge [sflag:s4], $0x0  }
0x19: {  	s7 =	sld [smem:$0x3F95]  }
0x1a: {  	s8 =	sadd.s32 $0xFFFFE003, lr  }
0x1b: {  	s9 =	sadd.s32 $0xFFFFFEF7, lr;
	s5 =	simm.s32 $0xFFFFFFFF;
	p2 =	slt.u32 s8, $0xFFFFF086  }
0x1c: {  	p1 =	slt.u32 s9, $0xF7A;
	s5 =	simm.s32 @!p2 $0x0  }
0x1d: {  	s5 =	simm.s32 @p1 $0x1;
	p0 =	seq.s32 s7, s2  }
0x1e: {  	s7 =	smul.u32 @!p0 $0xF7A, s2;
	p2 =	seq.s32 @!p0 s5, $0x0  }
0x1f: {  	s9 =	smul.u32 $0xF7A, s1;
	s8 =	simm.s32 @!p0 $0x1BF5;
	p2 =	por !p2, p0  }
0x20: {  	[sflag:s8] =	ssyncset.s32 @!p0 $0xFFFFF086;
	s6 =	sadd.s32 @!p0 s3, s7;
	s7 =	simm.s32 @!p0 $0x108  }
0x21: {  	s3 =	sadd.s32 s3, s9;
	s6 =	sadd.s32 @!p0 $0x88, s6;
	s7 =	simm.s32 @p2 $0x1082  }
0x22: {  	[simem:s7], [sflag:s8] =	dma.local @!p0 [hbm:s6], $0xF7A  }
0x23: {  	s9 =	sor.u32 $0xD0000000, s2;
	s6 =	simm.s32 $0x108;
	_ =	swait.ge @!p0 [sflag:s8], $0x0  }
0x24: {  	s3 =	sadd.s32 $0x88, s3;
	s6 =	simm.s32 @!p1 $0x1082;
	[sflag:s4] =	ssyncset.s32 $0xFFFFF086  }
0x25: {  	[simem:s6], [sflag:s4] =	dma.local [hbm:s3], $0xF7A  }
0x26: {  	[smem:$0x3F95] =	sst s1;
	(tag) =	ssettag s2;
	_ =	strace s9  }
0x27: {  	s1 =	sld [smem:$0x3FA5]  }
0x28: {  	s2 =	sld [smem:$0x3FA6]  }
0x29: {  	s4 =	sld [smem:$0x3FA8]  }
0x2a: {  	p0 =	seq.s32 s5, $0x0;
	s5 =	sld [smem:$0x3FA9]  }
0x2b: {  	s6 =	sld [smem:$0x3FAA]  }
0x2c: {  	s7 =	sld [smem:$0x3FAB]  }
0x2d: {  	s3 =	simm.s32 $0x108;
	s8 =	sld [smem:$0x3FAC]  }
0x2e: {  	s3 =	simm.s32 @!p0 $0x1082;
	s9 =	sld [smem:$0x3FAD]  }
0x2f: {  	lr =	sadd.s32 s0, s3;
	s0 =	sld [smem:$0x3FA4]  }
0x30: {  	s3 =	sld [smem:$0x3FA7]  }
0x31: {  	[smem:$0x3FB0] =	sst s10  }
0x32: {  	s10 =	sld [smem:$0x3FAE];
	_ =	sdelay $0x3  }
0x33: {  	p0 =	seq.s32 s10, $0x1;
	s10 =	sld [smem:$0x3FB0];
	_ =	sdelay $0x3  }
0x34: {  	[smem:$0x3FB0] =	sst s10  }
0x35: {  	s10 =	sld [smem:$0x3FAF];
	_ =	sdelay $0x3  }
0x36: {  	p1 =	seq.s32 s10, $0x1;
	s10 =	sld [smem:$0x3FB0];
	_ =	sdelay $0x3  }
0x37: {  	[smem:$0x3FB0] =	sst s10  }
0x38: {  	s10 =	sld [smem:$0x3FB1]  }
0x39: {  	_ = 	snop;
	(pc) =	sbr.ind lr, $3  }
0x3a: {  	_ = 	snop  }
0x3b: {  	_ = 	snop  }
0x3c: {  	p2 =	seq.s32 s10, $0x1;
	s10 =	sld [smem:$0x3FB0]  }
0x3d: {  	_ =	shalt  }
0x3e: {  	_ =	shalt  }
0x3f: {  	_ =	shalt  }
0x40: {  	_ =	shalt  }
0x41: {  	_ =	shalt  }
0x42: {  	_ =	shalt  }
0x43: {  	_ =	shalt  }
0x44: {  	_ =	shalt  }
0x45: {  	_ =	shalt  }
0x46: {  	_ =	shalt  }
0x47: {  	_ =	shalt  }
0x48: {  	_ =	shalt  }
0x49: {  	_ =	shalt  }
0x4a: {  	_ =	shalt  }
0x4b: {  	_ =	shalt  }
0x4c: {  	_ =	shalt  }
0x4d: {  	_ =	shalt  }
0x4e: {  	_ =	shalt  }
0x4f: {  	_ =	shalt  }
0x50: {  	_ =	shalt  }
0x51: {  	_ =	shalt  }
0x52: {  	_ =	shalt  }
0x53: {  	_ =	shalt  }
0x54: {  	_ =	shalt  }
0x55: {  	_ =	shalt  }
0x56: {  	_ =	shalt  }
0x57: {  	_ =	shalt  }
0x58: {  	_ =	shalt  }
0x59: {  	_ =	shalt  }
0x5a: {  	_ =	shalt  }
0x5b: {  	_ =	shalt  }
0x5c: {  	_ =	shalt  }
0x5d: {  	_ =	shalt  }
0x5e: {  	_ =	shalt  }
0x5f: {  	_ =	shalt  }
0x60: {  	_ =	shalt  }
0x61: {  	_ =	shalt  }
0x62: {  	_ =	shalt  }
0x63: {  	_ =	shalt  }
0x64: {  	_ =	shalt  }
0x65: {  	_ =	shalt  }
0x66: {  	_ =	shalt  }
0x67: {  	_ =	shalt  }
0x68: {  	_ =	shalt  }
0x69: {  	_ =	shalt  }
0x6a: {  	_ =	shalt  }
0x6b: {  	_ =	shalt  }
0x6c: {  	_ =	shalt  }
0x6d: {  	_ =	shalt  }
0x6e: {  	_ =	shalt  }
0x6f: {  	_ =	shalt  }
0x70: {  	_ =	shalt  }
0x71: {  	_ =	shalt  }
0x72: {  	_ =	shalt  }
0x73: {  	_ =	shalt  }
0x74: {  	_ =	shalt  }
0x75: {  	_ =	shalt  }
0x76: {  	_ =	shalt  }
0x77: {  	_ =	shalt  }
0x78: {  	_ =	shalt  }
0x79: {  	_ =	shalt  }
0x7a: {  	_ =	shalt  }
0x7b: {  	_ =	shalt  }
0x7c: {  	_ =	shalt  }
0x7d: {  	_ =	shalt  }
0x7e: {  	_ =	shalt  }
0x7f: {  	_ =	shalt  }
0x80: {  	_ =	shalt  }
0x81: {  	_ =	shalt  }
0x82: {  	_ =	shalt  }
0x83: {  	_ =	shalt  }
0x84: {  	_ =	shalt  }
0x85: {  	_ =	shalt  }
0x86: {  	_ =	shalt  }
0x87: {  	_ =	shalt  }
.Lfunc_end0:
.L_simem_size_0:
called_computation.1_lowered:
.L_overlay_start_0:
0x88: {  	s2 =	sld [smem:$0x3FD9]  }
0x89: {  	s3 =	sld [smem:$0x3FFE];
	_ =	sdelay $0x1  }
0x8a: {  	s1 =	srdreg.scid  }
0x8b: {  	s0 =	sand.u32 $0x1, s1  }
0x8c: {  	s16 =	sshll.u32 s0, $0xA;
	s2 =	sadd.s32 s3, s2  }
0x8d: {  	s2 =	sadd.s32 s2, s16  }
0x8e: {  	[smem:$0x3FBC] =	sst s2  }
0x8f: {  	_ = 	snop  }
0x90: {  	(tm) =	ssettm $0x1  }
0x91: {  	s17 =	sld [smem:$0x3FFB];
	_ =	sdelay $0x3  }
0x92: {  	_ =	strace s17  }
0x93: {  	s2 =	sld [smem:$0x3FFC];
	_ =	sdelay $0x3  }
0x94: {  	_ =	strace s2  }
0x95: {  	s2 =	sld [smem:$0x3FFD];
	_ =	sdelay $0x3  }
0x96: {  	_ =	strace s2  }
0x97: {  	_ =	strace $0x8FFFFFFF  }
0x98: {  	s18 =	sld [smem:$0x3FDB];
	_ =	sdelay $0x1  }
0x99: {  	s19 =	simm.s32 $_scs_section_size  }
0x9a: {  	s4 =	simm.s32 $_size__tile_overlayer_lowered;
	s5 =	simm.s32 $_tile_overlayer_lowered  }
0x9b: {  	s22 =	simm.s32 $0x1BFF;
	s21 =	sshll.u32 s5, $0x1;
	s2 =	sadd.s32 s19, s18  }
0x9c: {  	s6 =	simm.s32 $0x0;
	s20 =	sshll.u32 s4, $0x1;
	s4 =	sadd.s32 s21, s2  }
0x9d: {  	[timem:s6], [sflag:s22] =	dma.local [hbm:s4], s20  }
0x9e: {  	_ =	swait.ge [sflag:s22], s20  }
0x9f: {  	s3 =	ssub.s32 $0x0, s20;
	[sflag:s22] =	ssyncset.done $0x0  }
0xa0: {  	[sflag:s22] =	ssyncadd.s32 s3;
	_ =	sdelay $0x1  }
0xa1: {  	s23 =	simm.s32 $0x1B8B  }
0xa2: {  	_ =	swait.ge [sflag:s23], $0x1  }
0xa3: {  	[sflag:s23] =	ssyncset.done $0x0  }
0xa4: {  	s25 =	simm.s32 $0x1B8E;
	s24 =	sld [smem:$0x3FFE];
	[sflag:s23] =	ssyncadd.s32 $0xFFFFFFFF  }
0xa5: {  	s26 =	simm.s32 $execute0_lowered;
	[smem:$0x3FD2] =	sst s25  }
0xa6: {  	s4 =	sshll.u32 s26, $0x1;
	_ =	strace $0x80000052;
	[dreg:$0x1] =	wrdreg $0xFFFFFFFF  }
0xa7: {  	s28 =	simm.s32 $_size_execute0_lowered;
	s2 =	sadd.s32 s2, s4;
	[dreg:$0x0] =	wrdreg $0x0  }
0xa8: {  	s4 =	sshll.u32 s28, $0x1;
	[dreg:$0x2] =	wrdreg s2  }
0xa9: {  	[dreg:$0x3] =	wrdreg s4  }
0xaa: {  	[dreg:$0x4] =	wrdreg $0xC0  }
0xab: {  	_ =	task [dreg:s6], $0x5FFFF  }
0xac: {  	[dreg:$0x1] =	wrdreg $0xFFFFFFFF  }
0xad: {  	[dreg:$0x0] =	wrdreg $0x60  }
0xae: {  	[dreg:$0x2] =	wrdreg s24  }
0xaf: {  	[dreg:$0x3] =	wrdreg $0x9  }
0xb0: {  	_ =	task.clear_ibuf [dreg:s6], $0x4FFFF;
	_ =	strace $0x90000052  }
0xb1: {  	s29 =	simm.s32 $0x9;
	_ =	strace $0x80000054  }
0xb2: {  	_ =	swait.ge [sflag:s29], $0x1  }
0xb3: {  	[sflag:s29] =	ssyncadd.s32 $0xFFFFFFFF  }
0xb4: {  	_ =	strace $0x90000054  }
0xb5: {  	_ =	sfence  }
0xb6: {  	s30 =	sld [smem:$0x0];
	_ =	sdelay $0x2  }
0xb7: {  	s31 =	sshll.u32 s1, $0xD;
	s1 =	sshrl.u32 s1, $0x2  }
0xb8: {  	s3 =	sand.u32 $0x4000, s31;
	s1 =	sadd.s32 s1, s30  }
0xb9: {  	s0 =	sor.u32 s3, s0;
	s1 =	sshll.u32 s1, $0x11  }
0xba: {  	s0 =	sor.u32 s1, s0  }
0xbb: {  	s0 =	sadd.s32 $0x8F2B, s0  }
0xbc: {  	[sflag:s0] =	ssyncadd.remote.s32 $0x1  }
0xbd: {  	_ =	sfence.sel $0xFFFF  }
0xbe: {  	[dreg:$0x0] =	wrdreg $0xFFFFFFFF;
	(pc) =	sbr.abs _section_cstart, $3  }
0xbf: {  	[dreg:$0x1] =	wrdreg $0xFFFFFFFF  }
0xc0: {  	_ =	task.clear_ibuf [dreg:s6], $0x2FFFF;
	_ =	strace $0x9FFFFFFF  }
0xc1: {  	(tm) =	ssettm $0x7FFFFFFF  }
tec
execute0_lowered:
.L_overlay_start_1:
0x0: {  	(tag) =	ssettag $0x1  }
0x1: {  	s7 =	rddreg [dreg:$0x0]  }
0x2: {  	s0 =	rddreg [dreg:$0x1];
	_ =	strace $0x80000053  }
0x3: {  	s1 =	srdreg.scid;
	s4 =	simm.s32 $0x1;
	s9 =	simm.s32 $0x3  }
0x4: {  	s12 =	simm.s32 $0x0;
	s10 =	simm.s32 $0x0;
	s5 =	sshll.u32 s1, $0x4  }
.Ltmp0:
0x5: {  	s1 =	stileid.u32;
	s5 =	sand.u32 $0x10, s5;
	(pc) =	sbr.rel .LBB2_1-.Ltmp0, $4  }
0x6: {  	s2 =	sadd.s32 $0x35200, s7;
	s3 =	sadd.s32 $0x1AA00, s7;
	s6 =	sor.u32 s1, s5  }
0x7: {  	[sflag:s4] =	ssyncpa.u1 $0x0;
	s5 =	simm.s32 $0x2;
	s6 =	sshll.u32 s6, $0x7  }
0x8: {  	s7 =	sadd.s32 $0x1B000, s7;
	[sflag:s5] =	ssyncpa.u1 $0x0;
	s8 =	sadd.s32 $0x80, s6  }
0x9: {  	vm0 =	vmmov $0xff;
	vm1 =	vcmask $0x3F20;
	[sflag:s9] =	ssyncpa.u1 $0x0;
	s9 =	simm.s32 $0x80;
	s11 =	smov.u32 s6  }
.LBB2_9:
0xa: {  	p0 =	seq.s32 s10, $0x2  }
.Ltmp1:
0xb: {  	_ = 	snop;
	(pc) =	sbr.rel @p0 .LBB2_11-.Ltmp1, $1  }
0xc: {  	_ =	sdelay $0x3  }
.LBB2_10:
0xd: {  	s12 =	sadd.s32 $0x80, s11  }
0xe: {  	s13 =	smov.u32 s6;
	p0 =	slt.s32 s12, s8  }
0xf: {  	s13 =	smov.u32 @p0 s12  }
0x10: {  	s10 =	sadd.s32 $0x1, s10;
	s12 =	smov.u32 s11;
	s11 =	smov.u32 s13  }
.LBB2_1:
0x11: {  	p0 =	sne.s32 s10, $0x0  }
.Ltmp2:
0x12: {  	_ = 	snop;
	(pc) =	sbr.rel @!p0 .LBB2_2-.Ltmp2, $1  }
0x13: {  	_ =	sdelay $0x3  }
0x14: {  	s13 =	sand.u32 $0x1, s10  }
0x15: {  	p0 =	seq.s32 s13, $0x0  }
.Ltmp3:
0x16: {  	_ = 	snop;
	(pc) =	sbr.rel @p0 .LBB2_9-.Ltmp3, $1  }
0x17: {  	_ =	sdelay $0x3  }
0x18: {  	_ =	swait.ge [sflag:s5], $0x80  }
0x19: {  	[sflag:s5] =	ssyncset.done $0x0  }
0x1a: {  	s13 =	simm.s32 $0x0;
	[sflag:s5] =	ssyncadd.s32 $0xFFFFFF80  }
0x1b: {  	v0 =	vld.msk [tilespmem:s13+$0x80 ss:$0x1], $0xffff;
	_ =	sdelay $0x4  }
0x1c: {  	vm2 =	vgt.s32 v0, $0x0  }
0x1d: {  	v0 =	vnsel vm2, $0x0, v0  }
0x1e: {  	v0 =	vmin.u32 v0, $0xC34F  }
0x1f: {  	v0 =	vshll.u32 v0, $0x4;
	_ =	sdelay $0x3  }
0x20: {  	s13 =	simm.s32 $0x4100  }
0x21: {  	[tilespmem:s13], [sflag:$0x1] =	stream.indirect_vreg.gather [hbm:s2], $0x80, v0, vm0, $0x38;
	[tilespmem:$0x8100] =	vst v63  }
0x22: {  	s14 =	simm.s32 $0x4500;
	s31 =	simm.s32 $0x10  }
0x23: {  	[tilespmem:s14], [sflag:$0x1] =	stream.indirect_vreg.gather [hbm:s2], $0x80, v0, vm1, $0x38;
	[tilespmem:$0x8100] =	vst v63  }
0x24: {  	s14 =	simm.s32 $0x80;
	v0 =	vld.msk [tilespmem:s31+$0x80 ss:$0x1], $0xffff  }
.LBB2_5:
0x25: {  	p0 =	sne.s32 s14, $0x1C0;
	_ =	sdelay $0x4  }
0x26: {  	vm2 =	vgt.s32 v0, $0x0  }
0x27: {  	v0 =	vnsel vm2, $0x0, v0  }
0x28: {  	v0 =	vmin.u32 v0, $0xC34F  }
0x29: {  	v0 =	vshll.u32 v0, $0x4;
	_ =	sdelay $0x3  }
.Ltmp4:
0x2a: {  	s13 =	sadd.s32 $0x800, s13;
	(pc) =	sbr.rel @p0 .LBB2_5-.Ltmp4, $4  }
0x2b: {  	[tilespmem:s13], [sflag:$0x1] =	stream.indirect_vreg.gather [hbm:s2], $0x80, v0, vm0, $0x38;
	[tilespmem:$0x8100] =	vst v63  }
0x2c: {  	s15 =	sshra.s32 s14, $0x2;
	s16 =	sadd.s32 $0x400, s13  }
0x2d: {  	[tilespmem:s16], [sflag:$0x1] =	stream.indirect_vreg.gather [hbm:s2], $0x80, v0, vm1, $0x38;
	[tilespmem:$0x8100] =	vst v63  }
0x2e: {  	s14 =	sadd.s32 $0x40, s14;
	v0 =	vld.msk [tilespmem:s15+$0x80 ss:$0x1], $0xffff  }
0x2f: {  	_ =	sdelay $0x3  }
0x30: {  	vm2 =	vgt.s32 v0, $0x0  }
0x31: {  	v0 =	vnsel vm2, $0x0, v0  }
0x32: {  	v0 =	vmin.u32 v0, $0xC34F  }
0x33: {  	v0 =	vshll.u32 v0, $0x4;
	_ =	sdelay $0x3  }
0x34: {  	s13 =	sadd.s32 $0x800, s13  }
0x35: {  	[tilespmem:s13], [sflag:$0x1] =	stream.indirect_vreg.gather [hbm:s2], $0x80, v0, vm0, $0x38;
	[tilespmem:$0x8100] =	vst v63  }
0x36: {  	s13 =	sadd.s32 $0x400, s13  }
0x37: {  	[tilespmem:s13], [sflag:$0x1] =	stream.indirect_vreg.gather [hbm:s2], $0x80, v0, vm1, $0x38;
	[tilespmem:$0x8100] =	vst v63  }
0x38: {  	s12 =	sshll.u32 s12, $0x4;
	s14 =	simm.s32 $0x80;
	_ =	swait.ge [sflag:s4], $0x4000  }
0x39: {  	s15 =	simm.s32 $0x4500;
	s12 =	sadd.s32 s12, s7;
	[sflag:s4] =	ssyncset.done $0x0  }
0x3a: {  	s16 =	sadd.s32 $0x0, s12;
	s13 =	simm.s32 $0x4100;
	[sflag:s4] =	ssyncadd.s32 $0xFFFFC000  }
.LBB2_7:
0x3b: {  	[hbm:s16] =	stream.linear.scatter [tilespmem:s13], [sflag:$0x3], $0x400, $0x38;
	[tilespmem:$0x8100] =	vst v63  }
0x3c: {  	s16 =	smov.u32 s14;
	s13 =	smov.u32 s15;
	p0 =	sne.s32 s14, $0x780  }
.Ltmp5:
0x3d: {  	s14 =	sadd.s32 $0x80, s14;
	(pc) =	sbr.rel @p0 .LBB2_7-.Ltmp5, $2  }
0x3e: {  	_ =	sdelay $0x2  }
0x3f: {  	s15 =	sadd.s32 $0x400, s15;
	s16 =	sadd.s32 s16, s12  }
.Ltmp6:
0x40: {  	(pc) =	sbr.rel .LBB2_9-.Ltmp6, $2  }
0x41: {  	_ =	sdelay $0x2  }
0x42: {  	[hbm:s16] =	stream.linear.scatter [tilespmem:s13], [sflag:$0x3], $0x400, $0x38;
	[tilespmem:$0x8100] =	vst v63  }
.LBB2_2:
.Ltmp7:
0x43: {  	(pc) =	sbr.rel .LBB2_10-.Ltmp7, $4  }
0x44: {  	_ = 	snop  }
0x45: {  	s12 =	sshrl.u32 s11, $0x3  }
0x46: {  	s13 =	sand.u32 $0x7, s11;
	s12 =	sadd.s32 s3, s12  }
0x47: {  	[tilespmem:s9], [sflag:$0x2] =	stream.linear.gather [hbm4b:s12+s13], $0x80, $0x38;
	[tilespmem:$0x8100] =	vst v63  }
.LBB2_11:
0x48: {  	s2 =	simm.s32 $0x3  }
0x49: {  	_ =	swait.ge [sflag:s2], $0x4000  }
0x4a: {  	[sflag:s2] =	ssyncset.done $0x0  }
0x4b: {  	[sflag:s2] =	ssyncadd.s32 $0xFFFFC000  }
0x4c: {  	_ =	sfence.sel $0x180000  }
0x4d: {  	s3 =	simm.s32 $0x2;
	[bflag:$0x0] =	sbarrier.arrive $0xFFFF  }
0x4e: {  	[sflag:s3] =	ssyncpa.u1 $0x1  }
0x4f: {  	s31 =	simm.s32 $0x1;
	[sflag:s2] =	ssyncpa.u1 $0x1  }
0x50: {  	[sflag:s31] =	ssyncpa.u1 $0x1  }
0x51: {  	p0 =	sne.s32 s1, $0x0;
	_ =	strace $0x90000053  }
0x52: {  	s0 =	sadd.s32 @!p0 $0x100000, s0;
	[bflag:$0x2] =	sbarrier.arrive $0xFFFF  }
0x53: {  	[sflag:s0] =	ssyncadd.tile.s32 @!p0 $0x1;
	_ =	shalt  }
.Lfunc_end2:
_tile_overlayer_lowered:
.L_overlay_start_2:
0x54: {  	(tag) =	ssettag $0x2  }
0x55: {  	s0 =	rddreg [dreg:$0x0];
	s2 =	stileid.u32  }
0x56: {  	s1 =	rddreg [dreg:$0x1];
	p0 =	sne.s32 s2, $0x0  }
0x57: {  	s3 =	rddreg [dreg:$0x2];
	[bflag:$0x3] =	sbarrier.arrive $0xFFFF;
	s2 =	simm.s32 @!p0 $0x1C01  }
0x58: {  	[timem:s3], [sflag:s2] =	dma.local @!p0 [hbm:s0], s1  }
0x59: {  	s0 =	simm.s32 @!p0 $0x1  }
0x5a: {  	_ =	swait.ge @!p0 [sflag:s0], s1  }
0x5b: {  	s1 =	ssub.s32 @!p0 $0x0, s1;
	[sflag:s0] =	ssyncset.done @!p0 $0x0  }
0x5c: {  	[sflag:s0] =	ssyncadd.s32 @!p0 s1  }
0x5d: {  	[bflag:$0x3] =	sbarrier.arrive $0xFFFF  }
0x5e: {  	_ =	shalt  }

// kernel: gather_offload_async_start
scs
__scs_entry_jumppad:
0x0: {  	(pc) =	sbr.rel $0x88, $3  }
0x1: {  	(tag) =	ssettag $0x0;
	lr =	simm.s32 $0x1  }
0x2: {  	[smem:$0x3F95] =	sst lr;
	_ =	strace $0xD0000000  }
0x3: {  	_ = 	snop  }
0x4: {  	_ = 	snop  }
0x5: {  	_ = 	snop  }
0x6: {  	_ = 	snop  }
0x7: {  	_ = 	snop  }
__scs_overlays_trampoline_lowered:
0x8: {  	[smem:$0x3FA4] =	sst s0  }
0x9: {  	[smem:$0x3FA5] =	sst s1  }
0xa: {  	[smem:$0x3FA6] =	sst s2  }
0xb: {  	[smem:$0x3FA7] =	sst s3  }
0xc: {  	[smem:$0x3FA8] =	sst s4  }
0xd: {  	[smem:$0x3FA9] =	sst s5  }
0xe: {  	[smem:$0x3FAA] =	sst s6  }
0xf: {  	[smem:$0x3FAB] =	sst s7  }
0x10: {  	[smem:$0x3FAC] =	sst s8  }
0x11: {  	[smem:$0x3FAD] =	sst s9;
	s0 =	simm.s32 @!p0 $0x0  }
0x12: {  	s1 =	sld [smem:$0x3F93];
	s0 =	simm.s32 @p0 $0x1  }
0x13: {  	[smem:$0x3FAE] =	sst s0;
	s0 =	simm.s32 @!p1 $0x0  }
0x14: {  	s2 =	sld [smem:$0x3F92];
	s0 =	simm.s32 @p1 $0x1  }
0x15: {  	[smem:$0x3FAF] =	sst s0;
	s0 =	simm.s32 @!p2 $0x0  }
0x16: {  	s3 =	sld [smem:$0x3FDB];
	s0 =	simm.s32 @p2 $0x1  }
0x17: {  	s4 =	simm.s32 $0x1BF5;
	[smem:$0x3FB1] =	sst s0  }
0x18: {  	s0 =	sld [smem:$0x3F94];
	_ =	swait.ge [sflag:s4], $0x0  }
0x19: {  	s7 =	sld [smem:$0x3F95]  }
0x1a: {  	s8 =	sadd.s32 $0xFFFFE003, lr  }
0x1b: {  	s9 =	sadd.s32 $0xFFFFFEF7, lr;
	s5 =	simm.s32 $0xFFFFFFFF;
	p2 =	slt.u32 s8, $0xFFFFF086  }
0x1c: {  	p1 =	slt.u32 s9, $0xF7A;
	s5 =	simm.s32 @!p2 $0x0  }
0x1d: {  	s5 =	simm.s32 @p1 $0x1;
	p0 =	seq.s32 s7, s2  }
0x1e: {  	s7 =	smul.u32 @!p0 $0xF7A, s2;
	p2 =	seq.s32 @!p0 s5, $0x0  }
0x1f: {  	s9 =	smul.u32 $0xF7A, s1;
	s8 =	simm.s32 @!p0 $0x1BF5;
	p2 =	por !p2, p0  }
0x20: {  	[sflag:s8] =	ssyncset.s32 @!p0 $0xFFFFF086;
	s6 =	sadd.s32 @!p0 s3, s7;
	s7 =	simm.s32 @!p0 $0x108  }
0x21: {  	s3 =	sadd.s32 s3, s9;
	s6 =	sadd.s32 @!p0 $0x88, s6;
	s7 =	simm.s32 @p2 $0x1082  }
0x22: {  	[simem:s7], [sflag:s8] =	dma.local @!p0 [hbm:s6], $0xF7A  }
0x23: {  	s9 =	sor.u32 $0xD0000000, s2;
	s6 =	simm.s32 $0x108;
	_ =	swait.ge @!p0 [sflag:s8], $0x0  }
0x24: {  	s3 =	sadd.s32 $0x88, s3;
	s6 =	simm.s32 @!p1 $0x1082;
	[sflag:s4] =	ssyncset.s32 $0xFFFFF086  }
0x25: {  	[simem:s6], [sflag:s4] =	dma.local [hbm:s3], $0xF7A  }
0x26: {  	[smem:$0x3F95] =	sst s1;
	(tag) =	ssettag s2;
	_ =	strace s9  }
0x27: {  	s1 =	sld [smem:$0x3FA5]  }
0x28: {  	s2 =	sld [smem:$0x3FA6]  }
0x29: {  	s4 =	sld [smem:$0x3FA8]  }
0x2a: {  	p0 =	seq.s32 s5, $0x0;
	s5 =	sld [smem:$0x3FA9]  }
0x2b: {  	s6 =	sld [smem:$0x3FAA]  }
0x2c: {  	s7 =	sld [smem:$0x3FAB]  }
0x2d: {  	s3 =	simm.s32 $0x108;
	s8 =	sld [smem:$0x3FAC]  }
0x2e: {  	s3 =	simm.s32 @!p0 $0x1082;
	s9 =	sld [smem:$0x3FAD]  }
0x2f: {  	lr =	sadd.s32 s0, s3;
	s0 =	sld [smem:$0x3FA4]  }
0x30: {  	s3 =	sld [smem:$0x3FA7]  }
0x31: {  	[smem:$0x3FB0] =	sst s10  }
0x32: {  	s10 =	sld [smem:$0x3FAE];
	_ =	sdelay $0x3  }
0x33: {  	p0 =	seq.s32 s10, $0x1;
	s10 =	sld [smem:$0x3FB0];
	_ =	sdelay $0x3  }
0x34: {  	[smem:$0x3FB0] =	sst s10  }
0x35: {  	s10 =	sld [smem:$0x3FAF];
	_ =	sdelay $0x3  }
0x36: {  	p1 =	seq.s32 s10, $0x1;
	s10 =	sld [smem:$0x3FB0];
	_ =	sdelay $0x3  }
0x37: {  	[smem:$0x3FB0] =	sst s10  }
0x38: {  	s10 =	sld [smem:$0x3FB1]  }
0x39: {  	_ = 	snop;
	(pc) =	sbr.ind lr, $3  }
0x3a: {  	_ = 	snop  }
0x3b: {  	_ = 	snop  }
0x3c: {  	p2 =	seq.s32 s10, $0x1;
	s10 =	sld [smem:$0x3FB0]  }
0x3d: {  	_ =	shalt  }
0x3e: {  	_ =	shalt  }
0x3f: {  	_ =	shalt  }
0x40: {  	_ =	shalt  }
0x41: {  	_ =	shalt  }
0x42: {  	_ =	shalt  }
0x43: {  	_ =	shalt  }
0x44: {  	_ =	shalt  }
0x45: {  	_ =	shalt  }
0x46: {  	_ =	shalt  }
0x47: {  	_ =	shalt  }
0x48: {  	_ =	shalt  }
0x49: {  	_ =	shalt  }
0x4a: {  	_ =	shalt  }
0x4b: {  	_ =	shalt  }
0x4c: {  	_ =	shalt  }
0x4d: {  	_ =	shalt  }
0x4e: {  	_ =	shalt  }
0x4f: {  	_ =	shalt  }
0x50: {  	_ =	shalt  }
0x51: {  	_ =	shalt  }
0x52: {  	_ =	shalt  }
0x53: {  	_ =	shalt  }
0x54: {  	_ =	shalt  }
0x55: {  	_ =	shalt  }
0x56: {  	_ =	shalt  }
0x57: {  	_ =	shalt  }
0x58: {  	_ =	shalt  }
0x59: {  	_ =	shalt  }
0x5a: {  	_ =	shalt  }
0x5b: {  	_ =	shalt  }
0x5c: {  	_ =	shalt  }
0x5d: {  	_ =	shalt  }
0x5e: {  	_ =	shalt  }
0x5f: {  	_ =	shalt  }
0x60: {  	_ =	shalt  }
0x61: {  	_ =	shalt  }
0x62: {  	_ =	shalt  }
0x63: {  	_ =	shalt  }
0x64: {  	_ =	shalt  }
0x65: {  	_ =	shalt  }
0x66: {  	_ =	shalt  }
0x67: {  	_ =	shalt  }
0x68: {  	_ =	shalt  }
0x69: {  	_ =	shalt  }
0x6a: {  	_ =	shalt  }
0x6b: {  	_ =	shalt  }
0x6c: {  	_ =	shalt  }
0x6d: {  	_ =	shalt  }
0x6e: {  	_ =	shalt  }
0x6f: {  	_ =	shalt  }
0x70: {  	_ =	shalt  }
0x71: {  	_ =	shalt  }
0x72: {  	_ =	shalt  }
0x73: {  	_ =	shalt  }
0x74: {  	_ =	shalt  }
0x75: {  	_ =	shalt  }
0x76: {  	_ =	shalt  }
0x77: {  	_ =	shalt  }
0x78: {  	_ =	shalt  }
0x79: {  	_ =	shalt  }
0x7a: {  	_ =	shalt  }
0x7b: {  	_ =	shalt  }
0x7c: {  	_ =	shalt  }
0x7d: {  	_ =	shalt  }
0x7e: {  	_ =	shalt  }
0x7f: {  	_ =	shalt  }
0x80: {  	_ =	shalt  }
0x81: {  	_ =	shalt  }
0x82: {  	_ =	shalt  }
0x83: {  	_ =	shalt  }
0x84: {  	_ =	shalt  }
0x85: {  	_ =	shalt  }
0x86: {  	_ =	shalt  }
0x87: {  	_ =	shalt  }
.Lfunc_end0:
.L_simem_size_0:
called_computation_lowered:
.L_overlay_start_0:
0x88: {  	s2 =	sld [smem:$0x3FD9]  }
0x89: {  	s3 =	sld [smem:$0x3FFE];
	_ =	sdelay $0x1  }
0x8a: {  	s1 =	srdreg.scid  }
0x8b: {  	s0 =	sand.u32 $0x1, s1  }
0x8c: {  	s16 =	sshll.u32 s0, $0xA;
	s2 =	sadd.s32 s3, s2  }
0x8d: {  	s2 =	sadd.s32 s2, s16  }
0x8e: {  	[smem:$0x3FBC] =	sst s2  }
0x8f: {  	_ = 	snop  }
0x90: {  	(tm) =	ssettm $0x1  }
0x91: {  	s17 =	sld [smem:$0x3FFB];
	_ =	sdelay $0x3  }
0x92: {  	_ =	strace s17  }
0x93: {  	s2 =	sld [smem:$0x3FFC];
	_ =	sdelay $0x3  }
0x94: {  	_ =	strace s2  }
0x95: {  	s2 =	sld [smem:$0x3FFD];
	_ =	sdelay $0x3  }
0x96: {  	_ =	strace s2  }
0x97: {  	_ =	strace $0x8FFFFFFF  }
0x98: {  	s18 =	sld [smem:$0x3FDB];
	_ =	sdelay $0x1  }
0x99: {  	s19 =	simm.s32 $_scs_section_size  }
0x9a: {  	s4 =	simm.s32 $_size__tile_overlayer_lowered;
	s5 =	simm.s32 $_tile_overlayer_lowered  }
0x9b: {  	s22 =	simm.s32 $0x1BFF;
	s21 =	sshll.u32 s5, $0x1;
	s2 =	sadd.s32 s19, s18  }
0x9c: {  	s6 =	simm.s32 $0x0;
	s20 =	sshll.u32 s4, $0x1;
	s4 =	sadd.s32 s21, s2  }
0x9d: {  	[timem:s6], [sflag:s22] =	dma.local [hbm:s4], s20  }
0x9e: {  	_ =	swait.ge [sflag:s22], s20  }
0x9f: {  	s3 =	ssub.s32 $0x0, s20;
	[sflag:s22] =	ssyncset.done $0x0  }
0xa0: {  	[sflag:s22] =	ssyncadd.s32 s3;
	_ =	sdelay $0x1  }
0xa1: {  	s23 =	simm.s32 $0x1B8B  }
0xa2: {  	_ =	swait.ge [sflag:s23], $0x1  }
0xa3: {  	[sflag:s23] =	ssyncset.done $0x0  }
0xa4: {  	s25 =	simm.s32 $0x1B8E;
	s24 =	sld [smem:$0x3FFE];
	[sflag:s23] =	ssyncadd.s32 $0xFFFFFFFF  }
0xa5: {  	s26 =	simm.s32 $execute0_lowered;
	[smem:$0x3FD2] =	sst s25  }
0xa6: {  	s4 =	sshll.u32 s26, $0x1;
	_ =	strace $0x8000004C;
	[dreg:$0x1] =	wrdreg $0xFFFFFFFF  }
0xa7: {  	s28 =	simm.s32 $_size_execute0_lowered;
	s2 =	sadd.s32 s2, s4;
	[dreg:$0x0] =	wrdreg $0x0  }
0xa8: {  	s4 =	sshll.u32 s28, $0x1;
	[dreg:$0x2] =	wrdreg s2  }
0xa9: {  	[dreg:$0x3] =	wrdreg s4  }
0xaa: {  	[dreg:$0x4] =	wrdreg $0xC0  }
0xab: {  	_ =	task [dreg:s6], $0x5FFFF  }
0xac: {  	[dreg:$0x1] =	wrdreg $0xFFFFFFFF  }
0xad: {  	[dreg:$0x0] =	wrdreg $0x60  }
0xae: {  	[dreg:$0x2] =	wrdreg s24  }
0xaf: {  	[dreg:$0x3] =	wrdreg $0x9  }
0xb0: {  	_ =	task.clear_ibuf [dreg:s6], $0x4FFFF;
	_ =	strace $0x9000004C  }
0xb1: {  	s29 =	simm.s32 $0x9;
	_ =	strace $0x8000004E  }
0xb2: {  	_ =	swait.ge [sflag:s29], $0x1  }
0xb3: {  	[sflag:s29] =	ssyncadd.s32 $0xFFFFFFFF  }
0xb4: {  	_ =	strace $0x9000004E  }
0xb5: {  	_ =	sfence  }
0xb6: {  	s30 =	sld [smem:$0x0];
	_ =	sdelay $0x2  }
0xb7: {  	s31 =	sshll.u32 s1, $0xD;
	s1 =	sshrl.u32 s1, $0x2  }
0xb8: {  	s3 =	sand.u32 $0x4000, s31;
	s1 =	sadd.s32 s1, s30  }
0xb9: {  	s0 =	sor.u32 s3, s0;
	s1 =	sshll.u32 s1, $0x11  }
0xba: {  	s0 =	sor.u32 s1, s0  }
0xbb: {  	s0 =	sadd.s32 $0x8F2B, s0  }
0xbc: {  	[sflag:s0] =	ssyncadd.remote.s32 $0x1  }
0xbd: {  	_ =	sfence.sel $0xFFFF  }
0xbe: {  	[dreg:$0x0] =	wrdreg $0xFFFFFFFF;
	(pc) =	sbr.abs _section_cstart, $3  }
0xbf: {  	[dreg:$0x1] =	wrdreg $0xFFFFFFFF  }
0xc0: {  	_ =	task.clear_ibuf [dreg:s6], $0x2FFFF;
	_ =	strace $0x9FFFFFFF  }
0xc1: {  	(tm) =	ssettm $0x7FFFFFFF  }
tec
execute0_lowered:
.L_overlay_start_1:
0x0: {  	(tag) =	ssettag $0x1  }
0x1: {  	s0 =	srdreg.scid;
	s5 =	rddreg [dreg:$0x0]  }
0x2: {  	s1 =	stileid.u32;
	s6 =	simm.s32 $0x1;
	s9 =	simm.s32 $0x1  }
0x3: {  	s10 =	simm.s32 $0x3;
	s13 =	simm.s32 $0x0;
	s2 =	sshll.u32 s0, $0x6  }
0x4: {  	s12 =	simm.s32 $0x0;
	s3 =	sshll.u32 s1, $0x7;
	s2 =	sand.u32 $0x40, s2  }
0x5: {  	s0 =	rddreg [dreg:$0x1];
	_ =	strace $0x8000004D;
	s2 =	sor.u32 s3, s2  }
0x6: {  	s4 =	sadd.s32 $0x1AA00, s5;
	[sflag:s6] =	ssyncpa.u1 $0x0;
	s8 =	ssub.s32 $0x1000, s2  }
.Ltmp0:
0x7: {  	s3 =	sadd.s32 $0x19000, s5;
	s7 =	sand.u32 $0x7C0, s8;
	(pc) =	sbr.rel .LBB2_1-.Ltmp0, $4  }
0x8: {  	s5 =	sadd.s32 $0x1AC00, s5;
	s11 =	smov.u32 s2;
	p0 =	sne.s32 s7, $0x0  }
0x9: {  	s8 =	sshrl.u32 s8, $0xB;
	s7 =	simm.s32 $0x2;
	s9 =	simm.s32 @!p0 $0x0  }
0xa: {  	[sflag:s7] =	ssyncpa.u1 $0x0;
	p0 =	por $0x0, $0x0;
	s8 =	sadd.s32 s9, s8  }
0xb: {  	vm0 =	vmmov $0xffff;
	[sflag:s10] =	ssyncpa.u1 $0x0;
	s10 =	simm.s32 $0x0;
	s9 =	sadd.s32 $0x1, s8  }
.LBB2_4:
0xc: {  	v2 =	vnsel vm1, $0x0, v2  }
0xd: {  	vm1 =	vgt.s32 v0, $0x0;
	v2 =	vmin.u32 v2, $0xC34F  }
0xe: {  	v0 =	vnsel vm1, $0x0, v0  }
0xf: {  	v0 =	vmin.u32 v0, $0xC34F  }
0x10: {  	[tilespmem:s15], [sflag:$0x1] =	stream.indirect_vreg.gather [hbm4b:s3+s10], $0x1, v1, vm0, $0x4038;
	[tilespmem:$0x100] =	vst v63  }
0x11: {  	(ifvalue) =	ssetifvalue $0x7FFFFFFF  }
0x12: {  	[tilespmem:s16], [sflag:$0x1] =	stream.indirect_vreg.gather [hbm4b:s3+s10], $0x1, v2, vm0, $0x4038;
	[tilespmem:$0x100] =	vst v63  }
0x13: {  	s29 =	sadd.s32 $0x10, s16;
	(ifvalue) =	ssetifvalue $0x7FFFFFFF  }
0x14: {  	[tilespmem:s29], [sflag:$0x1] =	stream.indirect_vreg.gather [hbm4b:s3+s10], $0x1, v0, vm0, $0x4038;
	[tilespmem:$0x100] =	vst v63  }
0x15: {  	_ =	swait.ge [sflag:s6], $0x40  }
0x16: {  	s30 =	sshrl.u32 s13, $0x3;
	[sflag:s6] =	ssyncset.done $0x0  }
0x17: {  	s31 =	sand.u32 $0x7, s13;
	s15 =	sadd.s32 s5, s30;
	[sflag:s6] =	ssyncadd.s32 $0xFFFFFFC0  }
0x18: {  	[hbm4b:s15+s31] =	stream.linear.scatter [tilespmem:s14], [sflag:$0x3], $0x40, $0x38;
	[tilespmem:$0x100] =	vst v63  }
.LBB2_5:
0x19: {  	s15 =	sadd.s32 $0x800, s11  }
0x1a: {  	p2 =	sgt.s32 s15, $0xFFF  }
0x1b: {  	s15 =	smov.u32 @p2 s2;
	p2 =	sne.s32 s12, s9  }
.Ltmp1:
0x1c: {  	p1 =	slt.u32 s12, $0x2;
	(pc) =	sbr.rel @!p2 .LBB2_6-.Ltmp1, $4  }
0x1d: {  	s14 =	simm.s32 @!p1 $0x3  }
0x1e: {  	s16 =	sadd.s32 $0x1, s12;
	_ =	swait.ge @!p1 [sflag:s14], $0x40  }
0x1f: {  	s13 =	smov.u32 s11;
	p0 =	por !p0, !p0;
	[sflag:s14] =	ssyncset.done @!p1 $0x0  }
0x20: {  	s12 =	smov.u32 s16;
	s11 =	smov.u32 s15;
	[sflag:s14] =	ssyncadd.s32 @!p1 $0xFFFFFFC0  }
.LBB2_1:
0x21: {  	p1 =	sge.u32 s12, s8  }
0x22: {  	s14 =	sxor.u32 @!p1 $0xFFFFFFFF, s12  }
0x23: {  	s31 =	sadd.s32 $0xFFFFFFFF, s12;
	s15 =	sshrl.u32 @!p1 s11, $0x3;
	s14 =	sshll.u32 @!p1 s14, $0x6  }
0x24: {  	s16 =	sand.u32 @!p1 $0x7, s11;
	s15 =	sadd.s32 @!p1 s4, s15;
	s14 =	sand.u32 @!p1 $0x40, s14  }
0x25: {  	[tilespmem:s14], [sflag:$0x2] =	stream.linear.gather @!p1 [hbm4b:s15+s16], $0x40, $0x38;
	[tilespmem:$0x100] =	vst v63  }
0x26: {  	p1 =	sge.u32 s31, s8  }
.Ltmp2:
0x27: {  	_ = 	snop;
	(pc) =	sbr.rel @p1 .LBB2_5-.Ltmp2, $1  }
0x28: {  	_ =	sdelay $0x3  }
0x29: {  	s14 =	simm.s32 $0x1  }
0x2a: {  	_ =	swait.ge [sflag:s7], $0x40;
	s14 =	simm.s32 @!p0 $0x0  }
0x2b: {  	[sflag:s7] =	ssyncset.done $0x0;
	s14 =	sshll.u32 s14, $0x6  }
0x2c: {  	[sflag:s7] =	ssyncadd.s32 $0xFFFFFFC0;
	(ifvalue) =	ssetifvalue $0x7FFFFFFF;
	v0 =	vld.msk [tilespmem:s14+$0x0 ss:$0x1], $0xffff;
	_ =	sdelay $0x4  }
0x2d: {  	s15 =	sadd.s32 $0x10, s14;
	vm1 =	vgt.s32 v0, $0x0  }
0x2e: {  	v2 =	vld.msk [tilespmem:s15+$0x0 ss:$0x1], $0xffff;
	v1 =	vnsel vm1, $0x0, v0  }
0x2f: {  	v1 =	vmin.u32 v1, $0xC34F;
	_ =	sdelay $0x1  }
0x30: {  	s16 =	sshll.u32 s12, $0x6;
	s18 =	simm.s32 $0x20  }
0x31: {  	s16 =	sand.u32 $0x40, s16;
	s17 =	sadd.s32 $0x10, s15;
	s15 =	sor.u32 $0x80, s14  }
0x32: {  	s14 =	sor.u32 $0x80, s16;
	s16 =	sadd.s32 $0x10, s15;
	v0 =	vld.msk [tilespmem:s17+$0x0 ss:$0x1], $0xffff;
	vm1 =	vgt.s32 v2, $0x0;
	(ifvalue) =	ssetifvalue $0x7FFFFFFF  }
.LBB2_3:
0x33: {  	[tilespmem:s15], [sflag:$0x1] =	stream.indirect_vreg.gather [hbm4b:s3+s10], $0x1, v1, vm0, $0x4038;
	[tilespmem:$0x100] =	vst v63  }
0x34: {  	s18 =	sadd.s32 $0x10, s18  }
0x35: {  	v2 =	vnsel vm1, $0x0, v2;
	p1 =	slt.u32 s18, $0x30  }
.Ltmp3:
0x36: {  	s15 =	smov.u32 s16;
	v1 =	vmin.u32 v2, $0xC34F;
	(pc) =	sbr.rel @p1 .LBB2_3-.Ltmp3, $3  }
0x37: {  	_ =	sdelay $0x1  }
0x38: {  	s17 =	sadd.s32 $0x10, s17  }
0x39: {  	vm1 =	vgt.s32 v0, $0x0;
	s16 =	sadd.s32 $0x10, s16;
	v2 =	vmov v0;
	(ifvalue) =	ssetifvalue $0x7FFFFFFF;
	v0 =	vld.msk [tilespmem:s17+$0x0 ss:$0x1], $0xffff  }
.Ltmp4:
0x3a: {  	_ = 	snop;
	(pc) =	sbr.rel .LBB2_4-.Ltmp4, $1  }
0x3b: {  	_ =	sdelay $0x3  }
.LBB2_6:
0x3c: {  	_ =	sfence.sel $0x180000  }
0x3d: {  	s2 =	simm.s32 $0x2;
	[bflag:$0x0] =	sbarrier.arrive $0xFFFF  }
0x3e: {  	s30 =	simm.s32 $0x3;
	[sflag:s2] =	ssyncpa.u1 $0x1  }
0x3f: {  	s31 =	simm.s32 $0x1;
	[sflag:s30] =	ssyncpa.u1 $0x1  }
0x40: {  	[sflag:s31] =	ssyncpa.u1 $0x1  }
0x41: {  	p0 =	sne.s32 s1, $0x0;
	_ =	strace $0x9000004D  }
0x42: {  	s0 =	sadd.s32 @!p0 $0x100000, s0;
	[bflag:$0x2] =	sbarrier.arrive $0xFFFF  }
0x43: {  	[sflag:s0] =	ssyncadd.tile.s32 @!p0 $0x1;
	_ =	shalt  }
.Lfunc_end2:
_tile_overlayer_lowered:
.L_overlay_start_2:
0x44: {  	(tag) =	ssettag $0x2  }
0x45: {  	s0 =	rddreg [dreg:$0x0];
	s2 =	stileid.u32  }
0x46: {  	s1 =	rddreg [dreg:$0x1];
	p0 =	sne.s32 s2, $0x0  }
0x47: {  	s3 =	rddreg [dreg:$0x2];
	[bflag:$0x3] =	sbarrier.arrive $0xFFFF;
	s2 =	simm.s32 @!p0 $0x1C01  }
0x48: {  	[timem:s3], [sflag:s2] =	dma.local @!p0 [hbm:s0], s1  }
0x49: {  	s0 =	simm.s32 @!p0 $0x1  }
0x4a: {  	_ =	swait.ge @!p0 [sflag:s0], s1  }
0x4b: {  	s1 =	ssub.s32 @!p0 $0x0, s1;
	[sflag:s0] =	ssyncset.done @!p0 $0x0  }
0x4c: {  	[sflag:s0] =	ssyncadd.s32 @!p0 s1  }
0x4d: {  	[bflag:$0x3] =	sbarrier.arrive $0xFFFF  }
0x4e: {  	_ =	shalt  }

// kernel: kernel.11.cloned.1.call-start
scs
__scs_entry_jumppad:
0x0: {  	(pc) =	sbr.rel $0x88, $3  }
0x1: {  	(tag) =	ssettag $0x0;
	lr =	simm.s32 $0x1  }
0x2: {  	[smem:$0x3F95] =	sst lr;
	_ =	strace $0xD0000000  }
0x3: {  	_ = 	snop  }
0x4: {  	_ = 	snop  }
0x5: {  	_ = 	snop  }
0x6: {  	_ = 	snop  }
0x7: {  	_ = 	snop  }
__scs_overlays_trampoline_lowered:
0x8: {  	[smem:$0x3FA4] =	sst s0  }
0x9: {  	[smem:$0x3FA5] =	sst s1  }
0xa: {  	[smem:$0x3FA6] =	sst s2  }
0xb: {  	[smem:$0x3FA7] =	sst s3  }
0xc: {  	[smem:$0x3FA8] =	sst s4  }
0xd: {  	[smem:$0x3FA9] =	sst s5  }
0xe: {  	[smem:$0x3FAA] =	sst s6  }
0xf: {  	[smem:$0x3FAB] =	sst s7  }
0x10: {  	[smem:$0x3FAC] =	sst s8  }
0x11: {  	[smem:$0x3FAD] =	sst s9;
	s0 =	simm.s32 @!p0 $0x0  }
0x12: {  	s1 =	sld [smem:$0x3F93];
	s0 =	simm.s32 @p0 $0x1  }
0x13: {  	[smem:$0x3FAE] =	sst s0;
	s0 =	simm.s32 @!p1 $0x0  }
0x14: {  	s2 =	sld [smem:$0x3F92];
	s0 =	simm.s32 @p1 $0x1  }
0x15: {  	[smem:$0x3FAF] =	sst s0;
	s0 =	simm.s32 @!p2 $0x0  }
0x16: {  	s3 =	sld [smem:$0x3FDB];
	s0 =	simm.s32 @p2 $0x1  }
0x17: {  	s4 =	simm.s32 $0x1BF5;
	[smem:$0x3FB1] =	sst s0  }
0x18: {  	s0 =	sld [smem:$0x3F94];
	_ =	swait.ge [sflag:s4], $0x0  }
0x19: {  	s7 =	sld [smem:$0x3F95]  }
0x1a: {  	s8 =	sadd.s32 $0xFFFFE003, lr  }
0x1b: {  	s9 =	sadd.s32 $0xFFFFFEF7, lr;
	s5 =	simm.s32 $0xFFFFFFFF;
	p2 =	slt.u32 s8, $0xFFFFF086  }
0x1c: {  	p1 =	slt.u32 s9, $0xF7A;
	s5 =	simm.s32 @!p2 $0x0  }
0x1d: {  	s5 =	simm.s32 @p1 $0x1;
	p0 =	seq.s32 s7, s2  }
0x1e: {  	s7 =	smul.u32 @!p0 $0xF7A, s2;
	p2 =	seq.s32 @!p0 s5, $0x0  }
0x1f: {  	s9 =	smul.u32 $0xF7A, s1;
	s8 =	simm.s32 @!p0 $0x1BF5;
	p2 =	por !p2, p0  }
0x20: {  	[sflag:s8] =	ssyncset.s32 @!p0 $0xFFFFF086;
	s6 =	sadd.s32 @!p0 s3, s7;
	s7 =	simm.s32 @!p0 $0x108  }
0x21: {  	s3 =	sadd.s32 s3, s9;
	s6 =	sadd.s32 @!p0 $0x88, s6;
	s7 =	simm.s32 @p2 $0x1082  }
0x22: {  	[simem:s7], [sflag:s8] =	dma.local @!p0 [hbm:s6], $0xF7A  }
0x23: {  	s9 =	sor.u32 $0xD0000000, s2;
	s6 =	simm.s32 $0x108;
	_ =	swait.ge @!p0 [sflag:s8], $0x0  }
0x24: {  	s3 =	sadd.s32 $0x88, s3;
	s6 =	simm.s32 @!p1 $0x1082;
	[sflag:s4] =	ssyncset.s32 $0xFFFFF086  }
0x25: {  	[simem:s6], [sflag:s4] =	dma.local [hbm:s3], $0xF7A  }
0x26: {  	[smem:$0x3F95] =	sst s1;
	(tag) =	ssettag s2;
	_ =	strace s9  }
0x27: {  	s1 =	sld [smem:$0x3FA5]  }
0x28: {  	s2 =	sld [smem:$0x3FA6]  }
0x29: {  	s4 =	sld [smem:$0x3FA8]  }
0x2a: {  	p0 =	seq.s32 s5, $0x0;
	s5 =	sld [smem:$0x3FA9]  }
0x2b: {  	s6 =	sld [smem:$0x3FAA]  }
0x2c: {  	s7 =	sld [smem:$0x3FAB]  }
0x2d: {  	s3 =	simm.s32 $0x108;
	s8 =	sld [smem:$0x3FAC]  }
0x2e: {  	s3 =	simm.s32 @!p0 $0x1082;
	s9 =	sld [smem:$0x3FAD]  }
0x2f: {  	lr =	sadd.s32 s0, s3;
	s0 =	sld [smem:$0x3FA4]  }
0x30: {  	s3 =	sld [smem:$0x3FA7]  }
0x31: {  	[smem:$0x3FB0] =	sst s10  }
0x32: {  	s10 =	sld [smem:$0x3FAE];
	_ =	sdelay $0x3  }
0x33: {  	p0 =	seq.s32 s10, $0x1;
	s10 =	sld [smem:$0x3FB0];
	_ =	sdelay $0x3  }
0x34: {  	[smem:$0x3FB0] =	sst s10  }
0x35: {  	s10 =	sld [smem:$0x3FAF];
	_ =	sdelay $0x3  }
0x36: {  	p1 =	seq.s32 s10, $0x1;
	s10 =	sld [smem:$0x3FB0];
	_ =	sdelay $0x3  }
0x37: {  	[smem:$0x3FB0] =	sst s10  }
0x38: {  	s10 =	sld [smem:$0x3FB1]  }
0x39: {  	_ = 	snop;
	(pc) =	sbr.ind lr, $3  }
0x3a: {  	_ = 	snop  }
0x3b: {  	_ = 	snop  }
0x3c: {  	p2 =	seq.s32 s10, $0x1;
	s10 =	sld [smem:$0x3FB0]  }
0x3d: {  	_ =	shalt  }
0x3e: {  	_ =	shalt  }
0x3f: {  	_ =	shalt  }
0x40: {  	_ =	shalt  }
0x41: {  	_ =	shalt  }
0x42: {  	_ =	shalt  }
0x43: {  	_ =	shalt  }
0x44: {  	_ =	shalt  }
0x45: {  	_ =	shalt  }
0x46: {  	_ =	shalt  }
0x47: {  	_ =	shalt  }
0x48: {  	_ =	shalt  }
0x49: {  	_ =	shalt  }
0x4a: {  	_ =	shalt  }
0x4b: {  	_ =	shalt  }
0x4c: {  	_ =	shalt  }
0x4d: {  	_ =	shalt  }
0x4e: {  	_ =	shalt  }
0x4f: {  	_ =	shalt  }
0x50: {  	_ =	shalt  }
0x51: {  	_ =	shalt  }
0x52: {  	_ =	shalt  }
0x53: {  	_ =	shalt  }
0x54: {  	_ =	shalt  }
0x55: {  	_ =	shalt  }
0x56: {  	_ =	shalt  }
0x57: {  	_ =	shalt  }
0x58: {  	_ =	shalt  }
0x59: {  	_ =	shalt  }
0x5a: {  	_ =	shalt  }
0x5b: {  	_ =	shalt  }
0x5c: {  	_ =	shalt  }
0x5d: {  	_ =	shalt  }
0x5e: {  	_ =	shalt  }
0x5f: {  	_ =	shalt  }
0x60: {  	_ =	shalt  }
0x61: {  	_ =	shalt  }
0x62: {  	_ =	shalt  }
0x63: {  	_ =	shalt  }
0x64: {  	_ =	shalt  }
0x65: {  	_ =	shalt  }
0x66: {  	_ =	shalt  }
0x67: {  	_ =	shalt  }
0x68: {  	_ =	shalt  }
0x69: {  	_ =	shalt  }
0x6a: {  	_ =	shalt  }
0x6b: {  	_ =	shalt  }
0x6c: {  	_ =	shalt  }
0x6d: {  	_ =	shalt  }
0x6e: {  	_ =	shalt  }
0x6f: {  	_ =	shalt  }
0x70: {  	_ =	shalt  }
0x71: {  	_ =	shalt  }
0x72: {  	_ =	shalt  }
0x73: {  	_ =	shalt  }
0x74: {  	_ =	shalt  }
0x75: {  	_ =	shalt  }
0x76: {  	_ =	shalt  }
0x77: {  	_ =	shalt  }
0x78: {  	_ =	shalt  }
0x79: {  	_ =	shalt  }
0x7a: {  	_ =	shalt  }
0x7b: {  	_ =	shalt  }
0x7c: {  	_ =	shalt  }
0x7d: {  	_ =	shalt  }
0x7e: {  	_ =	shalt  }
0x7f: {  	_ =	shalt  }
0x80: {  	_ =	shalt  }
0x81: {  	_ =	shalt  }
0x82: {  	_ =	shalt  }
0x83: {  	_ =	shalt  }
0x84: {  	_ =	shalt  }
0x85: {  	_ =	shalt  }
0x86: {  	_ =	shalt  }
0x87: {  	_ =	shalt  }
.Lfunc_end0:
.L_simem_size_0:
called_computation.3_lowered:
.L_overlay_start_0:
0x88: {  	s2 =	sld [smem:$0x3FD9]  }
0x89: {  	s3 =	sld [smem:$0x3FFE];
	_ =	sdelay $0x1  }
0x8a: {  	s1 =	srdreg.scid  }
0x8b: {  	s0 =	sand.u32 $0x1, s1  }
0x8c: {  	s16 =	sshll.u32 s0, $0xA;
	s2 =	sadd.s32 s3, s2  }
0x8d: {  	s2 =	sadd.s32 s2, s16  }
0x8e: {  	[smem:$0x3FBC] =	sst s2  }
0x8f: {  	_ = 	snop  }
0x90: {  	(tm) =	ssettm $0x1  }
0x91: {  	s17 =	sld [smem:$0x3FFB];
	_ =	sdelay $0x3  }
0x92: {  	_ =	strace s17  }
0x93: {  	s2 =	sld [smem:$0x3FFC];
	_ =	sdelay $0x3  }
0x94: {  	_ =	strace s2  }
0x95: {  	s2 =	sld [smem:$0x3FFD];
	_ =	sdelay $0x3  }
0x96: {  	_ =	strace s2  }
0x97: {  	_ =	strace $0x8FFFFFFF  }
0x98: {  	s18 =	sld [smem:$0x3FDB];
	_ =	sdelay $0x1  }
0x99: {  	s19 =	simm.s32 $_scs_section_size  }
0x9a: {  	s4 =	simm.s32 $_size__tile_overlayer_lowered;
	s5 =	simm.s32 $_tile_overlayer_lowered  }
0x9b: {  	s22 =	simm.s32 $0x1BFF;
	s21 =	sshll.u32 s5, $0x1;
	s2 =	sadd.s32 s19, s18  }
0x9c: {  	s6 =	simm.s32 $0x0;
	s20 =	sshll.u32 s4, $0x1;
	s4 =	sadd.s32 s21, s2  }
0x9d: {  	[timem:s6], [sflag:s22] =	dma.local [hbm:s4], s20  }
0x9e: {  	_ =	swait.ge [sflag:s22], s20  }
0x9f: {  	s3 =	ssub.s32 $0x0, s20;
	[sflag:s22] =	ssyncset.done $0x0  }
0xa0: {  	[sflag:s22] =	ssyncadd.s32 s3;
	_ =	sdelay $0x1  }
0xa1: {  	s23 =	simm.s32 $0x1B8B  }
0xa2: {  	_ =	swait.ge [sflag:s23], $0x1  }
0xa3: {  	[sflag:s23] =	ssyncset.done $0x0  }
0xa4: {  	s25 =	simm.s32 $0x1B8E;
	s24 =	sld [smem:$0x3FFE];
	[sflag:s23] =	ssyncadd.s32 $0xFFFFFFFF  }
0xa5: {  	s26 =	simm.s32 $execute0_lowered;
	[smem:$0x3FD2] =	sst s25  }
0xa6: {  	s4 =	sshll.u32 s26, $0x1;
	_ =	strace $0x80000049;
	[dreg:$0x1] =	wrdreg $0xFFFFFFFF  }
0xa7: {  	s28 =	simm.s32 $_size_execute0_lowered;
	s2 =	sadd.s32 s2, s4;
	[dreg:$0x0] =	wrdreg $0x0  }
0xa8: {  	s4 =	sshll.u32 s28, $0x1;
	[dreg:$0x2] =	wrdreg s2  }
0xa9: {  	[dreg:$0x3] =	wrdreg s4  }
0xaa: {  	[dreg:$0x4] =	wrdreg $0xC0  }
0xab: {  	_ =	task [dreg:s6], $0x5FFFF  }
0xac: {  	[dreg:$0x1] =	wrdreg $0xFFFFFFFF  }
0xad: {  	[dreg:$0x0] =	wrdreg $0x60  }
0xae: {  	[dreg:$0x2] =	wrdreg s24  }
0xaf: {  	[dreg:$0x3] =	wrdreg $0xE9000  }
0xb0: {  	[dreg:$0x4] =	wrdreg $0x9  }
0xb1: {  	_ =	task.clear_ibuf [dreg:s6], $0x5FFFF;
	_ =	strace $0x90000049  }
0xb2: {  	s29 =	simm.s32 $0x9;
	_ =	strace $0x8000004B  }
0xb3: {  	_ =	swait.ge [sflag:s29], $0x1  }
0xb4: {  	[sflag:s29] =	ssyncadd.s32 $0xFFFFFFFF  }
0xb5: {  	_ =	strace $0x9000004B  }
0xb6: {  	_ =	sfence  }
0xb7: {  	s30 =	sld [smem:$0x0];
	_ =	sdelay $0x2  }
0xb8: {  	s31 =	sshll.u32 s1, $0xD;
	s1 =	sshrl.u32 s1, $0x2  }
0xb9: {  	s3 =	sand.u32 $0x4000, s31;
	s1 =	sadd.s32 s1, s30  }
0xba: {  	s0 =	sor.u32 s3, s0;
	s1 =	sshll.u32 s1, $0x11  }
0xbb: {  	s0 =	sor.u32 s1, s0  }
0xbc: {  	s0 =	sadd.s32 $0x8F2B, s0  }
0xbd: {  	[sflag:s0] =	ssyncadd.remote.s32 $0x1  }
0xbe: {  	_ =	sfence.sel $0xFFFF  }
0xbf: {  	[dreg:$0x0] =	wrdreg $0xFFFFFFFF;
	(pc) =	sbr.abs _section_cstart, $3  }
0xc0: {  	[dreg:$0x1] =	wrdreg $0xFFFFFFFF  }
0xc1: {  	_ =	task.clear_ibuf [dreg:s6], $0x2FFFF;
	_ =	strace $0x9FFFFFFF  }
0xc2: {  	(tm) =	ssettm $0x7FFFFFFF  }
0xc3: {  	_ =	shalt  }
tec
execute0_lowered:
.L_overlay_start_1:
0x0: {  	(tag) =	ssettag $0x1  }
0x1: {  	s0 =	srdreg.scid;
	s15 =	rddreg [dreg:$0x0]  }
0x2: {  	s2 =	rddreg [dreg:$0x1];
	s1 =	stileid.u32;
	s3 =	simm.s32 $0x0  }
0x3: {  	s17 =	simm.s32 $0xF8800;
	s18 =	simm.s32 $0x6400;
	s19 =	simm.s32 $0xD000  }
0x4: {  	s20 =	simm.s32 $0x80;
	s21 =	simm.s32 $0xC800;
	s22 =	simm.s32 $0x1  }
0x5: {  	s7 =	sand.u32 $0x1, s0;
	s0 =	rddreg [dreg:$0x2];
	s8 =	smul.u32 $0xC800, s1  }
0x6: {  	[smem:$0x7FF] =	sst s3;
	s10 =	smul.u32 $0x32000, s1;
	s5 =	sadd.s32 $0x1C0800, s15  }
0x7: {  	s4 =	sshll.u32 s7, $0x4;
	_ =	strace $0x8000004A;
	s6 =	ssub.s32 $0x2, s7  }
0x8: {  	p0 =	seq.s32 s7, $0x1;
	s4 =	sor.u32 s1, s4;
	s9 =	sshrl.u32 s6, $0x1  }
0x9: {  	s16 =	sshrl.u32 s8, $0x3;
	s10 =	sshrl.u32 s10, $0x2;
	s23 =	sadd.s32 s8, s2  }
0xa: {  	s17 =	simm.s32 @!p0 $0x111800;
	s4 =	smul.u32 $0xC80, s4;
	s9 =	ssub.s32 s6, s9  }
0xb: {  	s8 =	sadd.s32 s10, s2;
	s17 =	sadd.s32 s17, s15;
	s23 =	sshrl.u32 s23, $0x3  }
0xc: {  	s7 =	smax.u32 s9, $0x1;
	s9 =	sadd.s32 $0x1900, s8;
	s10 =	sadd.s32 $0x3200, s8  }
0xd: {  	s11 =	sadd.s32 $0x4B00, s8;
	s12 =	sadd.s32 $0x6400, s8;
	s13 =	sadd.s32 $0x7D00, s8  }
0xe: {  	s14 =	sadd.s32 $0x9600, s8;
	s16 =	sadd.s32 s17, s16;
	s4 =	sadd.s32 s15, s4  }
0xf: {  	v0 =	vimm.f32 $0.0e+00;
	s17 =	simm.s32 $0x2;
	s15 =	sadd.s32 $0xAF00, s8;
	s6 =	sadd.s32 $0x1C200, s4  }
.LBB2_1:
0x10: {  	s24 =	simm.s32 $0x40;
	s25 =	simm.s32 $0x0  }
.LBB2_2:
0x11: {  	p0 =	sne.s32 s24, $0x63C0;
	[tilespmem:s25+$0xD000] =	vst v0;
	s25 =	smov.u32 s24;
	s24 =	sadd.s32 $0x40, s24  }
.Ltmp0:
0x12: {  	(pc) =	sbr.rel @p0 .LBB2_2-.Ltmp0, $2  }
0x13: {  	_ =	sdelay $0x2  }
0x14: {  	s25 =	sshra.s32 s25, $0x2  }
0x15: {  	[tilespmem:s25+$0xD000] =	vst v0;
	s24 =	simm.s32 $0x0  }
0x16: {  	[tilespmem:s24], [sflag:$0x2] =	stream.linear.gather [hbm4b:s6+s24], $0x6400, $0x38;
	[tilespmem:$0x1B100] =	vst v63  }
0x17: {  	_ =	swait.ge [sflag:s17], $0x6400  }
0x18: {  	[sflag:s17] =	ssyncset.done $0x0  }
0x19: {  	[sflag:s17] =	ssyncadd.s32 $0xFFFF9C00  }
0x1a: {  	[tilespmem:s18], [sflag:$0x2] =	stream.linear.gather [hbm4b:s4+s24], $0x6400, $0x38;
	[tilespmem:$0x1B100] =	vst v63  }
0x1b: {  	_ =	swait.ge [sflag:s17], $0x6400  }
0x1c: {  	[sflag:s17] =	ssyncset.done $0x0  }
0x1d: {  	[sflag:s17] =	ssyncadd.s32 $0xFFFF9C00  }
0x1e: {  	[spmem:s8] =	stream.linear.scatter [tilespmem:s19], [sflag:$0x2], $0x1900, $0x38;
	[tilespmem:$0x1B100] =	vst v63  }
0x1f: {  	_ =	swait.ge [sflag:s17], $0x1900  }
0x20: {  	[sflag:s17] =	ssyncset.done $0x0  }
0x21: {  	[sflag:s17] =	ssyncadd.s32 $0xFFFFE700  }
0x22: {  	[spmem:s9] =	stream.linear.scatter [tilespmem:s19], [sflag:$0x2], $0x1900, $0x38;
	[tilespmem:$0x1B100] =	vst v63  }
0x23: {  	_ =	swait.ge [sflag:s17], $0x1900  }
0x24: {  	[sflag:s17] =	ssyncset.done $0x0  }
0x25: {  	[sflag:s17] =	ssyncadd.s32 $0xFFFFE700  }
0x26: {  	[spmem:s10] =	stream.linear.scatter [tilespmem:s19], [sflag:$0x2], $0x1900, $0x38;
	[tilespmem:$0x1B100] =	vst v63  }
0x27: {  	_ =	swait.ge [sflag:s17], $0x1900  }
0x28: {  	[sflag:s17] =	ssyncset.done $0x0  }
0x29: {  	[sflag:s17] =	ssyncadd.s32 $0xFFFFE700  }
0x2a: {  	[spmem:s11] =	stream.linear.scatter [tilespmem:s19], [sflag:$0x2], $0x1900, $0x38;
	[tilespmem:$0x1B100] =	vst v63  }
0x2b: {  	_ =	swait.ge [sflag:s17], $0x1900  }
0x2c: {  	[sflag:s17] =	ssyncset.done $0x0  }
0x2d: {  	[sflag:s17] =	ssyncadd.s32 $0xFFFFE700  }
0x2e: {  	[spmem:s12] =	stream.linear.scatter [tilespmem:s19], [sflag:$0x2], $0x1900, $0x38;
	[tilespmem:$0x1B100] =	vst v63  }
0x2f: {  	_ =	swait.ge [sflag:s17], $0x1900  }
0x30: {  	[sflag:s17] =	ssyncset.done $0x0  }
0x31: {  	[sflag:s17] =	ssyncadd.s32 $0xFFFFE700  }
0x32: {  	[spmem:s13] =	stream.linear.scatter [tilespmem:s19], [sflag:$0x2], $0x1900, $0x38;
	[tilespmem:$0x1B100] =	vst v63  }
0x33: {  	_ =	swait.ge [sflag:s17], $0x1900  }
0x34: {  	[sflag:s17] =	ssyncset.done $0x0  }
0x35: {  	[sflag:s17] =	ssyncadd.s32 $0xFFFFE700  }
0x36: {  	[spmem:s14] =	stream.linear.scatter [tilespmem:s19], [sflag:$0x2], $0x1900, $0x38;
	[tilespmem:$0x1B100] =	vst v63  }
0x37: {  	_ =	swait.ge [sflag:s17], $0x1900  }
0x38: {  	[sflag:s17] =	ssyncset.done $0x0  }
0x39: {  	[sflag:s17] =	ssyncadd.s32 $0xFFFFE700  }
0x3a: {  	[spmem:s15] =	stream.linear.scatter [tilespmem:s19], [sflag:$0x2], $0x1900, $0x38;
	[tilespmem:$0x1B100] =	vst v63  }
0x3b: {  	_ =	swait.ge [sflag:s17], $0x1900  }
0x3c: {  	[sflag:s17] =	ssyncset.done $0x0  }
0x3d: {  	[sflag:s17] =	ssyncadd.s32 $0xFFFFE700  }
0x3e: {  	s30 =	simm.s32 $0x0;
	[bflag:$0x0] =	sbarrier.arrive $0xFFFF  }
0x3f: {  	[tilespmem:s21], [sflag:$0x1] =	stream.indirect.gather [hbm4b:s5+s20], $0x10, s30, s20, $0xb8;
	[tilespmem:$0x1B100] =	vst v63  }
0x40: {  	_ =	swait.ge [sflag:s22], $0x800  }
0x41: {  	[sflag:s22] =	ssyncset.done $0x0  }
0x42: {  	s31 =	simm.s32 $0x6400;
	[sflag:s22] =	ssyncadd.s32 $0xFFFFF800  }
0x43: {  	[spmem:s2] =	stream.indirect.scatter.add.f32 [tilespmem:s21], [sflag:$0x2], $0x10, s31, s20, $0xb8;
	[tilespmem:$0x1B100] =	vst v63  }
0x44: {  	_ =	swait.ge [sflag:s17], $0x800  }
0x45: {  	s25 =	simm.s32 $0x400;
	s24 =	simm.s32 $0x200;
	[sflag:s17] =	ssyncset.done $0x0  }
.LBB2_4:
0x46: {  	s26 =	sshra.s32 s24, $0x2  }
0x47: {  	[sflag:s17] =	ssyncadd.s32 $0xFFFFF800;
	s24 =	smov.u32 s25;
	s28 =	sadd.s32 $0x200, s25  }
0x48: {  	[tilespmem:s21], [sflag:$0x1] =	stream.indirect.gather [hbm4b:s5+s20], $0x10, s26, s20, $0xb8;
	[tilespmem:$0x1B100] =	vst v63  }
0x49: {  	p0 =	sne.s32 s25, $0x18E00;
	_ =	swait.ge [sflag:s22], $0x800  }
.Ltmp1:
0x4a: {  	[sflag:s22] =	ssyncset.done $0x0;
	(pc) =	sbr.rel @p0 .LBB2_4-.Ltmp1, $4  }
0x4b: {  	s25 =	sadd.s32 $0x6400, s26;
	[sflag:s22] =	ssyncadd.s32 $0xFFFFF800  }
0x4c: {  	[spmem:s2] =	stream.indirect.scatter.add.f32 [tilespmem:s21], [sflag:$0x2], $0x10, s25, s20, $0xb8;
	[tilespmem:$0x1B100] =	vst v63  }
0x4d: {  	_ =	swait.ge [sflag:s17], $0x800  }
0x4e: {  	s25 =	smov.u32 s28;
	[sflag:s17] =	ssyncset.done $0x0  }
0x4f: {  	s24 =	sshra.s32 s24, $0x2;
	[sflag:s17] =	ssyncadd.s32 $0xFFFFF800  }
0x50: {  	[tilespmem:s21], [sflag:$0x1] =	stream.indirect.gather [hbm4b:s5+s20], $0x10, s24, s20, $0xb8;
	[tilespmem:$0x1B100] =	vst v63  }
0x51: {  	_ =	swait.ge [sflag:s22], $0x800  }
0x52: {  	[sflag:s22] =	ssyncset.done $0x0  }
0x53: {  	s24 =	sadd.s32 $0x6400, s24;
	[sflag:s22] =	ssyncadd.s32 $0xFFFFF800  }
0x54: {  	[spmem:s2] =	stream.indirect.scatter.add.f32 [tilespmem:s21], [sflag:$0x2], $0x10, s24, s20, $0xb8;
	[tilespmem:$0x1B100] =	vst v63  }
0x55: {  	_ =	swait.ge [sflag:s17], $0x800  }
0x56: {  	s3 =	sadd.s32 $0x1, s3;
	[sflag:s17] =	ssyncset.done $0x0  }
0x57: {  	s31 =	sshll.u32 s1, $0x6;
	p0 =	sne.s32 s3, s7;
	[sflag:s17] =	ssyncadd.s32 $0xFFFFF800  }
.Ltmp2:
0x58: {  	s24 =	sor.u32 $0x1C02, s31;
	[bflag:$0x0] =	sbarrier.arrive $0xFFFF;
	(pc) =	sbr.rel @p0 .LBB2_1-.Ltmp2, $4  }
0x59: {  	[hbm:s16], [sflag:s24] =	dma.local [spmem:s23], $0x1900  }
0x5a: {  	_ =	swait.ge [sflag:s17], $0x1900  }
0x5b: {  	[sflag:s17] =	ssyncset.done $0x0  }
0x5c: {  	[sflag:s17] =	ssyncadd.s32 $0xFFFFE700  }
0x5d: {  	_ =	sfence.sel $0x180000  }
0x5e: {  	[bflag:$0x0] =	sbarrier.arrive $0xFFFF  }
0x5f: {  	p0 =	sne.s32 s1, $0x0;
	_ =	strace $0x9000004A  }
0x60: {  	s0 =	sadd.s32 @!p0 $0x100000, s0;
	[bflag:$0x2] =	sbarrier.arrive $0xFFFF  }
0x61: {  	[sflag:s0] =	ssyncadd.tile.s32 @!p0 $0x1;
	_ =	shalt  }
.Lfunc_end2:
_tile_overlayer_lowered:
.L_overlay_start_2:
0x62: {  	(tag) =	ssettag $0x2  }
0x63: {  	s0 =	rddreg [dreg:$0x0];
	s2 =	stileid.u32  }
0x64: {  	s1 =	rddreg [dreg:$0x1];
	p0 =	sne.s32 s2, $0x0  }
0x65: {  	s3 =	rddreg [dreg:$0x2];
	[bflag:$0x3] =	sbarrier.arrive $0xFFFF;
	s2 =	simm.s32 @!p0 $0x1C02  }
0x66: {  	[timem:s3], [sflag:s2] =	dma.local @!p0 [hbm:s0], s1  }
0x67: {  	s0 =	simm.s32 @!p0 $0x2  }
0x68: {  	_ =	swait.ge @!p0 [sflag:s0], s1  }
0x69: {  	s1 =	ssub.s32 @!p0 $0x0, s1;
	[sflag:s0] =	ssyncset.done @!p0 $0x0  }
0x6a: {  	[sflag:s0] =	ssyncadd.s32 @!p0 s1  }
0x6b: {  	[bflag:$0x3] =	sbarrier.arrive $0xFFFF  }
0x6c: {  	_ =	shalt  }

// kernel: kernel.14.cloned.1.call-start
scs
__scs_entry_jumppad:
0x0: {  	(pc) =	sbr.rel $0x88, $3  }
0x1: {  	(tag) =	ssettag $0x0;
	lr =	simm.s32 $0x1  }
0x2: {  	[smem:$0x3F95] =	sst lr;
	_ =	strace $0xD0000000  }
0x3: {  	_ = 	snop  }
0x4: {  	_ = 	snop  }
0x5: {  	_ = 	snop  }
0x6: {  	_ = 	snop  }
0x7: {  	_ = 	snop  }
__scs_overlays_trampoline_lowered:
0x8: {  	[smem:$0x3FA4] =	sst s0  }
0x9: {  	[smem:$0x3FA5] =	sst s1  }
0xa: {  	[smem:$0x3FA6] =	sst s2  }
0xb: {  	[smem:$0x3FA7] =	sst s3  }
0xc: {  	[smem:$0x3FA8] =	sst s4  }
0xd: {  	[smem:$0x3FA9] =	sst s5  }
0xe: {  	[smem:$0x3FAA] =	sst s6  }
0xf: {  	[smem:$0x3FAB] =	sst s7  }
0x10: {  	[smem:$0x3FAC] =	sst s8  }
0x11: {  	[smem:$0x3FAD] =	sst s9;
	s0 =	simm.s32 @!p0 $0x0  }
0x12: {  	s1 =	sld [smem:$0x3F93];
	s0 =	simm.s32 @p0 $0x1  }
0x13: {  	[smem:$0x3FAE] =	sst s0;
	s0 =	simm.s32 @!p1 $0x0  }
0x14: {  	s2 =	sld [smem:$0x3F92];
	s0 =	simm.s32 @p1 $0x1  }
0x15: {  	[smem:$0x3FAF] =	sst s0;
	s0 =	simm.s32 @!p2 $0x0  }
0x16: {  	s3 =	sld [smem:$0x3FDB];
	s0 =	simm.s32 @p2 $0x1  }
0x17: {  	s4 =	simm.s32 $0x1BF5;
	[smem:$0x3FB1] =	sst s0  }
0x18: {  	s0 =	sld [smem:$0x3F94];
	_ =	swait.ge [sflag:s4], $0x0  }
0x19: {  	s7 =	sld [smem:$0x3F95]  }
0x1a: {  	s8 =	sadd.s32 $0xFFFFE003, lr  }
0x1b: {  	s9 =	sadd.s32 $0xFFFFFEF7, lr;
	s5 =	simm.s32 $0xFFFFFFFF;
	p2 =	slt.u32 s8, $0xFFFFF086  }
0x1c: {  	p1 =	slt.u32 s9, $0xF7A;
	s5 =	simm.s32 @!p2 $0x0  }
0x1d: {  	s5 =	simm.s32 @p1 $0x1;
	p0 =	seq.s32 s7, s2  }
0x1e: {  	s7 =	smul.u32 @!p0 $0xF7A, s2;
	p2 =	seq.s32 @!p0 s5, $0x0  }
0x1f: {  	s9 =	smul.u32 $0xF7A, s1;
	s8 =	simm.s32 @!p0 $0x1BF5;
	p2 =	por !p2, p0  }
0x20: {  	[sflag:s8] =	ssyncset.s32 @!p0 $0xFFFFF086;
	s6 =	sadd.s32 @!p0 s3, s7;
	s7 =	simm.s32 @!p0 $0x108  }
0x21: {  	s3 =	sadd.s32 s3, s9;
	s6 =	sadd.s32 @!p0 $0x88, s6;
	s7 =	simm.s32 @p2 $0x1082  }
0x22: {  	[simem:s7], [sflag:s8] =	dma.local @!p0 [hbm:s6], $0xF7A  }
0x23: {  	s9 =	sor.u32 $0xD0000000, s2;
	s6 =	simm.s32 $0x108;
	_ =	swait.ge @!p0 [sflag:s8], $0x0  }
0x24: {  	s3 =	sadd.s32 $0x88, s3;
	s6 =	simm.s32 @!p1 $0x1082;
	[sflag:s4] =	ssyncset.s32 $0xFFFFF086  }
0x25: {  	[simem:s6], [sflag:s4] =	dma.local [hbm:s3], $0xF7A  }
0x26: {  	[smem:$0x3F95] =	sst s1;
	(tag) =	ssettag s2;
	_ =	strace s9  }
0x27: {  	s1 =	sld [smem:$0x3FA5]  }
0x28: {  	s2 =	sld [smem:$0x3FA6]  }
0x29: {  	s4 =	sld [smem:$0x3FA8]  }
0x2a: {  	p0 =	seq.s32 s5, $0x0;
	s5 =	sld [smem:$0x3FA9]  }
0x2b: {  	s6 =	sld [smem:$0x3FAA]  }
0x2c: {  	s7 =	sld [smem:$0x3FAB]  }
0x2d: {  	s3 =	simm.s32 $0x108;
	s8 =	sld [smem:$0x3FAC]  }
0x2e: {  	s3 =	simm.s32 @!p0 $0x1082;
	s9 =	sld [smem:$0x3FAD]  }
0x2f: {  	lr =	sadd.s32 s0, s3;
	s0 =	sld [smem:$0x3FA4]  }
0x30: {  	s3 =	sld [smem:$0x3FA7]  }
0x31: {  	[smem:$0x3FB0] =	sst s10  }
0x32: {  	s10 =	sld [smem:$0x3FAE];
	_ =	sdelay $0x3  }
0x33: {  	p0 =	seq.s32 s10, $0x1;
	s10 =	sld [smem:$0x3FB0];
	_ =	sdelay $0x3  }
0x34: {  	[smem:$0x3FB0] =	sst s10  }
0x35: {  	s10 =	sld [smem:$0x3FAF];
	_ =	sdelay $0x3  }
0x36: {  	p1 =	seq.s32 s10, $0x1;
	s10 =	sld [smem:$0x3FB0];
	_ =	sdelay $0x3  }
0x37: {  	[smem:$0x3FB0] =	sst s10  }
0x38: {  	s10 =	sld [smem:$0x3FB1]  }
0x39: {  	_ = 	snop;
	(pc) =	sbr.ind lr, $3  }
0x3a: {  	_ = 	snop  }
0x3b: {  	_ = 	snop  }
0x3c: {  	p2 =	seq.s32 s10, $0x1;
	s10 =	sld [smem:$0x3FB0]  }
0x3d: {  	_ =	shalt  }
0x3e: {  	_ =	shalt  }
0x3f: {  	_ =	shalt  }
0x40: {  	_ =	shalt  }
0x41: {  	_ =	shalt  }
0x42: {  	_ =	shalt  }
0x43: {  	_ =	shalt  }
0x44: {  	_ =	shalt  }
0x45: {  	_ =	shalt  }
0x46: {  	_ =	shalt  }
0x47: {  	_ =	shalt  }
0x48: {  	_ =	shalt  }
0x49: {  	_ =	shalt  }
0x4a: {  	_ =	shalt  }
0x4b: {  	_ =	shalt  }
0x4c: {  	_ =	shalt  }
0x4d: {  	_ =	shalt  }
0x4e: {  	_ =	shalt  }
0x4f: {  	_ =	shalt  }
0x50: {  	_ =	shalt  }
0x51: {  	_ =	shalt  }
0x52: {  	_ =	shalt  }
0x53: {  	_ =	shalt  }
0x54: {  	_ =	shalt  }
0x55: {  	_ =	shalt  }
0x56: {  	_ =	shalt  }
0x57: {  	_ =	shalt  }
0x58: {  	_ =	shalt  }
0x59: {  	_ =	shalt  }
0x5a: {  	_ =	shalt  }
0x5b: {  	_ =	shalt  }
0x5c: {  	_ =	shalt  }
0x5d: {  	_ =	shalt  }
0x5e: {  	_ =	shalt  }
0x5f: {  	_ =	shalt  }
0x60: {  	_ =	shalt  }
0x61: {  	_ =	shalt  }
0x62: {  	_ =	shalt  }
0x63: {  	_ =	shalt  }
0x64: {  	_ =	shalt  }
0x65: {  	_ =	shalt  }
0x66: {  	_ =	shalt  }
0x67: {  	_ =	shalt  }
0x68: {  	_ =	shalt  }
0x69: {  	_ =	shalt  }
0x6a: {  	_ =	shalt  }
0x6b: {  	_ =	shalt  }
0x6c: {  	_ =	shalt  }
0x6d: {  	_ =	shalt  }
0x6e: {  	_ =	shalt  }
0x6f: {  	_ =	shalt  }
0x70: {  	_ =	shalt  }
0x71: {  	_ =	shalt  }
0x72: {  	_ =	shalt  }
0x73: {  	_ =	shalt  }
0x74: {  	_ =	shalt  }
0x75: {  	_ =	shalt  }
0x76: {  	_ =	shalt  }
0x77: {  	_ =	shalt  }
0x78: {  	_ =	shalt  }
0x79: {  	_ =	shalt  }
0x7a: {  	_ =	shalt  }
0x7b: {  	_ =	shalt  }
0x7c: {  	_ =	shalt  }
0x7d: {  	_ =	shalt  }
0x7e: {  	_ =	shalt  }
0x7f: {  	_ =	shalt  }
0x80: {  	_ =	shalt  }
0x81: {  	_ =	shalt  }
0x82: {  	_ =	shalt  }
0x83: {  	_ =	shalt  }
0x84: {  	_ =	shalt  }
0x85: {  	_ =	shalt  }
0x86: {  	_ =	shalt  }
0x87: {  	_ =	shalt  }
.Lfunc_end0:
.L_simem_size_0:
called_computation.4_lowered:
.L_overlay_start_0:
0x88: {  	s2 =	sld [smem:$0x3FD9]  }
0x89: {  	s3 =	sld [smem:$0x3FFE];
	_ =	sdelay $0x1  }
0x8a: {  	s1 =	srdreg.scid  }
0x8b: {  	s0 =	sand.u32 $0x1, s1  }
0x8c: {  	s17 =	sshll.u32 s0, $0xA;
	s2 =	sadd.s32 s3, s2  }
0x8d: {  	s2 =	sadd.s32 s2, s17  }
0x8e: {  	[smem:$0x3FBC] =	sst s2  }
0x8f: {  	_ = 	snop  }
0x90: {  	(tm) =	ssettm $0x1  }
0x91: {  	s18 =	sld [smem:$0x3FFB];
	_ =	sdelay $0x3  }
0x92: {  	_ =	strace s18  }
0x93: {  	s2 =	sld [smem:$0x3FFC];
	_ =	sdelay $0x3  }
0x94: {  	_ =	strace s2  }
0x95: {  	s2 =	sld [smem:$0x3FFD];
	_ =	sdelay $0x3  }
0x96: {  	_ =	strace s2  }
0x97: {  	_ =	strace $0x8FFFFFFF  }
0x98: {  	s19 =	sld [smem:$0x3FDB];
	_ =	sdelay $0x1  }
0x99: {  	s20 =	simm.s32 $_scs_section_size  }
0x9a: {  	s4 =	simm.s32 $_size__tile_overlayer_lowered;
	s5 =	simm.s32 $_tile_overlayer_lowered  }
0x9b: {  	s6 =	simm.s32 $0x1BFF;
	s21 =	sshll.u32 s5, $0x1;
	s3 =	sadd.s32 s20, s19  }
0x9c: {  	s22 =	simm.s32 $0x0;
	s4 =	sshll.u32 s4, $0x1;
	s5 =	sadd.s32 s21, s3  }
0x9d: {  	[timem:s22], [sflag:s6] =	dma.local [hbm:s5], s4  }
0x9e: {  	_ =	swait.ge [sflag:s6], s4  }
0x9f: {  	s4 =	ssub.s32 $0x0, s4;
	[sflag:s6] =	ssyncset.done $0x0  }
0xa0: {  	[sflag:s6] =	ssyncadd.s32 s4;
	_ =	sdelay $0x1  }
0xa1: {  	s23 =	simm.s32 $0x1B8B  }
0xa2: {  	_ =	swait.ge [sflag:s23], $0x1  }
0xa3: {  	[sflag:s23] =	ssyncset.done $0x0  }
0xa4: {  	[sflag:s23] =	ssyncadd.s32 $0xFFFFFFFF  }
0xa5: {  	s4 =	sld [smem:$0x0]  }
0xa6: {  	s5 =	sand.u32 $0xFFFFFFFE, s1  }
0xa7: {  	p0 =	sne.s32 s1, s5  }
0xa8: {  	s5 =	sshll.u32 @p0 s5, $0xE  }
0xa9: {  	s5 =	sadd.s32 @p0 $0x11B8D, s5;
	s6 =	sshll.u32 @p0 s4, $0x11  }
0xaa: {  	s5 =	sor.u32 @p0 s6, s5  }
0xab: {  	[sflag:s5] =	ssyncadd.remote.s32 @p0 $0x1;
	_ =	sdelay $0x1  }
0xac: {  	s5 =	simm.s32 @p0 $0x1B8D  }
0xad: {  	_ =	swait.eq @p0 [sflag:s5], $0x1  }
0xae: {  	[sflag:s5] =	ssyncadd.s32 @p0 $0xFFFFFFFF  }
0xaf: {  	s6 =	sshll.u32 @!p0 s1, $0xE  }
0xb0: {  	s6 =	sor.u32 @!p0 $0x4000, s6;
	s5 =	simm.s32 @!p0 $0x1B8D  }
0xb1: {  	s4 =	sshll.u32 @!p0 s4, $0x11;
	s6 =	sadd.s32 @!p0 $0x11B8D, s6;
	_ =	swait.eq @!p0 [sflag:s5], $0x1  }
0xb2: {  	s4 =	sor.u32 @!p0 s4, s6;
	[sflag:s5] =	ssyncadd.s32 @!p0 $0xFFFFFFFF  }
0xb3: {  	s25 =	simm.s32 $0x1B8E;
	s24 =	sld [smem:$0x3FFE];
	[sflag:s4] =	ssyncadd.remote.s32 @!p0 $0x1  }
0xb4: {  	s26 =	simm.s32 $execute0_lowered;
	[smem:$0x3FD2] =	sst s25  }
0xb5: {  	s5 =	sshll.u32 s26, $0x1;
	_ =	strace $0x8000004F;
	[dreg:$0x1] =	wrdreg $0xFFFFFFFF  }
0xb6: {  	s28 =	simm.s32 $_size_execute0_lowered;
	s3 =	sadd.s32 s3, s5;
	[dreg:$0x0] =	wrdreg $0x0  }
0xb7: {  	s5 =	sshll.u32 s28, $0x1;
	[dreg:$0x2] =	wrdreg s3  }
0xb8: {  	[dreg:$0x3] =	wrdreg s5  }
0xb9: {  	[dreg:$0x4] =	wrdreg $0xC0  }
0xba: {  	_ =	task [dreg:s22], $0x5FFFF  }
0xbb: {  	[dreg:$0x1] =	wrdreg $0xFFFFFFFF  }
0xbc: {  	[dreg:$0x0] =	wrdreg $0x60  }
0xbd: {  	[dreg:$0x2] =	wrdreg s24  }
0xbe: {  	[dreg:$0x3] =	wrdreg $0x1B7100  }
0xbf: {  	[dreg:$0x4] =	wrdreg $0xA  }
0xc0: {  	_ =	task.clear_ibuf [dreg:s22], $0x5FFFF;
	_ =	strace $0x9000004F  }
0xc1: {  	s29 =	simm.s32 $0xA;
	_ =	strace $0x80000051  }
0xc2: {  	_ =	swait.ge [sflag:s29], $0x1  }
0xc3: {  	[sflag:s29] =	ssyncadd.s32 $0xFFFFFFFF  }
0xc4: {  	_ =	strace $0x90000051  }
0xc5: {  	_ =	sfence  }
0xc6: {  	s30 =	sld [smem:$0x0];
	_ =	sdelay $0x2  }
0xc7: {  	s31 =	sshll.u32 s1, $0xD;
	s1 =	sshrl.u32 s1, $0x2  }
0xc8: {  	s4 =	sand.u32 $0x4000, s31;
	s1 =	sadd.s32 s1, s30  }
0xc9: {  	s0 =	sor.u32 s4, s0;
	s1 =	sshll.u32 s1, $0x11  }
0xca: {  	s0 =	sor.u32 s1, s0  }
0xcb: {  	s0 =	sadd.s32 $0x8F2B, s0  }
0xcc: {  	[sflag:s0] =	ssyncadd.remote.s32 $0x1  }
0xcd: {  	_ =	sfence.sel $0xFFFF  }
0xce: {  	[dreg:$0x0] =	wrdreg $0xFFFFFFFF;
	(pc) =	sbr.abs _section_cstart, $3  }
0xcf: {  	[dreg:$0x1] =	wrdreg $0xFFFFFFFF  }
0xd0: {  	_ =	task.clear_ibuf [dreg:s22], $0x2FFFF;
	_ =	strace $0x9FFFFFFF  }
0xd1: {  	(tm) =	ssettm $0x7FFFFFFF  }
tec
execute0_lowered:
.L_overlay_start_1:
0x0: {  	(tag) =	ssettag $0x1  }
0x1: {  	s5 =	rddreg [dreg:$0x0]  }
0x2: {  	s0 =	srdreg.scid;
	s2 =	rddreg [dreg:$0x1];
	s3 =	simm.s32 $0x0  }
0x3: {  	s25 =	simm.s32 $0xC800;
	s26 =	simm.s32 $0xC880;
	s28 =	simm.s32 $0xC900  }
0x4: {  	s29 =	simm.s32 $0xC980;
	s14 =	simm.s32 $0xCA00;
	s4 =	sand.u32 $0x1, s0  }
0x5: {  	s0 =	stileid.u32;
	[smem:$0x7FF] =	sst s3;
	s1 =	sshll.u32 s4, $0x4  }
0x6: {  	s30 =	simm.s32 $0xCA80;
	s7 =	sor.u32 s0, s1;
	s1 =	rddreg [dreg:$0x2]  }
0x7: {  	s17 =	simm.s32 $0xCB00;
	_ =	strace $0x80000050;
	[dreg:$0x3] =	wrdreg s25  }
0x8: {  	s31 =	simm.s32 $0xCB80;
	s18 =	simm.s32 $0xCC00;
	[dreg:$0x4] =	wrdreg s26  }
0x9: {  	s19 =	simm.s32 $0x13180;
	s20 =	simm.s32 $0x19700;
	[dreg:$0x5] =	wrdreg s28  }
0xa: {  	s21 =	simm.s32 $0x1B700;
	s22 =	simm.s32 $0x0;
	[dreg:$0x6] =	wrdreg s29  }
0xb: {  	s6 =	smul.u32 $0xC80, s0;
	s4 =	ssub.s32 $0x2, s4;
	[dreg:$0x7] =	wrdreg s14  }
0xc: {  	s16 =	sshll.u32 s0, $0x6;
	s12 =	sshrl.u32 s4, $0x1;
	[dreg:$0x8] =	wrdreg s30  }
0xd: {  	s14 =	sor.u32 $0x1C02, s16;
	[dreg:$0x9] =	wrdreg s17;
	s16 =	simm.s32 $0x80  }
0xe: {  	[dreg:$0xa] =	wrdreg s31;
	s17 =	simm.s32 $0x1;
	s8 =	smul.u32 $0xCA0, s7  }
0xf: {  	s9 =	sshrl.u32 s6, $0x3;
	s10 =	sshll.u32 s7, $0x1;
	s11 =	smul.u32 $0xC80, s7  }
0x10: {  	s7 =	sshll.u32 s7, $0xA;
	s12 =	ssub.s32 s4, s12;
	s15 =	sadd.s32 s6, s2  }
0x11: {  	s9 =	sadd.s32 s9, s5;
	s10 =	sadd.s32 s10, s5;
	s13 =	sadd.s32 s7, s5  }
0x12: {  	s15 =	sshrl.u32 s15, $0x3;
	s8 =	sadd.s32 s8, s5;
	s4 =	sadd.s32 s5, s11  }
0x13: {  	s7 =	sadd.s32 $0xF8800, s9;
	s9 =	sadd.s32 $0x1AE00, s10;
	s10 =	sadd.s32 $0xFA200, s13  }
0x14: {  	v0 =	vimm.f32 $0.0e+00;
	s11 =	smax.u32 s12, $0x1;
	s13 =	simm.s32 $0x6400;
	s5 =	sadd.s32 $0x1C200, s4  }
0x15: {  	v1 =	vimm.s32 $0x0;
	v2 =	vimm.f32 $1.000000000e+00;
	v3 =	vimm.s32 $0x1000;
	s12 =	simm.s32 $0x2;
	s6 =	sadd.s32 $0x102200, s8;
	s8 =	sadd.s32 $0x11B600, s8  }
.LBB2_1:
0x16: {  	s23 =	simm.s32 $0x40;
	s24 =	simm.s32 $0x0  }
.LBB2_2:
0x17: {  	p0 =	sne.s32 s23, $0x7FC0;
	[tilespmem:s24+$0x19700] =	vst v0;
	s24 =	smov.u32 s23;
	s23 =	sadd.s32 $0x40, s23  }
.Ltmp0:
0x18: {  	(pc) =	sbr.rel @p0 .LBB2_2-.Ltmp0, $2  }
0x19: {  	_ =	sdelay $0x2  }
0x1a: {  	s24 =	sshra.s32 s24, $0x2  }
0x1b: {  	[tilespmem:s24+$0x19700] =	vst v0;
	s23 =	simm.s32 $0x0  }
0x1c: {  	[tilespmem:s23], [sflag:$0x2] =	stream.linear.gather [hbm4b:s5+s23], $0x6400, $0x38;
	[tilespmem:$0x1C390] =	vst v63  }
0x1d: {  	_ =	swait.ge [sflag:s12], $0x6400  }
0x1e: {  	[sflag:s12] =	ssyncset.done $0x0  }
0x1f: {  	[sflag:s12] =	ssyncadd.s32 $0xFFFF9C00  }
0x20: {  	[tilespmem:s13], [sflag:$0x2] =	stream.linear.gather [hbm4b:s4+s23], $0x6400, $0x38;
	[tilespmem:$0x1C390] =	vst v63  }
0x21: {  	_ =	swait.ge [sflag:s12], $0x6400  }
0x22: {  	[sflag:s12] =	ssyncset.done $0x0  }
0x23: {  	[sflag:s12] =	ssyncadd.s32 $0xFFFF9C00  }
0x24: {  	[spmem:s15], [sflag:s14] =	dma.local [hbm:s7], $0x190  }
0x25: {  	_ =	swait.ge [sflag:s12], $0x190  }
0x26: {  	[sflag:s12] =	ssyncset.done $0x0  }
0x27: {  	[sflag:s12] =	ssyncadd.s32 $0xFFFFFE70  }
0x28: {  	s24 =	simm.s32 $0x0;
	[bflag:$0x0] =	sbarrier.arrive $0xFFFF  }
.LBB2_4:
0x29: {  	s25 =	rddreg [dreg:$0x3];
	s26 =	sshra.s32 s23, $0x2  }
0x2a: {  	[tilespmem:s25], [sflag:$0x1] =	stream.indirect.gather [spmem:s2], $0x1, s26, s16, $0xb8;
	[tilespmem:$0x1C390] =	vst v63  }
0x2b: {  	s28 =	rddreg [dreg:$0x4];
	s31 =	sadd.s32 $0x80, s26  }
0x2c: {  	[tilespmem:s28], [sflag:$0x1] =	stream.indirect.gather [spmem:s2], $0x1, s31, s16, $0xb8;
	[tilespmem:$0x1C390] =	vst v63  }
0x2d: {  	s29 =	rddreg [dreg:$0x5];
	s30 =	sadd.s32 $0x100, s26  }
0x2e: {  	[tilespmem:s29], [sflag:$0x1] =	stream.indirect.gather [spmem:s2], $0x1, s30, s16, $0xb8;
	[tilespmem:$0x1C390] =	vst v63  }
0x2f: {  	s31 =	rddreg [dreg:$0x6];
	s30 =	sadd.s32 $0x180, s26  }
0x30: {  	[tilespmem:s31], [sflag:$0x1] =	stream.indirect.gather [spmem:s2], $0x1, s30, s16, $0xb8;
	[tilespmem:$0x1C390] =	vst v63  }
0x31: {  	s29 =	rddreg [dreg:$0x7];
	s31 =	sadd.s32 $0x6400, s26  }
0x32: {  	[tilespmem:s29], [sflag:$0x1] =	stream.indirect.gather [spmem:s2], $0x1, s31, s16, $0xb8;
	[tilespmem:$0x1C390] =	vst v63  }
0x33: {  	s30 =	rddreg [dreg:$0x8];
	s31 =	sadd.s32 $0x6480, s26  }
0x34: {  	[tilespmem:s30], [sflag:$0x1] =	stream.indirect.gather [spmem:s2], $0x1, s31, s16, $0xb8;
	[tilespmem:$0x1C390] =	vst v63  }
0x35: {  	s29 =	rddreg [dreg:$0x9];
	s30 =	sadd.s32 $0x6500, s26  }
0x36: {  	[tilespmem:s29], [sflag:$0x1] =	stream.indirect.gather [spmem:s2], $0x1, s30, s16, $0xb8;
	[tilespmem:$0x1C390] =	vst v63  }
0x37: {  	s31 =	rddreg [dreg:$0xa];
	s26 =	sadd.s32 $0x6580, s26  }
0x38: {  	[tilespmem:s31], [sflag:$0x1] =	stream.indirect.gather [spmem:s2], $0x1, s26, s16, $0xb8;
	[tilespmem:$0x1C390] =	vst v63  }
0x39: {  	_ =	swait.ge [sflag:s17], $0x80  }
0x3a: {  	[sflag:s17] =	ssyncset.done $0x0  }
0x3b: {  	[sflag:s17] =	ssyncadd.s32 $0xFFFFFF80  }
0x3c: {  	_ =	swait.ge [sflag:s17], $0x80  }
0x3d: {  	[sflag:s17] =	ssyncset.done $0x0  }
0x3e: {  	[sflag:s17] =	ssyncadd.s32 $0xFFFFFF80  }
0x3f: {  	_ =	swait.ge [sflag:s17], $0x80  }
0x40: {  	[sflag:s17] =	ssyncset.done $0x0  }
0x41: {  	[sflag:s17] =	ssyncadd.s32 $0xFFFFFF80  }
0x42: {  	_ =	swait.ge [sflag:s17], $0x80  }
0x43: {  	[sflag:s17] =	ssyncset.done $0x0  }
0x44: {  	[sflag:s17] =	ssyncadd.s32 $0xFFFFFF80  }
0x45: {  	_ =	swait.ge [sflag:s17], $0x80  }
0x46: {  	[sflag:s17] =	ssyncset.done $0x0  }
0x47: {  	[sflag:s17] =	ssyncadd.s32 $0xFFFFFF80  }
0x48: {  	_ =	swait.ge [sflag:s17], $0x80  }
0x49: {  	[sflag:s17] =	ssyncset.done $0x0  }
0x4a: {  	[sflag:s17] =	ssyncadd.s32 $0xFFFFFF80  }
0x4b: {  	_ =	swait.ge [sflag:s17], $0x80  }
0x4c: {  	[sflag:s17] =	ssyncset.done $0x0  }
0x4d: {  	[sflag:s17] =	ssyncadd.s32 $0xFFFFFF80  }
0x4e: {  	_ =	swait.ge [sflag:s17], $0x80  }
0x4f: {  	[sflag:s17] =	ssyncset.done $0x0  }
0x50: {  	[sflag:s17] =	ssyncadd.s32 $0xFFFFFF80  }
0x51: {  	v4 =	vld [tilespmem:$0xC800]  }
0x52: {  	v5 =	vld [tilespmem:$0xCA00];
	_ =	sdelay $0x4  }
0x53: {  	v6 =	vor.u32 v4, v5  }
0x54: {  	vm0 =	vgt.s32 v6, $0xFFFFFFFF  }
0x55: {  	v6 =	vsel vm0, $0x1, v1  }
0x56: {  	(xrf0) =	vadd.scan.msk.s32 $0xffff, v6;
	_ =	sdelay $0x4  }
0x57: {  	v26 =	vsel vm0, $0xFFFFFFFF, v1  }
0x58: {  	v6 =	vadd.s32 s24, v26;
	v7, _, _ =	vpop (xrf0)  }
0x59: {  	v6 =	vadd.s32 v7, v6;
	_ =	sdelay $0x4  }
0x5a: {  	[tilespmem:v6+s18+$0x0] =	vst.idx.msk vm0, v4  }
0x5b: {  	(v2sf) =	vpush v7, $0xF;
	[tilespmem:v6+s19+$0x0] =	vst.idx.msk vm0, v5  }
0x5c: {  	[tilespmem:v5+s20+$0x0] =	vst.idx.add.f32.msk vm0, v2  }
0x5d: {  	v4 =	vld [tilespmem:$0xC810]  }
0x5e: {  	v5 =	vld [tilespmem:$0xCA10];
	_ =	sdelay $0x4  }
0x5f: {  	v27 =	vor.u32 v4, v5  }
0x60: {  	vm9 =	vgt.s32 v27, $0xFFFFFFFF  }
0x61: {  	v6 =	vsel vm9, $0x1, v1  }
0x62: {  	(xrf0) =	vadd.scan.msk.s32 $0xffff, v6;
	_ =	sdelay $0x3  }
0x63: {  	s29 =	spop (v2sf)  }
0x64: {  	v28 =	vsel vm9, $0xFFFFFFFF, v1;
	s30 =	sadd.s32 s24, s29  }
0x65: {  	v6 =	vadd.s32 s30, v28;
	v29, _, _ =	vpop (xrf0)  }
0x66: {  	v6 =	vadd.s32 v29, v6;
	_ =	sdelay $0x4  }
0x67: {  	[tilespmem:v6+s18+$0x0] =	vst.idx.msk vm9, v4  }
0x68: {  	(v2sf) =	vpush v29, $0xF;
	[tilespmem:v6+s19+$0x0] =	vst.idx.msk vm9, v5  }
0x69: {  	[tilespmem:v5+s20+$0x0] =	vst.idx.add.f32.msk vm9, v2  }
0x6a: {  	v4 =	vld [tilespmem:$0xC820]  }
0x6b: {  	v5 =	vld [tilespmem:$0xCA20];
	_ =	sdelay $0x4  }
0x6c: {  	v30 =	vor.u32 v4, v5  }
0x6d: {  	vm10 =	vgt.s32 v30, $0xFFFFFFFF  }
0x6e: {  	v6 =	vsel vm10, $0x1, v1  }
0x6f: {  	(xrf0) =	vadd.scan.msk.s32 $0xffff, v6;
	_ =	sdelay $0x3  }
0x70: {  	s31 =	spop (v2sf)  }
0x71: {  	v31 =	vsel vm10, $0xFFFFFFFF, v1;
	s24 =	sadd.s32 s30, s31  }
0x72: {  	v6 =	vadd.s32 s24, v31;
	v32, _, _ =	vpop (xrf0)  }
0x73: {  	v6 =	vadd.s32 v32, v6;
	_ =	sdelay $0x4  }
0x74: {  	[tilespmem:v6+s18+$0x0] =	vst.idx.msk vm10, v4  }
0x75: {  	(v2sf) =	vpush v32, $0xF;
	[tilespmem:v6+s19+$0x0] =	vst.idx.msk vm10, v5  }
0x76: {  	[tilespmem:v5+s20+$0x0] =	vst.idx.add.f32.msk vm10, v2  }
0x77: {  	v4 =	vld [tilespmem:$0xC830]  }
0x78: {  	v5 =	vld [tilespmem:$0xCA30];
	_ =	sdelay $0x4  }
0x79: {  	v33 =	vor.u32 v4, v5  }
0x7a: {  	vm11 =	vgt.s32 v33, $0xFFFFFFFF  }
0x7b: {  	v6 =	vsel vm11, $0x1, v1  }
0x7c: {  	(xrf0) =	vadd.scan.msk.s32 $0xffff, v6;
	_ =	sdelay $0x3  }
0x7d: {  	s26 =	spop (v2sf)  }
0x7e: {  	v34 =	vsel vm11, $0xFFFFFFFF, v1;
	s24 =	sadd.s32 s24, s26  }
0x7f: {  	v6 =	vadd.s32 s24, v34;
	v35, _, _ =	vpop (xrf0)  }
0x80: {  	v6 =	vadd.s32 v35, v6;
	_ =	sdelay $0x4  }
0x81: {  	[tilespmem:v6+s18+$0x0] =	vst.idx.msk vm11, v4  }
0x82: {  	(v2sf) =	vpush v35, $0xF;
	[tilespmem:v6+s19+$0x0] =	vst.idx.msk vm11, v5  }
0x83: {  	[tilespmem:v5+s20+$0x0] =	vst.idx.add.f32.msk vm11, v2  }
0x84: {  	v4 =	vld [tilespmem:$0xC840]  }
0x85: {  	v5 =	vld [tilespmem:$0xCA40];
	_ =	sdelay $0x4  }
0x86: {  	v36 =	vor.u32 v4, v5  }
0x87: {  	vm12 =	vgt.s32 v36, $0xFFFFFFFF  }
0x88: {  	v6 =	vsel vm12, $0x1, v1  }
0x89: {  	(xrf0) =	vadd.scan.msk.s32 $0xffff, v6;
	_ =	sdelay $0x3  }
0x8a: {  	s28 =	spop (v2sf)  }
0x8b: {  	v37 =	vsel vm12, $0xFFFFFFFF, v1;
	s24 =	sadd.s32 s24, s28  }
0x8c: {  	v6 =	vadd.s32 s24, v37;
	v38, _, _ =	vpop (xrf0)  }
0x8d: {  	v6 =	vadd.s32 v38, v6;
	_ =	sdelay $0x4  }
0x8e: {  	[tilespmem:v6+s18+$0x0] =	vst.idx.msk vm12, v4  }
0x8f: {  	(v2sf) =	vpush v38, $0xF;
	[tilespmem:v6+s19+$0x0] =	vst.idx.msk vm12, v5  }
0x90: {  	[tilespmem:v5+s20+$0x0] =	vst.idx.add.f32.msk vm12, v2  }
0x91: {  	v4 =	vld [tilespmem:$0xC850]  }
0x92: {  	v5 =	vld [tilespmem:$0xCA50];
	_ =	sdelay $0x4  }
0x93: {  	v39 =	vor.u32 v4, v5  }
0x94: {  	vm13 =	vgt.s32 v39, $0xFFFFFFFF  }
0x95: {  	v6 =	vsel vm13, $0x1, v1  }
0x96: {  	(xrf0) =	vadd.scan.msk.s32 $0xffff, v6;
	_ =	sdelay $0x3  }
0x97: {  	s29 =	spop (v2sf)  }
0x98: {  	v40 =	vsel vm13, $0xFFFFFFFF, v1;
	s24 =	sadd.s32 s24, s29  }
0x99: {  	v6 =	vadd.s32 s24, v40;
	v41, _, _ =	vpop (xrf0)  }
0x9a: {  	v6 =	vadd.s32 v41, v6;
	_ =	sdelay $0x4  }
0x9b: {  	[tilespmem:v6+s18+$0x0] =	vst.idx.msk vm13, v4  }
0x9c: {  	(v2sf) =	vpush v41, $0xF;
	[tilespmem:v6+s19+$0x0] =	vst.idx.msk vm13, v5  }
0x9d: {  	[tilespmem:v5+s20+$0x0] =	vst.idx.add.f32.msk vm13, v2  }
0x9e: {  	v4 =	vld [tilespmem:$0xC860]  }
0x9f: {  	v5 =	vld [tilespmem:$0xCA60];
	_ =	sdelay $0x4  }
0xa0: {  	v42 =	vor.u32 v4, v5  }
0xa1: {  	vm14 =	vgt.s32 v42, $0xFFFFFFFF  }
0xa2: {  	v6 =	vsel vm14, $0x1, v1  }
0xa3: {  	(xrf0) =	vadd.scan.msk.s32 $0xffff, v6;
	_ =	sdelay $0x3  }
0xa4: {  	s30 =	spop (v2sf)  }
0xa5: {  	v43 =	vsel vm14, $0xFFFFFFFF, v1;
	s24 =	sadd.s32 s24, s30  }
0xa6: {  	v6 =	vadd.s32 s24, v43;
	v44, _, _ =	vpop (xrf0)  }
0xa7: {  	v6 =	vadd.s32 v44, v6;
	_ =	sdelay $0x4  }
0xa8: {  	[tilespmem:v6+s18+$0x0] =	vst.idx.msk vm14, v4  }
0xa9: {  	(v2sf) =	vpush v44, $0xF;
	[tilespmem:v6+s19+$0x0] =	vst.idx.msk vm14, v5  }
0xaa: {  	[tilespmem:v5+s20+$0x0] =	vst.idx.add.f32.msk vm14, v2  }
0xab: {  	v4 =	vld [tilespmem:$0xC870]  }
0xac: {  	v5 =	vld [tilespmem:$0xCA70];
	_ =	sdelay $0x4  }
0xad: {  	v45 =	vor.u32 v4, v5  }
0xae: {  	vm15 =	vgt.s32 v45, $0xFFFFFFFF  }
0xaf: {  	v6 =	vsel vm15, $0x1, v1  }
0xb0: {  	(xrf0) =	vadd.scan.msk.s32 $0xffff, v6;
	_ =	sdelay $0x3  }
0xb1: {  	s31 =	spop (v2sf)  }
0xb2: {  	v46 =	vsel vm15, $0xFFFFFFFF, v1;
	s24 =	sadd.s32 s24, s31  }
0xb3: {  	v6 =	vadd.s32 s24, v46;
	v47, _, _ =	vpop (xrf0)  }
0xb4: {  	v6 =	vadd.s32 v47, v6;
	_ =	sdelay $0x4  }
0xb5: {  	[tilespmem:v6+s18+$0x0] =	vst.idx.msk vm15, v4  }
0xb6: {  	(v2sf) =	vpush v47, $0xF;
	[tilespmem:v6+s19+$0x0] =	vst.idx.msk vm15, v5  }
0xb7: {  	[tilespmem:v5+s20+$0x0] =	vst.idx.add.f32.msk vm15, v2  }
0xb8: {  	v4 =	vld [tilespmem:$0xC880]  }
0xb9: {  	v5 =	vld [tilespmem:$0xCA80];
	_ =	sdelay $0x4  }
0xba: {  	v48 =	vor.u32 v4, v5  }
0xbb: {  	vm4 =	vgt.s32 v48, $0xFFFFFFFF  }
0xbc: {  	v6 =	vsel vm4, $0x1, v1  }
0xbd: {  	(xrf0) =	vadd.scan.msk.s32 $0xffff, v6;
	_ =	sdelay $0x3  }
0xbe: {  	s26 =	spop (v2sf)  }
0xbf: {  	v49 =	vsel vm4, $0xFFFFFFFF, v1;
	s24 =	sadd.s32 s24, s26  }
0xc0: {  	v6 =	vadd.s32 s24, v49;
	v50, _, _ =	vpop (xrf0)  }
0xc1: {  	v6 =	vadd.s32 v50, v6;
	_ =	sdelay $0x4  }
0xc2: {  	[tilespmem:v6+s18+$0x0] =	vst.idx.msk vm4, v4  }
0xc3: {  	(v2sf) =	vpush v50, $0xF;
	[tilespmem:v6+s19+$0x0] =	vst.idx.msk vm4, v5  }
0xc4: {  	[tilespmem:v5+s20+$0x0] =	vst.idx.add.f32.msk vm4, v2  }
0xc5: {  	v4 =	vld [tilespmem:$0xC890]  }
0xc6: {  	v5 =	vld [tilespmem:$0xCA90];
	_ =	sdelay $0x4  }
0xc7: {  	v51 =	vor.u32 v4, v5  }
0xc8: {  	vm5 =	vgt.s32 v51, $0xFFFFFFFF  }
0xc9: {  	v6 =	vsel vm5, $0x1, v1  }
0xca: {  	(xrf0) =	vadd.scan.msk.s32 $0xffff, v6;
	_ =	sdelay $0x3  }
0xcb: {  	s28 =	spop (v2sf)  }
0xcc: {  	v52 =	vsel vm5, $0xFFFFFFFF, v1;
	s24 =	sadd.s32 s24, s28  }
0xcd: {  	v6 =	vadd.s32 s24, v52;
	v53, _, _ =	vpop (xrf0)  }
0xce: {  	v6 =	vadd.s32 v53, v6;
	_ =	sdelay $0x4  }
0xcf: {  	[tilespmem:v6+s18+$0x0] =	vst.idx.msk vm5, v4  }
0xd0: {  	(v2sf) =	vpush v53, $0xF;
	[tilespmem:v6+s19+$0x0] =	vst.idx.msk vm5, v5  }
0xd1: {  	[tilespmem:v5+s20+$0x0] =	vst.idx.add.f32.msk vm5, v2  }
0xd2: {  	v4 =	vld [tilespmem:$0xC8A0]  }
0xd3: {  	v5 =	vld [tilespmem:$0xCAA0];
	_ =	sdelay $0x4  }
0xd4: {  	v54 =	vor.u32 v4, v5  }
0xd5: {  	vm6 =	vgt.s32 v54, $0xFFFFFFFF  }
0xd6: {  	v6 =	vsel vm6, $0x1, v1  }
0xd7: {  	(xrf0) =	vadd.scan.msk.s32 $0xffff, v6;
	_ =	sdelay $0x3  }
0xd8: {  	s29 =	spop (v2sf)  }
0xd9: {  	v55 =	vsel vm6, $0xFFFFFFFF, v1;
	s24 =	sadd.s32 s24, s29  }
0xda: {  	v6 =	vadd.s32 s24, v55;
	v56, _, _ =	vpop (xrf0)  }
0xdb: {  	v6 =	vadd.s32 v56, v6;
	_ =	sdelay $0x4  }
0xdc: {  	[tilespmem:v6+s18+$0x0] =	vst.idx.msk vm6, v4  }
0xdd: {  	(v2sf) =	vpush v56, $0xF;
	[tilespmem:v6+s19+$0x0] =	vst.idx.msk vm6, v5  }
0xde: {  	[tilespmem:v5+s20+$0x0] =	vst.idx.add.f32.msk vm6, v2  }
0xdf: {  	v4 =	vld [tilespmem:$0xC8B0]  }
0xe0: {  	v5 =	vld [tilespmem:$0xCAB0];
	_ =	sdelay $0x4  }
0xe1: {  	v57 =	vor.u32 v4, v5  }
0xe2: {  	vm7 =	vgt.s32 v57, $0xFFFFFFFF  }
0xe3: {  	v6 =	vsel vm7, $0x1, v1  }
0xe4: {  	(xrf0) =	vadd.scan.msk.s32 $0xffff, v6;
	_ =	sdelay $0x3  }
0xe5: {  	s30 =	spop (v2sf)  }
0xe6: {  	v58 =	vsel vm7, $0xFFFFFFFF, v1;
	s24 =	sadd.s32 s24, s30  }
0xe7: {  	v6 =	vadd.s32 s24, v58;
	v59, _, _ =	vpop (xrf0)  }
0xe8: {  	v6 =	vadd.s32 v59, v6;
	_ =	sdelay $0x4  }
0xe9: {  	[tilespmem:v6+s18+$0x0] =	vst.idx.msk vm7, v4  }
0xea: {  	(v2sf) =	vpush v59, $0xF;
	[tilespmem:v6+s19+$0x0] =	vst.idx.msk vm7, v5  }
0xeb: {  	[tilespmem:v5+s20+$0x0] =	vst.idx.add.f32.msk vm7, v2  }
0xec: {  	v4 =	vld [tilespmem:$0xC8C0]  }
0xed: {  	v5 =	vld [tilespmem:$0xCAC0];
	_ =	sdelay $0x4  }
0xee: {  	v60 =	vor.u32 v4, v5  }
0xef: {  	vm8 =	vgt.s32 v60, $0xFFFFFFFF  }
0xf0: {  	v6 =	vsel vm8, $0x1, v1  }
0xf1: {  	(xrf0) =	vadd.scan.msk.s32 $0xffff, v6;
	_ =	sdelay $0x3  }
0xf2: {  	s31 =	spop (v2sf)  }
0xf3: {  	v61 =	vsel vm8, $0xFFFFFFFF, v1;
	s24 =	sadd.s32 s24, s31  }
0xf4: {  	v6 =	vadd.s32 s24, v61;
	v62, _, _ =	vpop (xrf0)  }
0xf5: {  	v6 =	vadd.s32 v62, v6;
	_ =	sdelay $0x4  }
0xf6: {  	[tilespmem:v6+s18+$0x0] =	vst.idx.msk vm8, v4  }
0xf7: {  	(v2sf) =	vpush v62, $0xF;
	[tilespmem:v6+s19+$0x0] =	vst.idx.msk vm8, v5  }
0xf8: {  	[tilespmem:v5+s20+$0x0] =	vst.idx.add.f32.msk vm8, v2  }
0xf9: {  	v4 =	vld [tilespmem:$0xC8D0]  }
0xfa: {  	v5 =	vld [tilespmem:$0xCAD0];
	_ =	sdelay $0x4  }
0xfb: {  	v63 =	vor.u32 v4, v5  }
0xfc: {  	vm9 =	vgt.s32 v63, $0xFFFFFFFF  }
0xfd: {  	v6 =	vsel vm9, $0x1, v1  }
0xfe: {  	(xrf0) =	vadd.scan.msk.s32 $0xffff, v6;
	_ =	sdelay $0x3  }
0xff: {  	s26 =	spop (v2sf)  }
0x100: {  	v9 =	vsel vm9, $0xFFFFFFFF, v1;
	s24 =	sadd.s32 s24, s26  }
0x101: {  	v6 =	vadd.s32 s24, v9;
	v10, _, _ =	vpop (xrf0)  }
0x102: {  	v6 =	vadd.s32 v10, v6;
	_ =	sdelay $0x4  }
0x103: {  	[tilespmem:v6+s18+$0x0] =	vst.idx.msk vm9, v4  }
0x104: {  	(v2sf) =	vpush v10, $0xF;
	[tilespmem:v6+s19+$0x0] =	vst.idx.msk vm9, v5  }
0x105: {  	[tilespmem:v5+s20+$0x0] =	vst.idx.add.f32.msk vm9, v2  }
0x106: {  	v4 =	vld [tilespmem:$0xC8E0]  }
0x107: {  	v5 =	vld [tilespmem:$0xCAE0];
	_ =	sdelay $0x4  }
0x108: {  	v11 =	vor.u32 v4, v5  }
0x109: {  	vm10 =	vgt.s32 v11, $0xFFFFFFFF  }
0x10a: {  	v6 =	vsel vm10, $0x1, v1  }
0x10b: {  	(xrf0) =	vadd.scan.msk.s32 $0xffff, v6;
	_ =	sdelay $0x3  }
0x10c: {  	s28 =	spop (v2sf)  }
0x10d: {  	v12 =	vsel vm10, $0xFFFFFFFF, v1;
	s24 =	sadd.s32 s24, s28  }
0x10e: {  	v6 =	vadd.s32 s24, v12;
	v13, _, _ =	vpop (xrf0)  }
0x10f: {  	v6 =	vadd.s32 v13, v6;
	_ =	sdelay $0x4  }
0x110: {  	[tilespmem:v6+s18+$0x0] =	vst.idx.msk vm10, v4  }
0x111: {  	(v2sf) =	vpush v13, $0xF;
	[tilespmem:v6+s19+$0x0] =	vst.idx.msk vm10, v5  }
0x112: {  	[tilespmem:v5+s20+$0x0] =	vst.idx.add.f32.msk vm10, v2  }
0x113: {  	v4 =	vld [tilespmem:$0xC8F0]  }
0x114: {  	v5 =	vld [tilespmem:$0xCAF0];
	_ =	sdelay $0x4  }
0x115: {  	v14 =	vor.u32 v4, v5  }
0x116: {  	vm11 =	vgt.s32 v14, $0xFFFFFFFF  }
0x117: {  	v6 =	vsel vm11, $0x1, v1  }
0x118: {  	(xrf0) =	vadd.scan.msk.s32 $0xffff, v6;
	_ =	sdelay $0x3  }
0x119: {  	s29 =	spop (v2sf)  }
0x11a: {  	v15 =	vsel vm11, $0xFFFFFFFF, v1;
	s24 =	sadd.s32 s24, s29  }
0x11b: {  	v6 =	vadd.s32 s24, v15;
	v16, _, _ =	vpop (xrf0)  }
0x11c: {  	v6 =	vadd.s32 v16, v6;
	_ =	sdelay $0x4  }
0x11d: {  	[tilespmem:v6+s18+$0x0] =	vst.idx.msk vm11, v4  }
0x11e: {  	(v2sf) =	vpush v16, $0xF;
	[tilespmem:v6+s19+$0x0] =	vst.idx.msk vm11, v5  }
0x11f: {  	[tilespmem:v5+s20+$0x0] =	vst.idx.add.f32.msk vm11, v2  }
0x120: {  	v4 =	vld [tilespmem:$0xC900]  }
0x121: {  	v5 =	vld [tilespmem:$0xCB00];
	_ =	sdelay $0x4  }
0x122: {  	v17 =	vor.u32 v4, v5  }
0x123: {  	vm12 =	vgt.s32 v17, $0xFFFFFFFF  }
0x124: {  	v6 =	vsel vm12, $0x1, v1  }
0x125: {  	(xrf0) =	vadd.scan.msk.s32 $0xffff, v6;
	_ =	sdelay $0x3  }
0x126: {  	s30 =	spop (v2sf)  }
0x127: {  	v18 =	vsel vm12, $0xFFFFFFFF, v1;
	s24 =	sadd.s32 s24, s30  }
0x128: {  	v6 =	vadd.s32 s24, v18;
	v19, _, _ =	vpop (xrf0)  }
0x129: {  	v6 =	vadd.s32 v19, v6;
	_ =	sdelay $0x4  }
0x12a: {  	[tilespmem:v6+s18+$0x0] =	vst.idx.msk vm12, v4  }
0x12b: {  	(v2sf) =	vpush v19, $0xF;
	[tilespmem:v6+s19+$0x0] =	vst.idx.msk vm12, v5  }
0x12c: {  	[tilespmem:v5+s20+$0x0] =	vst.idx.add.f32.msk vm12, v2  }
0x12d: {  	v4 =	vld [tilespmem:$0xC910]  }
0x12e: {  	v5 =	vld [tilespmem:$0xCB10];
	_ =	sdelay $0x4  }
0x12f: {  	v20 =	vor.u32 v4, v5  }
0x130: {  	vm13 =	vgt.s32 v20, $0xFFFFFFFF  }
0x131: {  	v6 =	vsel vm13, $0x1, v1  }
0x132: {  	(xrf0) =	vadd.scan.msk.s32 $0xffff, v6;
	_ =	sdelay $0x3  }
0x133: {  	s31 =	spop (v2sf)  }
0x134: {  	v21 =	vsel vm13, $0xFFFFFFFF, v1;
	s24 =	sadd.s32 s24, s31  }
0x135: {  	v6 =	vadd.s32 s24, v21;
	v22, _, _ =	vpop (xrf0)  }
0x136: {  	v6 =	vadd.s32 v22, v6;
	_ =	sdelay $0x4  }
0x137: {  	[tilespmem:v6+s18+$0x0] =	vst.idx.msk vm13, v4  }
0x138: {  	(v2sf) =	vpush v22, $0xF;
	[tilespmem:v6+s19+$0x0] =	vst.idx.msk vm13, v5  }
0x139: {  	[tilespmem:v5+s20+$0x0] =	vst.idx.add.f32.msk vm13, v2  }
0x13a: {  	v4 =	vld [tilespmem:$0xC920]  }
0x13b: {  	v5 =	vld [tilespmem:$0xCB20];
	_ =	sdelay $0x4  }
0x13c: {  	v23 =	vor.u32 v4, v5  }
0x13d: {  	vm14 =	vgt.s32 v23, $0xFFFFFFFF  }
0x13e: {  	v6 =	vsel vm14, $0x1, v1  }
0x13f: {  	(xrf0) =	vadd.scan.msk.s32 $0xffff, v6;
	_ =	sdelay $0x3  }
0x140: {  	s26 =	spop (v2sf)  }
0x141: {  	v24 =	vsel vm14, $0xFFFFFFFF, v1;
	s24 =	sadd.s32 s24, s26  }
0x142: {  	v6 =	vadd.s32 s24, v24;
	v25, _, _ =	vpop (xrf0)  }
0x143: {  	v6 =	vadd.s32 v25, v6;
	_ =	sdelay $0x4  }
0x144: {  	[tilespmem:v6+s18+$0x0] =	vst.idx.msk vm14, v4  }
0x145: {  	(v2sf) =	vpush v25, $0xF;
	[tilespmem:v6+s19+$0x0] =	vst.idx.msk vm14, v5  }
0x146: {  	[tilespmem:v5+s20+$0x0] =	vst.idx.add.f32.msk vm14, v2  }
0x147: {  	v4 =	vld [tilespmem:$0xC930]  }
0x148: {  	v5 =	vld [tilespmem:$0xCB30];
	_ =	sdelay $0x4  }
0x149: {  	v26 =	vor.u32 v4, v5  }
0x14a: {  	vm15 =	vgt.s32 v26, $0xFFFFFFFF  }
0x14b: {  	v6 =	vsel vm15, $0x1, v1  }
0x14c: {  	(xrf0) =	vadd.scan.msk.s32 $0xffff, v6;
	_ =	sdelay $0x3  }
0x14d: {  	s28 =	spop (v2sf)  }
0x14e: {  	v27 =	vsel vm15, $0xFFFFFFFF, v1;
	s24 =	sadd.s32 s24, s28  }
0x14f: {  	v6 =	vadd.s32 s24, v27;
	v28, _, _ =	vpop (xrf0)  }
0x150: {  	v6 =	vadd.s32 v28, v6;
	_ =	sdelay $0x4  }
0x151: {  	[tilespmem:v6+s18+$0x0] =	vst.idx.msk vm15, v4  }
0x152: {  	(v2sf) =	vpush v28, $0xF;
	[tilespmem:v6+s19+$0x0] =	vst.idx.msk vm15, v5  }
0x153: {  	[tilespmem:v5+s20+$0x0] =	vst.idx.add.f32.msk vm15, v2  }
0x154: {  	v4 =	vld [tilespmem:$0xC940]  }
0x155: {  	v5 =	vld [tilespmem:$0xCB40];
	_ =	sdelay $0x4  }
0x156: {  	v29 =	vor.u32 v4, v5  }
0x157: {  	vm4 =	vgt.s32 v29, $0xFFFFFFFF  }
0x158: {  	v6 =	vsel vm4, $0x1, v1  }
0x159: {  	(xrf0) =	vadd.scan.msk.s32 $0xffff, v6;
	_ =	sdelay $0x3  }
0x15a: {  	s29 =	spop (v2sf)  }
0x15b: {  	v30 =	vsel vm4, $0xFFFFFFFF, v1;
	s24 =	sadd.s32 s24, s29  }
0x15c: {  	v6 =	vadd.s32 s24, v30;
	v31, _, _ =	vpop (xrf0)  }
0x15d: {  	v6 =	vadd.s32 v31, v6;
	_ =	sdelay $0x4  }
0x15e: {  	[tilespmem:v6+s18+$0x0] =	vst.idx.msk vm4, v4  }
0x15f: {  	(v2sf) =	vpush v31, $0xF;
	[tilespmem:v6+s19+$0x0] =	vst.idx.msk vm4, v5  }
0x160: {  	[tilespmem:v5+s20+$0x0] =	vst.idx.add.f32.msk vm4, v2  }
0x161: {  	v4 =	vld [tilespmem:$0xC950]  }
0x162: {  	v5 =	vld [tilespmem:$0xCB50];
	_ =	sdelay $0x4  }
0x163: {  	v32 =	vor.u32 v4, v5  }
0x164: {  	vm5 =	vgt.s32 v32, $0xFFFFFFFF  }
0x165: {  	v6 =	vsel vm5, $0x1, v1  }
0x166: {  	(xrf0) =	vadd.scan.msk.s32 $0xffff, v6;
	_ =	sdelay $0x3  }
0x167: {  	s30 =	spop (v2sf)  }
0x168: {  	v33 =	vsel vm5, $0xFFFFFFFF, v1;
	s24 =	sadd.s32 s24, s30  }
0x169: {  	v6 =	vadd.s32 s24, v33;
	v34, _, _ =	vpop (xrf0)  }
0x16a: {  	v6 =	vadd.s32 v34, v6;
	_ =	sdelay $0x4  }
0x16b: {  	[tilespmem:v6+s18+$0x0] =	vst.idx.msk vm5, v4  }
0x16c: {  	(v2sf) =	vpush v34, $0xF;
	[tilespmem:v6+s19+$0x0] =	vst.idx.msk vm5, v5  }
0x16d: {  	[tilespmem:v5+s20+$0x0] =	vst.idx.add.f32.msk vm5, v2  }
0x16e: {  	v4 =	vld [tilespmem:$0xC960]  }
0x16f: {  	v5 =	vld [tilespmem:$0xCB60];
	_ =	sdelay $0x4  }
0x170: {  	v35 =	vor.u32 v4, v5  }
0x171: {  	vm6 =	vgt.s32 v35, $0xFFFFFFFF  }
0x172: {  	v6 =	vsel vm6, $0x1, v1  }
0x173: {  	(xrf0) =	vadd.scan.msk.s32 $0xffff, v6;
	_ =	sdelay $0x3  }
0x174: {  	s31 =	spop (v2sf)  }
0x175: {  	v36 =	vsel vm6, $0xFFFFFFFF, v1;
	s24 =	sadd.s32 s24, s31  }
0x176: {  	v6 =	vadd.s32 s24, v36;
	v37, _, _ =	vpop (xrf0)  }
0x177: {  	v6 =	vadd.s32 v37, v6;
	_ =	sdelay $0x4  }
0x178: {  	[tilespmem:v6+s18+$0x0] =	vst.idx.msk vm6, v4  }
0x179: {  	(v2sf) =	vpush v37, $0xF;
	[tilespmem:v6+s19+$0x0] =	vst.idx.msk vm6, v5  }
0x17a: {  	[tilespmem:v5+s20+$0x0] =	vst.idx.add.f32.msk vm6, v2  }
0x17b: {  	v4 =	vld [tilespmem:$0xC970]  }
0x17c: {  	v5 =	vld [tilespmem:$0xCB70];
	_ =	sdelay $0x4  }
0x17d: {  	v38 =	vor.u32 v4, v5  }
0x17e: {  	vm7 =	vgt.s32 v38, $0xFFFFFFFF  }
0x17f: {  	v6 =	vsel vm7, $0x1, v1  }
0x180: {  	(xrf0) =	vadd.scan.msk.s32 $0xffff, v6;
	_ =	sdelay $0x3  }
0x181: {  	s26 =	spop (v2sf)  }
0x182: {  	v39 =	vsel vm7, $0xFFFFFFFF, v1;
	s24 =	sadd.s32 s24, s26  }
0x183: {  	v6 =	vadd.s32 s24, v39;
	v40, _, _ =	vpop (xrf0)  }
0x184: {  	v6 =	vadd.s32 v40, v6;
	_ =	sdelay $0x4  }
0x185: {  	[tilespmem:v6+s18+$0x0] =	vst.idx.msk vm7, v4  }
0x186: {  	(v2sf) =	vpush v40, $0xF;
	[tilespmem:v6+s19+$0x0] =	vst.idx.msk vm7, v5  }
0x187: {  	[tilespmem:v5+s20+$0x0] =	vst.idx.add.f32.msk vm7, v2  }
0x188: {  	v4 =	vld [tilespmem:$0xC980]  }
0x189: {  	v5 =	vld [tilespmem:$0xCB80];
	_ =	sdelay $0x4  }
0x18a: {  	v41 =	vor.u32 v4, v5  }
0x18b: {  	vm8 =	vgt.s32 v41, $0xFFFFFFFF  }
0x18c: {  	v6 =	vsel vm8, $0x1, v1  }
0x18d: {  	(xrf0) =	vadd.scan.msk.s32 $0xffff, v6;
	_ =	sdelay $0x3  }
0x18e: {  	s28 =	spop (v2sf)  }
0x18f: {  	v42 =	vsel vm8, $0xFFFFFFFF, v1;
	s24 =	sadd.s32 s24, s28  }
0x190: {  	v6 =	vadd.s32 s24, v42;
	v43, _, _ =	vpop (xrf0)  }
0x191: {  	v6 =	vadd.s32 v43, v6;
	_ =	sdelay $0x4  }
0x192: {  	[tilespmem:v6+s18+$0x0] =	vst.idx.msk vm8, v4  }
0x193: {  	(v2sf) =	vpush v43, $0xF;
	[tilespmem:v6+s19+$0x0] =	vst.idx.msk vm8, v5  }
0x194: {  	[tilespmem:v5+s20+$0x0] =	vst.idx.add.f32.msk vm8, v2  }
0x195: {  	v4 =	vld [tilespmem:$0xC990]  }
0x196: {  	v5 =	vld [tilespmem:$0xCB90];
	_ =	sdelay $0x4  }
0x197: {  	v44 =	vor.u32 v4, v5  }
0x198: {  	vm9 =	vgt.s32 v44, $0xFFFFFFFF  }
0x199: {  	v6 =	vsel vm9, $0x1, v1  }
0x19a: {  	(xrf0) =	vadd.scan.msk.s32 $0xffff, v6;
	_ =	sdelay $0x3  }
0x19b: {  	s29 =	spop (v2sf)  }
0x19c: {  	v45 =	vsel vm9, $0xFFFFFFFF, v1;
	s24 =	sadd.s32 s24, s29  }
0x19d: {  	v6 =	vadd.s32 s24, v45;
	v46, _, _ =	vpop (xrf0)  }
0x19e: {  	v6 =	vadd.s32 v46, v6;
	_ =	sdelay $0x4  }
0x19f: {  	[tilespmem:v6+s18+$0x0] =	vst.idx.msk vm9, v4  }
0x1a0: {  	(v2sf) =	vpush v46, $0xF;
	[tilespmem:v6+s19+$0x0] =	vst.idx.msk vm9, v5  }
0x1a1: {  	[tilespmem:v5+s20+$0x0] =	vst.idx.add.f32.msk vm9, v2  }
0x1a2: {  	v4 =	vld [tilespmem:$0xC9A0]  }
0x1a3: {  	v5 =	vld [tilespmem:$0xCBA0];
	_ =	sdelay $0x4  }
0x1a4: {  	v47 =	vor.u32 v4, v5  }
0x1a5: {  	vm10 =	vgt.s32 v47, $0xFFFFFFFF  }
0x1a6: {  	v6 =	vsel vm10, $0x1, v1  }
0x1a7: {  	(xrf0) =	vadd.scan.msk.s32 $0xffff, v6;
	_ =	sdelay $0x3  }
0x1a8: {  	s30 =	spop (v2sf)  }
0x1a9: {  	v48 =	vsel vm10, $0xFFFFFFFF, v1;
	s24 =	sadd.s32 s24, s30  }
0x1aa: {  	v6 =	vadd.s32 s24, v48;
	v49, _, _ =	vpop (xrf0)  }
0x1ab: {  	v6 =	vadd.s32 v49, v6;
	_ =	sdelay $0x4  }
0x1ac: {  	[tilespmem:v6+s18+$0x0] =	vst.idx.msk vm10, v4  }
0x1ad: {  	(v2sf) =	vpush v49, $0xF;
	[tilespmem:v6+s19+$0x0] =	vst.idx.msk vm10, v5  }
0x1ae: {  	[tilespmem:v5+s20+$0x0] =	vst.idx.add.f32.msk vm10, v2  }
0x1af: {  	v4 =	vld [tilespmem:$0xC9B0]  }
0x1b0: {  	v5 =	vld [tilespmem:$0xCBB0];
	_ =	sdelay $0x4  }
0x1b1: {  	v50 =	vor.u32 v4, v5  }
0x1b2: {  	vm11 =	vgt.s32 v50, $0xFFFFFFFF  }
0x1b3: {  	v6 =	vsel vm11, $0x1, v1  }
0x1b4: {  	(xrf0) =	vadd.scan.msk.s32 $0xffff, v6;
	_ =	sdelay $0x3  }
0x1b5: {  	s31 =	spop (v2sf)  }
0x1b6: {  	v51 =	vsel vm11, $0xFFFFFFFF, v1;
	s24 =	sadd.s32 s24, s31  }
0x1b7: {  	v6 =	vadd.s32 s24, v51;
	v52, _, _ =	vpop (xrf0)  }
0x1b8: {  	v6 =	vadd.s32 v52, v6;
	_ =	sdelay $0x4  }
0x1b9: {  	[tilespmem:v6+s18+$0x0] =	vst.idx.msk vm11, v4  }
0x1ba: {  	(v2sf) =	vpush v52, $0xF;
	[tilespmem:v6+s19+$0x0] =	vst.idx.msk vm11, v5  }
0x1bb: {  	[tilespmem:v5+s20+$0x0] =	vst.idx.add.f32.msk vm11, v2  }
0x1bc: {  	v4 =	vld [tilespmem:$0xC9C0]  }
0x1bd: {  	v5 =	vld [tilespmem:$0xCBC0];
	_ =	sdelay $0x4  }
0x1be: {  	v53 =	vor.u32 v4, v5  }
0x1bf: {  	vm12 =	vgt.s32 v53, $0xFFFFFFFF  }
0x1c0: {  	v6 =	vsel vm12, $0x1, v1  }
0x1c1: {  	(xrf0) =	vadd.scan.msk.s32 $0xffff, v6;
	_ =	sdelay $0x3  }
0x1c2: {  	s26 =	spop (v2sf)  }
0x1c3: {  	v54 =	vsel vm12, $0xFFFFFFFF, v1;
	s24 =	sadd.s32 s24, s26  }
0x1c4: {  	v6 =	vadd.s32 s24, v54;
	v55, _, _ =	vpop (xrf0)  }
0x1c5: {  	v6 =	vadd.s32 v55, v6;
	_ =	sdelay $0x4  }
0x1c6: {  	[tilespmem:v6+s18+$0x0] =	vst.idx.msk vm12, v4  }
0x1c7: {  	(v2sf) =	vpush v55, $0xF;
	[tilespmem:v6+s19+$0x0] =	vst.idx.msk vm12, v5  }
0x1c8: {  	[tilespmem:v5+s20+$0x0] =	vst.idx.add.f32.msk vm12, v2  }
0x1c9: {  	v4 =	vld [tilespmem:$0xC9D0]  }
0x1ca: {  	v5 =	vld [tilespmem:$0xCBD0];
	_ =	sdelay $0x4  }
0x1cb: {  	v56 =	vor.u32 v4, v5  }
0x1cc: {  	vm13 =	vgt.s32 v56, $0xFFFFFFFF  }
0x1cd: {  	v6 =	vsel vm13, $0x1, v1  }
0x1ce: {  	(xrf0) =	vadd.scan.msk.s32 $0xffff, v6;
	_ =	sdelay $0x3  }
0x1cf: {  	s28 =	spop (v2sf)  }
0x1d0: {  	v57 =	vsel vm13, $0xFFFFFFFF, v1;
	s24 =	sadd.s32 s24, s28  }
0x1d1: {  	v6 =	vadd.s32 s24, v57;
	v58, _, _ =	vpop (xrf0)  }
0x1d2: {  	v6 =	vadd.s32 v58, v6;
	_ =	sdelay $0x4  }
0x1d3: {  	[tilespmem:v6+s18+$0x0] =	vst.idx.msk vm13, v4  }
0x1d4: {  	(v2sf) =	vpush v58, $0xF;
	[tilespmem:v6+s19+$0x0] =	vst.idx.msk vm13, v5  }
0x1d5: {  	[tilespmem:v5+s20+$0x0] =	vst.idx.add.f32.msk vm13, v2  }
0x1d6: {  	v4 =	vld [tilespmem:$0xC9E0]  }
0x1d7: {  	v5 =	vld [tilespmem:$0xCBE0];
	_ =	sdelay $0x4  }
0x1d8: {  	v59 =	vor.u32 v4, v5  }
0x1d9: {  	vm14 =	vgt.s32 v59, $0xFFFFFFFF  }
0x1da: {  	v6 =	vsel vm14, $0x1, v1  }
0x1db: {  	(xrf0) =	vadd.scan.msk.s32 $0xffff, v6;
	_ =	sdelay $0x3  }
0x1dc: {  	s29 =	spop (v2sf)  }
0x1dd: {  	v60 =	vsel vm14, $0xFFFFFFFF, v1;
	s24 =	sadd.s32 s24, s29  }
0x1de: {  	v6 =	vadd.s32 s24, v60;
	v61, _, _ =	vpop (xrf0)  }
0x1df: {  	v6 =	vadd.s32 v61, v6;
	_ =	sdelay $0x4  }
0x1e0: {  	[tilespmem:v6+s18+$0x0] =	vst.idx.msk vm14, v4  }
0x1e1: {  	[tilespmem:v6+s19+$0x0] =	vst.idx.msk vm14, v5  }
0x1e2: {  	[tilespmem:v5+s20+$0x0] =	vst.idx.add.f32.msk vm14, v2  }
0x1e3: {  	v4 =	vld [tilespmem:$0xC9F0]  }
0x1e4: {  	v5 =	vld [tilespmem:$0xCBF0];
	_ =	sdelay $0x4  }
0x1e5: {  	v62 =	vor.u32 v4, v5  }
0x1e6: {  	(v2sf) =	vpush v61, $0xF;
	vm15 =	vgt.s32 v62, $0xFFFFFFFF  }
0x1e7: {  	v6 =	vsel vm15, $0x1, v1  }
0x1e8: {  	(xrf0) =	vadd.scan.msk.s32 $0xffff, v6;
	_ =	sdelay $0x5  }
0x1e9: {  	v6, _, _ =	vpop (xrf0)  }
0x1ea: {  	(v2sf) =	vpush v6, $0xF;
	_ =	sdelay $0x5  }
0x1eb: {  	s30 =	spop (v2sf)  }
0x1ec: {  	v63 =	vsel vm15, $0xFFFFFFFF, v1;
	s24 =	sadd.s32 s24, s30  }
0x1ed: {  	v7 =	vadd.s32 s24, v63  }
0x1ee: {  	v6 =	vadd.s32 v6, v7;
	_ =	sdelay $0x1  }
0x1ef: {  	p0 =	sne.s32 s23, $0x18800  }
.Ltmp1:
0x1f0: {  	_ = 	snop;
	(pc) =	sbr.rel @p0 .LBB2_4-.Ltmp1, $4  }
0x1f1: {  	_ = 	snop  }
0x1f2: {  	[tilespmem:v6+s18+$0x0] =	vst.idx.msk vm15, v4  }
0x1f3: {  	[tilespmem:v6+s19+$0x0] =	vst.idx.msk vm15, v5;
	s31 =	spop (v2sf)  }
0x1f4: {  	s23 =	sadd.s32 $0x800, s23;
	[tilespmem:v5+s20+$0x0] =	vst.idx.add.f32.msk vm15, v2;
	s24 =	sadd.s32 s24, s31  }
0x1f5: {  	[tilespmem:s24+$0xCC00] =	vst v3  }
0x1f6: {  	[tilespmem:s24+$0x13180] =	vst v3  }
0x1f7: {  	[tilespmem:s24+$0xCC10] =	vst v3  }
0x1f8: {  	[tilespmem:s24+$0x13190] =	vst v3  }
0x1f9: {  	[tilespmem:s24+$0xCC20] =	vst v3  }
0x1fa: {  	[tilespmem:s24+$0x131A0] =	vst v3  }
0x1fb: {  	[tilespmem:s24+$0xCC30] =	vst v3  }
0x1fc: {  	[tilespmem:s24+$0x131B0] =	vst v3  }
0x1fd: {  	[tilespmem:s24+$0xCC40] =	vst v3;
	s23 =	sadd.s32 $0x7F, s24  }
0x1fe: {  	[tilespmem:s24+$0x131C0] =	vst v3;
	s25 =	sand.u32 $0x7F, s23  }
0x1ff: {  	[tilespmem:s24+$0xCC50] =	vst v3;
	s31 =	sshra.s32 s23, $0x1F;
	p1 =	slt.s32 s23, $0x1;
	p0 =	sne.s32 s25, $0x0  }
0x200: {  	[tilespmem:s24+$0x131D0] =	vst v3;
	s25 =	sshrl.u32 s31, $0x19;
	p0 =	por !p1, !p0  }
0x201: {  	[tilespmem:s24+$0xCC60] =	vst v3;
	s23 =	sadd.s32 s25, s23;
	s25 =	simm.s32 $0x1;
	p0 =	por !p0, !p0  }
0x202: {  	[tilespmem:s24+$0x131E0] =	vst v3;
	s23 =	sshra.s32 s23, $0x7;
	s25 =	simm.s32 @!p0 $0x0  }
0x203: {  	[tilespmem:s24+$0xCC70] =	vst v3;
	s23 =	ssub.s32 s23, s25  }
0x204: {  	[tilespmem:s24+$0x131F0] =	vst v3;
	v4 =	vmov s23  }
0x205: {  	[tilespmem:$0x1B700] =	vst v4  }
0x206: {  	[hbm4b:s6+s3] =	stream.linear.scatter [tilespmem:s18], [sflag:$0x2], $0x6500, $0x38;
	[tilespmem:$0x1C390] =	vst v63  }
0x207: {  	_ =	swait.ge [sflag:s12], $0x6500  }
0x208: {  	[sflag:s12] =	ssyncset.done $0x0  }
0x209: {  	[sflag:s12] =	ssyncadd.s32 $0xFFFF9B00  }
0x20a: {  	[hbm4b:s8+s3] =	stream.linear.scatter [tilespmem:s19], [sflag:$0x2], $0x6500, $0x38;
	[tilespmem:$0x1C390] =	vst v63  }
0x20b: {  	_ =	swait.ge [sflag:s12], $0x6500  }
0x20c: {  	[sflag:s12] =	ssyncset.done $0x0  }
0x20d: {  	[sflag:s12] =	ssyncadd.s32 $0xFFFF9B00  }
0x20e: {  	[hbm4b:s9+s3] =	stream.linear.scatter [tilespmem:s21], [sflag:$0x2], $0x10, $0x38;
	[tilespmem:$0x1C390] =	vst v63  }
0x20f: {  	s22 =	sadd.s32 $0x1, s22;
	_ =	swait.ge [sflag:s12], $0x10  }
0x210: {  	p0 =	sne.s32 s22, s11;
	[sflag:s12] =	ssyncset.done $0x0  }
.Ltmp2:
0x211: {  	[sflag:s12] =	ssyncadd.s32 $0xFFFFFFF0;
	(pc) =	sbr.rel @p0 .LBB2_1-.Ltmp2, $4  }
0x212: {  	[hbm4b:s10+s3] =	stream.linear.scatter [tilespmem:s20], [sflag:$0x2], $0x2000, $0x38;
	[tilespmem:$0x1C390] =	vst v63  }
0x213: {  	_ =	swait.ge [sflag:s12], $0x2000  }
0x214: {  	[sflag:s12] =	ssyncset.done $0x0  }
0x215: {  	[sflag:s12] =	ssyncadd.s32 $0xFFFFE000  }
0x216: {  	_ =	sfence.sel $0x180000  }
0x217: {  	[bflag:$0x0] =	sbarrier.arrive $0xFFFF  }
0x218: {  	p0 =	sne.s32 s0, $0x0;
	_ =	strace $0x90000050  }
0x219: {  	s0 =	sadd.s32 @!p0 $0x100000, s1;
	[bflag:$0x2] =	sbarrier.arrive $0xFFFF  }
0x21a: {  	[sflag:s0] =	ssyncadd.tile.s32 @!p0 $0x1;
	_ =	shalt  }
.Lfunc_end2:
_tile_overlayer_lowered:
.L_overlay_start_2:
0x21b: {  	(tag) =	ssettag $0x2  }
0x21c: {  	s0 =	rddreg [dreg:$0x0];
	s2 =	stileid.u32  }
0x21d: {  	s1 =	rddreg [dreg:$0x1];
	p0 =	sne.s32 s2, $0x0  }
0x21e: {  	s3 =	rddreg [dreg:$0x2];
	[bflag:$0x3] =	sbarrier.arrive $0xFFFF;
	s2 =	simm.s32 @!p0 $0x1C02  }
0x21f: {  	[timem:s3], [sflag:s2] =	dma.local @!p0 [hbm:s0], s1  }
0x220: {  	s0 =	simm.s32 @!p0 $0x2  }
0x221: {  	_ =	swait.ge @!p0 [sflag:s0], s1  }
0x222: {  	s1 =	ssub.s32 @!p0 $0x0, s1;
	[sflag:s0] =	ssyncset.done @!p0 $0x0  }
0x223: {  	[sflag:s0] =	ssyncadd.s32 @!p0 s1  }
0x224: {  	[bflag:$0x3] =	sbarrier.arrive $0xFFFF  }
0x225: {  	_ =	shalt  }

// kernel: kernel.17.cloned.1.call-start
scs
__scs_entry_jumppad:
0x0: {  	(pc) =	sbr.rel $0x88, $3  }
0x1: {  	(tag) =	ssettag $0x0;
	lr =	simm.s32 $0x1  }
0x2: {  	[smem:$0x3F95] =	sst lr;
	_ =	strace $0xD0000000  }
0x3: {  	_ = 	snop  }
0x4: {  	_ = 	snop  }
0x5: {  	_ = 	snop  }
0x6: {  	_ = 	snop  }
0x7: {  	_ = 	snop  }
__scs_overlays_trampoline_lowered:
0x8: {  	[smem:$0x3FA4] =	sst s0  }
0x9: {  	[smem:$0x3FA5] =	sst s1  }
0xa: {  	[smem:$0x3FA6] =	sst s2  }
0xb: {  	[smem:$0x3FA7] =	sst s3  }
0xc: {  	[smem:$0x3FA8] =	sst s4  }
0xd: {  	[smem:$0x3FA9] =	sst s5  }
0xe: {  	[smem:$0x3FAA] =	sst s6  }
0xf: {  	[smem:$0x3FAB] =	sst s7  }
0x10: {  	[smem:$0x3FAC] =	sst s8  }
0x11: {  	[smem:$0x3FAD] =	sst s9;
	s0 =	simm.s32 @!p0 $0x0  }
0x12: {  	s1 =	sld [smem:$0x3F93];
	s0 =	simm.s32 @p0 $0x1  }
0x13: {  	[smem:$0x3FAE] =	sst s0;
	s0 =	simm.s32 @!p1 $0x0  }
0x14: {  	s2 =	sld [smem:$0x3F92];
	s0 =	simm.s32 @p1 $0x1  }
0x15: {  	[smem:$0x3FAF] =	sst s0;
	s0 =	simm.s32 @!p2 $0x0  }
0x16: {  	s3 =	sld [smem:$0x3FDB];
	s0 =	simm.s32 @p2 $0x1  }
0x17: {  	s4 =	simm.s32 $0x1BF5;
	[smem:$0x3FB1] =	sst s0  }
0x18: {  	s0 =	sld [smem:$0x3F94];
	_ =	swait.ge [sflag:s4], $0x0  }
0x19: {  	s7 =	sld [smem:$0x3F95]  }
0x1a: {  	s8 =	sadd.s32 $0xFFFFE003, lr  }
0x1b: {  	s9 =	sadd.s32 $0xFFFFFEF7, lr;
	s5 =	simm.s32 $0xFFFFFFFF;
	p2 =	slt.u32 s8, $0xFFFFF086  }
0x1c: {  	p1 =	slt.u32 s9, $0xF7A;
	s5 =	simm.s32 @!p2 $0x0  }
0x1d: {  	s5 =	simm.s32 @p1 $0x1;
	p0 =	seq.s32 s7, s2  }
0x1e: {  	s7 =	smul.u32 @!p0 $0xF7A, s2;
	p2 =	seq.s32 @!p0 s5, $0x0  }
0x1f: {  	s9 =	smul.u32 $0xF7A, s1;
	s8 =	simm.s32 @!p0 $0x1BF5;
	p2 =	por !p2, p0  }
0x20: {  	[sflag:s8] =	ssyncset.s32 @!p0 $0xFFFFF086;
	s6 =	sadd.s32 @!p0 s3, s7;
	s7 =	simm.s32 @!p0 $0x108  }
0x21: {  	s3 =	sadd.s32 s3, s9;
	s6 =	sadd.s32 @!p0 $0x88, s6;
	s7 =	simm.s32 @p2 $0x1082  }
0x22: {  	[simem:s7], [sflag:s8] =	dma.local @!p0 [hbm:s6], $0xF7A  }
0x23: {  	s9 =	sor.u32 $0xD0000000, s2;
	s6 =	simm.s32 $0x108;
	_ =	swait.ge @!p0 [sflag:s8], $0x0  }
0x24: {  	s3 =	sadd.s32 $0x88, s3;
	s6 =	simm.s32 @!p1 $0x1082;
	[sflag:s4] =	ssyncset.s32 $0xFFFFF086  }
0x25: {  	[simem:s6], [sflag:s4] =	dma.local [hbm:s3], $0xF7A  }
0x26: {  	[smem:$0x3F95] =	sst s1;
	(tag) =	ssettag s2;
	_ =	strace s9  }
0x27: {  	s1 =	sld [smem:$0x3FA5]  }
0x28: {  	s2 =	sld [smem:$0x3FA6]  }
0x29: {  	s4 =	sld [smem:$0x3FA8]  }
0x2a: {  	p0 =	seq.s32 s5, $0x0;
	s5 =	sld [smem:$0x3FA9]  }
0x2b: {  	s6 =	sld [smem:$0x3FAA]  }
0x2c: {  	s7 =	sld [smem:$0x3FAB]  }
0x2d: {  	s3 =	simm.s32 $0x108;
	s8 =	sld [smem:$0x3FAC]  }
0x2e: {  	s3 =	simm.s32 @!p0 $0x1082;
	s9 =	sld [smem:$0x3FAD]  }
0x2f: {  	lr =	sadd.s32 s0, s3;
	s0 =	sld [smem:$0x3FA4]  }
0x30: {  	s3 =	sld [smem:$0x3FA7]  }
0x31: {  	[smem:$0x3FB0] =	sst s10  }
0x32: {  	s10 =	sld [smem:$0x3FAE];
	_ =	sdelay $0x3  }
0x33: {  	p0 =	seq.s32 s10, $0x1;
	s10 =	sld [smem:$0x3FB0];
	_ =	sdelay $0x3  }
0x34: {  	[smem:$0x3FB0] =	sst s10  }
0x35: {  	s10 =	sld [smem:$0x3FAF];
	_ =	sdelay $0x3  }
0x36: {  	p1 =	seq.s32 s10, $0x1;
	s10 =	sld [smem:$0x3FB0];
	_ =	sdelay $0x3  }
0x37: {  	[smem:$0x3FB0] =	sst s10  }
0x38: {  	s10 =	sld [smem:$0x3FB1]  }
0x39: {  	_ = 	snop;
	(pc) =	sbr.ind lr, $3  }
0x3a: {  	_ = 	snop  }
0x3b: {  	_ = 	snop  }
0x3c: {  	p2 =	seq.s32 s10, $0x1;
	s10 =	sld [smem:$0x3FB0]  }
0x3d: {  	_ =	shalt  }
0x3e: {  	_ =	shalt  }
0x3f: {  	_ =	shalt  }
0x40: {  	_ =	shalt  }
0x41: {  	_ =	shalt  }
0x42: {  	_ =	shalt  }
0x43: {  	_ =	shalt  }
0x44: {  	_ =	shalt  }
0x45: {  	_ =	shalt  }
0x46: {  	_ =	shalt  }
0x47: {  	_ =	shalt  }
0x48: {  	_ =	shalt  }
0x49: {  	_ =	shalt  }
0x4a: {  	_ =	shalt  }
0x4b: {  	_ =	shalt  }
0x4c: {  	_ =	shalt  }
0x4d: {  	_ =	shalt  }
0x4e: {  	_ =	shalt  }
0x4f: {  	_ =	shalt  }
0x50: {  	_ =	shalt  }
0x51: {  	_ =	shalt  }
0x52: {  	_ =	shalt  }
0x53: {  	_ =	shalt  }
0x54: {  	_ =	shalt  }
0x55: {  	_ =	shalt  }
0x56: {  	_ =	shalt  }
0x57: {  	_ =	shalt  }
0x58: {  	_ =	shalt  }
0x59: {  	_ =	shalt  }
0x5a: {  	_ =	shalt  }
0x5b: {  	_ =	shalt  }
0x5c: {  	_ =	shalt  }
0x5d: {  	_ =	shalt  }
0x5e: {  	_ =	shalt  }
0x5f: {  	_ =	shalt  }
0x60: {  	_ =	shalt  }
0x61: {  	_ =	shalt  }
0x62: {  	_ =	shalt  }
0x63: {  	_ =	shalt  }
0x64: {  	_ =	shalt  }
0x65: {  	_ =	shalt  }
0x66: {  	_ =	shalt  }
0x67: {  	_ =	shalt  }
0x68: {  	_ =	shalt  }
0x69: {  	_ =	shalt  }
0x6a: {  	_ =	shalt  }
0x6b: {  	_ =	shalt  }
0x6c: {  	_ =	shalt  }
0x6d: {  	_ =	shalt  }
0x6e: {  	_ =	shalt  }
0x6f: {  	_ =	shalt  }
0x70: {  	_ =	shalt  }
0x71: {  	_ =	shalt  }
0x72: {  	_ =	shalt  }
0x73: {  	_ =	shalt  }
0x74: {  	_ =	shalt  }
0x75: {  	_ =	shalt  }
0x76: {  	_ =	shalt  }
0x77: {  	_ =	shalt  }
0x78: {  	_ =	shalt  }
0x79: {  	_ =	shalt  }
0x7a: {  	_ =	shalt  }
0x7b: {  	_ =	shalt  }
0x7c: {  	_ =	shalt  }
0x7d: {  	_ =	shalt  }
0x7e: {  	_ =	shalt  }
0x7f: {  	_ =	shalt  }
0x80: {  	_ =	shalt  }
0x81: {  	_ =	shalt  }
0x82: {  	_ =	shalt  }
0x83: {  	_ =	shalt  }
0x84: {  	_ =	shalt  }
0x85: {  	_ =	shalt  }
0x86: {  	_ =	shalt  }
0x87: {  	_ =	shalt  }
.Lfunc_end0:
.L_simem_size_0:
called_computation.5_lowered:
.L_overlay_start_0:
0x88: {  	s2 =	sld [smem:$0x3FD9]  }
0x89: {  	s3 =	sld [smem:$0x3FFE];
	_ =	sdelay $0x1  }
0x8a: {  	s1 =	srdreg.scid  }
0x8b: {  	s0 =	sand.u32 $0x1, s1  }
0x8c: {  	s16 =	sshll.u32 s0, $0xA;
	s2 =	sadd.s32 s3, s2  }
0x8d: {  	s2 =	sadd.s32 s2, s16  }
0x8e: {  	[smem:$0x3FBC] =	sst s2  }
0x8f: {  	_ = 	snop  }
0x90: {  	(tm) =	ssettm $0x1  }
0x91: {  	s17 =	sld [smem:$0x3FFB];
	_ =	sdelay $0x3  }
0x92: {  	_ =	strace s17  }
0x93: {  	s2 =	sld [smem:$0x3FFC];
	_ =	sdelay $0x3  }
0x94: {  	_ =	strace s2  }
0x95: {  	s2 =	sld [smem:$0x3FFD];
	_ =	sdelay $0x3  }
0x96: {  	_ =	strace s2  }
0x97: {  	_ =	strace $0x8FFFFFFF  }
0x98: {  	s18 =	sld [smem:$0x3FDB];
	_ =	sdelay $0x1  }
0x99: {  	s19 =	simm.s32 $_scs_section_size  }
0x9a: {  	s4 =	simm.s32 $_size__tile_overlayer_lowered;
	s5 =	simm.s32 $_tile_overlayer_lowered  }
0x9b: {  	s22 =	simm.s32 $0x1BFF;
	s21 =	sshll.u32 s5, $0x1;
	s2 =	sadd.s32 s19, s18  }
0x9c: {  	s6 =	simm.s32 $0x0;
	s20 =	sshll.u32 s4, $0x1;
	s4 =	sadd.s32 s21, s2  }
0x9d: {  	[timem:s6], [sflag:s22] =	dma.local [hbm:s4], s20  }
0x9e: {  	_ =	swait.ge [sflag:s22], s20  }
0x9f: {  	s3 =	ssub.s32 $0x0, s20;
	[sflag:s22] =	ssyncset.done $0x0  }
0xa0: {  	[sflag:s22] =	ssyncadd.s32 s3;
	_ =	sdelay $0x1  }
0xa1: {  	s23 =	simm.s32 $0x1B8B  }
0xa2: {  	_ =	swait.ge [sflag:s23], $0x1  }
0xa3: {  	[sflag:s23] =	ssyncset.done $0x0  }
0xa4: {  	s25 =	simm.s32 $0x1B8E;
	s24 =	sld [smem:$0x3FFE];
	[sflag:s23] =	ssyncadd.s32 $0xFFFFFFFF  }
0xa5: {  	s26 =	simm.s32 $execute0_lowered;
	[smem:$0x3FD2] =	sst s25  }
0xa6: {  	s4 =	sshll.u32 s26, $0x1;
	_ =	strace $0x80000055;
	[dreg:$0x1] =	wrdreg $0xFFFFFFFF  }
0xa7: {  	s28 =	simm.s32 $_size_execute0_lowered;
	s2 =	sadd.s32 s2, s4;
	[dreg:$0x0] =	wrdreg $0x0  }
0xa8: {  	s4 =	sshll.u32 s28, $0x1;
	[dreg:$0x2] =	wrdreg s2  }
0xa9: {  	[dreg:$0x3] =	wrdreg s4  }
0xaa: {  	[dreg:$0x4] =	wrdreg $0xC0  }
0xab: {  	_ =	task [dreg:s6], $0x5FFFF  }
0xac: {  	[dreg:$0x1] =	wrdreg $0xFFFFFFFF  }
0xad: {  	[dreg:$0x0] =	wrdreg $0x60  }
0xae: {  	[dreg:$0x2] =	wrdreg s24  }
0xaf: {  	[dreg:$0x3] =	wrdreg $0xFB100  }
0xb0: {  	[dreg:$0x4] =	wrdreg $0x9  }
0xb1: {  	_ =	task.clear_ibuf [dreg:s6], $0x5FFFF;
	_ =	strace $0x90000055  }
0xb2: {  	s29 =	simm.s32 $0x9;
	_ =	strace $0x80000057  }
0xb3: {  	_ =	swait.ge [sflag:s29], $0x1  }
0xb4: {  	[sflag:s29] =	ssyncadd.s32 $0xFFFFFFFF  }
0xb5: {  	_ =	strace $0x90000057  }
0xb6: {  	_ =	sfence  }
0xb7: {  	s30 =	sld [smem:$0x0];
	_ =	sdelay $0x2  }
0xb8: {  	s31 =	sshll.u32 s1, $0xD;
	s1 =	sshrl.u32 s1, $0x2  }
0xb9: {  	s3 =	sand.u32 $0x4000, s31;
	s1 =	sadd.s32 s1, s30  }
0xba: {  	s0 =	sor.u32 s3, s0;
	s1 =	sshll.u32 s1, $0x11  }
0xbb: {  	s0 =	sor.u32 s1, s0  }
0xbc: {  	s0 =	sadd.s32 $0x8F2B, s0  }
0xbd: {  	[sflag:s0] =	ssyncadd.remote.s32 $0x1  }
0xbe: {  	_ =	sfence.sel $0xFFFF  }
0xbf: {  	[dreg:$0x0] =	wrdreg $0xFFFFFFFF;
	(pc) =	sbr.abs _section_cstart, $3  }
0xc0: {  	[dreg:$0x1] =	wrdreg $0xFFFFFFFF  }
0xc1: {  	_ =	task.clear_ibuf [dreg:s6], $0x2FFFF;
	_ =	strace $0x9FFFFFFF  }
0xc2: {  	(tm) =	ssettm $0x7FFFFFFF  }
0xc3: {  	_ =	shalt  }
tec
execute0_lowered:
.L_overlay_start_1:
0x0: {  	(tag) =	ssettag $0x1  }
0x1: {  	s0 =	srdreg.scid;
	s2 =	rddreg [dreg:$0x0]  }
0x2: {  	s3 =	rddreg [dreg:$0x1];
	s1 =	stileid.u32  }
0x3: {  	s4 =	simm.s32 $0x0;
	s11 =	simm.s32 $0x4200;
	s12 =	simm.s32 $0xFB00  }
0x4: {  	s13 =	simm.s32 $0xDA00;
	s14 =	simm.s32 $0x80;
	s15 =	simm.s32 $0xCA00  }
0x5: {  	s16 =	simm.s32 $0x1;
	s5 =	sand.u32 $0x1, s0;
	s0 =	rddreg [dreg:$0x2]  }
0x6: {  	[smem:$0x7FF] =	sst s4;
	s30 =	smul.u32 $0x2100, s1;
	s6 =	sshll.u32 s5, $0x4  }
0x7: {  	s8 =	ssub.s32 $0x2, s5;
	_ =	strace $0x80000056;
	s6 =	sor.u32 s1, s6  }
0x8: {  	p0 =	seq.s32 s5, $0x1;
	s9 =	sshrl.u32 s8, $0x1;
	s7 =	smul.u32 $0xCA0, s6  }
.Ltmp0:
0x9: {  	s11 =	simm.s32 @!p0 $0x8400;
	s31 =	sshrl.u32 s30, $0x3;
	(pc) =	sbr.rel .LBB2_1-.Ltmp0, $4  }
0xa: {  	s6 =	sshll.u32 s6, $0x1;
	s9 =	ssub.s32 s8, s9;
	s11 =	sadd.s32 s11, s2  }
0xb: {  	s8 =	sadd.s32 s30, s3;
	s10 =	sadd.s32 s6, s2;
	s7 =	sadd.s32 s7, s2  }
0xc: {  	s9 =	smax.u32 s9, $0x1;
	s5 =	sadd.s32 $0x102200, s7;
	s6 =	sadd.s32 $0x11B600, s7  }
0xd: {  	v0 =	vimm.f32 $0.0e+00;
	s7 =	sadd.s32 $0x1AE00, s10;
	s10 =	sadd.s32 s11, s31;
	s11 =	simm.s32 $0x2  }
.LBB2_6:
0xe: {  	[sflag:s11] =	ssyncadd.s32 $0xFFFFF000  }
.LBB2_7:
0xf: {  	s4 =	sadd.s32 $0x1, s4  }
0x10: {  	s17 =	sshll.u32 s1, $0x6;
	[bflag:$0x0] =	sbarrier.arrive $0xFFFF;
	p0 =	sne.s32 s4, s9  }
.Ltmp1:
0x11: {  	s18 =	sshrl.u32 s8, $0x3;
	s17 =	sor.u32 $0x1C02, s17;
	(pc) =	sbr.rel @!p0 .LBB2_8-.Ltmp1, $4  }
0x12: {  	[hbm:s10], [sflag:s17] =	dma.local [spmem:s18], $0x420  }
0x13: {  	_ =	swait.ge [sflag:s11], $0x420  }
0x14: {  	[sflag:s11] =	ssyncset.done $0x0  }
0x15: {  	[sflag:s11] =	ssyncadd.s32 $0xFFFFFBE0  }
.LBB2_1:
0x16: {  	s17 =	simm.s32 $0x80;
	s18 =	simm.s32 $0x0  }
.LBB2_2:
0x17: {  	p0 =	sne.s32 s17, $0x8380;
	[tilespmem:s18+$0xDA00] =	vst v0;
	s19 =	smov.u32 s17;
	s17 =	sadd.s32 $0x80, s17  }
.Ltmp2:
0x18: {  	[tilespmem:s18+$0xDA10] =	vst v0;
	(pc) =	sbr.rel @p0 .LBB2_2-.Ltmp2, $2  }
0x19: {  	_ =	sdelay $0x2  }
0x1a: {  	s18 =	sshra.s32 s19, $0x2  }
0x1b: {  	[tilespmem:s18+$0xDA00] =	vst v0  }
0x1c: {  	[tilespmem:s18+$0xDA10] =	vst v0;
	s17 =	simm.s32 $0x0  }
0x1d: {  	[tilespmem:s17], [sflag:$0x2] =	stream.linear.gather [hbm4b:s5+s17], $0x6500, $0x38;
	[tilespmem:$0x11C10] =	vst v63  }
0x1e: {  	_ =	swait.ge [sflag:s11], $0x6500  }
0x1f: {  	[sflag:s11] =	ssyncset.done $0x0  }
0x20: {  	s18 =	simm.s32 $0x6500;
	[sflag:s11] =	ssyncadd.s32 $0xFFFF9B00  }
0x21: {  	[tilespmem:s18], [sflag:$0x2] =	stream.linear.gather [hbm4b:s6+s17], $0x6500, $0x38;
	[tilespmem:$0x11C10] =	vst v63  }
0x22: {  	_ =	swait.ge [sflag:s11], $0x6500  }
0x23: {  	[sflag:s11] =	ssyncset.done $0x0  }
0x24: {  	[sflag:s11] =	ssyncadd.s32 $0xFFFF9B00  }
0x25: {  	[tilespmem:s12], [sflag:$0x2] =	stream.linear.gather [hbm4b:s7+s17], $0x10, $0x38;
	[tilespmem:$0x11C10] =	vst v63  }
0x26: {  	_ =	swait.ge [sflag:s11], $0x10  }
0x27: {  	[sflag:s11] =	ssyncset.done $0x0  }
0x28: {  	[sflag:s11] =	ssyncadd.s32 $0xFFFFFFF0  }
0x29: {  	[spmem:s8] =	stream.linear.scatter [tilespmem:s13], [sflag:$0x2], $0x2100, $0x38;
	[tilespmem:$0x11C10] =	vst v63  }
0x2a: {  	_ =	swait.ge [sflag:s11], $0x2100  }
0x2b: {  	[sflag:s11] =	ssyncset.done $0x0  }
0x2c: {  	[sflag:s11] =	ssyncadd.s32 $0xFFFFDF00  }
0x2d: {  	[bflag:$0x0] =	sbarrier.arrive $0xFFFF  }
0x2e: {  	v1 =	vld [tilespmem:$0xFB00];
	_ =	sdelay $0x4  }
0x2f: {  	v1 =	vxor.u32 $0x80000000, v1  }
0x30: {  	(xrf0) =	vmax.scan.msk.u32 $0xffff, v1;
	_ =	sdelay $0x5  }
0x31: {  	v1, _, _ =	vpop (xrf0)  }
0x32: {  	(v2sf) =	vpush v1, $0xF;
	_ =	sdelay $0xe  }
0x33: {  	s19 =	spop (v2sf)  }
0x34: {  	s19 =	sxor.u32 $0x80000000, s19  }
0x35: {  	p0 =	slt.s32 s19, $0x1  }
.Ltmp3:
0x36: {  	_ = 	snop;
	(pc) =	sbr.rel @p0 .LBB2_7-.Ltmp3, $1  }
0x37: {  	_ =	sdelay $0x3  }
0x38: {  	[tilespmem:s15], [sflag:$0x1] =	stream.indirect.gather [hbm4b:s2+s14], $0x20, s17, s14, $0xb8;
	[tilespmem:$0x11C10] =	vst v63  }
0x39: {  	p0 =	sne.s32 s19, $0x1;
	_ =	swait.ge [sflag:s16], $0x1000  }
.Ltmp4:
0x3a: {  	[sflag:s16] =	ssyncset.done $0x0;
	(pc) =	sbr.rel @!p0 .LBB2_6-.Ltmp4, $4  }
0x3b: {  	[sflag:s16] =	ssyncadd.s32 $0xFFFFF000  }
0x3c: {  	[spmem:s3] =	stream.indirect.scatter.add.f32 [tilespmem:s15], [sflag:$0x2], $0x20, s18, s14, $0xb8;
	[tilespmem:$0x11C10] =	vst v63  }
0x3d: {  	_ =	swait.ge [sflag:s11], $0x1000  }
0x3e: {  	s19 =	sadd.s32 $0xFFFFFFFF, s19;
	[sflag:s11] =	ssyncset.done $0x0  }
.LBB2_5:
0x3f: {  	[sflag:s11] =	ssyncadd.s32 $0xFFFFF000;
	s17 =	sadd.s32 $0x80, s17;
	s18 =	sadd.s32 $0x80, s18  }
0x40: {  	[tilespmem:s15], [sflag:$0x1] =	stream.indirect.gather [hbm4b:s2+s14], $0x20, s17, s14, $0xb8;
	[tilespmem:$0x11C10] =	vst v63  }
0x41: {  	p0 =	sne.s32 s19, $0x1;
	s19 =	sadd.s32 $0xFFFFFFFF, s19;
	_ =	swait.ge [sflag:s16], $0x1000  }
.Ltmp5:
0x42: {  	[sflag:s16] =	ssyncset.done $0x0;
	(pc) =	sbr.rel @p0 .LBB2_5-.Ltmp5, $4  }
0x43: {  	[sflag:s16] =	ssyncadd.s32 $0xFFFFF000  }
0x44: {  	[spmem:s3] =	stream.indirect.scatter.add.f32 [tilespmem:s15], [sflag:$0x2], $0x20, s18, s14, $0xb8;
	[tilespmem:$0x11C10] =	vst v63  }
0x45: {  	_ =	swait.ge [sflag:s11], $0x1000  }
0x46: {  	[sflag:s11] =	ssyncset.done $0x0  }
.Ltmp6:
0x47: {  	_ = 	snop;
	(pc) =	sbr.rel .LBB2_6-.Ltmp6, $1  }
0x48: {  	_ =	sdelay $0x3  }
.LBB2_8:
0x49: {  	_ =	sfence.sel $0x180000  }
0x4a: {  	[bflag:$0x0] =	sbarrier.arrive $0xFFFF  }
0x4b: {  	p0 =	sne.s32 s1, $0x0;
	_ =	strace $0x90000056  }
0x4c: {  	s0 =	sadd.s32 @!p0 $0x100000, s0;
	[bflag:$0x2] =	sbarrier.arrive $0xFFFF  }
0x4d: {  	[sflag:s0] =	ssyncadd.tile.s32 @!p0 $0x1;
	_ =	shalt  }
.Lfunc_end2:
_tile_overlayer_lowered:
.L_overlay_start_2:
0x4e: {  	(tag) =	ssettag $0x2  }
0x4f: {  	s0 =	rddreg [dreg:$0x0];
	s2 =	stileid.u32  }
0x50: {  	s1 =	rddreg [dreg:$0x1];
	p0 =	sne.s32 s2, $0x0  }
0x51: {  	s3 =	rddreg [dreg:$0x2];
	[bflag:$0x3] =	sbarrier.arrive $0xFFFF;
	s2 =	simm.s32 @!p0 $0x1C02  }
0x52: {  	[timem:s3], [sflag:s2] =	dma.local @!p0 [hbm:s0], s1  }
0x53: {  	s0 =	simm.s32 @!p0 $0x2  }
0x54: {  	_ =	swait.ge @!p0 [sflag:s0], s1  }
0x55: {  	s1 =	ssub.s32 @!p0 $0x0, s1;
	[sflag:s0] =	ssyncset.done @!p0 $0x0  }
0x56: {  	[sflag:s0] =	ssyncadd.s32 @!p0 s1  }
0x57: {  	[bflag:$0x3] =	sbarrier.arrive $0xFFFF  }
0x58: {  	_ =	shalt  }

// kernel: kernel.20.cloned.1.call-start
scs
__scs_entry_jumppad:
0x0: {  	(pc) =	sbr.rel $0x88, $3  }
0x1: {  	(tag) =	ssettag $0x0;
	lr =	simm.s32 $0x1  }
0x2: {  	[smem:$0x3F95] =	sst lr;
	_ =	strace $0xD0000000  }
0x3: {  	_ = 	snop  }
0x4: {  	_ = 	snop  }
0x5: {  	_ = 	snop  }
0x6: {  	_ = 	snop  }
0x7: {  	_ = 	snop  }
__scs_overlays_trampoline_lowered:
0x8: {  	[smem:$0x3FA4] =	sst s0  }
0x9: {  	[smem:$0x3FA5] =	sst s1  }
0xa: {  	[smem:$0x3FA6] =	sst s2  }
0xb: {  	[smem:$0x3FA7] =	sst s3  }
0xc: {  	[smem:$0x3FA8] =	sst s4  }
0xd: {  	[smem:$0x3FA9] =	sst s5  }
0xe: {  	[smem:$0x3FAA] =	sst s6  }
0xf: {  	[smem:$0x3FAB] =	sst s7  }
0x10: {  	[smem:$0x3FAC] =	sst s8  }
0x11: {  	[smem:$0x3FAD] =	sst s9;
	s0 =	simm.s32 @!p0 $0x0  }
0x12: {  	s1 =	sld [smem:$0x3F93];
	s0 =	simm.s32 @p0 $0x1  }
0x13: {  	[smem:$0x3FAE] =	sst s0;
	s0 =	simm.s32 @!p1 $0x0  }
0x14: {  	s2 =	sld [smem:$0x3F92];
	s0 =	simm.s32 @p1 $0x1  }
0x15: {  	[smem:$0x3FAF] =	sst s0;
	s0 =	simm.s32 @!p2 $0x0  }
0x16: {  	s3 =	sld [smem:$0x3FDB];
	s0 =	simm.s32 @p2 $0x1  }
0x17: {  	s4 =	simm.s32 $0x1BF5;
	[smem:$0x3FB1] =	sst s0  }
0x18: {  	s0 =	sld [smem:$0x3F94];
	_ =	swait.ge [sflag:s4], $0x0  }
0x19: {  	s7 =	sld [smem:$0x3F95]  }
0x1a: {  	s8 =	sadd.s32 $0xFFFFE003, lr  }
0x1b: {  	s9 =	sadd.s32 $0xFFFFFEF7, lr;
	s5 =	simm.s32 $0xFFFFFFFF;
	p2 =	slt.u32 s8, $0xFFFFF086  }
0x1c: {  	p1 =	slt.u32 s9, $0xF7A;
	s5 =	simm.s32 @!p2 $0x0  }
0x1d: {  	s5 =	simm.s32 @p1 $0x1;
	p0 =	seq.s32 s7, s2  }
0x1e: {  	s7 =	smul.u32 @!p0 $0xF7A, s2;
	p2 =	seq.s32 @!p0 s5, $0x0  }
0x1f: {  	s9 =	smul.u32 $0xF7A, s1;
	s8 =	simm.s32 @!p0 $0x1BF5;
	p2 =	por !p2, p0  }
0x20: {  	[sflag:s8] =	ssyncset.s32 @!p0 $0xFFFFF086;
	s6 =	sadd.s32 @!p0 s3, s7;
	s7 =	simm.s32 @!p0 $0x108  }
0x21: {  	s3 =	sadd.s32 s3, s9;
	s6 =	sadd.s32 @!p0 $0x88, s6;
	s7 =	simm.s32 @p2 $0x1082  }
0x22: {  	[simem:s7], [sflag:s8] =	dma.local @!p0 [hbm:s6], $0xF7A  }
0x23: {  	s9 =	sor.u32 $0xD0000000, s2;
	s6 =	simm.s32 $0x108;
	_ =	swait.ge @!p0 [sflag:s8], $0x0  }
0x24: {  	s3 =	sadd.s32 $0x88, s3;
	s6 =	simm.s32 @!p1 $0x1082;
	[sflag:s4] =	ssyncset.s32 $0xFFFFF086  }
0x25: {  	[simem:s6], [sflag:s4] =	dma.local [hbm:s3], $0xF7A  }
0x26: {  	[smem:$0x3F95] =	sst s1;
	(tag) =	ssettag s2;
	_ =	strace s9  }
0x27: {  	s1 =	sld [smem:$0x3FA5]  }
0x28: {  	s2 =	sld [smem:$0x3FA6]  }
0x29: {  	s4 =	sld [smem:$0x3FA8]  }
0x2a: {  	p0 =	seq.s32 s5, $0x0;
	s5 =	sld [smem:$0x3FA9]  }
0x2b: {  	s6 =	sld [smem:$0x3FAA]  }
0x2c: {  	s7 =	sld [smem:$0x3FAB]  }
0x2d: {  	s3 =	simm.s32 $0x108;
	s8 =	sld [smem:$0x3FAC]  }
0x2e: {  	s3 =	simm.s32 @!p0 $0x1082;
	s9 =	sld [smem:$0x3FAD]  }
0x2f: {  	lr =	sadd.s32 s0, s3;
	s0 =	sld [smem:$0x3FA4]  }
0x30: {  	s3 =	sld [smem:$0x3FA7]  }
0x31: {  	[smem:$0x3FB0] =	sst s10  }
0x32: {  	s10 =	sld [smem:$0x3FAE];
	_ =	sdelay $0x3  }
0x33: {  	p0 =	seq.s32 s10, $0x1;
	s10 =	sld [smem:$0x3FB0];
	_ =	sdelay $0x3  }
0x34: {  	[smem:$0x3FB0] =	sst s10  }
0x35: {  	s10 =	sld [smem:$0x3FAF];
	_ =	sdelay $0x3  }
0x36: {  	p1 =	seq.s32 s10, $0x1;
	s10 =	sld [smem:$0x3FB0];
	_ =	sdelay $0x3  }
0x37: {  	[smem:$0x3FB0] =	sst s10  }
0x38: {  	s10 =	sld [smem:$0x3FB1]  }
0x39: {  	_ = 	snop;
	(pc) =	sbr.ind lr, $3  }
0x3a: {  	_ = 	snop  }
0x3b: {  	_ = 	snop  }
0x3c: {  	p2 =	seq.s32 s10, $0x1;
	s10 =	sld [smem:$0x3FB0]  }
0x3d: {  	_ =	shalt  }
0x3e: {  	_ =	shalt  }
0x3f: {  	_ =	shalt  }
0x40: {  	_ =	shalt  }
0x41: {  	_ =	shalt  }
0x42: {  	_ =	shalt  }
0x43: {  	_ =	shalt  }
0x44: {  	_ =	shalt  }
0x45: {  	_ =	shalt  }
0x46: {  	_ =	shalt  }
0x47: {  	_ =	shalt  }
0x48: {  	_ =	shalt  }
0x49: {  	_ =	shalt  }
0x4a: {  	_ =	shalt  }
0x4b: {  	_ =	shalt  }
0x4c: {  	_ =	shalt  }
0x4d: {  	_ =	shalt  }
0x4e: {  	_ =	shalt  }
0x4f: {  	_ =	shalt  }
0x50: {  	_ =	shalt  }
0x51: {  	_ =	shalt  }
0x52: {  	_ =	shalt  }
0x53: {  	_ =	shalt  }
0x54: {  	_ =	shalt  }
0x55: {  	_ =	shalt  }
0x56: {  	_ =	shalt  }
0x57: {  	_ =	shalt  }
0x58: {  	_ =	shalt  }
0x59: {  	_ =	shalt  }
0x5a: {  	_ =	shalt  }
0x5b: {  	_ =	shalt  }
0x5c: {  	_ =	shalt  }
0x5d: {  	_ =	shalt  }
0x5e: {  	_ =	shalt  }
0x5f: {  	_ =	shalt  }
0x60: {  	_ =	shalt  }
0x61: {  	_ =	shalt  }
0x62: {  	_ =	shalt  }
0x63: {  	_ =	shalt  }
0x64: {  	_ =	shalt  }
0x65: {  	_ =	shalt  }
0x66: {  	_ =	shalt  }
0x67: {  	_ =	shalt  }
0x68: {  	_ =	shalt  }
0x69: {  	_ =	shalt  }
0x6a: {  	_ =	shalt  }
0x6b: {  	_ =	shalt  }
0x6c: {  	_ =	shalt  }
0x6d: {  	_ =	shalt  }
0x6e: {  	_ =	shalt  }
0x6f: {  	_ =	shalt  }
0x70: {  	_ =	shalt  }
0x71: {  	_ =	shalt  }
0x72: {  	_ =	shalt  }
0x73: {  	_ =	shalt  }
0x74: {  	_ =	shalt  }
0x75: {  	_ =	shalt  }
0x76: {  	_ =	shalt  }
0x77: {  	_ =	shalt  }
0x78: {  	_ =	shalt  }
0x79: {  	_ =	shalt  }
0x7a: {  	_ =	shalt  }
0x7b: {  	_ =	shalt  }
0x7c: {  	_ =	shalt  }
0x7d: {  	_ =	shalt  }
0x7e: {  	_ =	shalt  }
0x7f: {  	_ =	shalt  }
0x80: {  	_ =	shalt  }
0x81: {  	_ =	shalt  }
0x82: {  	_ =	shalt  }
0x83: {  	_ =	shalt  }
0x84: {  	_ =	shalt  }
0x85: {  	_ =	shalt  }
0x86: {  	_ =	shalt  }
0x87: {  	_ =	shalt  }
.Lfunc_end0:
.L_simem_size_0:
called_computation.6_lowered:
.L_overlay_start_0:
0x88: {  	s2 =	sld [smem:$0x3FD9]  }
0x89: {  	s3 =	sld [smem:$0x3FFE];
	_ =	sdelay $0x1  }
0x8a: {  	s1 =	srdreg.scid  }
0x8b: {  	s0 =	sand.u32 $0x1, s1  }
0x8c: {  	s16 =	sshll.u32 s0, $0xA;
	s2 =	sadd.s32 s3, s2  }
0x8d: {  	s2 =	sadd.s32 s2, s16  }
0x8e: {  	[smem:$0x3FBC] =	sst s2  }
0x8f: {  	_ = 	snop  }
0x90: {  	(tm) =	ssettm $0x1  }
0x91: {  	s17 =	sld [smem:$0x3FFB];
	_ =	sdelay $0x3  }
0x92: {  	_ =	strace s17  }
0x93: {  	s2 =	sld [smem:$0x3FFC];
	_ =	sdelay $0x3  }
0x94: {  	_ =	strace s2  }
0x95: {  	s2 =	sld [smem:$0x3FFD];
	_ =	sdelay $0x3  }
0x96: {  	_ =	strace s2  }
0x97: {  	_ =	strace $0x8FFFFFFF  }
0x98: {  	s18 =	sld [smem:$0x3FDB];
	_ =	sdelay $0x1  }
0x99: {  	s19 =	simm.s32 $_scs_section_size  }
0x9a: {  	s4 =	simm.s32 $_size__tile_overlayer_lowered;
	s5 =	simm.s32 $_tile_overlayer_lowered  }
0x9b: {  	s22 =	simm.s32 $0x1BFF;
	s21 =	sshll.u32 s5, $0x1;
	s2 =	sadd.s32 s19, s18  }
0x9c: {  	s6 =	simm.s32 $0x0;
	s20 =	sshll.u32 s4, $0x1;
	s4 =	sadd.s32 s21, s2  }
0x9d: {  	[timem:s6], [sflag:s22] =	dma.local [hbm:s4], s20  }
0x9e: {  	_ =	swait.ge [sflag:s22], s20  }
0x9f: {  	s3 =	ssub.s32 $0x0, s20;
	[sflag:s22] =	ssyncset.done $0x0  }
0xa0: {  	[sflag:s22] =	ssyncadd.s32 s3;
	_ =	sdelay $0x1  }
0xa1: {  	s23 =	simm.s32 $0x1B8B  }
0xa2: {  	_ =	swait.ge [sflag:s23], $0x1  }
0xa3: {  	[sflag:s23] =	ssyncset.done $0x0  }
0xa4: {  	s25 =	simm.s32 $0x1B8E;
	s24 =	sld [smem:$0x3FFE];
	[sflag:s23] =	ssyncadd.s32 $0xFFFFFFFF  }
0xa5: {  	s26 =	simm.s32 $execute0_lowered;
	[smem:$0x3FD2] =	sst s25  }
0xa6: {  	s4 =	sshll.u32 s26, $0x1;
	_ =	strace $0x80000058;
	[dreg:$0x1] =	wrdreg $0xFFFFFFFF  }
0xa7: {  	s28 =	simm.s32 $_size_execute0_lowered;
	s2 =	sadd.s32 s2, s4;
	[dreg:$0x0] =	wrdreg $0x0  }
0xa8: {  	s4 =	sshll.u32 s28, $0x1;
	[dreg:$0x2] =	wrdreg s2  }
0xa9: {  	[dreg:$0x3] =	wrdreg s4  }
0xaa: {  	[dreg:$0x4] =	wrdreg $0xC0  }
0xab: {  	_ =	task [dreg:s6], $0x5FFFF  }
0xac: {  	[dreg:$0x1] =	wrdreg $0xFFFFFFFF  }
0xad: {  	[dreg:$0x0] =	wrdreg $0x60  }
0xae: {  	[dreg:$0x2] =	wrdreg s24  }
0xaf: {  	[dreg:$0x3] =	wrdreg $0xFB100  }
0xb0: {  	[dreg:$0x4] =	wrdreg $0x9  }
0xb1: {  	_ =	task.clear_ibuf [dreg:s6], $0x5FFFF;
	_ =	strace $0x90000058  }
0xb2: {  	s29 =	simm.s32 $0x9;
	_ =	strace $0x8000005A  }
0xb3: {  	_ =	swait.ge [sflag:s29], $0x1  }
0xb4: {  	[sflag:s29] =	ssyncadd.s32 $0xFFFFFFFF  }
0xb5: {  	_ =	strace $0x9000005A  }
0xb6: {  	_ =	sfence  }
0xb7: {  	s30 =	sld [smem:$0x0];
	_ =	sdelay $0x2  }
0xb8: {  	s31 =	sshll.u32 s1, $0xD;
	s1 =	sshrl.u32 s1, $0x2  }
0xb9: {  	s3 =	sand.u32 $0x4000, s31;
	s1 =	sadd.s32 s1, s30  }
0xba: {  	s0 =	sor.u32 s3, s0;
	s1 =	sshll.u32 s1, $0x11  }
0xbb: {  	s0 =	sor.u32 s1, s0  }
0xbc: {  	s0 =	sadd.s32 $0x8F2B, s0  }
0xbd: {  	[sflag:s0] =	ssyncadd.remote.s32 $0x1  }
0xbe: {  	_ =	sfence.sel $0xFFFF  }
0xbf: {  	[dreg:$0x0] =	wrdreg $0xFFFFFFFF;
	(pc) =	sbr.abs _section_cstart, $3  }
0xc0: {  	[dreg:$0x1] =	wrdreg $0xFFFFFFFF  }
0xc1: {  	_ =	task.clear_ibuf [dreg:s6], $0x2FFFF;
	_ =	strace $0x9FFFFFFF  }
0xc2: {  	(tm) =	ssettm $0x7FFFFFFF  }
0xc3: {  	_ =	shalt  }
tec
execute0_lowered:
.L_overlay_start_1:
0x0: {  	(tag) =	ssettag $0x1  }
0x1: {  	s0 =	srdreg.scid;
	s2 =	rddreg [dreg:$0x0]  }
0x2: {  	s3 =	rddreg [dreg:$0x1];
	s1 =	stileid.u32  }
0x3: {  	s4 =	simm.s32 $0x0;
	s11 =	simm.s32 $0x4200;
	s12 =	simm.s32 $0xFB00  }
0x4: {  	s13 =	simm.s32 $0xDA00;
	s14 =	simm.s32 $0x80;
	s15 =	simm.s32 $0xCA00  }
0x5: {  	s16 =	simm.s32 $0x1;
	s5 =	sand.u32 $0x1, s0;
	s0 =	rddreg [dreg:$0x2]  }
0x6: {  	[smem:$0x7FF] =	sst s4;
	s30 =	smul.u32 $0x2100, s1;
	s6 =	sshll.u32 s5, $0x4  }
0x7: {  	s8 =	ssub.s32 $0x2, s5;
	_ =	strace $0x80000059;
	s6 =	sor.u32 s1, s6  }
0x8: {  	p0 =	seq.s32 s5, $0x1;
	s9 =	sshrl.u32 s8, $0x1;
	s7 =	smul.u32 $0xCA0, s6  }
.Ltmp0:
0x9: {  	s11 =	simm.s32 @!p0 $0x8400;
	s31 =	sshrl.u32 s30, $0x3;
	(pc) =	sbr.rel .LBB2_1-.Ltmp0, $4  }
0xa: {  	s6 =	sshll.u32 s6, $0x1;
	s9 =	ssub.s32 s8, s9;
	s11 =	sadd.s32 s11, s2  }
0xb: {  	s8 =	sadd.s32 s30, s3;
	s10 =	sadd.s32 s6, s2;
	s7 =	sadd.s32 s7, s2  }
0xc: {  	s9 =	smax.u32 s9, $0x1;
	s5 =	sadd.s32 $0x102200, s7;
	s6 =	sadd.s32 $0x11B600, s7  }
0xd: {  	v0 =	vimm.f32 $0.0e+00;
	s7 =	sadd.s32 $0x1AE00, s10;
	s10 =	sadd.s32 s11, s31;
	s11 =	simm.s32 $0x2  }
.LBB2_6:
0xe: {  	[sflag:s11] =	ssyncadd.s32 $0xFFFFF000  }
.LBB2_7:
0xf: {  	s4 =	sadd.s32 $0x1, s4  }
0x10: {  	s17 =	sshll.u32 s1, $0x6;
	[bflag:$0x0] =	sbarrier.arrive $0xFFFF;
	p0 =	sne.s32 s4, s9  }
.Ltmp1:
0x11: {  	s18 =	sshrl.u32 s8, $0x3;
	s17 =	sor.u32 $0x1C02, s17;
	(pc) =	sbr.rel @!p0 .LBB2_8-.Ltmp1, $4  }
0x12: {  	[hbm:s10], [sflag:s17] =	dma.local [spmem:s18], $0x420  }
0x13: {  	_ =	swait.ge [sflag:s11], $0x420  }
0x14: {  	[sflag:s11] =	ssyncset.done $0x0  }
0x15: {  	[sflag:s11] =	ssyncadd.s32 $0xFFFFFBE0  }
.LBB2_1:
0x16: {  	s17 =	simm.s32 $0x80;
	s18 =	simm.s32 $0x0  }
.LBB2_2:
0x17: {  	p0 =	sne.s32 s17, $0x8380;
	[tilespmem:s18+$0xDA00] =	vst v0;
	s19 =	smov.u32 s17;
	s17 =	sadd.s32 $0x80, s17  }
.Ltmp2:
0x18: {  	[tilespmem:s18+$0xDA10] =	vst v0;
	(pc) =	sbr.rel @p0 .LBB2_2-.Ltmp2, $2  }
0x19: {  	_ =	sdelay $0x2  }
0x1a: {  	s18 =	sshra.s32 s19, $0x2  }
0x1b: {  	[tilespmem:s18+$0xDA00] =	vst v0  }
0x1c: {  	[tilespmem:s18+$0xDA10] =	vst v0;
	s17 =	simm.s32 $0x0  }
0x1d: {  	[tilespmem:s17], [sflag:$0x2] =	stream.linear.gather [hbm4b:s5+s17], $0x6500, $0x38;
	[tilespmem:$0x11C10] =	vst v63  }
0x1e: {  	_ =	swait.ge [sflag:s11], $0x6500  }
0x1f: {  	[sflag:s11] =	ssyncset.done $0x0  }
0x20: {  	s18 =	simm.s32 $0x6500;
	[sflag:s11] =	ssyncadd.s32 $0xFFFF9B00  }
0x21: {  	[tilespmem:s18], [sflag:$0x2] =	stream.linear.gather [hbm4b:s6+s17], $0x6500, $0x38;
	[tilespmem:$0x11C10] =	vst v63  }
0x22: {  	_ =	swait.ge [sflag:s11], $0x6500  }
0x23: {  	[sflag:s11] =	ssyncset.done $0x0  }
0x24: {  	[sflag:s11] =	ssyncadd.s32 $0xFFFF9B00  }
0x25: {  	[tilespmem:s12], [sflag:$0x2] =	stream.linear.gather [hbm4b:s7+s17], $0x10, $0x38;
	[tilespmem:$0x11C10] =	vst v63  }
0x26: {  	_ =	swait.ge [sflag:s11], $0x10  }
0x27: {  	[sflag:s11] =	ssyncset.done $0x0  }
0x28: {  	[sflag:s11] =	ssyncadd.s32 $0xFFFFFFF0  }
0x29: {  	[spmem:s8] =	stream.linear.scatter [tilespmem:s13], [sflag:$0x2], $0x2100, $0x38;
	[tilespmem:$0x11C10] =	vst v63  }
0x2a: {  	_ =	swait.ge [sflag:s11], $0x2100  }
0x2b: {  	[sflag:s11] =	ssyncset.done $0x0  }
0x2c: {  	[sflag:s11] =	ssyncadd.s32 $0xFFFFDF00  }
0x2d: {  	[bflag:$0x0] =	sbarrier.arrive $0xFFFF  }
0x2e: {  	v1 =	vld [tilespmem:$0xFB00];
	_ =	sdelay $0x4  }
0x2f: {  	v1 =	vxor.u32 $0x80000000, v1  }
0x30: {  	(xrf0) =	vmax.scan.msk.u32 $0xffff, v1;
	_ =	sdelay $0x5  }
0x31: {  	v1, _, _ =	vpop (xrf0)  }
0x32: {  	(v2sf) =	vpush v1, $0xF;
	_ =	sdelay $0xe  }
0x33: {  	s19 =	spop (v2sf)  }
0x34: {  	s19 =	sxor.u32 $0x80000000, s19  }
0x35: {  	p0 =	slt.s32 s19, $0x1  }
.Ltmp3:
0x36: {  	_ = 	snop;
	(pc) =	sbr.rel @p0 .LBB2_7-.Ltmp3, $1  }
0x37: {  	_ =	sdelay $0x3  }
0x38: {  	[tilespmem:s15], [sflag:$0x1] =	stream.indirect.gather [hbm4b:s2+s14], $0x20, s17, s14, $0xb8;
	[tilespmem:$0x11C10] =	vst v63  }
0x39: {  	p0 =	sne.s32 s19, $0x1;
	_ =	swait.ge [sflag:s16], $0x1000  }
.Ltmp4:
0x3a: {  	[sflag:s16] =	ssyncset.done $0x0;
	(pc) =	sbr.rel @!p0 .LBB2_6-.Ltmp4, $4  }
0x3b: {  	[sflag:s16] =	ssyncadd.s32 $0xFFFFF000  }
0x3c: {  	[spmem:s3] =	stream.indirect.scatter.add.f32 [tilespmem:s15], [sflag:$0x2], $0x20, s18, s14, $0xb8;
	[tilespmem:$0x11C10] =	vst v63  }
0x3d: {  	_ =	swait.ge [sflag:s11], $0x1000  }
0x3e: {  	s19 =	sadd.s32 $0xFFFFFFFF, s19;
	[sflag:s11] =	ssyncset.done $0x0  }
.LBB2_5:
0x3f: {  	[sflag:s11] =	ssyncadd.s32 $0xFFFFF000;
	s17 =	sadd.s32 $0x80, s17;
	s18 =	sadd.s32 $0x80, s18  }
0x40: {  	[tilespmem:s15], [sflag:$0x1] =	stream.indirect.gather [hbm4b:s2+s14], $0x20, s17, s14, $0xb8;
	[tilespmem:$0x11C10] =	vst v63  }
0x41: {  	p0 =	sne.s32 s19, $0x1;
	s19 =	sadd.s32 $0xFFFFFFFF, s19;
	_ =	swait.ge [sflag:s16], $0x1000  }
.Ltmp5:
0x42: {  	[sflag:s16] =	ssyncset.done $0x0;
	(pc) =	sbr.rel @p0 .LBB2_5-.Ltmp5, $4  }
0x43: {  	[sflag:s16] =	ssyncadd.s32 $0xFFFFF000  }
0x44: {  	[spmem:s3] =	stream.indirect.scatter.add.f32 [tilespmem:s15], [sflag:$0x2], $0x20, s18, s14, $0xb8;
	[tilespmem:$0x11C10] =	vst v63  }
0x45: {  	_ =	swait.ge [sflag:s11], $0x1000  }
0x46: {  	[sflag:s11] =	ssyncset.done $0x0  }
.Ltmp6:
0x47: {  	_ = 	snop;
	(pc) =	sbr.rel .LBB2_6-.Ltmp6, $1  }
0x48: {  	_ =	sdelay $0x3  }
.LBB2_8:
0x49: {  	_ =	sfence.sel $0x180000  }
0x4a: {  	[bflag:$0x0] =	sbarrier.arrive $0xFFFF  }
0x4b: {  	p0 =	sne.s32 s1, $0x0;
	_ =	strace $0x90000059  }
0x4c: {  	s0 =	sadd.s32 @!p0 $0x100000, s0;
	[bflag:$0x2] =	sbarrier.arrive $0xFFFF  }
0x4d: {  	[sflag:s0] =	ssyncadd.tile.s32 @!p0 $0x1;
	_ =	shalt  }
.Lfunc_end2:
_tile_overlayer_lowered:
.L_overlay_start_2:
0x4e: {  	(tag) =	ssettag $0x2  }
0x4f: {  	s0 =	rddreg [dreg:$0x0];
	s2 =	stileid.u32  }
0x50: {  	s1 =	rddreg [dreg:$0x1];
	p0 =	sne.s32 s2, $0x0  }
0x51: {  	s3 =	rddreg [dreg:$0x2];
	[bflag:$0x3] =	sbarrier.arrive $0xFFFF;
	s2 =	simm.s32 @!p0 $0x1C02  }
0x52: {  	[timem:s3], [sflag:s2] =	dma.local @!p0 [hbm:s0], s1  }
0x53: {  	s0 =	simm.s32 @!p0 $0x2  }
0x54: {  	_ =	swait.ge @!p0 [sflag:s0], s1  }
0x55: {  	s1 =	ssub.s32 @!p0 $0x0, s1;
	[sflag:s0] =	ssyncset.done @!p0 $0x0  }
0x56: {  	[sflag:s0] =	ssyncadd.s32 @!p0 s1  }
0x57: {  	[bflag:$0x3] =	sbarrier.arrive $0xFFFF  }
0x58: {  	_ =	shalt  }

// kernel: kernel.8.cloned.1.call-start
scs
__scs_entry_jumppad:
0x0: {  	(pc) =	sbr.rel $0x88, $3  }
0x1: {  	(tag) =	ssettag $0x0;
	lr =	simm.s32 $0x1  }
0x2: {  	[smem:$0x3F95] =	sst lr;
	_ =	strace $0xD0000000  }
0x3: {  	_ = 	snop  }
0x4: {  	_ = 	snop  }
0x5: {  	_ = 	snop  }
0x6: {  	_ = 	snop  }
0x7: {  	_ = 	snop  }
__scs_overlays_trampoline_lowered:
0x8: {  	[smem:$0x3FA4] =	sst s0  }
0x9: {  	[smem:$0x3FA5] =	sst s1  }
0xa: {  	[smem:$0x3FA6] =	sst s2  }
0xb: {  	[smem:$0x3FA7] =	sst s3  }
0xc: {  	[smem:$0x3FA8] =	sst s4  }
0xd: {  	[smem:$0x3FA9] =	sst s5  }
0xe: {  	[smem:$0x3FAA] =	sst s6  }
0xf: {  	[smem:$0x3FAB] =	sst s7  }
0x10: {  	[smem:$0x3FAC] =	sst s8  }
0x11: {  	[smem:$0x3FAD] =	sst s9;
	s0 =	simm.s32 @!p0 $0x0  }
0x12: {  	s1 =	sld [smem:$0x3F93];
	s0 =	simm.s32 @p0 $0x1  }
0x13: {  	[smem:$0x3FAE] =	sst s0;
	s0 =	simm.s32 @!p1 $0x0  }
0x14: {  	s2 =	sld [smem:$0x3F92];
	s0 =	simm.s32 @p1 $0x1  }
0x15: {  	[smem:$0x3FAF] =	sst s0;
	s0 =	simm.s32 @!p2 $0x0  }
0x16: {  	s3 =	sld [smem:$0x3FDB];
	s0 =	simm.s32 @p2 $0x1  }
0x17: {  	s4 =	simm.s32 $0x1BF5;
	[smem:$0x3FB1] =	sst s0  }
0x18: {  	s0 =	sld [smem:$0x3F94];
	_ =	swait.ge [sflag:s4], $0x0  }
0x19: {  	s7 =	sld [smem:$0x3F95]  }
0x1a: {  	s8 =	sadd.s32 $0xFFFFE003, lr  }
0x1b: {  	s9 =	sadd.s32 $0xFFFFFEF7, lr;
	s5 =	simm.s32 $0xFFFFFFFF;
	p2 =	slt.u32 s8, $0xFFFFF086  }
0x1c: {  	p1 =	slt.u32 s9, $0xF7A;
	s5 =	simm.s32 @!p2 $0x0  }
0x1d: {  	s5 =	simm.s32 @p1 $0x1;
	p0 =	seq.s32 s7, s2  }
0x1e: {  	s7 =	smul.u32 @!p0 $0xF7A, s2;
	p2 =	seq.s32 @!p0 s5, $0x0  }
0x1f: {  	s9 =	smul.u32 $0xF7A, s1;
	s8 =	simm.s32 @!p0 $0x1BF5;
	p2 =	por !p2, p0  }
0x20: {  	[sflag:s8] =	ssyncset.s32 @!p0 $0xFFFFF086;
	s6 =	sadd.s32 @!p0 s3, s7;
	s7 =	simm.s32 @!p0 $0x108  }
0x21: {  	s3 =	sadd.s32 s3, s9;
	s6 =	sadd.s32 @!p0 $0x88, s6;
	s7 =	simm.s32 @p2 $0x1082  }
0x22: {  	[simem:s7], [sflag:s8] =	dma.local @!p0 [hbm:s6], $0xF7A  }
0x23: {  	s9 =	sor.u32 $0xD0000000, s2;
	s6 =	simm.s32 $0x108;
	_ =	swait.ge @!p0 [sflag:s8], $0x0  }
0x24: {  	s3 =	sadd.s32 $0x88, s3;
	s6 =	simm.s32 @!p1 $0x1082;
	[sflag:s4] =	ssyncset.s32 $0xFFFFF086  }
0x25: {  	[simem:s6], [sflag:s4] =	dma.local [hbm:s3], $0xF7A  }
0x26: {  	[smem:$0x3F95] =	sst s1;
	(tag) =	ssettag s2;
	_ =	strace s9  }
0x27: {  	s1 =	sld [smem:$0x3FA5]  }
0x28: {  	s2 =	sld [smem:$0x3FA6]  }
0x29: {  	s4 =	sld [smem:$0x3FA8]  }
0x2a: {  	p0 =	seq.s32 s5, $0x0;
	s5 =	sld [smem:$0x3FA9]  }
0x2b: {  	s6 =	sld [smem:$0x3FAA]  }
0x2c: {  	s7 =	sld [smem:$0x3FAB]  }
0x2d: {  	s3 =	simm.s32 $0x108;
	s8 =	sld [smem:$0x3FAC]  }
0x2e: {  	s3 =	simm.s32 @!p0 $0x1082;
	s9 =	sld [smem:$0x3FAD]  }
0x2f: {  	lr =	sadd.s32 s0, s3;
	s0 =	sld [smem:$0x3FA4]  }
0x30: {  	s3 =	sld [smem:$0x3FA7]  }
0x31: {  	[smem:$0x3FB0] =	sst s10  }
0x32: {  	s10 =	sld [smem:$0x3FAE];
	_ =	sdelay $0x3  }
0x33: {  	p0 =	seq.s32 s10, $0x1;
	s10 =	sld [smem:$0x3FB0];
	_ =	sdelay $0x3  }
0x34: {  	[smem:$0x3FB0] =	sst s10  }
0x35: {  	s10 =	sld [smem:$0x3FAF];
	_ =	sdelay $0x3  }
0x36: {  	p1 =	seq.s32 s10, $0x1;
	s10 =	sld [smem:$0x3FB0];
	_ =	sdelay $0x3  }
0x37: {  	[smem:$0x3FB0] =	sst s10  }
0x38: {  	s10 =	sld [smem:$0x3FB1]  }
0x39: {  	_ = 	snop;
	(pc) =	sbr.ind lr, $3  }
0x3a: {  	_ = 	snop  }
0x3b: {  	_ = 	snop  }
0x3c: {  	p2 =	seq.s32 s10, $0x1;
	s10 =	sld [smem:$0x3FB0]  }
0x3d: {  	_ =	shalt  }
0x3e: {  	_ =	shalt  }
0x3f: {  	_ =	shalt  }
0x40: {  	_ =	shalt  }
0x41: {  	_ =	shalt  }
0x42: {  	_ =	shalt  }
0x43: {  	_ =	shalt  }
0x44: {  	_ =	shalt  }
0x45: {  	_ =	shalt  }
0x46: {  	_ =	shalt  }
0x47: {  	_ =	shalt  }
0x48: {  	_ =	shalt  }
0x49: {  	_ =	shalt  }
0x4a: {  	_ =	shalt  }
0x4b: {  	_ =	shalt  }
0x4c: {  	_ =	shalt  }
0x4d: {  	_ =	shalt  }
0x4e: {  	_ =	shalt  }
0x4f: {  	_ =	shalt  }
0x50: {  	_ =	shalt  }
0x51: {  	_ =	shalt  }
0x52: {  	_ =	shalt  }
0x53: {  	_ =	shalt  }
0x54: {  	_ =	shalt  }
0x55: {  	_ =	shalt  }
0x56: {  	_ =	shalt  }
0x57: {  	_ =	shalt  }
0x58: {  	_ =	shalt  }
0x59: {  	_ =	shalt  }
0x5a: {  	_ =	shalt  }
0x5b: {  	_ =	shalt  }
0x5c: {  	_ =	shalt  }
0x5d: {  	_ =	shalt  }
0x5e: {  	_ =	shalt  }
0x5f: {  	_ =	shalt  }
0x60: {  	_ =	shalt  }
0x61: {  	_ =	shalt  }
0x62: {  	_ =	shalt  }
0x63: {  	_ =	shalt  }
0x64: {  	_ =	shalt  }
0x65: {  	_ =	shalt  }
0x66: {  	_ =	shalt  }
0x67: {  	_ =	shalt  }
0x68: {  	_ =	shalt  }
0x69: {  	_ =	shalt  }
0x6a: {  	_ =	shalt  }
0x6b: {  	_ =	shalt  }
0x6c: {  	_ =	shalt  }
0x6d: {  	_ =	shalt  }
0x6e: {  	_ =	shalt  }
0x6f: {  	_ =	shalt  }
0x70: {  	_ =	shalt  }
0x71: {  	_ =	shalt  }
0x72: {  	_ =	shalt  }
0x73: {  	_ =	shalt  }
0x74: {  	_ =	shalt  }
0x75: {  	_ =	shalt  }
0x76: {  	_ =	shalt  }
0x77: {  	_ =	shalt  }
0x78: {  	_ =	shalt  }
0x79: {  	_ =	shalt  }
0x7a: {  	_ =	shalt  }
0x7b: {  	_ =	shalt  }
0x7c: {  	_ =	shalt  }
0x7d: {  	_ =	shalt  }
0x7e: {  	_ =	shalt  }
0x7f: {  	_ =	shalt  }
0x80: {  	_ =	shalt  }
0x81: {  	_ =	shalt  }
0x82: {  	_ =	shalt  }
0x83: {  	_ =	shalt  }
0x84: {  	_ =	shalt  }
0x85: {  	_ =	shalt  }
0x86: {  	_ =	shalt  }
0x87: {  	_ =	shalt  }
.Lfunc_end0:
.L_simem_size_0:
called_computation.2_lowered:
.L_overlay_start_0:
0x88: {  	s2 =	sld [smem:$0x3FD9]  }
0x89: {  	s3 =	sld [smem:$0x3FFE];
	_ =	sdelay $0x1  }
0x8a: {  	s1 =	srdreg.scid  }
0x8b: {  	s0 =	sand.u32 $0x1, s1  }
0x8c: {  	s16 =	sshll.u32 s0, $0xA;
	s2 =	sadd.s32 s3, s2  }
0x8d: {  	s2 =	sadd.s32 s2, s16  }
0x8e: {  	[smem:$0x3FBC] =	sst s2  }
0x8f: {  	_ = 	snop  }
0x90: {  	(tm) =	ssettm $0x1  }
0x91: {  	s17 =	sld [smem:$0x3FFB];
	_ =	sdelay $0x3  }
0x92: {  	_ =	strace s17  }
0x93: {  	s2 =	sld [smem:$0x3FFC];
	_ =	sdelay $0x3  }
0x94: {  	_ =	strace s2  }
0x95: {  	s2 =	sld [smem:$0x3FFD];
	_ =	sdelay $0x3  }
0x96: {  	_ =	strace s2  }
0x97: {  	_ =	strace $0x8FFFFFFF  }
0x98: {  	s18 =	sld [smem:$0x3FDB];
	_ =	sdelay $0x1  }
0x99: {  	s19 =	simm.s32 $_scs_section_size  }
0x9a: {  	s4 =	simm.s32 $_size__tile_overlayer_lowered;
	s5 =	simm.s32 $_tile_overlayer_lowered  }
0x9b: {  	s22 =	simm.s32 $0x1BFF;
	s21 =	sshll.u32 s5, $0x1;
	s2 =	sadd.s32 s19, s18  }
0x9c: {  	s6 =	simm.s32 $0x0;
	s20 =	sshll.u32 s4, $0x1;
	s4 =	sadd.s32 s21, s2  }
0x9d: {  	[timem:s6], [sflag:s22] =	dma.local [hbm:s4], s20  }
0x9e: {  	_ =	swait.ge [sflag:s22], s20  }
0x9f: {  	s3 =	ssub.s32 $0x0, s20;
	[sflag:s22] =	ssyncset.done $0x0  }
0xa0: {  	[sflag:s22] =	ssyncadd.s32 s3;
	_ =	sdelay $0x1  }
0xa1: {  	s23 =	simm.s32 $0x1B8B  }
0xa2: {  	_ =	swait.ge [sflag:s23], $0x1  }
0xa3: {  	[sflag:s23] =	ssyncset.done $0x0  }
0xa4: {  	s25 =	simm.s32 $0x1B8E;
	s24 =	sld [smem:$0x3FFE];
	[sflag:s23] =	ssyncadd.s32 $0xFFFFFFFF  }
0xa5: {  	s26 =	simm.s32 $execute0_lowered;
	[smem:$0x3FD2] =	sst s25  }
0xa6: {  	s4 =	sshll.u32 s26, $0x1;
	_ =	strace $0x80000046;
	[dreg:$0x1] =	wrdreg $0xFFFFFFFF  }
0xa7: {  	s28 =	simm.s32 $_size_execute0_lowered;
	s2 =	sadd.s32 s2, s4;
	[dreg:$0x0] =	wrdreg $0x0  }
0xa8: {  	s4 =	sshll.u32 s28, $0x1;
	[dreg:$0x2] =	wrdreg s2  }
0xa9: {  	[dreg:$0x3] =	wrdreg s4  }
0xaa: {  	[dreg:$0x4] =	wrdreg $0xC0  }
0xab: {  	_ =	task [dreg:s6], $0x5FFFF  }
0xac: {  	[dreg:$0x1] =	wrdreg $0xFFFFFFFF  }
0xad: {  	[dreg:$0x0] =	wrdreg $0x60  }
0xae: {  	[dreg:$0x2] =	wrdreg s24  }
0xaf: {  	[dreg:$0x3] =	wrdreg $0x71000  }
0xb0: {  	[dreg:$0x4] =	wrdreg $0x9  }
0xb1: {  	_ =	task.clear_ibuf [dreg:s6], $0x5FFFF;
	_ =	strace $0x90000046  }
0xb2: {  	s29 =	simm.s32 $0x9;
	_ =	strace $0x80000048  }
0xb3: {  	_ =	swait.ge [sflag:s29], $0x1  }
0xb4: {  	[sflag:s29] =	ssyncadd.s32 $0xFFFFFFFF  }
0xb5: {  	_ =	strace $0x90000048  }
0xb6: {  	_ =	sfence  }
0xb7: {  	s30 =	sld [smem:$0x0];
	_ =	sdelay $0x2  }
0xb8: {  	s31 =	sshll.u32 s1, $0xD;
	s1 =	sshrl.u32 s1, $0x2  }
0xb9: {  	s3 =	sand.u32 $0x4000, s31;
	s1 =	sadd.s32 s1, s30  }
0xba: {  	s0 =	sor.u32 s3, s0;
	s1 =	sshll.u32 s1, $0x11  }
0xbb: {  	s0 =	sor.u32 s1, s0  }
0xbc: {  	s0 =	sadd.s32 $0x8F2B, s0  }
0xbd: {  	[sflag:s0] =	ssyncadd.remote.s32 $0x1  }
0xbe: {  	_ =	sfence.sel $0xFFFF  }
0xbf: {  	[dreg:$0x0] =	wrdreg $0xFFFFFFFF;
	(pc) =	sbr.abs _section_cstart, $3  }
0xc0: {  	[dreg:$0x1] =	wrdreg $0xFFFFFFFF  }
0xc1: {  	_ =	task.clear_ibuf [dreg:s6], $0x2FFFF;
	_ =	strace $0x9FFFFFFF  }
0xc2: {  	(tm) =	ssettm $0x7FFFFFFF  }
0xc3: {  	_ =	shalt  }
tec
execute0_lowered:
.L_overlay_start_1:
0x0: {  	(tag) =	ssettag $0x1  }
0x1: {  	s1 =	srdreg.scid;
	s4 =	rddreg [dreg:$0x0]  }
0x2: {  	s0 =	stileid.u32;
	s2 =	rddreg [dreg:$0x1]  }
0x3: {  	s3 =	simm.s32 $0x0;
	s10 =	simm.s32 $0x80;
	s11 =	simm.s32 $0x6400  }
0x4: {  	s5 =	sand.u32 $0x1, s1;
	s6 =	smul.u32 $0xC80, s0;
	s1 =	rddreg [dreg:$0x2]  }
0x5: {  	[smem:$0x7FF] =	sst s3;
	s12 =	sshll.u32 s0, $0x6;
	s7 =	smul.u32 $0xC800, s5  }
0x6: {  	s8 =	sshll.u32 s5, $0x4;
	s5 =	ssub.s32 $0x2, s5;
	_ =	strace $0x80000047  }
0x7: {  	s8 =	sor.u32 s0, s8;
	s9 =	sshrl.u32 s5, $0x1;
	s7 =	sadd.s32 s6, s7  }
0x8: {  	s8 =	smul.u32 $0xC80, s8;
	s9 =	ssub.s32 s5, s9;
	s5 =	sadd.s32 s6, s2  }
0x9: {  	s12 =	sor.u32 $0x1C01, s12;
	s7 =	sshrl.u32 s7, $0x3;
	s13 =	sshrl.u32 s5, $0x3  }
0xa: {  	s7 =	sadd.s32 s7, s4;
	s4 =	sadd.s32 s4, s8;
	s8 =	simm.s32 $0x1  }
0xb: {  	v0 =	vimm.f32 $1.000000000e+00;
	v1 =	vimm.f32 $0.0e+00;
	s6 =	sadd.s32 $0x19000, s7;
	s7 =	smax.u32 s9, $0x1;
	s9 =	simm.s32 $0x6480  }
.LBB2_1:
0xc: {  	[tilespmem:$0x6400] =	vst v0  }
0xd: {  	[tilespmem:$0x6410] =	vst v0  }
0xe: {  	[tilespmem:$0x6420] =	vst v0  }
0xf: {  	[tilespmem:$0x6430] =	vst v0  }
0x10: {  	[tilespmem:$0x6440] =	vst v0  }
0x11: {  	[tilespmem:$0x6450] =	vst v0  }
0x12: {  	[tilespmem:$0x6460] =	vst v0  }
0x13: {  	[tilespmem:$0x6470] =	vst v0;
	s14 =	simm.s32 $0x40;
	s15 =	simm.s32 $0x0  }
.LBB2_2:
0x14: {  	p0 =	sne.s32 s14, $0x31C0;
	[tilespmem:s15+$0x6480] =	vst v1;
	s15 =	smov.u32 s14;
	s14 =	sadd.s32 $0x40, s14  }
.Ltmp0:
0x15: {  	(pc) =	sbr.rel @p0 .LBB2_2-.Ltmp0, $2  }
0x16: {  	_ =	sdelay $0x2  }
0x17: {  	s15 =	sshra.s32 s15, $0x2  }
0x18: {  	[tilespmem:s15+$0x6480] =	vst v1;
	s14 =	simm.s32 $0x0  }
0x19: {  	[tilespmem:s14], [sflag:$0x1] =	stream.linear.gather [hbm4b:s4+s14], $0x6400, $0x38;
	[tilespmem:$0x7D80] =	vst v63  }
0x1a: {  	_ =	swait.ge [sflag:s8], $0x6400  }
0x1b: {  	[sflag:s8] =	ssyncset.done $0x0  }
0x1c: {  	[sflag:s8] =	ssyncadd.s32 $0xFFFF9C00  }
0x1d: {  	[spmem:s5] =	stream.linear.scatter [tilespmem:s9], [sflag:$0x1], $0xC80, $0x38;
	[tilespmem:$0x7D80] =	vst v63  }
0x1e: {  	_ =	swait.ge [sflag:s8], $0xC80  }
0x1f: {  	[sflag:s8] =	ssyncset.done $0x0  }
0x20: {  	[sflag:s8] =	ssyncadd.s32 $0xFFFFF380  }
0x21: {  	s31 =	simm.s32 $0x0;
	[bflag:$0x0] =	sbarrier.arrive $0xFFFF  }
0x22: {  	[spmem:s2] =	stream.indirect.scatter.add.f32 [tilespmem:s11], [sflag:$0x1], $0x1, s31, s10, $0xb8;
	[tilespmem:$0x7D80] =	vst v63  }
0x23: {  	_ =	swait.ge [sflag:s8], $0x80  }
0x24: {  	s14 =	simm.s32 $0x200;
	[sflag:s8] =	ssyncset.done $0x0  }
.LBB2_4:
0x25: {  	s15 =	sshra.s32 s14, $0x2;
	[sflag:s8] =	ssyncadd.s32 $0xFFFFFF80;
	p0 =	sne.s32 s14, $0x18E00  }
0x26: {  	[spmem:s2] =	stream.indirect.scatter.add.f32 [tilespmem:s11], [sflag:$0x1], $0x1, s15, s10, $0xb8;
	[tilespmem:$0x7D80] =	vst v63  }
.Ltmp1:
0x27: {  	_ = 	snop;
	(pc) =	sbr.rel @p0 .LBB2_4-.Ltmp1, $4  }
0x28: {  	_ = 	snop  }
0x29: {  	s14 =	sadd.s32 $0x200, s14  }
0x2a: {  	_ =	swait.ge [sflag:s8], $0x80  }
0x2b: {  	[sflag:s8] =	ssyncset.done $0x0  }
0x2c: {  	s3 =	sadd.s32 $0x1, s3  }
0x2d: {  	[sflag:s8] =	ssyncadd.s32 $0xFFFFFF80;
	p0 =	sne.s32 s3, s7  }
.Ltmp2:
0x2e: {  	[bflag:$0x0] =	sbarrier.arrive $0xFFFF;
	(pc) =	sbr.rel @p0 .LBB2_1-.Ltmp2, $4  }
0x2f: {  	[hbm:s6], [sflag:s12] =	dma.local [spmem:s13], $0x190  }
0x30: {  	_ =	swait.ge [sflag:s8], $0x190  }
0x31: {  	[sflag:s8] =	ssyncset.done $0x0  }
0x32: {  	[sflag:s8] =	ssyncadd.s32 $0xFFFFFE70  }
0x33: {  	_ =	sfence.sel $0x180000  }
0x34: {  	[bflag:$0x0] =	sbarrier.arrive $0xFFFF  }
0x35: {  	p0 =	sne.s32 s0, $0x0;
	_ =	strace $0x90000047  }
0x36: {  	s0 =	sadd.s32 @!p0 $0x100000, s1;
	[bflag:$0x2] =	sbarrier.arrive $0xFFFF  }
0x37: {  	[sflag:s0] =	ssyncadd.tile.s32 @!p0 $0x1;
	_ =	shalt  }
.Lfunc_end2:
_tile_overlayer_lowered:
.L_overlay_start_2:
0x38: {  	(tag) =	ssettag $0x2  }
0x39: {  	s0 =	rddreg [dreg:$0x0];
	s2 =	stileid.u32  }
0x3a: {  	s1 =	rddreg [dreg:$0x1];
	p0 =	sne.s32 s2, $0x0  }
0x3b: {  	s3 =	rddreg [dreg:$0x2];
	[bflag:$0x3] =	sbarrier.arrive $0xFFFF;
	s2 =	simm.s32 @!p0 $0x1C01  }
0x3c: {  	[timem:s3], [sflag:s2] =	dma.local @!p0 [hbm:s0], s1  }
0x3d: {  	s0 =	simm.s32 @!p0 $0x1  }
0x3e: {  	_ =	swait.ge @!p0 [sflag:s0], s1  }
0x3f: {  	s1 =	ssub.s32 @!p0 $0x0, s1;
	[sflag:s0] =	ssyncset.done @!p0 $0x0  }
0x40: {  	[sflag:s0] =	ssyncadd.s32 @!p0 s1  }
0x41: {  	[bflag:$0x3] =	sbarrier.arrive $0xFFFF  }
0x42: {  	_ =	shalt  }

</sc_bundles>
